<compile_context>
chip_gen: v7x
topology: tpu7x:2x2x1
jax: 0.10.2.dev20260603
libtpu: 0.0.44.dev20260713+nightly
codegen_flags: <defaults>
</compile_context>

<pallas_src>
import functools

import jax
import jax.numpy as jnp
from jax import lax
from jax.experimental import pallas as pl
from jax.experimental.pallas import tpu as pltpu
from jax.experimental.pallas import tpu_sc as plsc

N = 10000
E = 320000
NODE_IN = 128
EDGE_IN = 16
H = 64
L = 3
G = 64

NC = 2
NS = 16
NW = NC * NS
EPT = E // NW
CH = 100
NCHUNK = EPT // CH
ACC_N = 10240
NROW = ACC_N // NS
RB = 128



def _aggr_body(h_hbm, e_hbm, src_hbm, dst_hbm, out_hbm,
               src_v, dst_v, zbuf, hbuf, ebuf, acc,
               gsem0, gsem1, esem0, esem1, ssem0, ssem1):
    c = lax.axis_index("c")
    s = lax.axis_index("s")
    wid = s * NC + c
    gsem = (gsem0, gsem1)
    esem = (esem0, esem1)
    ssem = (ssem0, ssem1)

    pltpu.sync_copy(src_hbm.at[wid], src_v)
    pltpu.sync_copy(dst_hbm.at[wid], dst_v)

    zeros16 = jnp.zeros((16,), jnp.float32)

    @pl.loop(0, RB)
    def _zero_row(r):
        for cc in range(H // 16):
            zbuf[r, pl.ds(cc * 16, 16)] = zeros16

    for k in range(NROW // RB):
        pltpu.sync_copy(zbuf, acc.at[pl.ds(s * NROW + k * RB, RB)])

    plsc.subcore_barrier()

    gbase = wid * NCHUNK

    def issue(j, b):
        pltpu.async_copy(h_hbm.at[src_v.at[j]], hbuf.at[b], gsem[b])
        pltpu.async_copy(e_hbm.at[pl.ds((gbase + j) * CH, CH)],
                         ebuf.at[b], esem[b])

    def wait_in(j, b):
        pltpu.make_async_copy(h_hbm.at[src_v.at[j]], hbuf.at[b],
                              gsem[b]).wait()
        pltpu.make_async_copy(e_hbm.at[pl.ds((gbase + j) * CH, CH)],
                              ebuf.at[b], esem[b]).wait()

    def compute(b):
        @pl.loop(0, CH)
        def _row(r):
            for cc in range(H // 16):
                sl = pl.ds(cc * 16, 16)
                ebuf[b, r, sl] = jnp.maximum(
                    hbuf[b, r, sl] + ebuf[b, r, sl], 0.0)

    def scatter(j, b):
        return pltpu.async_copy(ebuf.at[b], acc.at[dst_v.at[j]], ssem[b],
                                add=True)

    issue(0, 0)
    issue(1, 1)

    @pl.loop(0, NCHUNK // 2 - 1)
    def _pair(i):
        j0 = 2 * i
        for b in range(2):
            j = j0 + b
            wait_in(j, b)
            compute(b)
            scatter(j, b).wait()
            issue(j + 2, b)

    for b in range(2):
        j = NCHUNK - 2 + b
        wait_in(j, b)
        compute(b)
        scatter(j, b).wait()

    plsc.subcore_barrier()

    for k in range(NROW // RB):
        row0 = s * NROW + k * RB
        pltpu.sync_copy(acc.at[pl.ds(row0, RB)], zbuf)
        pltpu.sync_copy(zbuf, out_hbm.at[c, pl.ds(row0, RB)])


def _make_aggr():
    return pl.kernel(
        _aggr_body,
        out_type=jax.ShapeDtypeStruct((NC, ACC_N, H), jnp.float32),
        mesh=plsc.VectorSubcoreMesh(core_axis_name="c", subcore_axis_name="s"),
        compiler_params=pltpu.CompilerParams(use_tc_tiling_on_sc=False),
        scratch_types=[
            pltpu.VMEM((NCHUNK, CH), jnp.int32),
            pltpu.VMEM((NCHUNK, CH), jnp.int32),
            pltpu.VMEM((RB, H), jnp.float32),
            pltpu.VMEM((2, CH, H), jnp.float32),
            pltpu.VMEM((2, CH, H), jnp.float32),
            pltpu.VMEM_SHARED((ACC_N, H), jnp.float32),
            pltpu.SemaphoreType.DMA,
            pltpu.SemaphoreType.DMA,
            pltpu.SemaphoreType.DMA,
            pltpu.SemaphoreType.DMA,
            pltpu.SemaphoreType.DMA,
            pltpu.SemaphoreType.DMA,
        ],
    )



def _node_enc_body(x_ref, w_ref, b_ref, o_ref):
    o_ref[...] = (
        jnp.dot(x_ref[...], w_ref[...], preferred_element_type=jnp.float32)
        + b_ref[...]
    )


def _edge_enc_body(a_ref, w_ref, b_ref, o_ref):
    o_ref[...] = (
        jnp.dot(a_ref[...], w_ref[...], preferred_element_type=jnp.float32)
        + b_ref[...]
    )


def _layer_body(eps_ref, h_ref, a_ref, w1_ref, b1_ref, w2_ref,
                b2_ref, g_ref, be_ref, o_ref):
    scale = 1.0 + eps_ref[0]
    z = scale * h_ref[...] + a_ref[0, :N, :] + a_ref[1, :N, :]
    z = jnp.maximum(
        jnp.dot(z, w1_ref[...], preferred_element_type=jnp.float32)
        + b1_ref[...], 0.0)
    z = (jnp.dot(z, w2_ref[...], preferred_element_type=jnp.float32)
         + b2_ref[...])
    mean = jnp.mean(z, axis=0, keepdims=True)
    var = jnp.mean((z - mean) ** 2, axis=0, keepdims=True)
    z = (z - mean) * lax.rsqrt(var + 1e-5) * g_ref[...] + be_ref[...]
    o_ref[...] = jnp.maximum(z, 0.0)


def _head_body(h_ref, b_ref, w1_ref, b1_ref, w2_ref, b2_ref, o_ref):
    gid = lax.broadcasted_iota(jnp.int32, (G, 1), 0)
    onehot_t = (gid == b_ref[...]).astype(jnp.float32)
    sums = jnp.dot(onehot_t, h_ref[...],
                   preferred_element_type=jnp.float32)
    counts = jnp.sum(onehot_t, axis=1, keepdims=True)
    g = sums / jnp.maximum(counts, 1.0)
    gh = jnp.maximum(
        jnp.dot(g, w1_ref[...], preferred_element_type=jnp.float32)
        + b1_ref[...], 0.0)
    o_ref[...] = (
        jnp.dot(gh, w2_ref[...], preferred_element_type=jnp.float32)
        + b2_ref[...])


def _tc_call(body, out_shape, num_inputs, smem_first=False):
    specs = []
    if smem_first:
        specs.append(pl.BlockSpec(memory_space=pltpu.SMEM))
        num_inputs -= 1
    specs.extend([pl.BlockSpec(memory_space=pltpu.VMEM)] * num_inputs)
    return pl.pallas_call(
        body,
        in_specs=specs,
        out_specs=pl.BlockSpec(memory_space=pltpu.VMEM),
        out_shape=out_shape,
    )



def kernel(x, edge_index, edge_attr, batch, params):
    src = edge_index[0].reshape(NW, NCHUNK, CH)
    dst = edge_index[1].reshape(NW, NCHUNK, CH)

    h = _tc_call(_node_enc_body, jax.ShapeDtypeStruct((N, H), jnp.float32), 3)(
        x, params["node_enc"]["W"], params["node_enc"]["b"].reshape(1, H))

    BE = 16000
    e = pl.pallas_call(
        _edge_enc_body,
        grid=(E // BE,),
        in_specs=[
            pl.BlockSpec((BE, EDGE_IN), lambda i: (i, 0)),
            pl.BlockSpec((EDGE_IN, H), lambda i: (0, 0)),
            pl.BlockSpec((1, H), lambda i: (0, 0)),
        ],
        out_specs=pl.BlockSpec((BE, H), lambda i: (i, 0)),
        out_shape=jax.ShapeDtypeStruct((E, H), jnp.float32),
    )(edge_attr, params["edge_enc"]["W"], params["edge_enc"]["b"].reshape(1, H))

    aggr_fn = _make_aggr()
    layer_fn = _tc_call(
        _layer_body, jax.ShapeDtypeStruct((N, H), jnp.float32), 9,
        smem_first=True)

    for lp in params["layers"]:
        aggr = aggr_fn(h, e, src, dst)
        h = layer_fn(
            lp["eps"].reshape(1),
            h, aggr,
            lp["mlp1"]["W"], lp["mlp1"]["b"].reshape(1, H),
            lp["mlp2"]["W"], lp["mlp2"]["b"].reshape(1, H),
            lp["bn_gamma"].reshape(1, H), lp["bn_beta"].reshape(1, H))

    logits2d = _tc_call(
        _head_body, jax.ShapeDtypeStruct((G, 1), jnp.float32), 6)(
            h, batch.reshape(1, N),
            params["head1"]["W"], params["head1"]["b"].reshape(1, H),
            params["head2"]["W"], params["head2"]["b"].reshape(1, 1))
    return logits2d.reshape(-1)

# --- scband reference (transcript-rebuilt; emitter-appended) ---
"""Pipeline reference for scband-gingraph-classifier-31980326486417 (READ-ONLY COPY).

The authoritative reference and input builder live on the scoring server;
editing this copy changes nothing except your own understanding.
"""

import jax, jax.numpy as jnp
import numpy as np

N = 10000
E = 320000
NODE_IN = 128
EDGE_IN = 16
H = 64
L = 3
G = 64


def _lin(key, din, dout):
    kw, kb = jax.random.split(key)
    return {"W": jax.random.normal(kw, (din, dout), dtype=jnp.float32) * 0.05,
            "b": jnp.zeros((dout,), dtype=jnp.float32)}


def setup_inputs(seed: int = 0) -> dict:
    key = jax.random.key(seed)
    ks = jax.random.split(key, 5)
    x = jax.random.normal(ks[0], (N, NODE_IN), dtype=jnp.float32)
    edge_index = jax.random.randint(ks[1], (2, E), 0, N).astype(jnp.int32)
    edge_attr = jax.random.normal(ks[2], (E, EDGE_IN), dtype=jnp.float32)
    batch = jnp.sort(jax.random.randint(ks[3], (N,), 0, G)).astype(jnp.int32)
    pk = jax.random.split(ks[4], 4 + L)
    layers = []
    for i in range(L):
        lk = jax.random.split(pk[4 + i], 2)
        layers.append({
            "eps": jnp.zeros((), dtype=jnp.float32),
            "mlp1": _lin(lk[0], H, H),
            "mlp2": _lin(lk[1], H, H),
            "bn_gamma": jnp.ones((H,), dtype=jnp.float32),
            "bn_beta": jnp.zeros((H,), dtype=jnp.float32),
        })
    params = {
        "node_enc": _lin(pk[0], NODE_IN, H),
        "edge_enc": _lin(pk[1], EDGE_IN, H),
        "layers": layers,
        "head1": _lin(pk[2], H, H),
        "head2": _lin(pk[3], H, 1),
    }
    return {"x": x, "edge_index": edge_index, "edge_attr": edge_attr, "batch": batch, "params": params}


def _forward(x, edge_attr, params, edge_index, batch):
    # node / edge encoders
    h = x @ params["node_enc"]["W"] + params["node_enc"]["b"]
    e = edge_attr @ params["edge_enc"]["W"] + params["edge_enc"]["b"]
    src = edge_index[0]
    dst = edge_index[1]
    for lp in params["layers"]:
        # GINEConv: aggr_i = sum_{j in N(i)} relu(x_j + e_ji)
        m = jax.nn.relu(h[src] + e)
        aggr = jnp.zeros_like(h).at[dst].add(m)
        z = (1.0 + lp["eps"]) * h + aggr
        # inner MLP: Linear -> ReLU -> Linear
        z = jax.nn.relu(z @ lp["mlp1"]["W"] + lp["mlp1"]["b"]) @ lp["mlp2"]["W"] + lp["mlp2"]["b"]
        # BatchNorm1d (training-mode batch statistics, biased variance)
        mean = jnp.mean(z, axis=0)
        var = jnp.var(z, axis=0)
        z = (z - mean) / jnp.sqrt(var + 1e-5) * lp["bn_gamma"] + lp["bn_beta"]
        h = jax.nn.relu(z)
    # global mean pool per graph
    sums = jax.ops.segment_sum(h, batch, num_segments=G)
    counts = jax.ops.segment_sum(jnp.ones((h.shape[0],), dtype=jnp.float32), batch, num_segments=G)
    g = sums / jnp.clip(counts, 1.0)[:, None]
    # head MLP (2 layers): Linear -> ReLU -> Linear(->1)
    gh = jax.nn.relu(g @ params["head1"]["W"] + params["head1"]["b"])
    logits = (gh @ params["head2"]["W"] + params["head2"]["b"]).reshape(-1)
    return logits


def reference(x, edge_index, edge_attr, batch, params):
    return _forward(x, edge_attr, params, edge_index, batch)

if __name__ == "__main__":
    import jax
    _d = setup_inputs()
    print(jax.jit(kernel)(*tuple(_d.values())))

</pallas_src>

<mosaic_0001>
#map = affine_map<(d0, d1) -> (0, 0)>
#map1 = affine_map<(d0, d1) -> (0, 0, 0)>
module attributes {stable_mosaic.version = 14 : i64} {
  func.func @_aggr_body(%arg0: i32, %arg1: i32, %arg2: memref<10000x64xf32, #tpu.memory_space<hbm>>, %arg3: memref<320000x64xf32, #tpu.memory_space<hbm>>, %arg4: memref<32x100x100xi32, #tpu.memory_space<hbm>>, %arg5: memref<32x100x100xi32, #tpu.memory_space<hbm>>, %arg6: memref<2x10240x64xf32, #tpu.memory_space<hbm>>, %arg7: memref<100x100xi32, #tpu.memory_space<vmem>>, %arg8: memref<100x100xi32, #tpu.memory_space<vmem>>, %arg9: memref<128x64xf32, #tpu.memory_space<vmem>>, %arg10: memref<2x100x64xf32, #tpu.memory_space<vmem>>, %arg11: memref<2x100x64xf32, #tpu.memory_space<vmem>>, %arg12: memref<10240x64xf32, #tpu.memory_space<vmem_shared>>, %arg13: memref<!tpu.dma_semaphore, #tpu.memory_space<semaphore_mem>>, %arg14: memref<!tpu.dma_semaphore, #tpu.memory_space<semaphore_mem>>, %arg15: memref<!tpu.dma_semaphore, #tpu.memory_space<semaphore_mem>>, %arg16: memref<!tpu.dma_semaphore, #tpu.memory_space<semaphore_mem>>, %arg17: memref<!tpu.dma_semaphore, #tpu.memory_space<semaphore_mem>>, %arg18: memref<!tpu.dma_semaphore, #tpu.memory_space<semaphore_mem>>) attributes {dimension_semantics = [#tpu.dimension_semantics<core_parallel>, #tpu.dimension_semantics<subcore_parallel>], iteration_bounds = array<i64: 2, 16>, scalar_prefetch = 0 : i64, scratch_operands = 12 : i64, tpu.core_type = #tpu.core_type<sc_vector_subcore>, window_params = [{transform_indices = #map}, {transform_indices = #map}, {transform_indices = #map1}, {transform_indices = #map1}, {transform_indices = #map1}]} {
    %mul3A = arith.constant 2 : i32
    %mul3A_0 = arith.muli %arg1, %mul3A : i32
    %add3A = arith.addi %mul3A_0, %arg0 : i32
    "tpu.region"() ({
      %run_scoped3A = tpu.sem_alloc : memref<!tpu.dma_semaphore, #tpu.memory_space<semaphore_mem>>
      %dma_start3A_226 = arith.constant 0 : i32
      %dma_start3A_227 = arith.constant 0 : i32
      %dma_start3A_228 = tpu.memref_slice %arg4[%add3A, %dma_start3A_226, %dma_start3A_227] : memref<32x100x100xi32, #tpu.memory_space<hbm>> -> memref<1x100x100xi32, #tpu.memory_space<hbm>>
      %dma_start3A_229 = tpu.memref_squeeze %dma_start3A_228 : memref<1x100x100xi32, #tpu.memory_space<hbm>> -> memref<100x100xi32, #tpu.memory_space<hbm>>
      %dma_start3A_230 = arith.constant 0 : i32
      %dma_start3A_231 = arith.constant 0 : i32
      %dma_start3A_232 = tpu.memref_slice %arg4[%add3A, %dma_start3A_230, %dma_start3A_231] : memref<32x100x100xi32, #tpu.memory_space<hbm>> -> memref<1x100x100xi32, #tpu.memory_space<hbm>>
      %dma_start3A_233 = tpu.memref_squeeze %dma_start3A_232 : memref<1x100x100xi32, #tpu.memory_space<hbm>> -> memref<100x100xi32, #tpu.memory_space<hbm>>
      tpu.enqueue_dma source(%dma_start3A_233 : memref<100x100xi32, #tpu.memory_space<hbm>>) target(%arg7 : memref<100x100xi32, #tpu.memory_space<vmem>>) target_semaphore(%run_scoped3A : memref<!tpu.dma_semaphore, #tpu.memory_space<semaphore_mem>>)
      %dma_wait3A_234 = arith.constant 0 : i32
      %dma_wait3A_235 = arith.constant 0 : i32
      %dma_wait3A_236 = tpu.memref_slice %arg4[%add3A, %dma_wait3A_234, %dma_wait3A_235] : memref<32x100x100xi32, #tpu.memory_space<hbm>> -> memref<1x100x100xi32, #tpu.memory_space<hbm>>
      %dma_wait3A_237 = tpu.memref_squeeze %dma_wait3A_236 : memref<1x100x100xi32, #tpu.memory_space<hbm>> -> memref<100x100xi32, #tpu.memory_space<hbm>>
      %dma_wait3A_238 = arith.constant 0 : i32
      %dma_wait3A_239 = arith.constant 0 : i32
      %dma_wait3A_240 = tpu.memref_slice %arg4[%add3A, %dma_wait3A_238, %dma_wait3A_239] : memref<32x100x100xi32, #tpu.memory_space<hbm>> -> memref<1x100x100xi32, #tpu.memory_space<hbm>>
      %dma_wait3A_241 = tpu.memref_squeeze %dma_wait3A_240 : memref<1x100x100xi32, #tpu.memory_space<hbm>> -> memref<100x100xi32, #tpu.memory_space<hbm>>
      tpu.wait_dma2 semaphore(%run_scoped3A : memref<!tpu.dma_semaphore, #tpu.memory_space<semaphore_mem>>) src(%dma_wait3A_241 : memref<100x100xi32, #tpu.memory_space<hbm>>) dst(%arg7 : memref<100x100xi32, #tpu.memory_space<vmem>>)
      tpu.yield
    }) : () -> ()
    "tpu.region"() ({
      %run_scoped3A = tpu.sem_alloc : memref<!tpu.dma_semaphore, #tpu.memory_space<semaphore_mem>>
      %dma_start3A_226 = arith.constant 0 : i32
      %dma_start3A_227 = arith.constant 0 : i32
      %dma_start3A_228 = tpu.memref_slice %arg5[%add3A, %dma_start3A_226, %dma_start3A_227] : memref<32x100x100xi32, #tpu.memory_space<hbm>> -> memref<1x100x100xi32, #tpu.memory_space<hbm>>
      %dma_start3A_229 = tpu.memref_squeeze %dma_start3A_228 : memref<1x100x100xi32, #tpu.memory_space<hbm>> -> memref<100x100xi32, #tpu.memory_space<hbm>>
      %dma_start3A_230 = arith.constant 0 : i32
      %dma_start3A_231 = arith.constant 0 : i32
      %dma_start3A_232 = tpu.memref_slice %arg5[%add3A, %dma_start3A_230, %dma_start3A_231] : memref<32x100x100xi32, #tpu.memory_space<hbm>> -> memref<1x100x100xi32, #tpu.memory_space<hbm>>
      %dma_start3A_233 = tpu.memref_squeeze %dma_start3A_232 : memref<1x100x100xi32, #tpu.memory_space<hbm>> -> memref<100x100xi32, #tpu.memory_space<hbm>>
      tpu.enqueue_dma source(%dma_start3A_233 : memref<100x100xi32, #tpu.memory_space<hbm>>) target(%arg8 : memref<100x100xi32, #tpu.memory_space<vmem>>) target_semaphore(%run_scoped3A : memref<!tpu.dma_semaphore, #tpu.memory_space<semaphore_mem>>)
      %dma_wait3A_234 = arith.constant 0 : i32
      %dma_wait3A_235 = arith.constant 0 : i32
      %dma_wait3A_236 = tpu.memref_slice %arg5[%add3A, %dma_wait3A_234, %dma_wait3A_235] : memref<32x100x100xi32, #tpu.memory_space<hbm>> -> memref<1x100x100xi32, #tpu.memory_space<hbm>>
      %dma_wait3A_237 = tpu.memref_squeeze %dma_wait3A_236 : memref<1x100x100xi32, #tpu.memory_space<hbm>> -> memref<100x100xi32, #tpu.memory_space<hbm>>
      %dma_wait3A_238 = arith.constant 0 : i32
      %dma_wait3A_239 = arith.constant 0 : i32
      %dma_wait3A_240 = tpu.memref_slice %arg5[%add3A, %dma_wait3A_238, %dma_wait3A_239] : memref<32x100x100xi32, #tpu.memory_space<hbm>> -> memref<1x100x100xi32, #tpu.memory_space<hbm>>
      %dma_wait3A_241 = tpu.memref_squeeze %dma_wait3A_240 : memref<1x100x100xi32, #tpu.memory_space<hbm>> -> memref<100x100xi32, #tpu.memory_space<hbm>>
      tpu.wait_dma2 semaphore(%run_scoped3A : memref<!tpu.dma_semaphore, #tpu.memory_space<semaphore_mem>>) src(%dma_wait3A_241 : memref<100x100xi32, #tpu.memory_space<hbm>>) dst(%arg8 : memref<100x100xi32, #tpu.memory_space<vmem>>)
      tpu.yield
    }) : () -> ()
    %broadcast_in_dim3A = arith.constant 0.000000e+00 : f32
    %broadcast_in_dim3A_1 = vector.broadcast %broadcast_in_dim3A : f32 to vector<16xf32>
    %scan3A = arith.constant 0 : i32
    %scan3A_2 = arith.constant 128 : i32
    %scan3A_3 = arith.addi %scan3A, %scan3A_2 : i32
    %scan3A_4 = arith.constant 1 : i32
    scf.for %scan3A_226 = %scan3A to %scan3A_3 step %scan3A_4  : i32 {
      %mul3A_227 = arith.constant 1 : i32
      %mul3A_228 = arith.muli %scan3A_226, %mul3A_227 : i32
      %add3A_229 = arith.constant 0 : i32
      %add3A_230 = arith.addi %add3A_229, %mul3A_228 : i32
      %swap3A = arith.index_cast %add3A_230 : i32 to index
      %swap3A_231 = arith.constant 0 : index
      %swap3A_232 = tpu.vector_load %arg9[%swap3A, %swap3A_231] {strides = array<i32>} : memref<128x64xf32, #tpu.memory_space<vmem>>, vector<1x16xf32>,
      %swap3A_233 = vector.shape_cast %swap3A_232 : vector<1x16xf32> to vector<16xf32>
      %swap3A_234 = vector.shape_cast %broadcast_in_dim3A_1 : vector<16xf32> to vector<1x16xf32>
      tpu.vector_store %arg9[%swap3A, %swap3A_231], %swap3A_234 {strides = array<i32>} : memref<128x64xf32, #tpu.memory_space<vmem>>, vector<1x16xf32>,
      %swap3A_235 = arith.index_cast %add3A_230 : i32 to index
      %swap3A_236 = arith.constant 16 : index
      %swap3A_237 = tpu.vector_load %arg9[%swap3A_235, %swap3A_236] {strides = array<i32>} : memref<128x64xf32, #tpu.memory_space<vmem>>, vector<1x16xf32>,
      %swap3A_238 = vector.shape_cast %swap3A_237 : vector<1x16xf32> to vector<16xf32>
      %swap3A_239 = vector.shape_cast %broadcast_in_dim3A_1 : vector<16xf32> to vector<1x16xf32>
      tpu.vector_store %arg9[%swap3A_235, %swap3A_236], %swap3A_239 {strides = array<i32>} : memref<128x64xf32, #tpu.memory_space<vmem>>, vector<1x16xf32>,
      %swap3A_240 = arith.index_cast %add3A_230 : i32 to index
      %swap3A_241 = arith.constant 32 : index
      %swap3A_242 = tpu.vector_load %arg9[%swap3A_240, %swap3A_241] {strides = array<i32>} : memref<128x64xf32, #tpu.memory_space<vmem>>, vector<1x16xf32>,
      %swap3A_243 = vector.shape_cast %swap3A_242 : vector<1x16xf32> to vector<16xf32>
      %swap3A_244 = vector.shape_cast %broadcast_in_dim3A_1 : vector<16xf32> to vector<1x16xf32>
      tpu.vector_store %arg9[%swap3A_240, %swap3A_241], %swap3A_244 {strides = array<i32>} : memref<128x64xf32, #tpu.memory_space<vmem>>, vector<1x16xf32>,
      %swap3A_245 = arith.index_cast %add3A_230 : i32 to index
      %swap3A_246 = arith.constant 48 : index
      %swap3A_247 = tpu.vector_load %arg9[%swap3A_245, %swap3A_246] {strides = array<i32>} : memref<128x64xf32, #tpu.memory_space<vmem>>, vector<1x16xf32>,
      %swap3A_248 = vector.shape_cast %swap3A_247 : vector<1x16xf32> to vector<16xf32>
      %swap3A_249 = vector.shape_cast %broadcast_in_dim3A_1 : vector<16xf32> to vector<1x16xf32>
      tpu.vector_store %arg9[%swap3A_245, %swap3A_246], %swap3A_249 {strides = array<i32>} : memref<128x64xf32, #tpu.memory_space<vmem>>, vector<1x16xf32>,
    }
    %scan3A_5 = arith.constant 128 : i32
    %mul3A_6 = arith.constant 640 : i32
    %mul3A_7 = arith.muli %arg1, %mul3A_6 : i32
    %add3A_8 = arith.constant 0 : i32
    %add3A_9 = arith.addi %mul3A_7, %add3A_8 : i32
    "tpu.region"() ({
      %run_scoped3A = tpu.sem_alloc : memref<!tpu.dma_semaphore, #tpu.memory_space<semaphore_mem>>
      %dma_start3A_226 = arith.constant 0 : i32
      %dma_start3A_227 = tpu.memref_slice %arg12[%add3A_9, %dma_start3A_226] : memref<10240x64xf32, #tpu.memory_space<vmem_shared>> -> memref<128x64xf32, #tpu.memory_space<vmem_shared>>
      %dma_start3A_228 = arith.constant 0 : i32
      %dma_start3A_229 = tpu.memref_slice %arg12[%add3A_9, %dma_start3A_228] : memref<10240x64xf32, #tpu.memory_space<vmem_shared>> -> memref<128x64xf32, #tpu.memory_space<vmem_shared>>
      tpu.enqueue_dma source(%arg9 : memref<128x64xf32, #tpu.memory_space<vmem>>) target(%dma_start3A_229 : memref<128x64xf32, #tpu.memory_space<vmem_shared>>) target_semaphore(%run_scoped3A : memref<!tpu.dma_semaphore, #tpu.memory_space<semaphore_mem>>)
      %dma_wait3A_230 = arith.constant 0 : i32
      %dma_wait3A_231 = tpu.memref_slice %arg12[%add3A_9, %dma_wait3A_230] : memref<10240x64xf32, #tpu.memory_space<vmem_shared>> -> memref<128x64xf32, #tpu.memory_space<vmem_shared>>
      %dma_wait3A_232 = arith.constant 0 : i32
      %dma_wait3A_233 = tpu.memref_slice %arg12[%add3A_9, %dma_wait3A_232] : memref<10240x64xf32, #tpu.memory_space<vmem_shared>> -> memref<128x64xf32, #tpu.memory_space<vmem_shared>>
      tpu.wait_dma2 semaphore(%run_scoped3A : memref<!tpu.dma_semaphore, #tpu.memory_space<semaphore_mem>>) src(%arg9 : memref<128x64xf32, #tpu.memory_space<vmem>>) dst(%dma_wait3A_233 : memref<128x64xf32, #tpu.memory_space<vmem_shared>>)
      tpu.yield
    }) : () -> ()
    %mul3A_10 = arith.constant 640 : i32
    %mul3A_11 = arith.muli %arg1, %mul3A_10 : i32
    %add3A_12 = arith.constant 128 : i32
    %add3A_13 = arith.addi %mul3A_11, %add3A_12 : i32
    "tpu.region"() ({
      %run_scoped3A = tpu.sem_alloc : memref<!tpu.dma_semaphore, #tpu.memory_space<semaphore_mem>>
      %dma_start3A_226 = arith.constant 0 : i32
      %dma_start3A_227 = tpu.memref_slice %arg12[%add3A_13, %dma_start3A_226] : memref<10240x64xf32, #tpu.memory_space<vmem_shared>> -> memref<128x64xf32, #tpu.memory_space<vmem_shared>>
      %dma_start3A_228 = arith.constant 0 : i32
      %dma_start3A_229 = tpu.memref_slice %arg12[%add3A_13, %dma_start3A_228] : memref<10240x64xf32, #tpu.memory_space<vmem_shared>> -> memref<128x64xf32, #tpu.memory_space<vmem_shared>>
      tpu.enqueue_dma source(%arg9 : memref<128x64xf32, #tpu.memory_space<vmem>>) target(%dma_start3A_229 : memref<128x64xf32, #tpu.memory_space<vmem_shared>>) target_semaphore(%run_scoped3A : memref<!tpu.dma_semaphore, #tpu.memory_space<semaphore_mem>>)
      %dma_wait3A_230 = arith.constant 0 : i32
      %dma_wait3A_231 = tpu.memref_slice %arg12[%add3A_13, %dma_wait3A_230] : memref<10240x64xf32, #tpu.memory_space<vmem_shared>> -> memref<128x64xf32, #tpu.memory_space<vmem_shared>>
      %dma_wait3A_232 = arith.constant 0 : i32
      %dma_wait3A_233 = tpu.memref_slice %arg12[%add3A_13, %dma_wait3A_232] : memref<10240x64xf32, #tpu.memory_space<vmem_shared>> -> memref<128x64xf32, #tpu.memory_space<vmem_shared>>
      tpu.wait_dma2 semaphore(%run_scoped3A : memref<!tpu.dma_semaphore, #tpu.memory_space<semaphore_mem>>) src(%arg9 : memref<128x64xf32, #tpu.memory_space<vmem>>) dst(%dma_wait3A_233 : memref<128x64xf32, #tpu.memory_space<vmem_shared>>)
      tpu.yield
    }) : () -> ()
    %mul3A_14 = arith.constant 640 : i32
    %mul3A_15 = arith.muli %arg1, %mul3A_14 : i32
    %add3A_16 = arith.constant 256 : i32
    %add3A_17 = arith.addi %mul3A_15, %add3A_16 : i32
    "tpu.region"() ({
      %run_scoped3A = tpu.sem_alloc : memref<!tpu.dma_semaphore, #tpu.memory_space<semaphore_mem>>
      %dma_start3A_226 = arith.constant 0 : i32
      %dma_start3A_227 = tpu.memref_slice %arg12[%add3A_17, %dma_start3A_226] : memref<10240x64xf32, #tpu.memory_space<vmem_shared>> -> memref<128x64xf32, #tpu.memory_space<vmem_shared>>
      %dma_start3A_228 = arith.constant 0 : i32
      %dma_start3A_229 = tpu.memref_slice %arg12[%add3A_17, %dma_start3A_228] : memref<10240x64xf32, #tpu.memory_space<vmem_shared>> -> memref<128x64xf32, #tpu.memory_space<vmem_shared>>
      tpu.enqueue_dma source(%arg9 : memref<128x64xf32, #tpu.memory_space<vmem>>) target(%dma_start3A_229 : memref<128x64xf32, #tpu.memory_space<vmem_shared>>) target_semaphore(%run_scoped3A : memref<!tpu.dma_semaphore, #tpu.memory_space<semaphore_mem>>)
      %dma_wait3A_230 = arith.constant 0 : i32
      %dma_wait3A_231 = tpu.memref_slice %arg12[%add3A_17, %dma_wait3A_230] : memref<10240x64xf32, #tpu.memory_space<vmem_shared>> -> memref<128x64xf32, #tpu.memory_space<vmem_shared>>
      %dma_wait3A_232 = arith.constant 0 : i32
      %dma_wait3A_233 = tpu.memref_slice %arg12[%add3A_17, %dma_wait3A_232] : memref<10240x64xf32, #tpu.memory_space<vmem_shared>> -> memref<128x64xf32, #tpu.memory_space<vmem_shared>>
      tpu.wait_dma2 semaphore(%run_scoped3A : memref<!tpu.dma_semaphore, #tpu.memory_space<semaphore_mem>>) src(%arg9 : memref<128x64xf32, #tpu.memory_space<vmem>>) dst(%dma_wait3A_233 : memref<128x64xf32, #tpu.memory_space<vmem_shared>>)
      tpu.yield
    }) : () -> ()
    %mul3A_18 = arith.constant 640 : i32
    %mul3A_19 = arith.muli %arg1, %mul3A_18 : i32
    %add3A_20 = arith.constant 384 : i32
    %add3A_21 = arith.addi %mul3A_19, %add3A_20 : i32
    "tpu.region"() ({
      %run_scoped3A = tpu.sem_alloc : memref<!tpu.dma_semaphore, #tpu.memory_space<semaphore_mem>>
      %dma_start3A_226 = arith.constant 0 : i32
      %dma_start3A_227 = tpu.memref_slice %arg12[%add3A_21, %dma_start3A_226] : memref<10240x64xf32, #tpu.memory_space<vmem_shared>> -> memref<128x64xf32, #tpu.memory_space<vmem_shared>>
      %dma_start3A_228 = arith.constant 0 : i32
      %dma_start3A_229 = tpu.memref_slice %arg12[%add3A_21, %dma_start3A_228] : memref<10240x64xf32, #tpu.memory_space<vmem_shared>> -> memref<128x64xf32, #tpu.memory_space<vmem_shared>>
      tpu.enqueue_dma source(%arg9 : memref<128x64xf32, #tpu.memory_space<vmem>>) target(%dma_start3A_229 : memref<128x64xf32, #tpu.memory_space<vmem_shared>>) target_semaphore(%run_scoped3A : memref<!tpu.dma_semaphore, #tpu.memory_space<semaphore_mem>>)
      %dma_wait3A_230 = arith.constant 0 : i32
      %dma_wait3A_231 = tpu.memref_slice %arg12[%add3A_21, %dma_wait3A_230] : memref<10240x64xf32, #tpu.memory_space<vmem_shared>> -> memref<128x64xf32, #tpu.memory_space<vmem_shared>>
      %dma_wait3A_232 = arith.constant 0 : i32
      %dma_wait3A_233 = tpu.memref_slice %arg12[%add3A_21, %dma_wait3A_232] : memref<10240x64xf32, #tpu.memory_space<vmem_shared>> -> memref<128x64xf32, #tpu.memory_space<vmem_shared>>
      tpu.wait_dma2 semaphore(%run_scoped3A : memref<!tpu.dma_semaphore, #tpu.memory_space<semaphore_mem>>) src(%arg9 : memref<128x64xf32, #tpu.memory_space<vmem>>) dst(%dma_wait3A_233 : memref<128x64xf32, #tpu.memory_space<vmem_shared>>)
      tpu.yield
    }) : () -> ()
    %mul3A_22 = arith.constant 640 : i32
    %mul3A_23 = arith.muli %arg1, %mul3A_22 : i32
    %add3A_24 = arith.constant 512 : i32
    %add3A_25 = arith.addi %mul3A_23, %add3A_24 : i32
    "tpu.region"() ({
      %run_scoped3A = tpu.sem_alloc : memref<!tpu.dma_semaphore, #tpu.memory_space<semaphore_mem>>
      %dma_start3A_226 = arith.constant 0 : i32
      %dma_start3A_227 = tpu.memref_slice %arg12[%add3A_25, %dma_start3A_226] : memref<10240x64xf32, #tpu.memory_space<vmem_shared>> -> memref<128x64xf32, #tpu.memory_space<vmem_shared>>
      %dma_start3A_228 = arith.constant 0 : i32
      %dma_start3A_229 = tpu.memref_slice %arg12[%add3A_25, %dma_start3A_228] : memref<10240x64xf32, #tpu.memory_space<vmem_shared>> -> memref<128x64xf32, #tpu.memory_space<vmem_shared>>
      tpu.enqueue_dma source(%arg9 : memref<128x64xf32, #tpu.memory_space<vmem>>) target(%dma_start3A_229 : memref<128x64xf32, #tpu.memory_space<vmem_shared>>) target_semaphore(%run_scoped3A : memref<!tpu.dma_semaphore, #tpu.memory_space<semaphore_mem>>)
      %dma_wait3A_230 = arith.constant 0 : i32
      %dma_wait3A_231 = tpu.memref_slice %arg12[%add3A_25, %dma_wait3A_230] : memref<10240x64xf32, #tpu.memory_space<vmem_shared>> -> memref<128x64xf32, #tpu.memory_space<vmem_shared>>
      %dma_wait3A_232 = arith.constant 0 : i32
      %dma_wait3A_233 = tpu.memref_slice %arg12[%add3A_25, %dma_wait3A_232] : memref<10240x64xf32, #tpu.memory_space<vmem_shared>> -> memref<128x64xf32, #tpu.memory_space<vmem_shared>>
      tpu.wait_dma2 semaphore(%run_scoped3A : memref<!tpu.dma_semaphore, #tpu.memory_space<semaphore_mem>>) src(%arg9 : memref<128x64xf32, #tpu.memory_space<vmem>>) dst(%dma_wait3A_233 : memref<128x64xf32, #tpu.memory_space<vmem_shared>>)
      tpu.yield
    }) : () -> ()
    %barrier3A = arith.constant 0 : index
    tpu.barrier barrier_id(%barrier3A)
    %mul3A_26 = arith.constant 100 : i32
    %mul3A_27 = arith.muli %add3A, %mul3A_26 : i32
    %dma_start3A = arith.constant 0 : i32
    %dma_start3A_28 = arith.constant 0 : i32
    %dma_start3A_29 = arith.constant 0 : i32
    %dma_start3A_30 = arith.constant 0 : i32
    %dma_start3A_31 = tpu.memref_slice %arg10[%dma_start3A_28, %dma_start3A_29, %dma_start3A_30] : memref<2x100x64xf32, #tpu.memory_space<vmem>> -> memref<1x100x64xf32, #tpu.memory_space<vmem>>
    %dma_start3A_32 = tpu.memref_squeeze %dma_start3A_31 : memref<1x100x64xf32, #tpu.memory_space<vmem>> -> memref<100x64xf32, #tpu.memory_space<vmem>>
    %dma_start3A_33 = arith.constant 0 : i32
    %dma_start3A_34 = tpu.memref_slice %arg7[%dma_start3A, %dma_start3A_33] : memref<100x100xi32, #tpu.memory_space<vmem>> -> memref<1x100xi32, #tpu.memory_space<vmem>>
    %dma_start3A_35 = tpu.memref_squeeze %dma_start3A_34 : memref<1x100xi32, #tpu.memory_space<vmem>> -> memref<100xi32, #tpu.memory_space<vmem>>
    %dma_start3A_36 = arith.constant 0 : i32
    %dma_start3A_37 = arith.constant 0 : i32
    %dma_start3A_38 = tpu.memref_slice %arg2[%dma_start3A_36, %dma_start3A_37] : memref<10000x64xf32, #tpu.memory_space<hbm>> -> memref<10000x64xf32, #tpu.memory_space<hbm>>
    tpu.enqueue_indirect_dma source(%dma_start3A_38 : memref<10000x64xf32, #tpu.memory_space<hbm>>) target(%dma_start3A_32 : memref<100x64xf32, #tpu.memory_space<vmem>>) offsets(%dma_start3A_35 : memref<100xi32, #tpu.memory_space<vmem>>) semaphore(%arg13 : memref<!tpu.dma_semaphore, #tpu.memory_space<semaphore_mem>>)
    %add3A_39 = arith.constant 0 : i32
    %add3A_40 = arith.addi %mul3A_27, %add3A_39 : i32
    %mul3A_41 = arith.constant 100 : i32
    %mul3A_42 = arith.muli %add3A_40, %mul3A_41 : i32
    %dma_start3A_43 = arith.constant 0 : i32
    %dma_start3A_44 = arith.constant 0 : i32
    %dma_start3A_45 = arith.constant 0 : i32
    %dma_start3A_46 = tpu.memref_slice %arg11[%dma_start3A_43, %dma_start3A_44, %dma_start3A_45] : memref<2x100x64xf32, #tpu.memory_space<vmem>> -> memref<1x100x64xf32, #tpu.memory_space<vmem>>
    %dma_start3A_47 = tpu.memref_squeeze %dma_start3A_46 : memref<1x100x64xf32, #tpu.memory_space<vmem>> -> memref<100x64xf32, #tpu.memory_space<vmem>>
    %dma_start3A_48 = arith.constant 0 : i32
    %dma_start3A_49 = tpu.memref_slice %arg3[%mul3A_42, %dma_start3A_48] : memref<320000x64xf32, #tpu.memory_space<hbm>> -> memref<100x64xf32, #tpu.memory_space<hbm>>
    %dma_start3A_50 = arith.constant 0 : i32
    %dma_start3A_51 = arith.constant 0 : i32
    %dma_start3A_52 = tpu.memref_slice %arg11[%dma_start3A_43, %dma_start3A_50, %dma_start3A_51] : memref<2x100x64xf32, #tpu.memory_space<vmem>> -> memref<1x100x64xf32, #tpu.memory_space<vmem>>
    %dma_start3A_53 = tpu.memref_squeeze %dma_start3A_52 : memref<1x100x64xf32, #tpu.memory_space<vmem>> -> memref<100x64xf32, #tpu.memory_space<vmem>>
    %dma_start3A_54 = arith.constant 0 : i32
    %dma_start3A_55 = tpu.memref_slice %arg3[%mul3A_42, %dma_start3A_54] : memref<320000x64xf32, #tpu.memory_space<hbm>> -> memref<100x64xf32, #tpu.memory_space<hbm>>
    tpu.enqueue_dma source(%dma_start3A_55 : memref<100x64xf32, #tpu.memory_space<hbm>>) target(%dma_start3A_53 : memref<100x64xf32, #tpu.memory_space<vmem>>) target_semaphore(%arg15 : memref<!tpu.dma_semaphore, #tpu.memory_space<semaphore_mem>>)
    %dma_start3A_56 = arith.constant 1 : i32
    %dma_start3A_57 = arith.constant 1 : i32
    %dma_start3A_58 = arith.constant 0 : i32
    %dma_start3A_59 = arith.constant 0 : i32
    %dma_start3A_60 = tpu.memref_slice %arg10[%dma_start3A_57, %dma_start3A_58, %dma_start3A_59] : memref<2x100x64xf32, #tpu.memory_space<vmem>> -> memref<1x100x64xf32, #tpu.memory_space<vmem>>
    %dma_start3A_61 = tpu.memref_squeeze %dma_start3A_60 : memref<1x100x64xf32, #tpu.memory_space<vmem>> -> memref<100x64xf32, #tpu.memory_space<vmem>>
    %dma_start3A_62 = arith.constant 0 : i32
    %dma_start3A_63 = tpu.memref_slice %arg7[%dma_start3A_56, %dma_start3A_62] : memref<100x100xi32, #tpu.memory_space<vmem>> -> memref<1x100xi32, #tpu.memory_space<vmem>>
    %dma_start3A_64 = tpu.memref_squeeze %dma_start3A_63 : memref<1x100xi32, #tpu.memory_space<vmem>> -> memref<100xi32, #tpu.memory_space<vmem>>
    %dma_start3A_65 = arith.constant 0 : i32
    %dma_start3A_66 = arith.constant 0 : i32
    %dma_start3A_67 = tpu.memref_slice %arg2[%dma_start3A_65, %dma_start3A_66] : memref<10000x64xf32, #tpu.memory_space<hbm>> -> memref<10000x64xf32, #tpu.memory_space<hbm>>
    tpu.enqueue_indirect_dma source(%dma_start3A_67 : memref<10000x64xf32, #tpu.memory_space<hbm>>) target(%dma_start3A_61 : memref<100x64xf32, #tpu.memory_space<vmem>>) offsets(%dma_start3A_64 : memref<100xi32, #tpu.memory_space<vmem>>) semaphore(%arg14 : memref<!tpu.dma_semaphore, #tpu.memory_space<semaphore_mem>>)
    %add3A_68 = arith.constant 1 : i32
    %add3A_69 = arith.addi %mul3A_27, %add3A_68 : i32
    %mul3A_70 = arith.constant 100 : i32
    %mul3A_71 = arith.muli %add3A_69, %mul3A_70 : i32
    %dma_start3A_72 = arith.constant 1 : i32
    %dma_start3A_73 = arith.constant 0 : i32
    %dma_start3A_74 = arith.constant 0 : i32
    %dma_start3A_75 = tpu.memref_slice %arg11[%dma_start3A_72, %dma_start3A_73, %dma_start3A_74] : memref<2x100x64xf32, #tpu.memory_space<vmem>> -> memref<1x100x64xf32, #tpu.memory_space<vmem>>
    %dma_start3A_76 = tpu.memref_squeeze %dma_start3A_75 : memref<1x100x64xf32, #tpu.memory_space<vmem>> -> memref<100x64xf32, #tpu.memory_space<vmem>>
    %dma_start3A_77 = arith.constant 0 : i32
    %dma_start3A_78 = tpu.memref_slice %arg3[%mul3A_71, %dma_start3A_77] : memref<320000x64xf32, #tpu.memory_space<hbm>> -> memref<100x64xf32, #tpu.memory_space<hbm>>
    %dma_start3A_79 = arith.constant 0 : i32
    %dma_start3A_80 = arith.constant 0 : i32
    %dma_start3A_81 = tpu.memref_slice %arg11[%dma_start3A_72, %dma_start3A_79, %dma_start3A_80] : memref<2x100x64xf32, #tpu.memory_space<vmem>> -> memref<1x100x64xf32, #tpu.memory_space<vmem>>
    %dma_start3A_82 = tpu.memref_squeeze %dma_start3A_81 : memref<1x100x64xf32, #tpu.memory_space<vmem>> -> memref<100x64xf32, #tpu.memory_space<vmem>>
    %dma_start3A_83 = arith.constant 0 : i32
    %dma_start3A_84 = tpu.memref_slice %arg3[%mul3A_71, %dma_start3A_83] : memref<320000x64xf32, #tpu.memory_space<hbm>> -> memref<100x64xf32, #tpu.memory_space<hbm>>
    tpu.enqueue_dma source(%dma_start3A_84 : memref<100x64xf32, #tpu.memory_space<hbm>>) target(%dma_start3A_82 : memref<100x64xf32, #tpu.memory_space<vmem>>) target_semaphore(%arg16 : memref<!tpu.dma_semaphore, #tpu.memory_space<semaphore_mem>>)
    %scan3A_85 = arith.constant 0 : i32
    %scan3A_86 = arith.constant 49 : i32
    %scan3A_87 = arith.addi %scan3A_85, %scan3A_86 : i32
    %scan3A_88 = arith.constant 1 : i32
    scf.for %scan3A_226 = %scan3A_85 to %scan3A_87 step %scan3A_88  : i32 {
      %mul3A_227 = arith.constant 1 : i32
      %mul3A_228 = arith.muli %scan3A_226, %mul3A_227 : i32
      %add3A_229 = arith.constant 0 : i32
      %add3A_230 = arith.addi %add3A_229, %mul3A_228 : i32
      %mul3A_231 = arith.constant 2 : i32
      %mul3A_232 = arith.muli %mul3A_231, %add3A_230 : i32
      %add3A_233 = arith.constant 0 : i32
      %add3A_234 = arith.addi %mul3A_232, %add3A_233 : i32
      %dma_wait3A_235 = arith.constant 0 : i32
      %dma_wait3A_236 = arith.constant 0 : i32
      %dma_wait3A_237 = arith.constant 0 : i32
      %dma_wait3A_238 = tpu.memref_slice %arg10[%dma_wait3A_235, %dma_wait3A_236, %dma_wait3A_237] : memref<2x100x64xf32, #tpu.memory_space<vmem>> -> memref<1x100x64xf32, #tpu.memory_space<vmem>>
      %dma_wait3A_239 = tpu.memref_squeeze %dma_wait3A_238 : memref<1x100x64xf32, #tpu.memory_space<vmem>> -> memref<100x64xf32, #tpu.memory_space<vmem>>
      %dma_wait3A_240 = arith.constant 0 : i32
      %dma_wait3A_241 = tpu.memref_slice %arg7[%add3A_234, %dma_wait3A_240] : memref<100x100xi32, #tpu.memory_space<vmem>> -> memref<1x100xi32, #tpu.memory_space<vmem>>
      %dma_wait3A_242 = tpu.memref_squeeze %dma_wait3A_241 : memref<1x100xi32, #tpu.memory_space<vmem>> -> memref<100xi32, #tpu.memory_space<vmem>>
      %dma_wait3A_243 = arith.constant 0 : i32
      %dma_wait3A_244 = arith.constant 0 : i32
      %dma_wait3A_245 = tpu.memref_slice %arg2[%dma_wait3A_243, %dma_wait3A_244] : memref<10000x64xf32, #tpu.memory_space<hbm>> -> memref<10000x64xf32, #tpu.memory_space<hbm>>
      tpu.wait_indirect_dma semaphore(%arg13 : memref<!tpu.dma_semaphore, #tpu.memory_space<semaphore_mem>>) src(%dma_wait3A_245 : memref<10000x64xf32, #tpu.memory_space<hbm>>) dst(%dma_wait3A_239 : memref<100x64xf32, #tpu.memory_space<vmem>>)
      %add3A_246 = arith.addi %mul3A_27, %add3A_234 : i32
      %mul3A_247 = arith.constant 100 : i32
      %mul3A_248 = arith.muli %add3A_246, %mul3A_247 : i32
      %dma_wait3A_249 = arith.constant 0 : i32
      %dma_wait3A_250 = arith.constant 0 : i32
      %dma_wait3A_251 = arith.constant 0 : i32
      %dma_wait3A_252 = tpu.memref_slice %arg11[%dma_wait3A_249, %dma_wait3A_250, %dma_wait3A_251] : memref<2x100x64xf32, #tpu.memory_space<vmem>> -> memref<1x100x64xf32, #tpu.memory_space<vmem>>
      %dma_wait3A_253 = tpu.memref_squeeze %dma_wait3A_252 : memref<1x100x64xf32, #tpu.memory_space<vmem>> -> memref<100x64xf32, #tpu.memory_space<vmem>>
      %dma_wait3A_254 = arith.constant 0 : i32
      %dma_wait3A_255 = tpu.memref_slice %arg3[%mul3A_248, %dma_wait3A_254] : memref<320000x64xf32, #tpu.memory_space<hbm>> -> memref<100x64xf32, #tpu.memory_space<hbm>>
      %dma_wait3A_256 = arith.constant 0 : i32
      %dma_wait3A_257 = arith.constant 0 : i32
      %dma_wait3A_258 = tpu.memref_slice %arg11[%dma_wait3A_249, %dma_wait3A_256, %dma_wait3A_257] : memref<2x100x64xf32, #tpu.memory_space<vmem>> -> memref<1x100x64xf32, #tpu.memory_space<vmem>>
      %dma_wait3A_259 = tpu.memref_squeeze %dma_wait3A_258 : memref<1x100x64xf32, #tpu.memory_space<vmem>> -> memref<100x64xf32, #tpu.memory_space<vmem>>
      %dma_wait3A_260 = arith.constant 0 : i32
      %dma_wait3A_261 = tpu.memref_slice %arg3[%mul3A_248, %dma_wait3A_260] : memref<320000x64xf32, #tpu.memory_space<hbm>> -> memref<100x64xf32, #tpu.memory_space<hbm>>
      tpu.wait_dma2 semaphore(%arg15 : memref<!tpu.dma_semaphore, #tpu.memory_space<semaphore_mem>>) src(%dma_wait3A_261 : memref<100x64xf32, #tpu.memory_space<hbm>>) dst(%dma_wait3A_259 : memref<100x64xf32, #tpu.memory_space<vmem>>)
      %scan3A_262 = arith.constant 0 : i32
      %scan3A_263 = arith.constant 100 : i32
      %scan3A_264 = arith.addi %scan3A_262, %scan3A_263 : i32
      %scan3A_265 = arith.constant 1 : i32
      scf.for %scan3A_403 = %scan3A_262 to %scan3A_264 step %scan3A_265  : i32 {
        %mul3A_404 = arith.constant 1 : i32
        %mul3A_405 = arith.muli %scan3A_403, %mul3A_404 : i32
        %add3A_406 = arith.constant 0 : i32
        %add3A_407 = arith.addi %add3A_406, %mul3A_405 : i32
        %get3A = arith.constant 0 : i32
        %get3A_408 = arith.index_cast %get3A : i32 to index
        %get3A_409 = arith.index_cast %add3A_407 : i32 to index
        %get3A_410 = arith.constant 0 : index
        %get3A_411 = tpu.vector_load %arg10[%get3A_408, %get3A_409, %get3A_410] {strides = array<i32>} : memref<2x100x64xf32, #tpu.memory_space<vmem>>, vector<1x1x16xf32>,
        %get3A_412 = vector.shape_cast %get3A_411 : vector<1x1x16xf32> to vector<16xf32>
        %get3A_413 = arith.constant 0 : i32
        %get3A_414 = arith.index_cast %get3A_413 : i32 to index
        %get3A_415 = arith.index_cast %add3A_407 : i32 to index
        %get3A_416 = arith.constant 0 : index
        %get3A_417 = tpu.vector_load %arg11[%get3A_414, %get3A_415, %get3A_416] {strides = array<i32>} : memref<2x100x64xf32, #tpu.memory_space<vmem>>, vector<1x1x16xf32>,
        %get3A_418 = vector.shape_cast %get3A_417 : vector<1x1x16xf32> to vector<16xf32>
        %add3A_419 = arith.addf %get3A_412, %get3A_418 : vector<16xf32>
        %max3A = arith.constant 0.000000e+00 : f32
        %max3A_420 = vector.broadcast %max3A : f32 to vector<16xf32>
        %max3A_421 = arith.maximumf %add3A_419, %max3A_420 : vector<16xf32>
        %swap3A = arith.constant 0 : i32
        %swap3A_422 = arith.index_cast %swap3A : i32 to index
        %swap3A_423 = arith.index_cast %add3A_407 : i32 to index
        %swap3A_424 = arith.constant 0 : index
        %swap3A_425 = tpu.vector_load %arg11[%swap3A_422, %swap3A_423, %swap3A_424] {strides = array<i32>} : memref<2x100x64xf32, #tpu.memory_space<vmem>>, vector<1x1x16xf32>,
        %swap3A_426 = vector.shape_cast %swap3A_425 : vector<1x1x16xf32> to vector<16xf32>
        %swap3A_427 = vector.shape_cast %max3A_421 : vector<16xf32> to vector<1x1x16xf32>
        tpu.vector_store %arg11[%swap3A_422, %swap3A_423, %swap3A_424], %swap3A_427 {strides = array<i32>} : memref<2x100x64xf32, #tpu.memory_space<vmem>>, vector<1x1x16xf32>,
        %get3A_428 = arith.constant 0 : i32
        %get3A_429 = arith.index_cast %get3A_428 : i32 to index
        %get3A_430 = arith.index_cast %add3A_407 : i32 to index
        %get3A_431 = arith.constant 16 : index
        %get3A_432 = tpu.vector_load %arg10[%get3A_429, %get3A_430, %get3A_431] {strides = array<i32>} : memref<2x100x64xf32, #tpu.memory_space<vmem>>, vector<1x1x16xf32>,
        %get3A_433 = vector.shape_cast %get3A_432 : vector<1x1x16xf32> to vector<16xf32>
        %get3A_434 = arith.constant 0 : i32
        %get3A_435 = arith.index_cast %get3A_434 : i32 to index
        %get3A_436 = arith.index_cast %add3A_407 : i32 to index
        %get3A_437 = arith.constant 16 : index
        %get3A_438 = tpu.vector_load %arg11[%get3A_435, %get3A_436, %get3A_437] {strides = array<i32>} : memref<2x100x64xf32, #tpu.memory_space<vmem>>, vector<1x1x16xf32>,
        %get3A_439 = vector.shape_cast %get3A_438 : vector<1x1x16xf32> to vector<16xf32>
        %add3A_440 = arith.addf %get3A_433, %get3A_439 : vector<16xf32>
        %max3A_441 = arith.constant 0.000000e+00 : f32
        %max3A_442 = vector.broadcast %max3A_441 : f32 to vector<16xf32>
        %max3A_443 = arith.maximumf %add3A_440, %max3A_442 : vector<16xf32>
        %swap3A_444 = arith.constant 0 : i32
        %swap3A_445 = arith.index_cast %swap3A_444 : i32 to index
        %swap3A_446 = arith.index_cast %add3A_407 : i32 to index
        %swap3A_447 = arith.constant 16 : index
        %swap3A_448 = tpu.vector_load %arg11[%swap3A_445, %swap3A_446, %swap3A_447] {strides = array<i32>} : memref<2x100x64xf32, #tpu.memory_space<vmem>>, vector<1x1x16xf32>,
        %swap3A_449 = vector.shape_cast %swap3A_448 : vector<1x1x16xf32> to vector<16xf32>
        %swap3A_450 = vector.shape_cast %max3A_443 : vector<16xf32> to vector<1x1x16xf32>
        tpu.vector_store %arg11[%swap3A_445, %swap3A_446, %swap3A_447], %swap3A_450 {strides = array<i32>} : memref<2x100x64xf32, #tpu.memory_space<vmem>>, vector<1x1x16xf32>,
        %get3A_451 = arith.constant 0 : i32
        %get3A_452 = arith.index_cast %get3A_451 : i32 to index
        %get3A_453 = arith.index_cast %add3A_407 : i32 to index
        %get3A_454 = arith.constant 32 : index
        %get3A_455 = tpu.vector_load %arg10[%get3A_452, %get3A_453, %get3A_454] {strides = array<i32>} : memref<2x100x64xf32, #tpu.memory_space<vmem>>, vector<1x1x16xf32>,
        %get3A_456 = vector.shape_cast %get3A_455 : vector<1x1x16xf32> to vector<16xf32>
        %get3A_457 = arith.constant 0 : i32
        %get3A_458 = arith.index_cast %get3A_457 : i32 to index
        %get3A_459 = arith.index_cast %add3A_407 : i32 to index
        %get3A_460 = arith.constant 32 : index
        %get3A_461 = tpu.vector_load %arg11[%get3A_458, %get3A_459, %get3A_460] {strides = array<i32>} : memref<2x100x64xf32, #tpu.memory_space<vmem>>, vector<1x1x16xf32>,
        %get3A_462 = vector.shape_cast %get3A_461 : vector<1x1x16xf32> to vector<16xf32>
        %add3A_463 = arith.addf %get3A_456, %get3A_462 : vector<16xf32>
        %max3A_464 = arith.constant 0.000000e+00 : f32
        %max3A_465 = vector.broadcast %max3A_464 : f32 to vector<16xf32>
        %max3A_466 = arith.maximumf %add3A_463, %max3A_465 : vector<16xf32>
        %swap3A_467 = arith.constant 0 : i32
        %swap3A_468 = arith.index_cast %swap3A_467 : i32 to index
        %swap3A_469 = arith.index_cast %add3A_407 : i32 to index
        %swap3A_470 = arith.constant 32 : index
        %swap3A_471 = tpu.vector_load %arg11[%swap3A_468, %swap3A_469, %swap3A_470] {strides = array<i32>} : memref<2x100x64xf32, #tpu.memory_space<vmem>>, vector<1x1x16xf32>,
        %swap3A_472 = vector.shape_cast %swap3A_471 : vector<1x1x16xf32> to vector<16xf32>
        %swap3A_473 = vector.shape_cast %max3A_466 : vector<16xf32> to vector<1x1x16xf32>
        tpu.vector_store %arg11[%swap3A_468, %swap3A_469, %swap3A_470], %swap3A_473 {strides = array<i32>} : memref<2x100x64xf32, #tpu.memory_space<vmem>>, vector<1x1x16xf32>,
        %get3A_474 = arith.constant 0 : i32
        %get3A_475 = arith.index_cast %get3A_474 : i32 to index
        %get3A_476 = arith.index_cast %add3A_407 : i32 to index
        %get3A_477 = arith.constant 48 : index
        %get3A_478 = tpu.vector_load %arg10[%get3A_475, %get3A_476, %get3A_477] {strides = array<i32>} : memref<2x100x64xf32, #tpu.memory_space<vmem>>, vector<1x1x16xf32>,
        %get3A_479 = vector.shape_cast %get3A_478 : vector<1x1x16xf32> to vector<16xf32>
        %get3A_480 = arith.constant 0 : i32
        %get3A_481 = arith.index_cast %get3A_480 : i32 to index
        %get3A_482 = arith.index_cast %add3A_407 : i32 to index
        %get3A_483 = arith.constant 48 : index
        %get3A_484 = tpu.vector_load %arg11[%get3A_481, %get3A_482, %get3A_483] {strides = array<i32>} : memref<2x100x64xf32, #tpu.memory_space<vmem>>, vector<1x1x16xf32>,
        %get3A_485 = vector.shape_cast %get3A_484 : vector<1x1x16xf32> to vector<16xf32>
        %add3A_486 = arith.addf %get3A_479, %get3A_485 : vector<16xf32>
        %max3A_487 = arith.constant 0.000000e+00 : f32
        %max3A_488 = vector.broadcast %max3A_487 : f32 to vector<16xf32>
        %max3A_489 = arith.maximumf %add3A_486, %max3A_488 : vector<16xf32>
        %swap3A_490 = arith.constant 0 : i32
        %swap3A_491 = arith.index_cast %swap3A_490 : i32 to index
        %swap3A_492 = arith.index_cast %add3A_407 : i32 to index
        %swap3A_493 = arith.constant 48 : index
        %swap3A_494 = tpu.vector_load %arg11[%swap3A_491, %swap3A_492, %swap3A_493] {strides = array<i32>} : memref<2x100x64xf32, #tpu.memory_space<vmem>>, vector<1x1x16xf32>,
        %swap3A_495 = vector.shape_cast %swap3A_494 : vector<1x1x16xf32> to vector<16xf32>
        %swap3A_496 = vector.shape_cast %max3A_489 : vector<16xf32> to vector<1x1x16xf32>
        tpu.vector_store %arg11[%swap3A_491, %swap3A_492, %swap3A_493], %swap3A_496 {strides = array<i32>} : memref<2x100x64xf32, #tpu.memory_space<vmem>>, vector<1x1x16xf32>,
      }
      %scan3A_266 = arith.constant 100 : i32
      %dma_start3A_267 = arith.constant 0 : i32
      %dma_start3A_268 = arith.constant 0 : i32
      %dma_start3A_269 = arith.constant 0 : i32
      %dma_start3A_270 = tpu.memref_slice %arg11[%dma_start3A_267, %dma_start3A_268, %dma_start3A_269] : memref<2x100x64xf32, #tpu.memory_space<vmem>> -> memref<1x100x64xf32, #tpu.memory_space<vmem>>
      %dma_start3A_271 = tpu.memref_squeeze %dma_start3A_270 : memref<1x100x64xf32, #tpu.memory_space<vmem>> -> memref<100x64xf32, #tpu.memory_space<vmem>>
      %dma_start3A_272 = arith.constant 0 : i32
      %dma_start3A_273 = tpu.memref_slice %arg8[%add3A_234, %dma_start3A_272] : memref<100x100xi32, #tpu.memory_space<vmem>> -> memref<1x100xi32, #tpu.memory_space<vmem>>
      %dma_start3A_274 = tpu.memref_squeeze %dma_start3A_273 : memref<1x100xi32, #tpu.memory_space<vmem>> -> memref<100xi32, #tpu.memory_space<vmem>>
      %dma_start3A_275 = arith.constant 0 : i32
      %dma_start3A_276 = arith.constant 0 : i32
      %dma_start3A_277 = tpu.memref_slice %arg12[%dma_start3A_275, %dma_start3A_276] : memref<10240x64xf32, #tpu.memory_space<vmem_shared>> -> memref<10240x64xf32, #tpu.memory_space<vmem_shared>>
      tpu.enqueue_indirect_dma source(%dma_start3A_271 : memref<100x64xf32, #tpu.memory_space<vmem>>) target(%dma_start3A_277 : memref<10240x64xf32, #tpu.memory_space<vmem_shared>>) offsets(%dma_start3A_274 : memref<100xi32, #tpu.memory_space<vmem>>) semaphore(%arg17 : memref<!tpu.dma_semaphore, #tpu.memory_space<semaphore_mem>>) {add = true}
      %dma_wait3A_278 = arith.constant 0 : i32
      %dma_wait3A_279 = arith.constant 0 : i32
      %dma_wait3A_280 = arith.constant 0 : i32
      %dma_wait3A_281 = tpu.memref_slice %arg11[%dma_wait3A_278, %dma_wait3A_279, %dma_wait3A_280] : memref<2x100x64xf32, #tpu.memory_space<vmem>> -> memref<1x100x64xf32, #tpu.memory_space<vmem>>
      %dma_wait3A_282 = tpu.memref_squeeze %dma_wait3A_281 : memref<1x100x64xf32, #tpu.memory_space<vmem>> -> memref<100x64xf32, #tpu.memory_space<vmem>>
      %dma_wait3A_283 = arith.constant 0 : i32
      %dma_wait3A_284 = tpu.memref_slice %arg8[%add3A_234, %dma_wait3A_283] : memref<100x100xi32, #tpu.memory_space<vmem>> -> memref<1x100xi32, #tpu.memory_space<vmem>>
      %dma_wait3A_285 = tpu.memref_squeeze %dma_wait3A_284 : memref<1x100xi32, #tpu.memory_space<vmem>> -> memref<100xi32, #tpu.memory_space<vmem>>
      %dma_wait3A_286 = arith.constant 0 : i32
      %dma_wait3A_287 = arith.constant 0 : i32
      %dma_wait3A_288 = tpu.memref_slice %arg12[%dma_wait3A_286, %dma_wait3A_287] : memref<10240x64xf32, #tpu.memory_space<vmem_shared>> -> memref<10240x64xf32, #tpu.memory_space<vmem_shared>>
      tpu.wait_indirect_dma semaphore(%arg17 : memref<!tpu.dma_semaphore, #tpu.memory_space<semaphore_mem>>) src(%dma_wait3A_282 : memref<100x64xf32, #tpu.memory_space<vmem>>) dst(%dma_wait3A_288 : memref<10240x64xf32, #tpu.memory_space<vmem_shared>>)
      %add3A_289 = arith.constant 2 : i32
      %add3A_290 = arith.addi %add3A_234, %add3A_289 : i32
      %dma_start3A_291 = arith.constant 0 : i32
      %dma_start3A_292 = arith.constant 0 : i32
      %dma_start3A_293 = arith.constant 0 : i32
      %dma_start3A_294 = tpu.memref_slice %arg10[%dma_start3A_291, %dma_start3A_292, %dma_start3A_293] : memref<2x100x64xf32, #tpu.memory_space<vmem>> -> memref<1x100x64xf32, #tpu.memory_space<vmem>>
      %dma_start3A_295 = tpu.memref_squeeze %dma_start3A_294 : memref<1x100x64xf32, #tpu.memory_space<vmem>> -> memref<100x64xf32, #tpu.memory_space<vmem>>
      %dma_start3A_296 = arith.constant 0 : i32
      %dma_start3A_297 = tpu.memref_slice %arg7[%add3A_290, %dma_start3A_296] : memref<100x100xi32, #tpu.memory_space<vmem>> -> memref<1x100xi32, #tpu.memory_space<vmem>>
      %dma_start3A_298 = tpu.memref_squeeze %dma_start3A_297 : memref<1x100xi32, #tpu.memory_space<vmem>> -> memref<100xi32, #tpu.memory_space<vmem>>
      %dma_start3A_299 = arith.constant 0 : i32
      %dma_start3A_300 = arith.constant 0 : i32
      %dma_start3A_301 = tpu.memref_slice %arg2[%dma_start3A_299, %dma_start3A_300] : memref<10000x64xf32, #tpu.memory_space<hbm>> -> memref<10000x64xf32, #tpu.memory_space<hbm>>
      tpu.enqueue_indirect_dma source(%dma_start3A_301 : memref<10000x64xf32, #tpu.memory_space<hbm>>) target(%dma_start3A_295 : memref<100x64xf32, #tpu.memory_space<vmem>>) offsets(%dma_start3A_298 : memref<100xi32, #tpu.memory_space<vmem>>) semaphore(%arg13 : memref<!tpu.dma_semaphore, #tpu.memory_space<semaphore_mem>>)
      %add3A_302 = arith.addi %mul3A_27, %add3A_290 : i32
      %mul3A_303 = arith.constant 100 : i32
      %mul3A_304 = arith.muli %add3A_302, %mul3A_303 : i32
      %dma_start3A_305 = arith.constant 0 : i32
      %dma_start3A_306 = arith.constant 0 : i32
      %dma_start3A_307 = arith.constant 0 : i32
      %dma_start3A_308 = tpu.memref_slice %arg11[%dma_start3A_305, %dma_start3A_306, %dma_start3A_307] : memref<2x100x64xf32, #tpu.memory_space<vmem>> -> memref<1x100x64xf32, #tpu.memory_space<vmem>>
      %dma_start3A_309 = tpu.memref_squeeze %dma_start3A_308 : memref<1x100x64xf32, #tpu.memory_space<vmem>> -> memref<100x64xf32, #tpu.memory_space<vmem>>
      %dma_start3A_310 = arith.constant 0 : i32
      %dma_start3A_311 = tpu.memref_slice %arg3[%mul3A_304, %dma_start3A_310] : memref<320000x64xf32, #tpu.memory_space<hbm>> -> memref<100x64xf32, #tpu.memory_space<hbm>>
      %dma_start3A_312 = arith.constant 0 : i32
      %dma_start3A_313 = arith.constant 0 : i32
      %dma_start3A_314 = tpu.memref_slice %arg11[%dma_start3A_305, %dma_start3A_312, %dma_start3A_313] : memref<2x100x64xf32, #tpu.memory_space<vmem>> -> memref<1x100x64xf32, #tpu.memory_space<vmem>>
      %dma_start3A_315 = tpu.memref_squeeze %dma_start3A_314 : memref<1x100x64xf32, #tpu.memory_space<vmem>> -> memref<100x64xf32, #tpu.memory_space<vmem>>
      %dma_start3A_316 = arith.constant 0 : i32
      %dma_start3A_317 = tpu.memref_slice %arg3[%mul3A_304, %dma_start3A_316] : memref<320000x64xf32, #tpu.memory_space<hbm>> -> memref<100x64xf32, #tpu.memory_space<hbm>>
      tpu.enqueue_dma source(%dma_start3A_317 : memref<100x64xf32, #tpu.memory_space<hbm>>) target(%dma_start3A_315 : memref<100x64xf32, #tpu.memory_space<vmem>>) target_semaphore(%arg15 : memref<!tpu.dma_semaphore, #tpu.memory_space<semaphore_mem>>)
      %add3A_318 = arith.constant 1 : i32
      %add3A_319 = arith.addi %mul3A_232, %add3A_318 : i32
      %dma_wait3A_320 = arith.constant 1 : i32
      %dma_wait3A_321 = arith.constant 0 : i32
      %dma_wait3A_322 = arith.constant 0 : i32
      %dma_wait3A_323 = tpu.memref_slice %arg10[%dma_wait3A_320, %dma_wait3A_321, %dma_wait3A_322] : memref<2x100x64xf32, #tpu.memory_space<vmem>> -> memref<1x100x64xf32, #tpu.memory_space<vmem>>
      %dma_wait3A_324 = tpu.memref_squeeze %dma_wait3A_323 : memref<1x100x64xf32, #tpu.memory_space<vmem>> -> memref<100x64xf32, #tpu.memory_space<vmem>>
      %dma_wait3A_325 = arith.constant 0 : i32
      %dma_wait3A_326 = tpu.memref_slice %arg7[%add3A_319, %dma_wait3A_325] : memref<100x100xi32, #tpu.memory_space<vmem>> -> memref<1x100xi32, #tpu.memory_space<vmem>>
      %dma_wait3A_327 = tpu.memref_squeeze %dma_wait3A_326 : memref<1x100xi32, #tpu.memory_space<vmem>> -> memref<100xi32, #tpu.memory_space<vmem>>
      %dma_wait3A_328 = arith.constant 0 : i32
      %dma_wait3A_329 = arith.constant 0 : i32
      %dma_wait3A_330 = tpu.memref_slice %arg2[%dma_wait3A_328, %dma_wait3A_329] : memref<10000x64xf32, #tpu.memory_space<hbm>> -> memref<10000x64xf32, #tpu.memory_space<hbm>>
      tpu.wait_indirect_dma semaphore(%arg14 : memref<!tpu.dma_semaphore, #tpu.memory_space<semaphore_mem>>) src(%dma_wait3A_330 : memref<10000x64xf32, #tpu.memory_space<hbm>>) dst(%dma_wait3A_324 : memref<100x64xf32, #tpu.memory_space<vmem>>)
      %add3A_331 = arith.addi %mul3A_27, %add3A_319 : i32
      %mul3A_332 = arith.constant 100 : i32
      %mul3A_333 = arith.muli %add3A_331, %mul3A_332 : i32
      %dma_wait3A_334 = arith.constant 1 : i32
      %dma_wait3A_335 = arith.constant 0 : i32
      %dma_wait3A_336 = arith.constant 0 : i32
      %dma_wait3A_337 = tpu.memref_slice %arg11[%dma_wait3A_334, %dma_wait3A_335, %dma_wait3A_336] : memref<2x100x64xf32, #tpu.memory_space<vmem>> -> memref<1x100x64xf32, #tpu.memory_space<vmem>>
      %dma_wait3A_338 = tpu.memref_squeeze %dma_wait3A_337 : memref<1x100x64xf32, #tpu.memory_space<vmem>> -> memref<100x64xf32, #tpu.memory_space<vmem>>
      %dma_wait3A_339 = arith.constant 0 : i32
      %dma_wait3A_340 = tpu.memref_slice %arg3[%mul3A_333, %dma_wait3A_339] : memref<320000x64xf32, #tpu.memory_space<hbm>> -> memref<100x64xf32, #tpu.memory_space<hbm>>
      %dma_wait3A_341 = arith.constant 0 : i32
      %dma_wait3A_342 = arith.constant 0 : i32
      %dma_wait3A_343 = tpu.memref_slice %arg11[%dma_wait3A_334, %dma_wait3A_341, %dma_wait3A_342] : memref<2x100x64xf32, #tpu.memory_space<vmem>> -> memref<1x100x64xf32, #tpu.memory_space<vmem>>
      %dma_wait3A_344 = tpu.memref_squeeze %dma_wait3A_343 : memref<1x100x64xf32, #tpu.memory_space<vmem>> -> memref<100x64xf32, #tpu.memory_space<vmem>>
      %dma_wait3A_345 = arith.constant 0 : i32
      %dma_wait3A_346 = tpu.memref_slice %arg3[%mul3A_333, %dma_wait3A_345] : memref<320000x64xf32, #tpu.memory_space<hbm>> -> memref<100x64xf32, #tpu.memory_space<hbm>>
      tpu.wait_dma2 semaphore(%arg16 : memref<!tpu.dma_semaphore, #tpu.memory_space<semaphore_mem>>) src(%dma_wait3A_346 : memref<100x64xf32, #tpu.memory_space<hbm>>) dst(%dma_wait3A_344 : memref<100x64xf32, #tpu.memory_space<vmem>>)
      %scan3A_347 = arith.constant 0 : i32
      %scan3A_348 = arith.constant 100 : i32
      %scan3A_349 = arith.addi %scan3A_347, %scan3A_348 : i32
      %scan3A_350 = arith.constant 1 : i32
      scf.for %scan3A_403 = %scan3A_347 to %scan3A_349 step %scan3A_350  : i32 {
        %mul3A_404 = arith.constant 1 : i32
        %mul3A_405 = arith.muli %scan3A_403, %mul3A_404 : i32
        %add3A_406 = arith.constant 0 : i32
        %add3A_407 = arith.addi %add3A_406, %mul3A_405 : i32
        %get3A = arith.constant 1 : i32
        %get3A_408 = arith.index_cast %get3A : i32 to index
        %get3A_409 = arith.index_cast %add3A_407 : i32 to index
        %get3A_410 = arith.constant 0 : index
        %get3A_411 = tpu.vector_load %arg10[%get3A_408, %get3A_409, %get3A_410] {strides = array<i32>} : memref<2x100x64xf32, #tpu.memory_space<vmem>>, vector<1x1x16xf32>,
        %get3A_412 = vector.shape_cast %get3A_411 : vector<1x1x16xf32> to vector<16xf32>
        %get3A_413 = arith.constant 1 : i32
        %get3A_414 = arith.index_cast %get3A_413 : i32 to index
        %get3A_415 = arith.index_cast %add3A_407 : i32 to index
        %get3A_416 = arith.constant 0 : index
        %get3A_417 = tpu.vector_load %arg11[%get3A_414, %get3A_415, %get3A_416] {strides = array<i32>} : memref<2x100x64xf32, #tpu.memory_space<vmem>>, vector<1x1x16xf32>,
        %get3A_418 = vector.shape_cast %get3A_417 : vector<1x1x16xf32> to vector<16xf32>
        %add3A_419 = arith.addf %get3A_412, %get3A_418 : vector<16xf32>
        %max3A = arith.constant 0.000000e+00 : f32
        %max3A_420 = vector.broadcast %max3A : f32 to vector<16xf32>
        %max3A_421 = arith.maximumf %add3A_419, %max3A_420 : vector<16xf32>
        %swap3A = arith.constant 1 : i32
        %swap3A_422 = arith.index_cast %swap3A : i32 to index
        %swap3A_423 = arith.index_cast %add3A_407 : i32 to index
        %swap3A_424 = arith.constant 0 : index
        %swap3A_425 = tpu.vector_load %arg11[%swap3A_422, %swap3A_423, %swap3A_424] {strides = array<i32>} : memref<2x100x64xf32, #tpu.memory_space<vmem>>, vector<1x1x16xf32>,
        %swap3A_426 = vector.shape_cast %swap3A_425 : vector<1x1x16xf32> to vector<16xf32>
        %swap3A_427 = vector.shape_cast %max3A_421 : vector<16xf32> to vector<1x1x16xf32>
        tpu.vector_store %arg11[%swap3A_422, %swap3A_423, %swap3A_424], %swap3A_427 {strides = array<i32>} : memref<2x100x64xf32, #tpu.memory_space<vmem>>, vector<1x1x16xf32>,
        %get3A_428 = arith.constant 1 : i32
        %get3A_429 = arith.index_cast %get3A_428 : i32 to index
        %get3A_430 = arith.index_cast %add3A_407 : i32 to index
        %get3A_431 = arith.constant 16 : index
        %get3A_432 = tpu.vector_load %arg10[%get3A_429, %get3A_430, %get3A_431] {strides = array<i32>} : memref<2x100x64xf32, #tpu.memory_space<vmem>>, vector<1x1x16xf32>,
        %get3A_433 = vector.shape_cast %get3A_432 : vector<1x1x16xf32> to vector<16xf32>
        %get3A_434 = arith.constant 1 : i32
        %get3A_435 = arith.index_cast %get3A_434 : i32 to index
        %get3A_436 = arith.index_cast %add3A_407 : i32 to index
        %get3A_437 = arith.constant 16 : index
        %get3A_438 = tpu.vector_load %arg11[%get3A_435, %get3A_436, %get3A_437] {strides = array<i32>} : memref<2x100x64xf32, #tpu.memory_space<vmem>>, vector<1x1x16xf32>,
        %get3A_439 = vector.shape_cast %get3A_438 : vector<1x1x16xf32> to vector<16xf32>
        %add3A_440 = arith.addf %get3A_433, %get3A_439 : vector<16xf32>
        %max3A_441 = arith.constant 0.000000e+00 : f32
        %max3A_442 = vector.broadcast %max3A_441 : f32 to vector<16xf32>
        %max3A_443 = arith.maximumf %add3A_440, %max3A_442 : vector<16xf32>
        %swap3A_444 = arith.constant 1 : i32
        %swap3A_445 = arith.index_cast %swap3A_444 : i32 to index
        %swap3A_446 = arith.index_cast %add3A_407 : i32 to index
        %swap3A_447 = arith.constant 16 : index
        %swap3A_448 = tpu.vector_load %arg11[%swap3A_445, %swap3A_446, %swap3A_447] {strides = array<i32>} : memref<2x100x64xf32, #tpu.memory_space<vmem>>, vector<1x1x16xf32>,
        %swap3A_449 = vector.shape_cast %swap3A_448 : vector<1x1x16xf32> to vector<16xf32>
        %swap3A_450 = vector.shape_cast %max3A_443 : vector<16xf32> to vector<1x1x16xf32>
        tpu.vector_store %arg11[%swap3A_445, %swap3A_446, %swap3A_447], %swap3A_450 {strides = array<i32>} : memref<2x100x64xf32, #tpu.memory_space<vmem>>, vector<1x1x16xf32>,
        %get3A_451 = arith.constant 1 : i32
        %get3A_452 = arith.index_cast %get3A_451 : i32 to index
        %get3A_453 = arith.index_cast %add3A_407 : i32 to index
        %get3A_454 = arith.constant 32 : index
        %get3A_455 = tpu.vector_load %arg10[%get3A_452, %get3A_453, %get3A_454] {strides = array<i32>} : memref<2x100x64xf32, #tpu.memory_space<vmem>>, vector<1x1x16xf32>,
        %get3A_456 = vector.shape_cast %get3A_455 : vector<1x1x16xf32> to vector<16xf32>
        %get3A_457 = arith.constant 1 : i32
        %get3A_458 = arith.index_cast %get3A_457 : i32 to index
        %get3A_459 = arith.index_cast %add3A_407 : i32 to index
        %get3A_460 = arith.constant 32 : index
        %get3A_461 = tpu.vector_load %arg11[%get3A_458, %get3A_459, %get3A_460] {strides = array<i32>} : memref<2x100x64xf32, #tpu.memory_space<vmem>>, vector<1x1x16xf32>,
        %get3A_462 = vector.shape_cast %get3A_461 : vector<1x1x16xf32> to vector<16xf32>
        %add3A_463 = arith.addf %get3A_456, %get3A_462 : vector<16xf32>
        %max3A_464 = arith.constant 0.000000e+00 : f32
        %max3A_465 = vector.broadcast %max3A_464 : f32 to vector<16xf32>
        %max3A_466 = arith.maximumf %add3A_463, %max3A_465 : vector<16xf32>
        %swap3A_467 = arith.constant 1 : i32
        %swap3A_468 = arith.index_cast %swap3A_467 : i32 to index
        %swap3A_469 = arith.index_cast %add3A_407 : i32 to index
        %swap3A_470 = arith.constant 32 : index
        %swap3A_471 = tpu.vector_load %arg11[%swap3A_468, %swap3A_469, %swap3A_470] {strides = array<i32>} : memref<2x100x64xf32, #tpu.memory_space<vmem>>, vector<1x1x16xf32>,
        %swap3A_472 = vector.shape_cast %swap3A_471 : vector<1x1x16xf32> to vector<16xf32>
        %swap3A_473 = vector.shape_cast %max3A_466 : vector<16xf32> to vector<1x1x16xf32>
        tpu.vector_store %arg11[%swap3A_468, %swap3A_469, %swap3A_470], %swap3A_473 {strides = array<i32>} : memref<2x100x64xf32, #tpu.memory_space<vmem>>, vector<1x1x16xf32>,
        %get3A_474 = arith.constant 1 : i32
        %get3A_475 = arith.index_cast %get3A_474 : i32 to index
        %get3A_476 = arith.index_cast %add3A_407 : i32 to index
        %get3A_477 = arith.constant 48 : index
        %get3A_478 = tpu.vector_load %arg10[%get3A_475, %get3A_476, %get3A_477] {strides = array<i32>} : memref<2x100x64xf32, #tpu.memory_space<vmem>>, vector<1x1x16xf32>,
        %get3A_479 = vector.shape_cast %get3A_478 : vector<1x1x16xf32> to vector<16xf32>
        %get3A_480 = arith.constant 1 : i32
        %get3A_481 = arith.index_cast %get3A_480 : i32 to index
        %get3A_482 = arith.index_cast %add3A_407 : i32 to index
        %get3A_483 = arith.constant 48 : index
        %get3A_484 = tpu.vector_load %arg11[%get3A_481, %get3A_482, %get3A_483] {strides = array<i32>} : memref<2x100x64xf32, #tpu.memory_space<vmem>>, vector<1x1x16xf32>,
        %get3A_485 = vector.shape_cast %get3A_484 : vector<1x1x16xf32> to vector<16xf32>
        %add3A_486 = arith.addf %get3A_479, %get3A_485 : vector<16xf32>
        %max3A_487 = arith.constant 0.000000e+00 : f32
        %max3A_488 = vector.broadcast %max3A_487 : f32 to vector<16xf32>
        %max3A_489 = arith.maximumf %add3A_486, %max3A_488 : vector<16xf32>
        %swap3A_490 = arith.constant 1 : i32
        %swap3A_491 = arith.index_cast %swap3A_490 : i32 to index
        %swap3A_492 = arith.index_cast %add3A_407 : i32 to index
        %swap3A_493 = arith.constant 48 : index
        %swap3A_494 = tpu.vector_load %arg11[%swap3A_491, %swap3A_492, %swap3A_493] {strides = array<i32>} : memref<2x100x64xf32, #tpu.memory_space<vmem>>, vector<1x1x16xf32>,
        %swap3A_495 = vector.shape_cast %swap3A_494 : vector<1x1x16xf32> to vector<16xf32>
        %swap3A_496 = vector.shape_cast %max3A_489 : vector<16xf32> to vector<1x1x16xf32>
        tpu.vector_store %arg11[%swap3A_491, %swap3A_492, %swap3A_493], %swap3A_496 {strides = array<i32>} : memref<2x100x64xf32, #tpu.memory_space<vmem>>, vector<1x1x16xf32>,
      }
      %scan3A_351 = arith.constant 100 : i32
      %dma_start3A_352 = arith.constant 1 : i32
      %dma_start3A_353 = arith.constant 0 : i32
      %dma_start3A_354 = arith.constant 0 : i32
      %dma_start3A_355 = tpu.memref_slice %arg11[%dma_start3A_352, %dma_start3A_353, %dma_start3A_354] : memref<2x100x64xf32, #tpu.memory_space<vmem>> -> memref<1x100x64xf32, #tpu.memory_space<vmem>>
      %dma_start3A_356 = tpu.memref_squeeze %dma_start3A_355 : memref<1x100x64xf32, #tpu.memory_space<vmem>> -> memref<100x64xf32, #tpu.memory_space<vmem>>
      %dma_start3A_357 = arith.constant 0 : i32
      %dma_start3A_358 = tpu.memref_slice %arg8[%add3A_319, %dma_start3A_357] : memref<100x100xi32, #tpu.memory_space<vmem>> -> memref<1x100xi32, #tpu.memory_space<vmem>>
      %dma_start3A_359 = tpu.memref_squeeze %dma_start3A_358 : memref<1x100xi32, #tpu.memory_space<vmem>> -> memref<100xi32, #tpu.memory_space<vmem>>
      %dma_start3A_360 = arith.constant 0 : i32
      %dma_start3A_361 = arith.constant 0 : i32
      %dma_start3A_362 = tpu.memref_slice %arg12[%dma_start3A_360, %dma_start3A_361] : memref<10240x64xf32, #tpu.memory_space<vmem_shared>> -> memref<10240x64xf32, #tpu.memory_space<vmem_shared>>
      tpu.enqueue_indirect_dma source(%dma_start3A_356 : memref<100x64xf32, #tpu.memory_space<vmem>>) target(%dma_start3A_362 : memref<10240x64xf32, #tpu.memory_space<vmem_shared>>) offsets(%dma_start3A_359 : memref<100xi32, #tpu.memory_space<vmem>>) semaphore(%arg18 : memref<!tpu.dma_semaphore, #tpu.memory_space<semaphore_mem>>) {add = true}
      %dma_wait3A_363 = arith.constant 1 : i32
      %dma_wait3A_364 = arith.constant 0 : i32
      %dma_wait3A_365 = arith.constant 0 : i32
      %dma_wait3A_366 = tpu.memref_slice %arg11[%dma_wait3A_363, %dma_wait3A_364, %dma_wait3A_365] : memref<2x100x64xf32, #tpu.memory_space<vmem>> -> memref<1x100x64xf32, #tpu.memory_space<vmem>>
      %dma_wait3A_367 = tpu.memref_squeeze %dma_wait3A_366 : memref<1x100x64xf32, #tpu.memory_space<vmem>> -> memref<100x64xf32, #tpu.memory_space<vmem>>
      %dma_wait3A_368 = arith.constant 0 : i32
      %dma_wait3A_369 = tpu.memref_slice %arg8[%add3A_319, %dma_wait3A_368] : memref<100x100xi32, #tpu.memory_space<vmem>> -> memref<1x100xi32, #tpu.memory_space<vmem>>
      %dma_wait3A_370 = tpu.memref_squeeze %dma_wait3A_369 : memref<1x100xi32, #tpu.memory_space<vmem>> -> memref<100xi32, #tpu.memory_space<vmem>>
      %dma_wait3A_371 = arith.constant 0 : i32
      %dma_wait3A_372 = arith.constant 0 : i32
      %dma_wait3A_373 = tpu.memref_slice %arg12[%dma_wait3A_371, %dma_wait3A_372] : memref<10240x64xf32, #tpu.memory_space<vmem_shared>> -> memref<10240x64xf32, #tpu.memory_space<vmem_shared>>
      tpu.wait_indirect_dma semaphore(%arg18 : memref<!tpu.dma_semaphore, #tpu.memory_space<semaphore_mem>>) src(%dma_wait3A_367 : memref<100x64xf32, #tpu.memory_space<vmem>>) dst(%dma_wait3A_373 : memref<10240x64xf32, #tpu.memory_space<vmem_shared>>)
      %add3A_374 = arith.constant 2 : i32
      %add3A_375 = arith.addi %add3A_319, %add3A_374 : i32
      %dma_start3A_376 = arith.constant 1 : i32
      %dma_start3A_377 = arith.constant 0 : i32
      %dma_start3A_378 = arith.constant 0 : i32
      %dma_start3A_379 = tpu.memref_slice %arg10[%dma_start3A_376, %dma_start3A_377, %dma_start3A_378] : memref<2x100x64xf32, #tpu.memory_space<vmem>> -> memref<1x100x64xf32, #tpu.memory_space<vmem>>
      %dma_start3A_380 = tpu.memref_squeeze %dma_start3A_379 : memref<1x100x64xf32, #tpu.memory_space<vmem>> -> memref<100x64xf32, #tpu.memory_space<vmem>>
      %dma_start3A_381 = arith.constant 0 : i32
      %dma_start3A_382 = tpu.memref_slice %arg7[%add3A_375, %dma_start3A_381] : memref<100x100xi32, #tpu.memory_space<vmem>> -> memref<1x100xi32, #tpu.memory_space<vmem>>
      %dma_start3A_383 = tpu.memref_squeeze %dma_start3A_382 : memref<1x100xi32, #tpu.memory_space<vmem>> -> memref<100xi32, #tpu.memory_space<vmem>>
      %dma_start3A_384 = arith.constant 0 : i32
      %dma_start3A_385 = arith.constant 0 : i32
      %dma_start3A_386 = tpu.memref_slice %arg2[%dma_start3A_384, %dma_start3A_385] : memref<10000x64xf32, #tpu.memory_space<hbm>> -> memref<10000x64xf32, #tpu.memory_space<hbm>>
      tpu.enqueue_indirect_dma source(%dma_start3A_386 : memref<10000x64xf32, #tpu.memory_space<hbm>>) target(%dma_start3A_380 : memref<100x64xf32, #tpu.memory_space<vmem>>) offsets(%dma_start3A_383 : memref<100xi32, #tpu.memory_space<vmem>>) semaphore(%arg14 : memref<!tpu.dma_semaphore, #tpu.memory_space<semaphore_mem>>)
      %add3A_387 = arith.addi %mul3A_27, %add3A_375 : i32
      %mul3A_388 = arith.constant 100 : i32
      %mul3A_389 = arith.muli %add3A_387, %mul3A_388 : i32
      %dma_start3A_390 = arith.constant 1 : i32
      %dma_start3A_391 = arith.constant 0 : i32
      %dma_start3A_392 = arith.constant 0 : i32
      %dma_start3A_393 = tpu.memref_slice %arg11[%dma_start3A_390, %dma_start3A_391, %dma_start3A_392] : memref<2x100x64xf32, #tpu.memory_space<vmem>> -> memref<1x100x64xf32, #tpu.memory_space<vmem>>
      %dma_start3A_394 = tpu.memref_squeeze %dma_start3A_393 : memref<1x100x64xf32, #tpu.memory_space<vmem>> -> memref<100x64xf32, #tpu.memory_space<vmem>>
      %dma_start3A_395 = arith.constant 0 : i32
      %dma_start3A_396 = tpu.memref_slice %arg3[%mul3A_389, %dma_start3A_395] : memref<320000x64xf32, #tpu.memory_space<hbm>> -> memref<100x64xf32, #tpu.memory_space<hbm>>
      %dma_start3A_397 = arith.constant 0 : i32
      %dma_start3A_398 = arith.constant 0 : i32
      %dma_start3A_399 = tpu.memref_slice %arg11[%dma_start3A_390, %dma_start3A_397, %dma_start3A_398] : memref<2x100x64xf32, #tpu.memory_space<vmem>> -> memref<1x100x64xf32, #tpu.memory_space<vmem>>
      %dma_start3A_400 = tpu.memref_squeeze %dma_start3A_399 : memref<1x100x64xf32, #tpu.memory_space<vmem>> -> memref<100x64xf32, #tpu.memory_space<vmem>>
      %dma_start3A_401 = arith.constant 0 : i32
      %dma_start3A_402 = tpu.memref_slice %arg3[%mul3A_389, %dma_start3A_401] : memref<320000x64xf32, #tpu.memory_space<hbm>> -> memref<100x64xf32, #tpu.memory_space<hbm>>
      tpu.enqueue_dma source(%dma_start3A_402 : memref<100x64xf32, #tpu.memory_space<hbm>>) target(%dma_start3A_400 : memref<100x64xf32, #tpu.memory_space<vmem>>) target_semaphore(%arg16 : memref<!tpu.dma_semaphore, #tpu.memory_space<semaphore_mem>>)
    }
    %scan3A_89 = arith.constant 49 : i32
    %dma_wait3A = arith.constant 98 : i32
    %dma_wait3A_90 = arith.constant 0 : i32
    %dma_wait3A_91 = arith.constant 0 : i32
    %dma_wait3A_92 = arith.constant 0 : i32
    %dma_wait3A_93 = tpu.memref_slice %arg10[%dma_wait3A_90, %dma_wait3A_91, %dma_wait3A_92] : memref<2x100x64xf32, #tpu.memory_space<vmem>> -> memref<1x100x64xf32, #tpu.memory_space<vmem>>
    %dma_wait3A_94 = tpu.memref_squeeze %dma_wait3A_93 : memref<1x100x64xf32, #tpu.memory_space<vmem>> -> memref<100x64xf32, #tpu.memory_space<vmem>>
    %dma_wait3A_95 = arith.constant 0 : i32
    %dma_wait3A_96 = tpu.memref_slice %arg7[%dma_wait3A, %dma_wait3A_95] : memref<100x100xi32, #tpu.memory_space<vmem>> -> memref<1x100xi32, #tpu.memory_space<vmem>>
    %dma_wait3A_97 = tpu.memref_squeeze %dma_wait3A_96 : memref<1x100xi32, #tpu.memory_space<vmem>> -> memref<100xi32, #tpu.memory_space<vmem>>
    %dma_wait3A_98 = arith.constant 0 : i32
    %dma_wait3A_99 = arith.constant 0 : i32
    %dma_wait3A_100 = tpu.memref_slice %arg2[%dma_wait3A_98, %dma_wait3A_99] : memref<10000x64xf32, #tpu.memory_space<hbm>> -> memref<10000x64xf32, #tpu.memory_space<hbm>>
    tpu.wait_indirect_dma semaphore(%arg13 : memref<!tpu.dma_semaphore, #tpu.memory_space<semaphore_mem>>) src(%dma_wait3A_100 : memref<10000x64xf32, #tpu.memory_space<hbm>>) dst(%dma_wait3A_94 : memref<100x64xf32, #tpu.memory_space<vmem>>)
    %add3A_101 = arith.constant 98 : i32
    %add3A_102 = arith.addi %mul3A_27, %add3A_101 : i32
    %mul3A_103 = arith.constant 100 : i32
    %mul3A_104 = arith.muli %add3A_102, %mul3A_103 : i32
    %dma_wait3A_105 = arith.constant 0 : i32
    %dma_wait3A_106 = arith.constant 0 : i32
    %dma_wait3A_107 = arith.constant 0 : i32
    %dma_wait3A_108 = tpu.memref_slice %arg11[%dma_wait3A_105, %dma_wait3A_106, %dma_wait3A_107] : memref<2x100x64xf32, #tpu.memory_space<vmem>> -> memref<1x100x64xf32, #tpu.memory_space<vmem>>
    %dma_wait3A_109 = tpu.memref_squeeze %dma_wait3A_108 : memref<1x100x64xf32, #tpu.memory_space<vmem>> -> memref<100x64xf32, #tpu.memory_space<vmem>>
    %dma_wait3A_110 = arith.constant 0 : i32
    %dma_wait3A_111 = tpu.memref_slice %arg3[%mul3A_104, %dma_wait3A_110] : memref<320000x64xf32, #tpu.memory_space<hbm>> -> memref<100x64xf32, #tpu.memory_space<hbm>>
    %dma_wait3A_112 = arith.constant 0 : i32
    %dma_wait3A_113 = arith.constant 0 : i32
    %dma_wait3A_114 = tpu.memref_slice %arg11[%dma_wait3A_105, %dma_wait3A_112, %dma_wait3A_113] : memref<2x100x64xf32, #tpu.memory_space<vmem>> -> memref<1x100x64xf32, #tpu.memory_space<vmem>>
    %dma_wait3A_115 = tpu.memref_squeeze %dma_wait3A_114 : memref<1x100x64xf32, #tpu.memory_space<vmem>> -> memref<100x64xf32, #tpu.memory_space<vmem>>
    %dma_wait3A_116 = arith.constant 0 : i32
    %dma_wait3A_117 = tpu.memref_slice %arg3[%mul3A_104, %dma_wait3A_116] : memref<320000x64xf32, #tpu.memory_space<hbm>> -> memref<100x64xf32, #tpu.memory_space<hbm>>
    tpu.wait_dma2 semaphore(%arg15 : memref<!tpu.dma_semaphore, #tpu.memory_space<semaphore_mem>>) src(%dma_wait3A_117 : memref<100x64xf32, #tpu.memory_space<hbm>>) dst(%dma_wait3A_115 : memref<100x64xf32, #tpu.memory_space<vmem>>)
    %scan3A_118 = arith.constant 0 : i32
    %scan3A_119 = arith.constant 100 : i32
    %scan3A_120 = arith.addi %scan3A_118, %scan3A_119 : i32
    %scan3A_121 = arith.constant 1 : i32
    scf.for %scan3A_226 = %scan3A_118 to %scan3A_120 step %scan3A_121  : i32 {
      %mul3A_227 = arith.constant 1 : i32
      %mul3A_228 = arith.muli %scan3A_226, %mul3A_227 : i32
      %add3A_229 = arith.constant 0 : i32
      %add3A_230 = arith.addi %add3A_229, %mul3A_228 : i32
      %get3A = arith.constant 0 : i32
      %get3A_231 = arith.index_cast %get3A : i32 to index
      %get3A_232 = arith.index_cast %add3A_230 : i32 to index
      %get3A_233 = arith.constant 0 : index
      %get3A_234 = tpu.vector_load %arg10[%get3A_231, %get3A_232, %get3A_233] {strides = array<i32>} : memref<2x100x64xf32, #tpu.memory_space<vmem>>, vector<1x1x16xf32>,
      %get3A_235 = vector.shape_cast %get3A_234 : vector<1x1x16xf32> to vector<16xf32>
      %get3A_236 = arith.constant 0 : i32
      %get3A_237 = arith.index_cast %get3A_236 : i32 to index
      %get3A_238 = arith.index_cast %add3A_230 : i32 to index
      %get3A_239 = arith.constant 0 : index
      %get3A_240 = tpu.vector_load %arg11[%get3A_237, %get3A_238, %get3A_239] {strides = array<i32>} : memref<2x100x64xf32, #tpu.memory_space<vmem>>, vector<1x1x16xf32>,
      %get3A_241 = vector.shape_cast %get3A_240 : vector<1x1x16xf32> to vector<16xf32>
      %add3A_242 = arith.addf %get3A_235, %get3A_241 : vector<16xf32>
      %max3A = arith.constant 0.000000e+00 : f32
      %max3A_243 = vector.broadcast %max3A : f32 to vector<16xf32>
      %max3A_244 = arith.maximumf %add3A_242, %max3A_243 : vector<16xf32>
      %swap3A = arith.constant 0 : i32
      %swap3A_245 = arith.index_cast %swap3A : i32 to index
      %swap3A_246 = arith.index_cast %add3A_230 : i32 to index
      %swap3A_247 = arith.constant 0 : index
      %swap3A_248 = tpu.vector_load %arg11[%swap3A_245, %swap3A_246, %swap3A_247] {strides = array<i32>} : memref<2x100x64xf32, #tpu.memory_space<vmem>>, vector<1x1x16xf32>,
      %swap3A_249 = vector.shape_cast %swap3A_248 : vector<1x1x16xf32> to vector<16xf32>
      %swap3A_250 = vector.shape_cast %max3A_244 : vector<16xf32> to vector<1x1x16xf32>
      tpu.vector_store %arg11[%swap3A_245, %swap3A_246, %swap3A_247], %swap3A_250 {strides = array<i32>} : memref<2x100x64xf32, #tpu.memory_space<vmem>>, vector<1x1x16xf32>,
      %get3A_251 = arith.constant 0 : i32
      %get3A_252 = arith.index_cast %get3A_251 : i32 to index
      %get3A_253 = arith.index_cast %add3A_230 : i32 to index
      %get3A_254 = arith.constant 16 : index
      %get3A_255 = tpu.vector_load %arg10[%get3A_252, %get3A_253, %get3A_254] {strides = array<i32>} : memref<2x100x64xf32, #tpu.memory_space<vmem>>, vector<1x1x16xf32>,
      %get3A_256 = vector.shape_cast %get3A_255 : vector<1x1x16xf32> to vector<16xf32>
      %get3A_257 = arith.constant 0 : i32
      %get3A_258 = arith.index_cast %get3A_257 : i32 to index
      %get3A_259 = arith.index_cast %add3A_230 : i32 to index
      %get3A_260 = arith.constant 16 : index
      %get3A_261 = tpu.vector_load %arg11[%get3A_258, %get3A_259, %get3A_260] {strides = array<i32>} : memref<2x100x64xf32, #tpu.memory_space<vmem>>, vector<1x1x16xf32>,
      %get3A_262 = vector.shape_cast %get3A_261 : vector<1x1x16xf32> to vector<16xf32>
      %add3A_263 = arith.addf %get3A_256, %get3A_262 : vector<16xf32>
      %max3A_264 = arith.constant 0.000000e+00 : f32
      %max3A_265 = vector.broadcast %max3A_264 : f32 to vector<16xf32>
      %max3A_266 = arith.maximumf %add3A_263, %max3A_265 : vector<16xf32>
      %swap3A_267 = arith.constant 0 : i32
      %swap3A_268 = arith.index_cast %swap3A_267 : i32 to index
      %swap3A_269 = arith.index_cast %add3A_230 : i32 to index
      %swap3A_270 = arith.constant 16 : index
      %swap3A_271 = tpu.vector_load %arg11[%swap3A_268, %swap3A_269, %swap3A_270] {strides = array<i32>} : memref<2x100x64xf32, #tpu.memory_space<vmem>>, vector<1x1x16xf32>,
      %swap3A_272 = vector.shape_cast %swap3A_271 : vector<1x1x16xf32> to vector<16xf32>
      %swap3A_273 = vector.shape_cast %max3A_266 : vector<16xf32> to vector<1x1x16xf32>
      tpu.vector_store %arg11[%swap3A_268, %swap3A_269, %swap3A_270], %swap3A_273 {strides = array<i32>} : memref<2x100x64xf32, #tpu.memory_space<vmem>>, vector<1x1x16xf32>,
      %get3A_274 = arith.constant 0 : i32
      %get3A_275 = arith.index_cast %get3A_274 : i32 to index
      %get3A_276 = arith.index_cast %add3A_230 : i32 to index
      %get3A_277 = arith.constant 32 : index
      %get3A_278 = tpu.vector_load %arg10[%get3A_275, %get3A_276, %get3A_277] {strides = array<i32>} : memref<2x100x64xf32, #tpu.memory_space<vmem>>, vector<1x1x16xf32>,
      %get3A_279 = vector.shape_cast %get3A_278 : vector<1x1x16xf32> to vector<16xf32>
      %get3A_280 = arith.constant 0 : i32
      %get3A_281 = arith.index_cast %get3A_280 : i32 to index
      %get3A_282 = arith.index_cast %add3A_230 : i32 to index
      %get3A_283 = arith.constant 32 : index
      %get3A_284 = tpu.vector_load %arg11[%get3A_281, %get3A_282, %get3A_283] {strides = array<i32>} : memref<2x100x64xf32, #tpu.memory_space<vmem>>, vector<1x1x16xf32>,
      %get3A_285 = vector.shape_cast %get3A_284 : vector<1x1x16xf32> to vector<16xf32>
      %add3A_286 = arith.addf %get3A_279, %get3A_285 : vector<16xf32>
      %max3A_287 = arith.constant 0.000000e+00 : f32
      %max3A_288 = vector.broadcast %max3A_287 : f32 to vector<16xf32>
      %max3A_289 = arith.maximumf %add3A_286, %max3A_288 : vector<16xf32>
      %swap3A_290 = arith.constant 0 : i32
      %swap3A_291 = arith.index_cast %swap3A_290 : i32 to index
      %swap3A_292 = arith.index_cast %add3A_230 : i32 to index
      %swap3A_293 = arith.constant 32 : index
      %swap3A_294 = tpu.vector_load %arg11[%swap3A_291, %swap3A_292, %swap3A_293] {strides = array<i32>} : memref<2x100x64xf32, #tpu.memory_space<vmem>>, vector<1x1x16xf32>,
      %swap3A_295 = vector.shape_cast %swap3A_294 : vector<1x1x16xf32> to vector<16xf32>
      %swap3A_296 = vector.shape_cast %max3A_289 : vector<16xf32> to vector<1x1x16xf32>
      tpu.vector_store %arg11[%swap3A_291, %swap3A_292, %swap3A_293], %swap3A_296 {strides = array<i32>} : memref<2x100x64xf32, #tpu.memory_space<vmem>>, vector<1x1x16xf32>,
      %get3A_297 = arith.constant 0 : i32
      %get3A_298 = arith.index_cast %get3A_297 : i32 to index
      %get3A_299 = arith.index_cast %add3A_230 : i32 to index
      %get3A_300 = arith.constant 48 : index
      %get3A_301 = tpu.vector_load %arg10[%get3A_298, %get3A_299, %get3A_300] {strides = array<i32>} : memref<2x100x64xf32, #tpu.memory_space<vmem>>, vector<1x1x16xf32>,
      %get3A_302 = vector.shape_cast %get3A_301 : vector<1x1x16xf32> to vector<16xf32>
      %get3A_303 = arith.constant 0 : i32
      %get3A_304 = arith.index_cast %get3A_303 : i32 to index
      %get3A_305 = arith.index_cast %add3A_230 : i32 to index
      %get3A_306 = arith.constant 48 : index
      %get3A_307 = tpu.vector_load %arg11[%get3A_304, %get3A_305, %get3A_306] {strides = array<i32>} : memref<2x100x64xf32, #tpu.memory_space<vmem>>, vector<1x1x16xf32>,
      %get3A_308 = vector.shape_cast %get3A_307 : vector<1x1x16xf32> to vector<16xf32>
      %add3A_309 = arith.addf %get3A_302, %get3A_308 : vector<16xf32>
      %max3A_310 = arith.constant 0.000000e+00 : f32
      %max3A_311 = vector.broadcast %max3A_310 : f32 to vector<16xf32>
      %max3A_312 = arith.maximumf %add3A_309, %max3A_311 : vector<16xf32>
      %swap3A_313 = arith.constant 0 : i32
      %swap3A_314 = arith.index_cast %swap3A_313 : i32 to index
      %swap3A_315 = arith.index_cast %add3A_230 : i32 to index
      %swap3A_316 = arith.constant 48 : index
      %swap3A_317 = tpu.vector_load %arg11[%swap3A_314, %swap3A_315, %swap3A_316] {strides = array<i32>} : memref<2x100x64xf32, #tpu.memory_space<vmem>>, vector<1x1x16xf32>,
      %swap3A_318 = vector.shape_cast %swap3A_317 : vector<1x1x16xf32> to vector<16xf32>
      %swap3A_319 = vector.shape_cast %max3A_312 : vector<16xf32> to vector<1x1x16xf32>
      tpu.vector_store %arg11[%swap3A_314, %swap3A_315, %swap3A_316], %swap3A_319 {strides = array<i32>} : memref<2x100x64xf32, #tpu.memory_space<vmem>>, vector<1x1x16xf32>,
    }
    %scan3A_122 = arith.constant 100 : i32
    %dma_start3A_123 = arith.constant 0 : i32
    %dma_start3A_124 = arith.constant 98 : i32
    %dma_start3A_125 = arith.constant 0 : i32
    %dma_start3A_126 = arith.constant 0 : i32
    %dma_start3A_127 = tpu.memref_slice %arg11[%dma_start3A_123, %dma_start3A_125, %dma_start3A_126] : memref<2x100x64xf32, #tpu.memory_space<vmem>> -> memref<1x100x64xf32, #tpu.memory_space<vmem>>
    %dma_start3A_128 = tpu.memref_squeeze %dma_start3A_127 : memref<1x100x64xf32, #tpu.memory_space<vmem>> -> memref<100x64xf32, #tpu.memory_space<vmem>>
    %dma_start3A_129 = arith.constant 0 : i32
    %dma_start3A_130 = tpu.memref_slice %arg8[%dma_start3A_124, %dma_start3A_129] : memref<100x100xi32, #tpu.memory_space<vmem>> -> memref<1x100xi32, #tpu.memory_space<vmem>>
    %dma_start3A_131 = tpu.memref_squeeze %dma_start3A_130 : memref<1x100xi32, #tpu.memory_space<vmem>> -> memref<100xi32, #tpu.memory_space<vmem>>
    %dma_start3A_132 = arith.constant 0 : i32
    %dma_start3A_133 = arith.constant 0 : i32
    %dma_start3A_134 = tpu.memref_slice %arg12[%dma_start3A_132, %dma_start3A_133] : memref<10240x64xf32, #tpu.memory_space<vmem_shared>> -> memref<10240x64xf32, #tpu.memory_space<vmem_shared>>
    tpu.enqueue_indirect_dma source(%dma_start3A_128 : memref<100x64xf32, #tpu.memory_space<vmem>>) target(%dma_start3A_134 : memref<10240x64xf32, #tpu.memory_space<vmem_shared>>) offsets(%dma_start3A_131 : memref<100xi32, #tpu.memory_space<vmem>>) semaphore(%arg17 : memref<!tpu.dma_semaphore, #tpu.memory_space<semaphore_mem>>) {add = true}
    %dma_wait3A_135 = arith.constant 0 : i32
    %dma_wait3A_136 = arith.constant 98 : i32
    %dma_wait3A_137 = arith.constant 0 : i32
    %dma_wait3A_138 = arith.constant 0 : i32
    %dma_wait3A_139 = tpu.memref_slice %arg11[%dma_wait3A_135, %dma_wait3A_137, %dma_wait3A_138] : memref<2x100x64xf32, #tpu.memory_space<vmem>> -> memref<1x100x64xf32, #tpu.memory_space<vmem>>
    %dma_wait3A_140 = tpu.memref_squeeze %dma_wait3A_139 : memref<1x100x64xf32, #tpu.memory_space<vmem>> -> memref<100x64xf32, #tpu.memory_space<vmem>>
    %dma_wait3A_141 = arith.constant 0 : i32
    %dma_wait3A_142 = tpu.memref_slice %arg8[%dma_wait3A_136, %dma_wait3A_141] : memref<100x100xi32, #tpu.memory_space<vmem>> -> memref<1x100xi32, #tpu.memory_space<vmem>>
    %dma_wait3A_143 = tpu.memref_squeeze %dma_wait3A_142 : memref<1x100xi32, #tpu.memory_space<vmem>> -> memref<100xi32, #tpu.memory_space<vmem>>
    %dma_wait3A_144 = arith.constant 0 : i32
    %dma_wait3A_145 = arith.constant 0 : i32
    %dma_wait3A_146 = tpu.memref_slice %arg12[%dma_wait3A_144, %dma_wait3A_145] : memref<10240x64xf32, #tpu.memory_space<vmem_shared>> -> memref<10240x64xf32, #tpu.memory_space<vmem_shared>>
    tpu.wait_indirect_dma semaphore(%arg17 : memref<!tpu.dma_semaphore, #tpu.memory_space<semaphore_mem>>) src(%dma_wait3A_140 : memref<100x64xf32, #tpu.memory_space<vmem>>) dst(%dma_wait3A_146 : memref<10240x64xf32, #tpu.memory_space<vmem_shared>>)
    %dma_wait3A_147 = arith.constant 99 : i32
    %dma_wait3A_148 = arith.constant 1 : i32
    %dma_wait3A_149 = arith.constant 0 : i32
    %dma_wait3A_150 = arith.constant 0 : i32
    %dma_wait3A_151 = tpu.memref_slice %arg10[%dma_wait3A_148, %dma_wait3A_149, %dma_wait3A_150] : memref<2x100x64xf32, #tpu.memory_space<vmem>> -> memref<1x100x64xf32, #tpu.memory_space<vmem>>
    %dma_wait3A_152 = tpu.memref_squeeze %dma_wait3A_151 : memref<1x100x64xf32, #tpu.memory_space<vmem>> -> memref<100x64xf32, #tpu.memory_space<vmem>>
    %dma_wait3A_153 = arith.constant 0 : i32
    %dma_wait3A_154 = tpu.memref_slice %arg7[%dma_wait3A_147, %dma_wait3A_153] : memref<100x100xi32, #tpu.memory_space<vmem>> -> memref<1x100xi32, #tpu.memory_space<vmem>>
    %dma_wait3A_155 = tpu.memref_squeeze %dma_wait3A_154 : memref<1x100xi32, #tpu.memory_space<vmem>> -> memref<100xi32, #tpu.memory_space<vmem>>
    %dma_wait3A_156 = arith.constant 0 : i32
    %dma_wait3A_157 = arith.constant 0 : i32
    %dma_wait3A_158 = tpu.memref_slice %arg2[%dma_wait3A_156, %dma_wait3A_157] : memref<10000x64xf32, #tpu.memory_space<hbm>> -> memref<10000x64xf32, #tpu.memory_space<hbm>>
    tpu.wait_indirect_dma semaphore(%arg14 : memref<!tpu.dma_semaphore, #tpu.memory_space<semaphore_mem>>) src(%dma_wait3A_158 : memref<10000x64xf32, #tpu.memory_space<hbm>>) dst(%dma_wait3A_152 : memref<100x64xf32, #tpu.memory_space<vmem>>)
    %add3A_159 = arith.constant 99 : i32
    %add3A_160 = arith.addi %mul3A_27, %add3A_159 : i32
    %mul3A_161 = arith.constant 100 : i32
    %mul3A_162 = arith.muli %add3A_160, %mul3A_161 : i32
    %dma_wait3A_163 = arith.constant 1 : i32
    %dma_wait3A_164 = arith.constant 0 : i32
    %dma_wait3A_165 = arith.constant 0 : i32
    %dma_wait3A_166 = tpu.memref_slice %arg11[%dma_wait3A_163, %dma_wait3A_164, %dma_wait3A_165] : memref<2x100x64xf32, #tpu.memory_space<vmem>> -> memref<1x100x64xf32, #tpu.memory_space<vmem>>
    %dma_wait3A_167 = tpu.memref_squeeze %dma_wait3A_166 : memref<1x100x64xf32, #tpu.memory_space<vmem>> -> memref<100x64xf32, #tpu.memory_space<vmem>>
    %dma_wait3A_168 = arith.constant 0 : i32
    %dma_wait3A_169 = tpu.memref_slice %arg3[%mul3A_162, %dma_wait3A_168] : memref<320000x64xf32, #tpu.memory_space<hbm>> -> memref<100x64xf32, #tpu.memory_space<hbm>>
    %dma_wait3A_170 = arith.constant 0 : i32
    %dma_wait3A_171 = arith.constant 0 : i32
    %dma_wait3A_172 = tpu.memref_slice %arg11[%dma_wait3A_163, %dma_wait3A_170, %dma_wait3A_171] : memref<2x100x64xf32, #tpu.memory_space<vmem>> -> memref<1x100x64xf32, #tpu.memory_space<vmem>>
    %dma_wait3A_173 = tpu.memref_squeeze %dma_wait3A_172 : memref<1x100x64xf32, #tpu.memory_space<vmem>> -> memref<100x64xf32, #tpu.memory_space<vmem>>
    %dma_wait3A_174 = arith.constant 0 : i32
    %dma_wait3A_175 = tpu.memref_slice %arg3[%mul3A_162, %dma_wait3A_174] : memref<320000x64xf32, #tpu.memory_space<hbm>> -> memref<100x64xf32, #tpu.memory_space<hbm>>
    tpu.wait_dma2 semaphore(%arg16 : memref<!tpu.dma_semaphore, #tpu.memory_space<semaphore_mem>>) src(%dma_wait3A_175 : memref<100x64xf32, #tpu.memory_space<hbm>>) dst(%dma_wait3A_173 : memref<100x64xf32, #tpu.memory_space<vmem>>)
    %scan3A_176 = arith.constant 0 : i32
    %scan3A_177 = arith.constant 100 : i32
    %scan3A_178 = arith.addi %scan3A_176, %scan3A_177 : i32
    %scan3A_179 = arith.constant 1 : i32
    scf.for %scan3A_226 = %scan3A_176 to %scan3A_178 step %scan3A_179  : i32 {
      %mul3A_227 = arith.constant 1 : i32
      %mul3A_228 = arith.muli %scan3A_226, %mul3A_227 : i32
      %add3A_229 = arith.constant 0 : i32
      %add3A_230 = arith.addi %add3A_229, %mul3A_228 : i32
      %get3A = arith.constant 1 : i32
      %get3A_231 = arith.index_cast %get3A : i32 to index
      %get3A_232 = arith.index_cast %add3A_230 : i32 to index
      %get3A_233 = arith.constant 0 : index
      %get3A_234 = tpu.vector_load %arg10[%get3A_231, %get3A_232, %get3A_233] {strides = array<i32>} : memref<2x100x64xf32, #tpu.memory_space<vmem>>, vector<1x1x16xf32>,
      %get3A_235 = vector.shape_cast %get3A_234 : vector<1x1x16xf32> to vector<16xf32>
      %get3A_236 = arith.constant 1 : i32
      %get3A_237 = arith.index_cast %get3A_236 : i32 to index
      %get3A_238 = arith.index_cast %add3A_230 : i32 to index
      %get3A_239 = arith.constant 0 : index
      %get3A_240 = tpu.vector_load %arg11[%get3A_237, %get3A_238, %get3A_239] {strides = array<i32>} : memref<2x100x64xf32, #tpu.memory_space<vmem>>, vector<1x1x16xf32>,
      %get3A_241 = vector.shape_cast %get3A_240 : vector<1x1x16xf32> to vector<16xf32>
      %add3A_242 = arith.addf %get3A_235, %get3A_241 : vector<16xf32>
      %max3A = arith.constant 0.000000e+00 : f32
      %max3A_243 = vector.broadcast %max3A : f32 to vector<16xf32>
      %max3A_244 = arith.maximumf %add3A_242, %max3A_243 : vector<16xf32>
      %swap3A = arith.constant 1 : i32
      %swap3A_245 = arith.index_cast %swap3A : i32 to index
      %swap3A_246 = arith.index_cast %add3A_230 : i32 to index
      %swap3A_247 = arith.constant 0 : index
      %swap3A_248 = tpu.vector_load %arg11[%swap3A_245, %swap3A_246, %swap3A_247] {strides = array<i32>} : memref<2x100x64xf32, #tpu.memory_space<vmem>>, vector<1x1x16xf32>,
      %swap3A_249 = vector.shape_cast %swap3A_248 : vector<1x1x16xf32> to vector<16xf32>
      %swap3A_250 = vector.shape_cast %max3A_244 : vector<16xf32> to vector<1x1x16xf32>
      tpu.vector_store %arg11[%swap3A_245, %swap3A_246, %swap3A_247], %swap3A_250 {strides = array<i32>} : memref<2x100x64xf32, #tpu.memory_space<vmem>>, vector<1x1x16xf32>,
      %get3A_251 = arith.constant 1 : i32
      %get3A_252 = arith.index_cast %get3A_251 : i32 to index
      %get3A_253 = arith.index_cast %add3A_230 : i32 to index
      %get3A_254 = arith.constant 16 : index
      %get3A_255 = tpu.vector_load %arg10[%get3A_252, %get3A_253, %get3A_254] {strides = array<i32>} : memref<2x100x64xf32, #tpu.memory_space<vmem>>, vector<1x1x16xf32>,
      %get3A_256 = vector.shape_cast %get3A_255 : vector<1x1x16xf32> to vector<16xf32>
      %get3A_257 = arith.constant 1 : i32
      %get3A_258 = arith.index_cast %get3A_257 : i32 to index
      %get3A_259 = arith.index_cast %add3A_230 : i32 to index
      %get3A_260 = arith.constant 16 : index
      %get3A_261 = tpu.vector_load %arg11[%get3A_258, %get3A_259, %get3A_260] {strides = array<i32>} : memref<2x100x64xf32, #tpu.memory_space<vmem>>, vector<1x1x16xf32>,
      %get3A_262 = vector.shape_cast %get3A_261 : vector<1x1x16xf32> to vector<16xf32>
      %add3A_263 = arith.addf %get3A_256, %get3A_262 : vector<16xf32>
      %max3A_264 = arith.constant 0.000000e+00 : f32
      %max3A_265 = vector.broadcast %max3A_264 : f32 to vector<16xf32>
      %max3A_266 = arith.maximumf %add3A_263, %max3A_265 : vector<16xf32>
      %swap3A_267 = arith.constant 1 : i32
      %swap3A_268 = arith.index_cast %swap3A_267 : i32 to index
      %swap3A_269 = arith.index_cast %add3A_230 : i32 to index
      %swap3A_270 = arith.constant 16 : index
      %swap3A_271 = tpu.vector_load %arg11[%swap3A_268, %swap3A_269, %swap3A_270] {strides = array<i32>} : memref<2x100x64xf32, #tpu.memory_space<vmem>>, vector<1x1x16xf32>,
      %swap3A_272 = vector.shape_cast %swap3A_271 : vector<1x1x16xf32> to vector<16xf32>
      %swap3A_273 = vector.shape_cast %max3A_266 : vector<16xf32> to vector<1x1x16xf32>
      tpu.vector_store %arg11[%swap3A_268, %swap3A_269, %swap3A_270], %swap3A_273 {strides = array<i32>} : memref<2x100x64xf32, #tpu.memory_space<vmem>>, vector<1x1x16xf32>,
      %get3A_274 = arith.constant 1 : i32
      %get3A_275 = arith.index_cast %get3A_274 : i32 to index
      %get3A_276 = arith.index_cast %add3A_230 : i32 to index
      %get3A_277 = arith.constant 32 : index
      %get3A_278 = tpu.vector_load %arg10[%get3A_275, %get3A_276, %get3A_277] {strides = array<i32>} : memref<2x100x64xf32, #tpu.memory_space<vmem>>, vector<1x1x16xf32>,
      %get3A_279 = vector.shape_cast %get3A_278 : vector<1x1x16xf32> to vector<16xf32>
      %get3A_280 = arith.constant 1 : i32
      %get3A_281 = arith.index_cast %get3A_280 : i32 to index
      %get3A_282 = arith.index_cast %add3A_230 : i32 to index
      %get3A_283 = arith.constant 32 : index
      %get3A_284 = tpu.vector_load %arg11[%get3A_281, %get3A_282, %get3A_283] {strides = array<i32>} : memref<2x100x64xf32, #tpu.memory_space<vmem>>, vector<1x1x16xf32>,
      %get3A_285 = vector.shape_cast %get3A_284 : vector<1x1x16xf32> to vector<16xf32>
      %add3A_286 = arith.addf %get3A_279, %get3A_285 : vector<16xf32>
      %max3A_287 = arith.constant 0.000000e+00 : f32
      %max3A_288 = vector.broadcast %max3A_287 : f32 to vector<16xf32>
      %max3A_289 = arith.maximumf %add3A_286, %max3A_288 : vector<16xf32>
      %swap3A_290 = arith.constant 1 : i32
      %swap3A_291 = arith.index_cast %swap3A_290 : i32 to index
      %swap3A_292 = arith.index_cast %add3A_230 : i32 to index
      %swap3A_293 = arith.constant 32 : index
      %swap3A_294 = tpu.vector_load %arg11[%swap3A_291, %swap3A_292, %swap3A_293] {strides = array<i32>} : memref<2x100x64xf32, #tpu.memory_space<vmem>>, vector<1x1x16xf32>,
      %swap3A_295 = vector.shape_cast %swap3A_294 : vector<1x1x16xf32> to vector<16xf32>
      %swap3A_296 = vector.shape_cast %max3A_289 : vector<16xf32> to vector<1x1x16xf32>
      tpu.vector_store %arg11[%swap3A_291, %swap3A_292, %swap3A_293], %swap3A_296 {strides = array<i32>} : memref<2x100x64xf32, #tpu.memory_space<vmem>>, vector<1x1x16xf32>,
      %get3A_297 = arith.constant 1 : i32
      %get3A_298 = arith.index_cast %get3A_297 : i32 to index
      %get3A_299 = arith.index_cast %add3A_230 : i32 to index
      %get3A_300 = arith.constant 48 : index
      %get3A_301 = tpu.vector_load %arg10[%get3A_298, %get3A_299, %get3A_300] {strides = array<i32>} : memref<2x100x64xf32, #tpu.memory_space<vmem>>, vector<1x1x16xf32>,
      %get3A_302 = vector.shape_cast %get3A_301 : vector<1x1x16xf32> to vector<16xf32>
      %get3A_303 = arith.constant 1 : i32
      %get3A_304 = arith.index_cast %get3A_303 : i32 to index
      %get3A_305 = arith.index_cast %add3A_230 : i32 to index
      %get3A_306 = arith.constant 48 : index
      %get3A_307 = tpu.vector_load %arg11[%get3A_304, %get3A_305, %get3A_306] {strides = array<i32>} : memref<2x100x64xf32, #tpu.memory_space<vmem>>, vector<1x1x16xf32>,
      %get3A_308 = vector.shape_cast %get3A_307 : vector<1x1x16xf32> to vector<16xf32>
      %add3A_309 = arith.addf %get3A_302, %get3A_308 : vector<16xf32>
      %max3A_310 = arith.constant 0.000000e+00 : f32
      %max3A_311 = vector.broadcast %max3A_310 : f32 to vector<16xf32>
      %max3A_312 = arith.maximumf %add3A_309, %max3A_311 : vector<16xf32>
      %swap3A_313 = arith.constant 1 : i32
      %swap3A_314 = arith.index_cast %swap3A_313 : i32 to index
      %swap3A_315 = arith.index_cast %add3A_230 : i32 to index
      %swap3A_316 = arith.constant 48 : index
      %swap3A_317 = tpu.vector_load %arg11[%swap3A_314, %swap3A_315, %swap3A_316] {strides = array<i32>} : memref<2x100x64xf32, #tpu.memory_space<vmem>>, vector<1x1x16xf32>,
      %swap3A_318 = vector.shape_cast %swap3A_317 : vector<1x1x16xf32> to vector<16xf32>
      %swap3A_319 = vector.shape_cast %max3A_312 : vector<16xf32> to vector<1x1x16xf32>
      tpu.vector_store %arg11[%swap3A_314, %swap3A_315, %swap3A_316], %swap3A_319 {strides = array<i32>} : memref<2x100x64xf32, #tpu.memory_space<vmem>>, vector<1x1x16xf32>,
    }
    %scan3A_180 = arith.constant 100 : i32
    %dma_start3A_181 = arith.constant 1 : i32
    %dma_start3A_182 = arith.constant 99 : i32
    %dma_start3A_183 = arith.constant 0 : i32
    %dma_start3A_184 = arith.constant 0 : i32
    %dma_start3A_185 = tpu.memref_slice %arg11[%dma_start3A_181, %dma_start3A_183, %dma_start3A_184] : memref<2x100x64xf32, #tpu.memory_space<vmem>> -> memref<1x100x64xf32, #tpu.memory_space<vmem>>
    %dma_start3A_186 = tpu.memref_squeeze %dma_start3A_185 : memref<1x100x64xf32, #tpu.memory_space<vmem>> -> memref<100x64xf32, #tpu.memory_space<vmem>>
    %dma_start3A_187 = arith.constant 0 : i32
    %dma_start3A_188 = tpu.memref_slice %arg8[%dma_start3A_182, %dma_start3A_187] : memref<100x100xi32, #tpu.memory_space<vmem>> -> memref<1x100xi32, #tpu.memory_space<vmem>>
    %dma_start3A_189 = tpu.memref_squeeze %dma_start3A_188 : memref<1x100xi32, #tpu.memory_space<vmem>> -> memref<100xi32, #tpu.memory_space<vmem>>
    %dma_start3A_190 = arith.constant 0 : i32
    %dma_start3A_191 = arith.constant 0 : i32
    %dma_start3A_192 = tpu.memref_slice %arg12[%dma_start3A_190, %dma_start3A_191] : memref<10240x64xf32, #tpu.memory_space<vmem_shared>> -> memref<10240x64xf32, #tpu.memory_space<vmem_shared>>
    tpu.enqueue_indirect_dma source(%dma_start3A_186 : memref<100x64xf32, #tpu.memory_space<vmem>>) target(%dma_start3A_192 : memref<10240x64xf32, #tpu.memory_space<vmem_shared>>) offsets(%dma_start3A_189 : memref<100xi32, #tpu.memory_space<vmem>>) semaphore(%arg18 : memref<!tpu.dma_semaphore, #tpu.memory_space<semaphore_mem>>) {add = true}
    %dma_wait3A_193 = arith.constant 1 : i32
    %dma_wait3A_194 = arith.constant 99 : i32
    %dma_wait3A_195 = arith.constant 0 : i32
    %dma_wait3A_196 = arith.constant 0 : i32
    %dma_wait3A_197 = tpu.memref_slice %arg11[%dma_wait3A_193, %dma_wait3A_195, %dma_wait3A_196] : memref<2x100x64xf32, #tpu.memory_space<vmem>> -> memref<1x100x64xf32, #tpu.memory_space<vmem>>
    %dma_wait3A_198 = tpu.memref_squeeze %dma_wait3A_197 : memref<1x100x64xf32, #tpu.memory_space<vmem>> -> memref<100x64xf32, #tpu.memory_space<vmem>>
    %dma_wait3A_199 = arith.constant 0 : i32
    %dma_wait3A_200 = tpu.memref_slice %arg8[%dma_wait3A_194, %dma_wait3A_199] : memref<100x100xi32, #tpu.memory_space<vmem>> -> memref<1x100xi32, #tpu.memory_space<vmem>>
    %dma_wait3A_201 = tpu.memref_squeeze %dma_wait3A_200 : memref<1x100xi32, #tpu.memory_space<vmem>> -> memref<100xi32, #tpu.memory_space<vmem>>
    %dma_wait3A_202 = arith.constant 0 : i32
    %dma_wait3A_203 = arith.constant 0 : i32
    %dma_wait3A_204 = tpu.memref_slice %arg12[%dma_wait3A_202, %dma_wait3A_203] : memref<10240x64xf32, #tpu.memory_space<vmem_shared>> -> memref<10240x64xf32, #tpu.memory_space<vmem_shared>>
    tpu.wait_indirect_dma semaphore(%arg18 : memref<!tpu.dma_semaphore, #tpu.memory_space<semaphore_mem>>) src(%dma_wait3A_198 : memref<100x64xf32, #tpu.memory_space<vmem>>) dst(%dma_wait3A_204 : memref<10240x64xf32, #tpu.memory_space<vmem_shared>>)
    %barrier3A_205 = arith.constant 0 : index
    tpu.barrier barrier_id(%barrier3A_205)
    %mul3A_206 = arith.constant 640 : i32
    %mul3A_207 = arith.muli %arg1, %mul3A_206 : i32
    %add3A_208 = arith.constant 0 : i32
    %add3A_209 = arith.addi %mul3A_207, %add3A_208 : i32
    "tpu.region"() ({
      %run_scoped3A = tpu.sem_alloc : memref<!tpu.dma_semaphore, #tpu.memory_space<semaphore_mem>>
      %dma_start3A_226 = arith.constant 0 : i32
      %dma_start3A_227 = tpu.memref_slice %arg12[%add3A_209, %dma_start3A_226] : memref<10240x64xf32, #tpu.memory_space<vmem_shared>> -> memref<128x64xf32, #tpu.memory_space<vmem_shared>>
      %dma_start3A_228 = arith.constant 0 : i32
      %dma_start3A_229 = tpu.memref_slice %arg12[%add3A_209, %dma_start3A_228] : memref<10240x64xf32, #tpu.memory_space<vmem_shared>> -> memref<128x64xf32, #tpu.memory_space<vmem_shared>>
      tpu.enqueue_dma source(%dma_start3A_229 : memref<128x64xf32, #tpu.memory_space<vmem_shared>>) target(%arg9 : memref<128x64xf32, #tpu.memory_space<vmem>>) target_semaphore(%run_scoped3A : memref<!tpu.dma_semaphore, #tpu.memory_space<semaphore_mem>>)
      %dma_wait3A_230 = arith.constant 0 : i32
      %dma_wait3A_231 = tpu.memref_slice %arg12[%add3A_209, %dma_wait3A_230] : memref<10240x64xf32, #tpu.memory_space<vmem_shared>> -> memref<128x64xf32, #tpu.memory_space<vmem_shared>>
      %dma_wait3A_232 = arith.constant 0 : i32
      %dma_wait3A_233 = tpu.memref_slice %arg12[%add3A_209, %dma_wait3A_232] : memref<10240x64xf32, #tpu.memory_space<vmem_shared>> -> memref<128x64xf32, #tpu.memory_space<vmem_shared>>
      tpu.wait_dma2 semaphore(%run_scoped3A : memref<!tpu.dma_semaphore, #tpu.memory_space<semaphore_mem>>) src(%dma_wait3A_233 : memref<128x64xf32, #tpu.memory_space<vmem_shared>>) dst(%arg9 : memref<128x64xf32, #tpu.memory_space<vmem>>)
      tpu.yield
    }) : () -> ()
    "tpu.region"() ({
      %run_scoped3A = tpu.sem_alloc : memref<!tpu.dma_semaphore, #tpu.memory_space<semaphore_mem>>
      %dma_start3A_226 = arith.constant 0 : i32
      %dma_start3A_227 = tpu.memref_slice %arg6[%arg0, %add3A_209, %dma_start3A_226] : memref<2x10240x64xf32, #tpu.memory_space<hbm>> -> memref<1x128x64xf32, #tpu.memory_space<hbm>>
      %dma_start3A_228 = tpu.memref_squeeze %dma_start3A_227 : memref<1x128x64xf32, #tpu.memory_space<hbm>> -> memref<128x64xf32, #tpu.memory_space<hbm>>
      %dma_start3A_229 = arith.constant 0 : i32
      %dma_start3A_230 = tpu.memref_slice %arg6[%arg0, %add3A_209, %dma_start3A_229] : memref<2x10240x64xf32, #tpu.memory_space<hbm>> -> memref<1x128x64xf32, #tpu.memory_space<hbm>>
      %dma_start3A_231 = tpu.memref_squeeze %dma_start3A_230 : memref<1x128x64xf32, #tpu.memory_space<hbm>> -> memref<128x64xf32, #tpu.memory_space<hbm>>
      tpu.enqueue_dma source(%arg9 : memref<128x64xf32, #tpu.memory_space<vmem>>) target(%dma_start3A_231 : memref<128x64xf32, #tpu.memory_space<hbm>>) target_semaphore(%run_scoped3A : memref<!tpu.dma_semaphore, #tpu.memory_space<semaphore_mem>>)
      %dma_wait3A_232 = arith.constant 0 : i32
      %dma_wait3A_233 = tpu.memref_slice %arg6[%arg0, %add3A_209, %dma_wait3A_232] : memref<2x10240x64xf32, #tpu.memory_space<hbm>> -> memref<1x128x64xf32, #tpu.memory_space<hbm>>
      %dma_wait3A_234 = tpu.memref_squeeze %dma_wait3A_233 : memref<1x128x64xf32, #tpu.memory_space<hbm>> -> memref<128x64xf32, #tpu.memory_space<hbm>>
      %dma_wait3A_235 = arith.constant 0 : i32
      %dma_wait3A_236 = tpu.memref_slice %arg6[%arg0, %add3A_209, %dma_wait3A_235] : memref<2x10240x64xf32, #tpu.memory_space<hbm>> -> memref<1x128x64xf32, #tpu.memory_space<hbm>>
      %dma_wait3A_237 = tpu.memref_squeeze %dma_wait3A_236 : memref<1x128x64xf32, #tpu.memory_space<hbm>> -> memref<128x64xf32, #tpu.memory_space<hbm>>
      tpu.wait_dma2 semaphore(%run_scoped3A : memref<!tpu.dma_semaphore, #tpu.memory_space<semaphore_mem>>) src(%arg9 : memref<128x64xf32, #tpu.memory_space<vmem>>) dst(%dma_wait3A_237 : memref<128x64xf32, #tpu.memory_space<hbm>>)
      tpu.yield
    }) : () -> ()
    %mul3A_210 = arith.constant 640 : i32
    %mul3A_211 = arith.muli %arg1, %mul3A_210 : i32
    %add3A_212 = arith.constant 128 : i32
    %add3A_213 = arith.addi %mul3A_211, %add3A_212 : i32
    "tpu.region"() ({
      %run_scoped3A = tpu.sem_alloc : memref<!tpu.dma_semaphore, #tpu.memory_space<semaphore_mem>>
      %dma_start3A_226 = arith.constant 0 : i32
      %dma_start3A_227 = tpu.memref_slice %arg12[%add3A_213, %dma_start3A_226] : memref<10240x64xf32, #tpu.memory_space<vmem_shared>> -> memref<128x64xf32, #tpu.memory_space<vmem_shared>>
      %dma_start3A_228 = arith.constant 0 : i32
      %dma_start3A_229 = tpu.memref_slice %arg12[%add3A_213, %dma_start3A_228] : memref<10240x64xf32, #tpu.memory_space<vmem_shared>> -> memref<128x64xf32, #tpu.memory_space<vmem_shared>>
      tpu.enqueue_dma source(%dma_start3A_229 : memref<128x64xf32, #tpu.memory_space<vmem_shared>>) target(%arg9 : memref<128x64xf32, #tpu.memory_space<vmem>>) target_semaphore(%run_scoped3A : memref<!tpu.dma_semaphore, #tpu.memory_space<semaphore_mem>>)
      %dma_wait3A_230 = arith.constant 0 : i32
      %dma_wait3A_231 = tpu.memref_slice %arg12[%add3A_213, %dma_wait3A_230] : memref<10240x64xf32, #tpu.memory_space<vmem_shared>> -> memref<128x64xf32, #tpu.memory_space<vmem_shared>>
      %dma_wait3A_232 = arith.constant 0 : i32
      %dma_wait3A_233 = tpu.memref_slice %arg12[%add3A_213, %dma_wait3A_232] : memref<10240x64xf32, #tpu.memory_space<vmem_shared>> -> memref<128x64xf32, #tpu.memory_space<vmem_shared>>
      tpu.wait_dma2 semaphore(%run_scoped3A : memref<!tpu.dma_semaphore, #tpu.memory_space<semaphore_mem>>) src(%dma_wait3A_233 : memref<128x64xf32, #tpu.memory_space<vmem_shared>>) dst(%arg9 : memref<128x64xf32, #tpu.memory_space<vmem>>)
      tpu.yield
    }) : () -> ()
    "tpu.region"() ({
      %run_scoped3A = tpu.sem_alloc : memref<!tpu.dma_semaphore, #tpu.memory_space<semaphore_mem>>
      %dma_start3A_226 = arith.constant 0 : i32
      %dma_start3A_227 = tpu.memref_slice %arg6[%arg0, %add3A_213, %dma_start3A_226] : memref<2x10240x64xf32, #tpu.memory_space<hbm>> -> memref<1x128x64xf32, #tpu.memory_space<hbm>>
      %dma_start3A_228 = tpu.memref_squeeze %dma_start3A_227 : memref<1x128x64xf32, #tpu.memory_space<hbm>> -> memref<128x64xf32, #tpu.memory_space<hbm>>
      %dma_start3A_229 = arith.constant 0 : i32
      %dma_start3A_230 = tpu.memref_slice %arg6[%arg0, %add3A_213, %dma_start3A_229] : memref<2x10240x64xf32, #tpu.memory_space<hbm>> -> memref<1x128x64xf32, #tpu.memory_space<hbm>>
      %dma_start3A_231 = tpu.memref_squeeze %dma_start3A_230 : memref<1x128x64xf32, #tpu.memory_space<hbm>> -> memref<128x64xf32, #tpu.memory_space<hbm>>
      tpu.enqueue_dma source(%arg9 : memref<128x64xf32, #tpu.memory_space<vmem>>) target(%dma_start3A_231 : memref<128x64xf32, #tpu.memory_space<hbm>>) target_semaphore(%run_scoped3A : memref<!tpu.dma_semaphore, #tpu.memory_space<semaphore_mem>>)
      %dma_wait3A_232 = arith.constant 0 : i32
      %dma_wait3A_233 = tpu.memref_slice %arg6[%arg0, %add3A_213, %dma_wait3A_232] : memref<2x10240x64xf32, #tpu.memory_space<hbm>> -> memref<1x128x64xf32, #tpu.memory_space<hbm>>
      %dma_wait3A_234 = tpu.memref_squeeze %dma_wait3A_233 : memref<1x128x64xf32, #tpu.memory_space<hbm>> -> memref<128x64xf32, #tpu.memory_space<hbm>>
      %dma_wait3A_235 = arith.constant 0 : i32
      %dma_wait3A_236 = tpu.memref_slice %arg6[%arg0, %add3A_213, %dma_wait3A_235] : memref<2x10240x64xf32, #tpu.memory_space<hbm>> -> memref<1x128x64xf32, #tpu.memory_space<hbm>>
      %dma_wait3A_237 = tpu.memref_squeeze %dma_wait3A_236 : memref<1x128x64xf32, #tpu.memory_space<hbm>> -> memref<128x64xf32, #tpu.memory_space<hbm>>
      tpu.wait_dma2 semaphore(%run_scoped3A : memref<!tpu.dma_semaphore, #tpu.memory_space<semaphore_mem>>) src(%arg9 : memref<128x64xf32, #tpu.memory_space<vmem>>) dst(%dma_wait3A_237 : memref<128x64xf32, #tpu.memory_space<hbm>>)
      tpu.yield
    }) : () -> ()
    %mul3A_214 = arith.constant 640 : i32
    %mul3A_215 = arith.muli %arg1, %mul3A_214 : i32
    %add3A_216 = arith.constant 256 : i32
    %add3A_217 = arith.addi %mul3A_215, %add3A_216 : i32
    "tpu.region"() ({
      %run_scoped3A = tpu.sem_alloc : memref<!tpu.dma_semaphore, #tpu.memory_space<semaphore_mem>>
      %dma_start3A_226 = arith.constant 0 : i32
      %dma_start3A_227 = tpu.memref_slice %arg12[%add3A_217, %dma_start3A_226] : memref<10240x64xf32, #tpu.memory_space<vmem_shared>> -> memref<128x64xf32, #tpu.memory_space<vmem_shared>>
      %dma_start3A_228 = arith.constant 0 : i32
      %dma_start3A_229 = tpu.memref_slice %arg12[%add3A_217, %dma_start3A_228] : memref<10240x64xf32, #tpu.memory_space<vmem_shared>> -> memref<128x64xf32, #tpu.memory_space<vmem_shared>>
      tpu.enqueue_dma source(%dma_start3A_229 : memref<128x64xf32, #tpu.memory_space<vmem_shared>>) target(%arg9 : memref<128x64xf32, #tpu.memory_space<vmem>>) target_semaphore(%run_scoped3A : memref<!tpu.dma_semaphore, #tpu.memory_space<semaphore_mem>>)
      %dma_wait3A_230 = arith.constant 0 : i32
      %dma_wait3A_231 = tpu.memref_slice %arg12[%add3A_217, %dma_wait3A_230] : memref<10240x64xf32, #tpu.memory_space<vmem_shared>> -> memref<128x64xf32, #tpu.memory_space<vmem_shared>>
      %dma_wait3A_232 = arith.constant 0 : i32
      %dma_wait3A_233 = tpu.memref_slice %arg12[%add3A_217, %dma_wait3A_232] : memref<10240x64xf32, #tpu.memory_space<vmem_shared>> -> memref<128x64xf32, #tpu.memory_space<vmem_shared>>
      tpu.wait_dma2 semaphore(%run_scoped3A : memref<!tpu.dma_semaphore, #tpu.memory_space<semaphore_mem>>) src(%dma_wait3A_233 : memref<128x64xf32, #tpu.memory_space<vmem_shared>>) dst(%arg9 : memref<128x64xf32, #tpu.memory_space<vmem>>)
      tpu.yield
    }) : () -> ()
    "tpu.region"() ({
      %run_scoped3A = tpu.sem_alloc : memref<!tpu.dma_semaphore, #tpu.memory_space<semaphore_mem>>
      %dma_start3A_226 = arith.constant 0 : i32
      %dma_start3A_227 = tpu.memref_slice %arg6[%arg0, %add3A_217, %dma_start3A_226] : memref<2x10240x64xf32, #tpu.memory_space<hbm>> -> memref<1x128x64xf32, #tpu.memory_space<hbm>>
      %dma_start3A_228 = tpu.memref_squeeze %dma_start3A_227 : memref<1x128x64xf32, #tpu.memory_space<hbm>> -> memref<128x64xf32, #tpu.memory_space<hbm>>
      %dma_start3A_229 = arith.constant 0 : i32
      %dma_start3A_230 = tpu.memref_slice %arg6[%arg0, %add3A_217, %dma_start3A_229] : memref<2x10240x64xf32, #tpu.memory_space<hbm>> -> memref<1x128x64xf32, #tpu.memory_space<hbm>>
      %dma_start3A_231 = tpu.memref_squeeze %dma_start3A_230 : memref<1x128x64xf32, #tpu.memory_space<hbm>> -> memref<128x64xf32, #tpu.memory_space<hbm>>
      tpu.enqueue_dma source(%arg9 : memref<128x64xf32, #tpu.memory_space<vmem>>) target(%dma_start3A_231 : memref<128x64xf32, #tpu.memory_space<hbm>>) target_semaphore(%run_scoped3A : memref<!tpu.dma_semaphore, #tpu.memory_space<semaphore_mem>>)
      %dma_wait3A_232 = arith.constant 0 : i32
      %dma_wait3A_233 = tpu.memref_slice %arg6[%arg0, %add3A_217, %dma_wait3A_232] : memref<2x10240x64xf32, #tpu.memory_space<hbm>> -> memref<1x128x64xf32, #tpu.memory_space<hbm>>
      %dma_wait3A_234 = tpu.memref_squeeze %dma_wait3A_233 : memref<1x128x64xf32, #tpu.memory_space<hbm>> -> memref<128x64xf32, #tpu.memory_space<hbm>>
      %dma_wait3A_235 = arith.constant 0 : i32
      %dma_wait3A_236 = tpu.memref_slice %arg6[%arg0, %add3A_217, %dma_wait3A_235] : memref<2x10240x64xf32, #tpu.memory_space<hbm>> -> memref<1x128x64xf32, #tpu.memory_space<hbm>>
      %dma_wait3A_237 = tpu.memref_squeeze %dma_wait3A_236 : memref<1x128x64xf32, #tpu.memory_space<hbm>> -> memref<128x64xf32, #tpu.memory_space<hbm>>
      tpu.wait_dma2 semaphore(%run_scoped3A : memref<!tpu.dma_semaphore, #tpu.memory_space<semaphore_mem>>) src(%arg9 : memref<128x64xf32, #tpu.memory_space<vmem>>) dst(%dma_wait3A_237 : memref<128x64xf32, #tpu.memory_space<hbm>>)
      tpu.yield
    }) : () -> ()
    %mul3A_218 = arith.constant 640 : i32
    %mul3A_219 = arith.muli %arg1, %mul3A_218 : i32
    %add3A_220 = arith.constant 384 : i32
    %add3A_221 = arith.addi %mul3A_219, %add3A_220 : i32
    "tpu.region"() ({
      %run_scoped3A = tpu.sem_alloc : memref<!tpu.dma_semaphore, #tpu.memory_space<semaphore_mem>>
      %dma_start3A_226 = arith.constant 0 : i32
      %dma_start3A_227 = tpu.memref_slice %arg12[%add3A_221, %dma_start3A_226] : memref<10240x64xf32, #tpu.memory_space<vmem_shared>> -> memref<128x64xf32, #tpu.memory_space<vmem_shared>>
      %dma_start3A_228 = arith.constant 0 : i32
      %dma_start3A_229 = tpu.memref_slice %arg12[%add3A_221, %dma_start3A_228] : memref<10240x64xf32, #tpu.memory_space<vmem_shared>> -> memref<128x64xf32, #tpu.memory_space<vmem_shared>>
      tpu.enqueue_dma source(%dma_start3A_229 : memref<128x64xf32, #tpu.memory_space<vmem_shared>>) target(%arg9 : memref<128x64xf32, #tpu.memory_space<vmem>>) target_semaphore(%run_scoped3A : memref<!tpu.dma_semaphore, #tpu.memory_space<semaphore_mem>>)
      %dma_wait3A_230 = arith.constant 0 : i32
      %dma_wait3A_231 = tpu.memref_slice %arg12[%add3A_221, %dma_wait3A_230] : memref<10240x64xf32, #tpu.memory_space<vmem_shared>> -> memref<128x64xf32, #tpu.memory_space<vmem_shared>>
      %dma_wait3A_232 = arith.constant 0 : i32
      %dma_wait3A_233 = tpu.memref_slice %arg12[%add3A_221, %dma_wait3A_232] : memref<10240x64xf32, #tpu.memory_space<vmem_shared>> -> memref<128x64xf32, #tpu.memory_space<vmem_shared>>
      tpu.wait_dma2 semaphore(%run_scoped3A : memref<!tpu.dma_semaphore, #tpu.memory_space<semaphore_mem>>) src(%dma_wait3A_233 : memref<128x64xf32, #tpu.memory_space<vmem_shared>>) dst(%arg9 : memref<128x64xf32, #tpu.memory_space<vmem>>)
      tpu.yield
    }) : () -> ()
    "tpu.region"() ({
      %run_scoped3A = tpu.sem_alloc : memref<!tpu.dma_semaphore, #tpu.memory_space<semaphore_mem>>
      %dma_start3A_226 = arith.constant 0 : i32
      %dma_start3A_227 = tpu.memref_slice %arg6[%arg0, %add3A_221, %dma_start3A_226] : memref<2x10240x64xf32, #tpu.memory_space<hbm>> -> memref<1x128x64xf32, #tpu.memory_space<hbm>>
      %dma_start3A_228 = tpu.memref_squeeze %dma_start3A_227 : memref<1x128x64xf32, #tpu.memory_space<hbm>> -> memref<128x64xf32, #tpu.memory_space<hbm>>
      %dma_start3A_229 = arith.constant 0 : i32
      %dma_start3A_230 = tpu.memref_slice %arg6[%arg0, %add3A_221, %dma_start3A_229] : memref<2x10240x64xf32, #tpu.memory_space<hbm>> -> memref<1x128x64xf32, #tpu.memory_space<hbm>>
      %dma_start3A_231 = tpu.memref_squeeze %dma_start3A_230 : memref<1x128x64xf32, #tpu.memory_space<hbm>> -> memref<128x64xf32, #tpu.memory_space<hbm>>
      tpu.enqueue_dma source(%arg9 : memref<128x64xf32, #tpu.memory_space<vmem>>) target(%dma_start3A_231 : memref<128x64xf32, #tpu.memory_space<hbm>>) target_semaphore(%run_scoped3A : memref<!tpu.dma_semaphore, #tpu.memory_space<semaphore_mem>>)
      %dma_wait3A_232 = arith.constant 0 : i32
      %dma_wait3A_233 = tpu.memref_slice %arg6[%arg0, %add3A_221, %dma_wait3A_232] : memref<2x10240x64xf32, #tpu.memory_space<hbm>> -> memref<1x128x64xf32, #tpu.memory_space<hbm>>
      %dma_wait3A_234 = tpu.memref_squeeze %dma_wait3A_233 : memref<1x128x64xf32, #tpu.memory_space<hbm>> -> memref<128x64xf32, #tpu.memory_space<hbm>>
      %dma_wait3A_235 = arith.constant 0 : i32
      %dma_wait3A_236 = tpu.memref_slice %arg6[%arg0, %add3A_221, %dma_wait3A_235] : memref<2x10240x64xf32, #tpu.memory_space<hbm>> -> memref<1x128x64xf32, #tpu.memory_space<hbm>>
      %dma_wait3A_237 = tpu.memref_squeeze %dma_wait3A_236 : memref<1x128x64xf32, #tpu.memory_space<hbm>> -> memref<128x64xf32, #tpu.memory_space<hbm>>
      tpu.wait_dma2 semaphore(%run_scoped3A : memref<!tpu.dma_semaphore, #tpu.memory_space<semaphore_mem>>) src(%arg9 : memref<128x64xf32, #tpu.memory_space<vmem>>) dst(%dma_wait3A_237 : memref<128x64xf32, #tpu.memory_space<hbm>>)
      tpu.yield
    }) : () -> ()
    %mul3A_222 = arith.constant 640 : i32
    %mul3A_223 = arith.muli %arg1, %mul3A_222 : i32
    %add3A_224 = arith.constant 512 : i32
    %add3A_225 = arith.addi %mul3A_223, %add3A_224 : i32
    "tpu.region"() ({
      %run_scoped3A = tpu.sem_alloc : memref<!tpu.dma_semaphore, #tpu.memory_space<semaphore_mem>>
      %dma_start3A_226 = arith.constant 0 : i32
      %dma_start3A_227 = tpu.memref_slice %arg12[%add3A_225, %dma_start3A_226] : memref<10240x64xf32, #tpu.memory_space<vmem_shared>> -> memref<128x64xf32, #tpu.memory_space<vmem_shared>>
      %dma_start3A_228 = arith.constant 0 : i32
      %dma_start3A_229 = tpu.memref_slice %arg12[%add3A_225, %dma_start3A_228] : memref<10240x64xf32, #tpu.memory_space<vmem_shared>> -> memref<128x64xf32, #tpu.memory_space<vmem_shared>>
      tpu.enqueue_dma source(%dma_start3A_229 : memref<128x64xf32, #tpu.memory_space<vmem_shared>>) target(%arg9 : memref<128x64xf32, #tpu.memory_space<vmem>>) target_semaphore(%run_scoped3A : memref<!tpu.dma_semaphore, #tpu.memory_space<semaphore_mem>>)
      %dma_wait3A_230 = arith.constant 0 : i32
      %dma_wait3A_231 = tpu.memref_slice %arg12[%add3A_225, %dma_wait3A_230] : memref<10240x64xf32, #tpu.memory_space<vmem_shared>> -> memref<128x64xf32, #tpu.memory_space<vmem_shared>>
      %dma_wait3A_232 = arith.constant 0 : i32
      %dma_wait3A_233 = tpu.memref_slice %arg12[%add3A_225, %dma_wait3A_232] : memref<10240x64xf32, #tpu.memory_space<vmem_shared>> -> memref<128x64xf32, #tpu.memory_space<vmem_shared>>
      tpu.wait_dma2 semaphore(%run_scoped3A : memref<!tpu.dma_semaphore, #tpu.memory_space<semaphore_mem>>) src(%dma_wait3A_233 : memref<128x64xf32, #tpu.memory_space<vmem_shared>>) dst(%arg9 : memref<128x64xf32, #tpu.memory_space<vmem>>)
      tpu.yield
    }) : () -> ()
    "tpu.region"() ({
      %run_scoped3A = tpu.sem_alloc : memref<!tpu.dma_semaphore, #tpu.memory_space<semaphore_mem>>
      %dma_start3A_226 = arith.constant 0 : i32
      %dma_start3A_227 = tpu.memref_slice %arg6[%arg0, %add3A_225, %dma_start3A_226] : memref<2x10240x64xf32, #tpu.memory_space<hbm>> -> memref<1x128x64xf32, #tpu.memory_space<hbm>>
      %dma_start3A_228 = tpu.memref_squeeze %dma_start3A_227 : memref<1x128x64xf32, #tpu.memory_space<hbm>> -> memref<128x64xf32, #tpu.memory_space<hbm>>
      %dma_start3A_229 = arith.constant 0 : i32
      %dma_start3A_230 = tpu.memref_slice %arg6[%arg0, %add3A_225, %dma_start3A_229] : memref<2x10240x64xf32, #tpu.memory_space<hbm>> -> memref<1x128x64xf32, #tpu.memory_space<hbm>>
      %dma_start3A_231 = tpu.memref_squeeze %dma_start3A_230 : memref<1x128x64xf32, #tpu.memory_space<hbm>> -> memref<128x64xf32, #tpu.memory_space<hbm>>
      tpu.enqueue_dma source(%arg9 : memref<128x64xf32, #tpu.memory_space<vmem>>) target(%dma_start3A_231 : memref<128x64xf32, #tpu.memory_space<hbm>>) target_semaphore(%run_scoped3A : memref<!tpu.dma_semaphore, #tpu.memory_space<semaphore_mem>>)
      %dma_wait3A_232 = arith.constant 0 : i32
      %dma_wait3A_233 = tpu.memref_slice %arg6[%arg0, %add3A_225, %dma_wait3A_232] : memref<2x10240x64xf32, #tpu.memory_space<hbm>> -> memref<1x128x64xf32, #tpu.memory_space<hbm>>
      %dma_wait3A_234 = tpu.memref_squeeze %dma_wait3A_233 : memref<1x128x64xf32, #tpu.memory_space<hbm>> -> memref<128x64xf32, #tpu.memory_space<hbm>>
      %dma_wait3A_235 = arith.constant 0 : i32
      %dma_wait3A_236 = tpu.memref_slice %arg6[%arg0, %add3A_225, %dma_wait3A_235] : memref<2x10240x64xf32, #tpu.memory_space<hbm>> -> memref<1x128x64xf32, #tpu.memory_space<hbm>>
      %dma_wait3A_237 = tpu.memref_squeeze %dma_wait3A_236 : memref<1x128x64xf32, #tpu.memory_space<hbm>> -> memref<128x64xf32, #tpu.memory_space<hbm>>
      tpu.wait_dma2 semaphore(%run_scoped3A : memref<!tpu.dma_semaphore, #tpu.memory_space<semaphore_mem>>) src(%arg9 : memref<128x64xf32, #tpu.memory_space<vmem>>) dst(%dma_wait3A_237 : memref<128x64xf32, #tpu.memory_space<hbm>>)
      tpu.yield
    }) : () -> ()
    return
  }
}

#map = affine_map<(d0, d1) -> (0, 0)>
#map1 = affine_map<(d0, d1) -> (0, 0, 0)>
module attributes {stable_mosaic.version = 14 : i64} {
  func.func @_aggr_body(%arg0: i32, %arg1: i32, %arg2: memref<10000x64xf32, #tpu.memory_space<hbm>>, %arg3: memref<320000x64xf32, #tpu.memory_space<hbm>>, %arg4: memref<32x100x100xi32, #tpu.memory_space<hbm>>, %arg5: memref<32x100x100xi32, #tpu.memory_space<hbm>>, %arg6: memref<2x10240x64xf32, #tpu.memory_space<hbm>>, %arg7: memref<100x100xi32, #tpu.memory_space<vmem>>, %arg8: memref<100x100xi32, #tpu.memory_space<vmem>>, %arg9: memref<128x64xf32, #tpu.memory_space<vmem>>, %arg10: memref<2x100x64xf32, #tpu.memory_space<vmem>>, %arg11: memref<2x100x64xf32, #tpu.memory_space<vmem>>, %arg12: memref<10240x64xf32, #tpu.memory_space<vmem_shared>>, %arg13: memref<!tpu.dma_semaphore, #tpu.memory_space<semaphore_mem>>, %arg14: memref<!tpu.dma_semaphore, #tpu.memory_space<semaphore_mem>>, %arg15: memref<!tpu.dma_semaphore, #tpu.memory_space<semaphore_mem>>, %arg16: memref<!tpu.dma_semaphore, #tpu.memory_space<semaphore_mem>>, %arg17: memref<!tpu.dma_semaphore, #tpu.memory_space<semaphore_mem>>, %arg18: memref<!tpu.dma_semaphore, #tpu.memory_space<semaphore_mem>>) attributes {dimension_semantics = [#tpu.dimension_semantics<core_parallel>, #tpu.dimension_semantics<subcore_parallel>], iteration_bounds = array<i64: 2, 16>, scalar_prefetch = 0 : i64, scratch_operands = 12 : i64, tpu.core_type = #tpu.core_type<sc_vector_subcore>, window_params = [{transform_indices = #map}, {transform_indices = #map}, {transform_indices = #map1}, {transform_indices = #map1}, {transform_indices = #map1}]} {
    %mul3A = arith.constant 2 : i32
    %mul3A_0 = arith.muli %arg1, %mul3A : i32
    %add3A = arith.addi %mul3A_0, %arg0 : i32
    "tpu.region"() ({
      %run_scoped3A = tpu.sem_alloc : memref<!tpu.dma_semaphore, #tpu.memory_space<semaphore_mem>>
      %dma_start3A_226 = arith.constant 0 : i32
      %dma_start3A_227 = arith.constant 0 : i32
      %dma_start3A_228 = tpu.memref_slice %arg4[%add3A, %dma_start3A_226, %dma_start3A_227] : memref<32x100x100xi32, #tpu.memory_space<hbm>> -> memref<1x100x100xi32, #tpu.memory_space<hbm>>
      %dma_start3A_229 = tpu.memref_squeeze %dma_start3A_228 : memref<1x100x100xi32, #tpu.memory_space<hbm>> -> memref<100x100xi32, #tpu.memory_space<hbm>>
      %dma_start3A_230 = arith.constant 0 : i32
      %dma_start3A_231 = arith.constant 0 : i32
      %dma_start3A_232 = tpu.memref_slice %arg4[%add3A, %dma_start3A_230, %dma_start3A_231] : memref<32x100x100xi32, #tpu.memory_space<hbm>> -> memref<1x100x100xi32, #tpu.memory_space<hbm>>
      %dma_start3A_233 = tpu.memref_squeeze %dma_start3A_232 : memref<1x100x100xi32, #tpu.memory_space<hbm>> -> memref<100x100xi32, #tpu.memory_space<hbm>>
      tpu.enqueue_dma source(%dma_start3A_233 : memref<100x100xi32, #tpu.memory_space<hbm>>) target(%arg7 : memref<100x100xi32, #tpu.memory_space<vmem>>) target_semaphore(%run_scoped3A : memref<!tpu.dma_semaphore, #tpu.memory_space<semaphore_mem>>)
      %dma_wait3A_234 = arith.constant 0 : i32
      %dma_wait3A_235 = arith.constant 0 : i32
      %dma_wait3A_236 = tpu.memref_slice %arg4[%add3A, %dma_wait3A_234, %dma_wait3A_235] : memref<32x100x100xi32, #tpu.memory_space<hbm>> -> memref<1x100x100xi32, #tpu.memory_space<hbm>>
      %dma_wait3A_237 = tpu.memref_squeeze %dma_wait3A_236 : memref<1x100x100xi32, #tpu.memory_space<hbm>> -> memref<100x100xi32, #tpu.memory_space<hbm>>
      %dma_wait3A_238 = arith.constant 0 : i32
      %dma_wait3A_239 = arith.constant 0 : i32
      %dma_wait3A_240 = tpu.memref_slice %arg4[%add3A, %dma_wait3A_238, %dma_wait3A_239] : memref<32x100x100xi32, #tpu.memory_space<hbm>> -> memref<1x100x100xi32, #tpu.memory_space<hbm>>
      %dma_wait3A_241 = tpu.memref_squeeze %dma_wait3A_240 : memref<1x100x100xi32, #tpu.memory_space<hbm>> -> memref<100x100xi32, #tpu.memory_space<hbm>>
      tpu.wait_dma2 semaphore(%run_scoped3A : memref<!tpu.dma_semaphore, #tpu.memory_space<semaphore_mem>>) src(%dma_wait3A_241 : memref<100x100xi32, #tpu.memory_space<hbm>>) dst(%arg7 : memref<100x100xi32, #tpu.memory_space<vmem>>)
      tpu.yield
    }) : () -> ()
    "tpu.region"() ({
      %run_scoped3A = tpu.sem_alloc : memref<!tpu.dma_semaphore, #tpu.memory_space<semaphore_mem>>
      %dma_start3A_226 = arith.constant 0 : i32
      %dma_start3A_227 = arith.constant 0 : i32
      %dma_start3A_228 = tpu.memref_slice %arg5[%add3A, %dma_start3A_226, %dma_start3A_227] : memref<32x100x100xi32, #tpu.memory_space<hbm>> -> memref<1x100x100xi32, #tpu.memory_space<hbm>>
      %dma_start3A_229 = tpu.memref_squeeze %dma_start3A_228 : memref<1x100x100xi32, #tpu.memory_space<hbm>> -> memref<100x100xi32, #tpu.memory_space<hbm>>
      %dma_start3A_230 = arith.constant 0 : i32
      %dma_start3A_231 = arith.constant 0 : i32
      %dma_start3A_232 = tpu.memref_slice %arg5[%add3A, %dma_start3A_230, %dma_start3A_231] : memref<32x100x100xi32, #tpu.memory_space<hbm>> -> memref<1x100x100xi32, #tpu.memory_space<hbm>>
      %dma_start3A_233 = tpu.memref_squeeze %dma_start3A_232 : memref<1x100x100xi32, #tpu.memory_space<hbm>> -> memref<100x100xi32, #tpu.memory_space<hbm>>
      tpu.enqueue_dma source(%dma_start3A_233 : memref<100x100xi32, #tpu.memory_space<hbm>>) target(%arg8 : memref<100x100xi32, #tpu.memory_space<vmem>>) target_semaphore(%run_scoped3A : memref<!tpu.dma_semaphore, #tpu.memory_space<semaphore_mem>>)
      %dma_wait3A_234 = arith.constant 0 : i32
      %dma_wait3A_235 = arith.constant 0 : i32
      %dma_wait3A_236 = tpu.memref_slice %arg5[%add3A, %dma_wait3A_234, %dma_wait3A_235] : memref<32x100x100xi32, #tpu.memory_space<hbm>> -> memref<1x100x100xi32, #tpu.memory_space<hbm>>
      %dma_wait3A_237 = tpu.memref_squeeze %dma_wait3A_236 : memref<1x100x100xi32, #tpu.memory_space<hbm>> -> memref<100x100xi32, #tpu.memory_space<hbm>>
      %dma_wait3A_238 = arith.constant 0 : i32
      %dma_wait3A_239 = arith.constant 0 : i32
      %dma_wait3A_240 = tpu.memref_slice %arg5[%add3A, %dma_wait3A_238, %dma_wait3A_239] : memref<32x100x100xi32, #tpu.memory_space<hbm>> -> memref<1x100x100xi32, #tpu.memory_space<hbm>>
      %dma_wait3A_241 = tpu.memref_squeeze %dma_wait3A_240 : memref<1x100x100xi32, #tpu.memory_space<hbm>> -> memref<100x100xi32, #tpu.memory_space<hbm>>
      tpu.wait_dma2 semaphore(%run_scoped3A : memref<!tpu.dma_semaphore, #tpu.memory_space<semaphore_mem>>) src(%dma_wait3A_241 : memref<100x100xi32, #tpu.memory_space<hbm>>) dst(%arg8 : memref<100x100xi32, #tpu.memory_space<vmem>>)
      tpu.yield
    }) : () -> ()
    %broadcast_in_dim3A = arith.constant 0.000000e+00 : f32
    %broadcast_in_dim3A_1 = vector.broadcast %broadcast_in_dim3A : f32 to vector<16xf32>
    %scan3A = arith.constant 0 : i32
    %scan3A_2 = arith.constant 128 : i32
    %scan3A_3 = arith.addi %scan3A, %scan3A_2 : i32
    %scan3A_4 = arith.constant 1 : i32
    scf.for %scan3A_226 = %scan3A to %scan3A_3 step %scan3A_4  : i32 {
      %mul3A_227 = arith.constant 1 : i32
      %mul3A_228 = arith.muli %scan3A_226, %mul3A_227 : i32
      %add3A_229 = arith.constant 0 : i32
      %add3A_230 = arith.addi %add3A_229, %mul3A_228 : i32
      %swap3A = arith.index_cast %add3A_230 : i32 to index
      %swap3A_231 = arith.constant 0 : index
      %swap3A_232 = tpu.vector_load %arg9[%swap3A, %swap3A_231] {strides = array<i32>} : memref<128x64xf32, #tpu.memory_space<vmem>>, vector<1x16xf32>,
      %swap3A_233 = vector.shape_cast %swap3A_232 : vector<1x16xf32> to vector<16xf32>
      %swap3A_234 = vector.shape_cast %broadcast_in_dim3A_1 : vector<16xf32> to vector<1x16xf32>
      tpu.vector_store %arg9[%swap3A, %swap3A_231], %swap3A_234 {strides = array<i32>} : memref<128x64xf32, #tpu.memory_space<vmem>>, vector<1x16xf32>,
      %swap3A_235 = arith.index_cast %add3A_230 : i32 to index
      %swap3A_236 = arith.constant 16 : index
      %swap3A_237 = tpu.vector_load %arg9[%swap3A_235, %swap3A_236] {strides = array<i32>} : memref<128x64xf32, #tpu.memory_space<vmem>>, vector<1x16xf32>,
      %swap3A_238 = vector.shape_cast %swap3A_237 : vector<1x16xf32> to vector<16xf32>
      %swap3A_239 = vector.shape_cast %broadcast_in_dim3A_1 : vector<16xf32> to vector<1x16xf32>
      tpu.vector_store %arg9[%swap3A_235, %swap3A_236], %swap3A_239 {strides = array<i32>} : memref<128x64xf32, #tpu.memory_space<vmem>>, vector<1x16xf32>,
      %swap3A_240 = arith.index_cast %add3A_230 : i32 to index
      %swap3A_241 = arith.constant 32 : index
      %swap3A_242 = tpu.vector_load %arg9[%swap3A_240, %swap3A_241] {strides = array<i32>} : memref<128x64xf32, #tpu.memory_space<vmem>>, vector<1x16xf32>,
      %swap3A_243 = vector.shape_cast %swap3A_242 : vector<1x16xf32> to vector<16xf32>
      %swap3A_244 = vector.shape_cast %broadcast_in_dim3A_1 : vector<16xf32> to vector<1x16xf32>
      tpu.vector_store %arg9[%swap3A_240, %swap3A_241], %swap3A_244 {strides = array<i32>} : memref<128x64xf32, #tpu.memory_space<vmem>>, vector<1x16xf32>,
      %swap3A_245 = arith.index_cast %add3A_230 : i32 to index
      %swap3A_246 = arith.constant 48 : index
      %swap3A_247 = tpu.vector_load %arg9[%swap3A_245, %swap3A_246] {strides = array<i32>} : memref<128x64xf32, #tpu.memory_space<vmem>>, vector<1x16xf32>,
      %swap3A_248 = vector.shape_cast %swap3A_247 : vector<1x16xf32> to vector<16xf32>
      %swap3A_249 = vector.shape_cast %broadcast_in_dim3A_1 : vector<16xf32> to vector<1x16xf32>
      tpu.vector_store %arg9[%swap3A_245, %swap3A_246], %swap3A_249 {strides = array<i32>} : memref<128x64xf32, #tpu.memory_space<vmem>>, vector<1x16xf32>,
    }
    %scan3A_5 = arith.constant 128 : i32
    %mul3A_6 = arith.constant 640 : i32
    %mul3A_7 = arith.muli %arg1, %mul3A_6 : i32
    %add3A_8 = arith.constant 0 : i32
    %add3A_9 = arith.addi %mul3A_7, %add3A_8 : i32
    "tpu.region"() ({
      %run_scoped3A = tpu.sem_alloc : memref<!tpu.dma_semaphore, #tpu.memory_space<semaphore_mem>>
      %dma_start3A_226 = arith.constant 0 : i32
      %dma_start3A_227 = tpu.memref_slice %arg12[%add3A_9, %dma_start3A_226] : memref<10240x64xf32, #tpu.memory_space<vmem_shared>> -> memref<128x64xf32, #tpu.memory_space<vmem_shared>>
      %dma_start3A_228 = arith.constant 0 : i32
      %dma_start3A_229 = tpu.memref_slice %arg12[%add3A_9, %dma_start3A_228] : memref<10240x64xf32, #tpu.memory_space<vmem_shared>> -> memref<128x64xf32, #tpu.memory_space<vmem_shared>>
      tpu.enqueue_dma source(%arg9 : memref<128x64xf32, #tpu.memory_space<vmem>>) target(%dma_start3A_229 : memref<128x64xf32, #tpu.memory_space<vmem_shared>>) target_semaphore(%run_scoped3A : memref<!tpu.dma_semaphore, #tpu.memory_space<semaphore_mem>>)
      %dma_wait3A_230 = arith.constant 0 : i32
      %dma_wait3A_231 = tpu.memref_slice %arg12[%add3A_9, %dma_wait3A_230] : memref<10240x64xf32, #tpu.memory_space<vmem_shared>> -> memref<128x64xf32, #tpu.memory_space<vmem_shared>>
      %dma_wait3A_232 = arith.constant 0 : i32
      %dma_wait3A_233 = tpu.memref_slice %arg12[%add3A_9, %dma_wait3A_232] : memref<10240x64xf32, #tpu.memory_space<vmem_shared>> -> memref<128x64xf32, #tpu.memory_space<vmem_shared>>
      tpu.wait_dma2 semaphore(%run_scoped3A : memref<!tpu.dma_semaphore, #tpu.memory_space<semaphore_mem>>) src(%arg9 : memref<128x64xf32, #tpu.memory_space<vmem>>) dst(%dma_wait3A_233 : memref<128x64xf32, #tpu.memory_space<vmem_shared>>)
      tpu.yield
    }) : () -> ()
    %mul3A_10 = arith.constant 640 : i32
    %mul3A_11 = arith.muli %arg1, %mul3A_10 : i32
    %add3A_12 = arith.constant 128 : i32
    %add3A_13 = arith.addi %mul3A_11, %add3A_12 : i32
    "tpu.region"() ({
      %run_scoped3A = tpu.sem_alloc : memref<!tpu.dma_semaphore, #tpu.memory_space<semaphore_mem>>
      %dma_start3A_226 = arith.constant 0 : i32
      %dma_start3A_227 = tpu.memref_slice %arg12[%add3A_13, %dma_start3A_226] : memref<10240x64xf32, #tpu.memory_space<vmem_shared>> -> memref<128x64xf32, #tpu.memory_space<vmem_shared>>
      %dma_start3A_228 = arith.constant 0 : i32
      %dma_start3A_229 = tpu.memref_slice %arg12[%add3A_13, %dma_start3A_228] : memref<10240x64xf32, #tpu.memory_space<vmem_shared>> -> memref<128x64xf32, #tpu.memory_space<vmem_shared>>
      tpu.enqueue_dma source(%arg9 : memref<128x64xf32, #tpu.memory_space<vmem>>) target(%dma_start3A_229 : memref<128x64xf32, #tpu.memory_space<vmem_shared>>) target_semaphore(%run_scoped3A : memref<!tpu.dma_semaphore, #tpu.memory_space<semaphore_mem>>)
      %dma_wait3A_230 = arith.constant 0 : i32
      %dma_wait3A_231 = tpu.memref_slice %arg12[%add3A_13, %dma_wait3A_230] : memref<10240x64xf32, #tpu.memory_space<vmem_shared>> -> memref<128x64xf32, #tpu.memory_space<vmem_shared>>
      %dma_wait3A_232 = arith.constant 0 : i32
      %dma_wait3A_233 = tpu.memref_slice %arg12[%add3A_13, %dma_wait3A_232] : memref<10240x64xf32, #tpu.memory_space<vmem_shared>> -> memref<128x64xf32, #tpu.memory_space<vmem_shared>>
      tpu.wait_dma2 semaphore(%run_scoped3A : memref<!tpu.dma_semaphore, #tpu.memory_space<semaphore_mem>>) src(%arg9 : memref<128x64xf32, #tpu.memory_space<vmem>>) dst(%dma_wait3A_233 : memref<128x64xf32, #tpu.memory_space<vmem_shared>>)
      tpu.yield
    }) : () -> ()
    %mul3A_14 = arith.constant 640 : i32
    %mul3A_15 = arith.muli %arg1, %mul3A_14 : i32
    %add3A_16 = arith.constant 256 : i32
    %add3A_17 = arith.addi %mul3A_15, %add3A_16 : i32
    "tpu.region"() ({
      %run_scoped3A = tpu.sem_alloc : memref<!tpu.dma_semaphore, #tpu.memory_space<semaphore_mem>>
      %dma_start3A_226 = arith.constant 0 : i32
      %dma_start3A_227 = tpu.memref_slice %arg12[%add3A_17, %dma_start3A_226] : memref<10240x64xf32, #tpu.memory_space<vmem_shared>> -> memref<128x64xf32, #tpu.memory_space<vmem_shared>>
      %dma_start3A_228 = arith.constant 0 : i32
      %dma_start3A_229 = tpu.memref_slice %arg12[%add3A_17, %dma_start3A_228] : memref<10240x64xf32, #tpu.memory_space<vmem_shared>> -> memref<128x64xf32, #tpu.memory_space<vmem_shared>>
      tpu.enqueue_dma source(%arg9 : memref<128x64xf32, #tpu.memory_space<vmem>>) target(%dma_start3A_229 : memref<128x64xf32, #tpu.memory_space<vmem_shared>>) target_semaphore(%run_scoped3A : memref<!tpu.dma_semaphore, #tpu.memory_space<semaphore_mem>>)
      %dma_wait3A_230 = arith.constant 0 : i32
      %dma_wait3A_231 = tpu.memref_slice %arg12[%add3A_17, %dma_wait3A_230] : memref<10240x64xf32, #tpu.memory_space<vmem_shared>> -> memref<128x64xf32, #tpu.memory_space<vmem_shared>>
      %dma_wait3A_232 = arith.constant 0 : i32
      %dma_wait3A_233 = tpu.memref_slice %arg12[%add3A_17, %dma_wait3A_232] : memref<10240x64xf32, #tpu.memory_space<vmem_shared>> -> memref<128x64xf32, #tpu.memory_space<vmem_shared>>
      tpu.wait_dma2 semaphore(%run_scoped3A : memref<!tpu.dma_semaphore, #tpu.memory_space<semaphore_mem>>) src(%arg9 : memref<128x64xf32, #tpu.memory_space<vmem>>) dst(%dma_wait3A_233 : memref<128x64xf32, #tpu.memory_space<vmem_shared>>)
      tpu.yield
    }) : () -> ()
    %mul3A_18 = arith.constant 640 : i32
    %mul3A_19 = arith.muli %arg1, %mul3A_18 : i32
    %add3A_20 = arith.constant 384 : i32
    %add3A_21 = arith.addi %mul3A_19, %add3A_20 : i32
    "tpu.region"() ({
      %run_scoped3A = tpu.sem_alloc : memref<!tpu.dma_semaphore, #tpu.memory_space<semaphore_mem>>
      %dma_start3A_226 = arith.constant 0 : i32
      %dma_start3A_227 = tpu.memref_slice %arg12[%add3A_21, %dma_start3A_226] : memref<10240x64xf32, #tpu.memory_space<vmem_shared>> -> memref<128x64xf32, #tpu.memory_space<vmem_shared>>
      %dma_start3A_228 = arith.constant 0 : i32
      %dma_start3A_229 = tpu.memref_slice %arg12[%add3A_21, %dma_start3A_228] : memref<10240x64xf32, #tpu.memory_space<vmem_shared>> -> memref<128x64xf32, #tpu.memory_space<vmem_shared>>
      tpu.enqueue_dma source(%arg9 : memref<128x64xf32, #tpu.memory_space<vmem>>) target(%dma_start3A_229 : memref<128x64xf32, #tpu.memory_space<vmem_shared>>) target_semaphore(%run_scoped3A : memref<!tpu.dma_semaphore, #tpu.memory_space<semaphore_mem>>)
      %dma_wait3A_230 = arith.constant 0 : i32
      %dma_wait3A_231 = tpu.memref_slice %arg12[%add3A_21, %dma_wait3A_230] : memref<10240x64xf32, #tpu.memory_space<vmem_shared>> -> memref<128x64xf32, #tpu.memory_space<vmem_shared>>
      %dma_wait3A_232 = arith.constant 0 : i32
      %dma_wait3A_233 = tpu.memref_slice %arg12[%add3A_21, %dma_wait3A_232] : memref<10240x64xf32, #tpu.memory_space<vmem_shared>> -> memref<128x64xf32, #tpu.memory_space<vmem_shared>>
      tpu.wait_dma2 semaphore(%run_scoped3A : memref<!tpu.dma_semaphore, #tpu.memory_space<semaphore_mem>>) src(%arg9 : memref<128x64xf32, #tpu.memory_space<vmem>>) dst(%dma_wait3A_233 : memref<128x64xf32, #tpu.memory_space<vmem_shared>>)
      tpu.yield
    }) : () -> ()
    %mul3A_22 = arith.constant 640 : i32
    %mul3A_23 = arith.muli %arg1, %mul3A_22 : i32
    %add3A_24 = arith.constant 512 : i32
    %add3A_25 = arith.addi %mul3A_23, %add3A_24 : i32
    "tpu.region"() ({
      %run_scoped3A = tpu.sem_alloc : memref<!tpu.dma_semaphore, #tpu.memory_space<semaphore_mem>>
      %dma_start3A_226 = arith.constant 0 : i32
      %dma_start3A_227 = tpu.memref_slice %arg12[%add3A_25, %dma_start3A_226] : memref<10240x64xf32, #tpu.memory_space<vmem_shared>> -> memref<128x64xf32, #tpu.memory_space<vmem_shared>>
      %dma_start3A_228 = arith.constant 0 : i32
      %dma_start3A_229 = tpu.memref_slice %arg12[%add3A_25, %dma_start3A_228] : memref<10240x64xf32, #tpu.memory_space<vmem_shared>> -> memref<128x64xf32, #tpu.memory_space<vmem_shared>>
      tpu.enqueue_dma source(%arg9 : memref<128x64xf32, #tpu.memory_space<vmem>>) target(%dma_start3A_229 : memref<128x64xf32, #tpu.memory_space<vmem_shared>>) target_semaphore(%run_scoped3A : memref<!tpu.dma_semaphore, #tpu.memory_space<semaphore_mem>>)
      %dma_wait3A_230 = arith.constant 0 : i32
      %dma_wait3A_231 = tpu.memref_slice %arg12[%add3A_25, %dma_wait3A_230] : memref<10240x64xf32, #tpu.memory_space<vmem_shared>> -> memref<128x64xf32, #tpu.memory_space<vmem_shared>>
      %dma_wait3A_232 = arith.constant 0 : i32
      %dma_wait3A_233 = tpu.memref_slice %arg12[%add3A_25, %dma_wait3A_232] : memref<10240x64xf32, #tpu.memory_space<vmem_shared>> -> memref<128x64xf32, #tpu.memory_space<vmem_shared>>
      tpu.wait_dma2 semaphore(%run_scoped3A : memref<!tpu.dma_semaphore, #tpu.memory_space<semaphore_mem>>) src(%arg9 : memref<128x64xf32, #tpu.memory_space<vmem>>) dst(%dma_wait3A_233 : memref<128x64xf32, #tpu.memory_space<vmem_shared>>)
      tpu.yield
    }) : () -> ()
    %barrier3A = arith.constant 0 : index
    tpu.barrier barrier_id(%barrier3A)
    %mul3A_26 = arith.constant 100 : i32
    %mul3A_27 = arith.muli %add3A, %mul3A_26 : i32
    %dma_start3A = arith.constant 0 : i32
    %dma_start3A_28 = arith.constant 0 : i32
    %dma_start3A_29 = arith.constant 0 : i32
    %dma_start3A_30 = arith.constant 0 : i32
    %dma_start3A_31 = tpu.memref_slice %arg10[%dma_start3A_28, %dma_start3A_29, %dma_start3A_30] : memref<2x100x64xf32, #tpu.memory_space<vmem>> -> memref<1x100x64xf32, #tpu.memory_space<vmem>>
    %dma_start3A_32 = tpu.memref_squeeze %dma_start3A_31 : memref<1x100x64xf32, #tpu.memory_space<vmem>> -> memref<100x64xf32, #tpu.memory_space<vmem>>
    %dma_start3A_33 = arith.constant 0 : i32
    %dma_start3A_34 = tpu.memref_slice %arg7[%dma_start3A, %dma_start3A_33] : memref<100x100xi32, #tpu.memory_space<vmem>> -> memref<1x100xi32, #tpu.memory_space<vmem>>
    %dma_start3A_35 = tpu.memref_squeeze %dma_start3A_34 : memref<1x100xi32, #tpu.memory_space<vmem>> -> memref<100xi32, #tpu.memory_space<vmem>>
    %dma_start3A_36 = arith.constant 0 : i32
    %dma_start3A_37 = arith.constant 0 : i32
    %dma_start3A_38 = tpu.memref_slice %arg2[%dma_start3A_36, %dma_start3A_37] : memref<10000x64xf32, #tpu.memory_space<hbm>> -> memref<10000x64xf32, #tpu.memory_space<hbm>>
    tpu.enqueue_indirect_dma source(%dma_start3A_38 : memref<10000x64xf32, #tpu.memory_space<hbm>>) target(%dma_start3A_32 : memref<100x64xf32, #tpu.memory_space<vmem>>) offsets(%dma_start3A_35 : memref<100xi32, #tpu.memory_space<vmem>>) semaphore(%arg13 : memref<!tpu.dma_semaphore, #tpu.memory_space<semaphore_mem>>)
    %add3A_39 = arith.constant 0 : i32
    %add3A_40 = arith.addi %mul3A_27, %add3A_39 : i32
    %mul3A_41 = arith.constant 100 : i32
    %mul3A_42 = arith.muli %add3A_40, %mul3A_41 : i32
    %dma_start3A_43 = arith.constant 0 : i32
    %dma_start3A_44 = arith.constant 0 : i32
    %dma_start3A_45 = arith.constant 0 : i32
    %dma_start3A_46 = tpu.memref_slice %arg11[%dma_start3A_43, %dma_start3A_44, %dma_start3A_45] : memref<2x100x64xf32, #tpu.memory_space<vmem>> -> memref<1x100x64xf32, #tpu.memory_space<vmem>>
    %dma_start3A_47 = tpu.memref_squeeze %dma_start3A_46 : memref<1x100x64xf32, #tpu.memory_space<vmem>> -> memref<100x64xf32, #tpu.memory_space<vmem>>
    %dma_start3A_48 = arith.constant 0 : i32
    %dma_start3A_49 = tpu.memref_slice %arg3[%mul3A_42, %dma_start3A_48] : memref<320000x64xf32, #tpu.memory_space<hbm>> -> memref<100x64xf32, #tpu.memory_space<hbm>>
    %dma_start3A_50 = arith.constant 0 : i32
    %dma_start3A_51 = arith.constant 0 : i32
    %dma_start3A_52 = tpu.memref_slice %arg11[%dma_start3A_43, %dma_start3A_50, %dma_start3A_51] : memref<2x100x64xf32, #tpu.memory_space<vmem>> -> memref<1x100x64xf32, #tpu.memory_space<vmem>>
    %dma_start3A_53 = tpu.memref_squeeze %dma_start3A_52 : memref<1x100x64xf32, #tpu.memory_space<vmem>> -> memref<100x64xf32, #tpu.memory_space<vmem>>
    %dma_start3A_54 = arith.constant 0 : i32
    %dma_start3A_55 = tpu.memref_slice %arg3[%mul3A_42, %dma_start3A_54] : memref<320000x64xf32, #tpu.memory_space<hbm>> -> memref<100x64xf32, #tpu.memory_space<hbm>>
    tpu.enqueue_dma source(%dma_start3A_55 : memref<100x64xf32, #tpu.memory_space<hbm>>) target(%dma_start3A_53 : memref<100x64xf32, #tpu.memory_space<vmem>>) target_semaphore(%arg15 : memref<!tpu.dma_semaphore, #tpu.memory_space<semaphore_mem>>)
    %dma_start3A_56 = arith.constant 1 : i32
    %dma_start3A_57 = arith.constant 1 : i32
    %dma_start3A_58 = arith.constant 0 : i32
    %dma_start3A_59 = arith.constant 0 : i32
    %dma_start3A_60 = tpu.memref_slice %arg10[%dma_start3A_57, %dma_start3A_58, %dma_start3A_59] : memref<2x100x64xf32, #tpu.memory_space<vmem>> -> memref<1x100x64xf32, #tpu.memory_space<vmem>>
    %dma_start3A_61 = tpu.memref_squeeze %dma_start3A_60 : memref<1x100x64xf32, #tpu.memory_space<vmem>> -> memref<100x64xf32, #tpu.memory_space<vmem>>
    %dma_start3A_62 = arith.constant 0 : i32
    %dma_start3A_63 = tpu.memref_slice %arg7[%dma_start3A_56, %dma_start3A_62] : memref<100x100xi32, #tpu.memory_space<vmem>> -> memref<1x100xi32, #tpu.memory_space<vmem>>
    %dma_start3A_64 = tpu.memref_squeeze %dma_start3A_63 : memref<1x100xi32, #tpu.memory_space<vmem>> -> memref<100xi32, #tpu.memory_space<vmem>>
    %dma_start3A_65 = arith.constant 0 : i32
    %dma_start3A_66 = arith.constant 0 : i32
    %dma_start3A_67 = tpu.memref_slice %arg2[%dma_start3A_65, %dma_start3A_66] : memref<10000x64xf32, #tpu.memory_space<hbm>> -> memref<10000x64xf32, #tpu.memory_space<hbm>>
    tpu.enqueue_indirect_dma source(%dma_start3A_67 : memref<10000x64xf32, #tpu.memory_space<hbm>>) target(%dma_start3A_61 : memref<100x64xf32, #tpu.memory_space<vmem>>) offsets(%dma_start3A_64 : memref<100xi32, #tpu.memory_space<vmem>>) semaphore(%arg14 : memref<!tpu.dma_semaphore, #tpu.memory_space<semaphore_mem>>)
    %add3A_68 = arith.constant 1 : i32
    %add3A_69 = arith.addi %mul3A_27, %add3A_68 : i32
    %mul3A_70 = arith.constant 100 : i32
    %mul3A_71 = arith.muli %add3A_69, %mul3A_70 : i32
    %dma_start3A_72 = arith.constant 1 : i32
    %dma_start3A_73 = arith.constant 0 : i32
    %dma_start3A_74 = arith.constant 0 : i32
    %dma_start3A_75 = tpu.memref_slice %arg11[%dma_start3A_72, %dma_start3A_73, %dma_start3A_74] : memref<2x100x64xf32, #tpu.memory_space<vmem>> -> memref<1x100x64xf32, #tpu.memory_space<vmem>>
    %dma_start3A_76 = tpu.memref_squeeze %dma_start3A_75 : memref<1x100x64xf32, #tpu.memory_space<vmem>> -> memref<100x64xf32, #tpu.memory_space<vmem>>
    %dma_start3A_77 = arith.constant 0 : i32
    %dma_start3A_78 = tpu.memref_slice %arg3[%mul3A_71, %dma_start3A_77] : memref<320000x64xf32, #tpu.memory_space<hbm>> -> memref<100x64xf32, #tpu.memory_space<hbm>>
    %dma_start3A_79 = arith.constant 0 : i32
    %dma_start3A_80 = arith.constant 0 : i32
    %dma_start3A_81 = tpu.memref_slice %arg11[%dma_start3A_72, %dma_start3A_79, %dma_start3A_80] : memref<2x100x64xf32, #tpu.memory_space<vmem>> -> memref<1x100x64xf32, #tpu.memory_space<vmem>>
    %dma_start3A_82 = tpu.memref_squeeze %dma_start3A_81 : memref<1x100x64xf32, #tpu.memory_space<vmem>> -> memref<100x64xf32, #tpu.memory_space<vmem>>
    %dma_start3A_83 = arith.constant 0 : i32
    %dma_start3A_84 = tpu.memref_slice %arg3[%mul3A_71, %dma_start3A_83] : memref<320000x64xf32, #tpu.memory_space<hbm>> -> memref<100x64xf32, #tpu.memory_space<hbm>>
    tpu.enqueue_dma source(%dma_start3A_84 : memref<100x64xf32, #tpu.memory_space<hbm>>) target(%dma_start3A_82 : memref<100x64xf32, #tpu.memory_space<vmem>>) target_semaphore(%arg16 : memref<!tpu.dma_semaphore, #tpu.memory_space<semaphore_mem>>)
    %scan3A_85 = arith.constant 0 : i32
    %scan3A_86 = arith.constant 49 : i32
    %scan3A_87 = arith.addi %scan3A_85, %scan3A_86 : i32
    %scan3A_88 = arith.constant 1 : i32
    scf.for %scan3A_226 = %scan3A_85 to %scan3A_87 step %scan3A_88  : i32 {
      %mul3A_227 = arith.constant 1 : i32
      %mul3A_228 = arith.muli %scan3A_226, %mul3A_227 : i32
      %add3A_229 = arith.constant 0 : i32
      %add3A_230 = arith.addi %add3A_229, %mul3A_228 : i32
      %mul3A_231 = arith.constant 2 : i32
      %mul3A_232 = arith.muli %mul3A_231, %add3A_230 : i32
      %add3A_233 = arith.constant 0 : i32
      %add3A_234 = arith.addi %mul3A_232, %add3A_233 : i32
      %dma_wait3A_235 = arith.constant 0 : i32
      %dma_wait3A_236 = arith.constant 0 : i32
      %dma_wait3A_237 = arith.constant 0 : i32
      %dma_wait3A_238 = tpu.memref_slice %arg10[%dma_wait3A_235, %dma_wait3A_236, %dma_wait3A_237] : memref<2x100x64xf32, #tpu.memory_space<vmem>> -> memref<1x100x64xf32, #tpu.memory_space<vmem>>
      %dma_wait3A_239 = tpu.memref_squeeze %dma_wait3A_238 : memref<1x100x64xf32, #tpu.memory_space<vmem>> -> memref<100x64xf32, #tpu.memory_space<vmem>>
      %dma_wait3A_240 = arith.constant 0 : i32
      %dma_wait3A_241 = tpu.memref_slice %arg7[%add3A_234, %dma_wait3A_240] : memref<100x100xi32, #tpu.memory_space<vmem>> -> memref<1x100xi32, #tpu.memory_space<vmem>>
      %dma_wait3A_242 = tpu.memref_squeeze %dma_wait3A_241 : memref<1x100xi32, #tpu.memory_space<vmem>> -> memref<100xi32, #tpu.memory_space<vmem>>
      %dma_wait3A_243 = arith.constant 0 : i32
      %dma_wait3A_244 = arith.constant 0 : i32
      %dma_wait3A_245 = tpu.memref_slice %arg2[%dma_wait3A_243, %dma_wait3A_244] : memref<10000x64xf32, #tpu.memory_space<hbm>> -> memref<10000x64xf32, #tpu.memory_space<hbm>>
      tpu.wait_indirect_dma semaphore(%arg13 : memref<!tpu.dma_semaphore, #tpu.memory_space<semaphore_mem>>) src(%dma_wait3A_245 : memref<10000x64xf32, #tpu.memory_space<hbm>>) dst(%dma_wait3A_239 : memref<100x64xf32, #tpu.memory_space<vmem>>)
      %add3A_246 = arith.addi %mul3A_27, %add3A_234 : i32
      %mul3A_247 = arith.constant 100 : i32
      %mul3A_248 = arith.muli %add3A_246, %mul3A_247 : i32
      %dma_wait3A_249 = arith.constant 0 : i32
      %dma_wait3A_250 = arith.constant 0 : i32
      %dma_wait3A_251 = arith.constant 0 : i32
      %dma_wait3A_252 = tpu.memref_slice %arg11[%dma_wait3A_249, %dma_wait3A_250, %dma_wait3A_251] : memref<2x100x64xf32, #tpu.memory_space<vmem>> -> memref<1x100x64xf32, #tpu.memory_space<vmem>>
      %dma_wait3A_253 = tpu.memref_squeeze %dma_wait3A_252 : memref<1x100x64xf32, #tpu.memory_space<vmem>> -> memref<100x64xf32, #tpu.memory_space<vmem>>
      %dma_wait3A_254 = arith.constant 0 : i32
      %dma_wait3A_255 = tpu.memref_slice %arg3[%mul3A_248, %dma_wait3A_254] : memref<320000x64xf32, #tpu.memory_space<hbm>> -> memref<100x64xf32, #tpu.memory_space<hbm>>
      %dma_wait3A_256 = arith.constant 0 : i32
      %dma_wait3A_257 = arith.constant 0 : i32
      %dma_wait3A_258 = tpu.memref_slice %arg11[%dma_wait3A_249, %dma_wait3A_256, %dma_wait3A_257] : memref<2x100x64xf32, #tpu.memory_space<vmem>> -> memref<1x100x64xf32, #tpu.memory_space<vmem>>
      %dma_wait3A_259 = tpu.memref_squeeze %dma_wait3A_258 : memref<1x100x64xf32, #tpu.memory_space<vmem>> -> memref<100x64xf32, #tpu.memory_space<vmem>>
      %dma_wait3A_260 = arith.constant 0 : i32
      %dma_wait3A_261 = tpu.memref_slice %arg3[%mul3A_248, %dma_wait3A_260] : memref<320000x64xf32, #tpu.memory_space<hbm>> -> memref<100x64xf32, #tpu.memory_space<hbm>>
      tpu.wait_dma2 semaphore(%arg15 : memref<!tpu.dma_semaphore, #tpu.memory_space<semaphore_mem>>) src(%dma_wait3A_261 : memref<100x64xf32, #tpu.memory_space<hbm>>) dst(%dma_wait3A_259 : memref<100x64xf32, #tpu.memory_space<vmem>>)
      %scan3A_262 = arith.constant 0 : i32
      %scan3A_263 = arith.constant 100 : i32
      %scan3A_264 = arith.addi %scan3A_262, %scan3A_263 : i32
      %scan3A_265 = arith.constant 1 : i32
      scf.for %scan3A_403 = %scan3A_262 to %scan3A_264 step %scan3A_265  : i32 {
        %mul3A_404 = arith.constant 1 : i32
        %mul3A_405 = arith.muli %scan3A_403, %mul3A_404 : i32
        %add3A_406 = arith.constant 0 : i32
        %add3A_407 = arith.addi %add3A_406, %mul3A_405 : i32
        %get3A = arith.constant 0 : i32
        %get3A_408 = arith.index_cast %get3A : i32 to index
        %get3A_409 = arith.index_cast %add3A_407 : i32 to index
        %get3A_410 = arith.constant 0 : index
        %get3A_411 = tpu.vector_load %arg10[%get3A_408, %get3A_409, %get3A_410] {strides = array<i32>} : memref<2x100x64xf32, #tpu.memory_space<vmem>>, vector<1x1x16xf32>,
        %get3A_412 = vector.shape_cast %get3A_411 : vector<1x1x16xf32> to vector<16xf32>
        %get3A_413 = arith.constant 0 : i32
        %get3A_414 = arith.index_cast %get3A_413 : i32 to index
        %get3A_415 = arith.index_cast %add3A_407 : i32 to index
        %get3A_416 = arith.constant 0 : index
        %get3A_417 = tpu.vector_load %arg11[%get3A_414, %get3A_415, %get3A_416] {strides = array<i32>} : memref<2x100x64xf32, #tpu.memory_space<vmem>>, vector<1x1x16xf32>,
        %get3A_418 = vector.shape_cast %get3A_417 : vector<1x1x16xf32> to vector<16xf32>
        %add3A_419 = arith.addf %get3A_412, %get3A_418 : vector<16xf32>
        %max3A = arith.constant 0.000000e+00 : f32
        %max3A_420 = vector.broadcast %max3A : f32 to vector<16xf32>
        %max3A_421 = arith.maximumf %add3A_419, %max3A_420 : vector<16xf32>
        %swap3A = arith.constant 0 : i32
        %swap3A_422 = arith.index_cast %swap3A : i32 to index
        %swap3A_423 = arith.index_cast %add3A_407 : i32 to index
        %swap3A_424 = arith.constant 0 : index
        %swap3A_425 = tpu.vector_load %arg11[%swap3A_422, %swap3A_423, %swap3A_424] {strides = array<i32>} : memref<2x100x64xf32, #tpu.memory_space<vmem>>, vector<1x1x16xf32>,
        %swap3A_426 = vector.shape_cast %swap3A_425 : vector<1x1x16xf32> to vector<16xf32>
        %swap3A_427 = vector.shape_cast %max3A_421 : vector<16xf32> to vector<1x1x16xf32>
        tpu.vector_store %arg11[%swap3A_422, %swap3A_423, %swap3A_424], %swap3A_427 {strides = array<i32>} : memref<2x100x64xf32, #tpu.memory_space<vmem>>, vector<1x1x16xf32>,
        %get3A_428 = arith.constant 0 : i32
        %get3A_429 = arith.index_cast %get3A_428 : i32 to index
        %get3A_430 = arith.index_cast %add3A_407 : i32 to index
        %get3A_431 = arith.constant 16 : index
        %get3A_432 = tpu.vector_load %arg10[%get3A_429, %get3A_430, %get3A_431] {strides = array<i32>} : memref<2x100x64xf32, #tpu.memory_space<vmem>>, vector<1x1x16xf32>,
        %get3A_433 = vector.shape_cast %get3A_432 : vector<1x1x16xf32> to vector<16xf32>
        %get3A_434 = arith.constant 0 : i32
        %get3A_435 = arith.index_cast %get3A_434 : i32 to index
        %get3A_436 = arith.index_cast %add3A_407 : i32 to index
        %get3A_437 = arith.constant 16 : index
        %get3A_438 = tpu.vector_load %arg11[%get3A_435, %get3A_436, %get3A_437] {strides = array<i32>} : memref<2x100x64xf32, #tpu.memory_space<vmem>>, vector<1x1x16xf32>,
        %get3A_439 = vector.shape_cast %get3A_438 : vector<1x1x16xf32> to vector<16xf32>
        %add3A_440 = arith.addf %get3A_433, %get3A_439 : vector<16xf32>
        %max3A_441 = arith.constant 0.000000e+00 : f32
        %max3A_442 = vector.broadcast %max3A_441 : f32 to vector<16xf32>
        %max3A_443 = arith.maximumf %add3A_440, %max3A_442 : vector<16xf32>
        %swap3A_444 = arith.constant 0 : i32
        %swap3A_445 = arith.index_cast %swap3A_444 : i32 to index
        %swap3A_446 = arith.index_cast %add3A_407 : i32 to index
        %swap3A_447 = arith.constant 16 : index
        %swap3A_448 = tpu.vector_load %arg11[%swap3A_445, %swap3A_446, %swap3A_447] {strides = array<i32>} : memref<2x100x64xf32, #tpu.memory_space<vmem>>, vector<1x1x16xf32>,
        %swap3A_449 = vector.shape_cast %swap3A_448 : vector<1x1x16xf32> to vector<16xf32>
        %swap3A_450 = vector.shape_cast %max3A_443 : vector<16xf32> to vector<1x1x16xf32>
        tpu.vector_store %arg11[%swap3A_445, %swap3A_446, %swap3A_447], %swap3A_450 {strides = array<i32>} : memref<2x100x64xf32, #tpu.memory_space<vmem>>, vector<1x1x16xf32>,
        %get3A_451 = arith.constant 0 : i32
        %get3A_452 = arith.index_cast %get3A_451 : i32 to index
        %get3A_453 = arith.index_cast %add3A_407 : i32 to index
        %get3A_454 = arith.constant 32 : index
        %get3A_455 = tpu.vector_load %arg10[%get3A_452, %get3A_453, %get3A_454] {strides = array<i32>} : memref<2x100x64xf32, #tpu.memory_space<vmem>>, vector<1x1x16xf32>,
        %get3A_456 = vector.shape_cast %get3A_455 : vector<1x1x16xf32> to vector<16xf32>
        %get3A_457 = arith.constant 0 : i32
        %get3A_458 = arith.index_cast %get3A_457 : i32 to index
        %get3A_459 = arith.index_cast %add3A_407 : i32 to index
        %get3A_460 = arith.constant 32 : index
        %get3A_461 = tpu.vector_load %arg11[%get3A_458, %get3A_459, %get3A_460] {strides = array<i32>} : memref<2x100x64xf32, #tpu.memory_space<vmem>>, vector<1x1x16xf32>,
        %get3A_462 = vector.shape_cast %get3A_461 : vector<1x1x16xf32> to vector<16xf32>
        %add3A_463 = arith.addf %get3A_456, %get3A_462 : vector<16xf32>
        %max3A_464 = arith.constant 0.000000e+00 : f32
        %max3A_465 = vector.broadcast %max3A_464 : f32 to vector<16xf32>
        %max3A_466 = arith.maximumf %add3A_463, %max3A_465 : vector<16xf32>
        %swap3A_467 = arith.constant 0 : i32
        %swap3A_468 = arith.index_cast %swap3A_467 : i32 to index
        %swap3A_469 = arith.index_cast %add3A_407 : i32 to index
        %swap3A_470 = arith.constant 32 : index
        %swap3A_471 = tpu.vector_load %arg11[%swap3A_468, %swap3A_469, %swap3A_470] {strides = array<i32>} : memref<2x100x64xf32, #tpu.memory_space<vmem>>, vector<1x1x16xf32>,
        %swap3A_472 = vector.shape_cast %swap3A_471 : vector<1x1x16xf32> to vector<16xf32>
        %swap3A_473 = vector.shape_cast %max3A_466 : vector<16xf32> to vector<1x1x16xf32>
        tpu.vector_store %arg11[%swap3A_468, %swap3A_469, %swap3A_470], %swap3A_473 {strides = array<i32>} : memref<2x100x64xf32, #tpu.memory_space<vmem>>, vector<1x1x16xf32>,
        %get3A_474 = arith.constant 0 : i32
        %get3A_475 = arith.index_cast %get3A_474 : i32 to index
        %get3A_476 = arith.index_cast %add3A_407 : i32 to index
        %get3A_477 = arith.constant 48 : index
        %get3A_478 = tpu.vector_load %arg10[%get3A_475, %get3A_476, %get3A_477] {strides = array<i32>} : memref<2x100x64xf32, #tpu.memory_space<vmem>>, vector<1x1x16xf32>,
        %get3A_479 = vector.shape_cast %get3A_478 : vector<1x1x16xf32> to vector<16xf32>
        %get3A_480 = arith.constant 0 : i32
        %get3A_481 = arith.index_cast %get3A_480 : i32 to index
        %get3A_482 = arith.index_cast %add3A_407 : i32 to index
        %get3A_483 = arith.constant 48 : index
        %get3A_484 = tpu.vector_load %arg11[%get3A_481, %get3A_482, %get3A_483] {strides = array<i32>} : memref<2x100x64xf32, #tpu.memory_space<vmem>>, vector<1x1x16xf32>,
        %get3A_485 = vector.shape_cast %get3A_484 : vector<1x1x16xf32> to vector<16xf32>
        %add3A_486 = arith.addf %get3A_479, %get3A_485 : vector<16xf32>
        %max3A_487 = arith.constant 0.000000e+00 : f32
        %max3A_488 = vector.broadcast %max3A_487 : f32 to vector<16xf32>
        %max3A_489 = arith.maximumf %add3A_486, %max3A_488 : vector<16xf32>
        %swap3A_490 = arith.constant 0 : i32
        %swap3A_491 = arith.index_cast %swap3A_490 : i32 to index
        %swap3A_492 = arith.index_cast %add3A_407 : i32 to index
        %swap3A_493 = arith.constant 48 : index
        %swap3A_494 = tpu.vector_load %arg11[%swap3A_491, %swap3A_492, %swap3A_493] {strides = array<i32>} : memref<2x100x64xf32, #tpu.memory_space<vmem>>, vector<1x1x16xf32>,
        %swap3A_495 = vector.shape_cast %swap3A_494 : vector<1x1x16xf32> to vector<16xf32>
        %swap3A_496 = vector.shape_cast %max3A_489 : vector<16xf32> to vector<1x1x16xf32>
        tpu.vector_store %arg11[%swap3A_491, %swap3A_492, %swap3A_493], %swap3A_496 {strides = array<i32>} : memref<2x100x64xf32, #tpu.memory_space<vmem>>, vector<1x1x16xf32>,
      }
      %scan3A_266 = arith.constant 100 : i32
      %dma_start3A_267 = arith.constant 0 : i32
      %dma_start3A_268 = arith.constant 0 : i32
      %dma_start3A_269 = arith.constant 0 : i32
      %dma_start3A_270 = tpu.memref_slice %arg11[%dma_start3A_267, %dma_start3A_268, %dma_start3A_269] : memref<2x100x64xf32, #tpu.memory_space<vmem>> -> memref<1x100x64xf32, #tpu.memory_space<vmem>>
      %dma_start3A_271 = tpu.memref_squeeze %dma_start3A_270 : memref<1x100x64xf32, #tpu.memory_space<vmem>> -> memref<100x64xf32, #tpu.memory_space<vmem>>
      %dma_start3A_272 = arith.constant 0 : i32
      %dma_start3A_273 = tpu.memref_slice %arg8[%add3A_234, %dma_start3A_272] : memref<100x100xi32, #tpu.memory_space<vmem>> -> memref<1x100xi32, #tpu.memory_space<vmem>>
      %dma_start3A_274 = tpu.memref_squeeze %dma_start3A_273 : memref<1x100xi32, #tpu.memory_space<vmem>> -> memref<100xi32, #tpu.memory_space<vmem>>
      %dma_start3A_275 = arith.constant 0 : i32
      %dma_start3A_276 = arith.constant 0 : i32
      %dma_start3A_277 = tpu.memref_slice %arg12[%dma_start3A_275, %dma_start3A_276] : memref<10240x64xf32, #tpu.memory_space<vmem_shared>> -> memref<10240x64xf32, #tpu.memory_space<vmem_shared>>
      tpu.enqueue_indirect_dma source(%dma_start3A_271 : memref<100x64xf32, #tpu.memory_space<vmem>>) target(%dma_start3A_277 : memref<10240x64xf32, #tpu.memory_space<vmem_shared>>) offsets(%dma_start3A_274 : memref<100xi32, #tpu.memory_space<vmem>>) semaphore(%arg17 : memref<!tpu.dma_semaphore, #tpu.memory_space<semaphore_mem>>) {add = true}
      %dma_wait3A_278 = arith.constant 0 : i32
      %dma_wait3A_279 = arith.constant 0 : i32
      %dma_wait3A_280 = arith.constant 0 : i32
      %dma_wait3A_281 = tpu.memref_slice %arg11[%dma_wait3A_278, %dma_wait3A_279, %dma_wait3A_280] : memref<2x100x64xf32, #tpu.memory_space<vmem>> -> memref<1x100x64xf32, #tpu.memory_space<vmem>>
      %dma_wait3A_282 = tpu.memref_squeeze %dma_wait3A_281 : memref<1x100x64xf32, #tpu.memory_space<vmem>> -> memref<100x64xf32, #tpu.memory_space<vmem>>
      %dma_wait3A_283 = arith.constant 0 : i32
      %dma_wait3A_284 = tpu.memref_slice %arg8[%add3A_234, %dma_wait3A_283] : memref<100x100xi32, #tpu.memory_space<vmem>> -> memref<1x100xi32, #tpu.memory_space<vmem>>
      %dma_wait3A_285 = tpu.memref_squeeze %dma_wait3A_284 : memref<1x100xi32, #tpu.memory_space<vmem>> -> memref<100xi32, #tpu.memory_space<vmem>>
      %dma_wait3A_286 = arith.constant 0 : i32
      %dma_wait3A_287 = arith.constant 0 : i32
      %dma_wait3A_288 = tpu.memref_slice %arg12[%dma_wait3A_286, %dma_wait3A_287] : memref<10240x64xf32, #tpu.memory_space<vmem_shared>> -> memref<10240x64xf32, #tpu.memory_space<vmem_shared>>
      tpu.wait_indirect_dma semaphore(%arg17 : memref<!tpu.dma_semaphore, #tpu.memory_space<semaphore_mem>>) src(%dma_wait3A_282 : memref<100x64xf32, #tpu.memory_space<vmem>>) dst(%dma_wait3A_288 : memref<10240x64xf32, #tpu.memory_space<vmem_shared>>)
      %add3A_289 = arith.constant 2 : i32
      %add3A_290 = arith.addi %add3A_234, %add3A_289 : i32
      %dma_start3A_291 = arith.constant 0 : i32
      %dma_start3A_292 = arith.constant 0 : i32
      %dma_start3A_293 = arith.constant 0 : i32
      %dma_start3A_294 = tpu.memref_slice %arg10[%dma_start3A_291, %dma_start3A_292, %dma_start3A_293] : memref<2x100x64xf32, #tpu.memory_space<vmem>> -> memref<1x100x64xf32, #tpu.memory_space<vmem>>
      %dma_start3A_295 = tpu.memref_squeeze %dma_start3A_294 : memref<1x100x64xf32, #tpu.memory_space<vmem>> -> memref<100x64xf32, #tpu.memory_space<vmem>>
      %dma_start3A_296 = arith.constant 0 : i32
      %dma_start3A_297 = tpu.memref_slice %arg7[%add3A_290, %dma_start3A_296] : memref<100x100xi32, #tpu.memory_space<vmem>> -> memref<1x100xi32, #tpu.memory_space<vmem>>
      %dma_start3A_298 = tpu.memref_squeeze %dma_start3A_297 : memref<1x100xi32, #tpu.memory_space<vmem>> -> memref<100xi32, #tpu.memory_space<vmem>>
      %dma_start3A_299 = arith.constant 0 : i32
      %dma_start3A_300 = arith.constant 0 : i32
      %dma_start3A_301 = tpu.memref_slice %arg2[%dma_start3A_299, %dma_start3A_300] : memref<10000x64xf32, #tpu.memory_space<hbm>> -> memref<10000x64xf32, #tpu.memory_space<hbm>>
      tpu.enqueue_indirect_dma source(%dma_start3A_301 : memref<10000x64xf32, #tpu.memory_space<hbm>>) target(%dma_start3A_295 : memref<100x64xf32, #tpu.memory_space<vmem>>) offsets(%dma_start3A_298 : memref<100xi32, #tpu.memory_space<vmem>>) semaphore(%arg13 : memref<!tpu.dma_semaphore, #tpu.memory_space<semaphore_mem>>)
      %add3A_302 = arith.addi %mul3A_27, %add3A_290 : i32
      %mul3A_303 = arith.constant 100 : i32
      %mul3A_304 = arith.muli %add3A_302, %mul3A_303 : i32
      %dma_start3A_305 = arith.constant 0 : i32
      %dma_start3A_306 = arith.constant 0 : i32
      %dma_start3A_307 = arith.constant 0 : i32
      %dma_start3A_308 = tpu.memref_slice %arg11[%dma_start3A_305, %dma_start3A_306, %dma_start3A_307] : memref<2x100x64xf32, #tpu.memory_space<vmem>> -> memref<1x100x64xf32, #tpu.memory_space<vmem>>
      %dma_start3A_309 = tpu.memref_squeeze %dma_start3A_308 : memref<1x100x64xf32, #tpu.memory_space<vmem>> -> memref<100x64xf32, #tpu.memory_space<vmem>>
      %dma_start3A_310 = arith.constant 0 : i32
      %dma_start3A_311 = tpu.memref_slice %arg3[%mul3A_304, %dma_start3A_310] : memref<320000x64xf32, #tpu.memory_space<hbm>> -> memref<100x64xf32, #tpu.memory_space<hbm>>
      %dma_start3A_312 = arith.constant 0 : i32
      %dma_start3A_313 = arith.constant 0 : i32
      %dma_start3A_314 = tpu.memref_slice %arg11[%dma_start3A_305, %dma_start3A_312, %dma_start3A_313] : memref<2x100x64xf32, #tpu.memory_space<vmem>> -> memref<1x100x64xf32, #tpu.memory_space<vmem>>
      %dma_start3A_315 = tpu.memref_squeeze %dma_start3A_314 : memref<1x100x64xf32, #tpu.memory_space<vmem>> -> memref<100x64xf32, #tpu.memory_space<vmem>>
      %dma_start3A_316 = arith.constant 0 : i32
      %dma_start3A_317 = tpu.memref_slice %arg3[%mul3A_304, %dma_start3A_316] : memref<320000x64xf32, #tpu.memory_space<hbm>> -> memref<100x64xf32, #tpu.memory_space<hbm>>
      tpu.enqueue_dma source(%dma_start3A_317 : memref<100x64xf32, #tpu.memory_space<hbm>>) target(%dma_start3A_315 : memref<100x64xf32, #tpu.memory_space<vmem>>) target_semaphore(%arg15 : memref<!tpu.dma_semaphore, #tpu.memory_space<semaphore_mem>>)
      %add3A_318 = arith.constant 1 : i32
      %add3A_319 = arith.addi %mul3A_232, %add3A_318 : i32
      %dma_wait3A_320 = arith.constant 1 : i32
      %dma_wait3A_321 = arith.constant 0 : i32
      %dma_wait3A_322 = arith.constant 0 : i32
      %dma_wait3A_323 = tpu.memref_slice %arg10[%dma_wait3A_320, %dma_wait3A_321, %dma_wait3A_322] : memref<2x100x64xf32, #tpu.memory_space<vmem>> -> memref<1x100x64xf32, #tpu.memory_space<vmem>>
      %dma_wait3A_324 = tpu.memref_squeeze %dma_wait3A_323 : memref<1x100x64xf32, #tpu.memory_space<vmem>> -> memref<100x64xf32, #tpu.memory_space<vmem>>
      %dma_wait3A_325 = arith.constant 0 : i32
      %dma_wait3A_326 = tpu.memref_slice %arg7[%add3A_319, %dma_wait3A_325] : memref<100x100xi32, #tpu.memory_space<vmem>> -> memref<1x100xi32, #tpu.memory_space<vmem>>
      %dma_wait3A_327 = tpu.memref_squeeze %dma_wait3A_326 : memref<1x100xi32, #tpu.memory_space<vmem>> -> memref<100xi32, #tpu.memory_space<vmem>>
      %dma_wait3A_328 = arith.constant 0 : i32
      %dma_wait3A_329 = arith.constant 0 : i32
      %dma_wait3A_330 = tpu.memref_slice %arg2[%dma_wait3A_328, %dma_wait3A_329] : memref<10000x64xf32, #tpu.memory_space<hbm>> -> memref<10000x64xf32, #tpu.memory_space<hbm>>
      tpu.wait_indirect_dma semaphore(%arg14 : memref<!tpu.dma_semaphore, #tpu.memory_space<semaphore_mem>>) src(%dma_wait3A_330 : memref<10000x64xf32, #tpu.memory_space<hbm>>) dst(%dma_wait3A_324 : memref<100x64xf32, #tpu.memory_space<vmem>>)
      %add3A_331 = arith.addi %mul3A_27, %add3A_319 : i32
      %mul3A_332 = arith.constant 100 : i32
      %mul3A_333 = arith.muli %add3A_331, %mul3A_332 : i32
      %dma_wait3A_334 = arith.constant 1 : i32
      %dma_wait3A_335 = arith.constant 0 : i32
      %dma_wait3A_336 = arith.constant 0 : i32
      %dma_wait3A_337 = tpu.memref_slice %arg11[%dma_wait3A_334, %dma_wait3A_335, %dma_wait3A_336] : memref<2x100x64xf32, #tpu.memory_space<vmem>> -> memref<1x100x64xf32, #tpu.memory_space<vmem>>
      %dma_wait3A_338 = tpu.memref_squeeze %dma_wait3A_337 : memref<1x100x64xf32, #tpu.memory_space<vmem>> -> memref<100x64xf32, #tpu.memory_space<vmem>>
      %dma_wait3A_339 = arith.constant 0 : i32
      %dma_wait3A_340 = tpu.memref_slice %arg3[%mul3A_333, %dma_wait3A_339] : memref<320000x64xf32, #tpu.memory_space<hbm>> -> memref<100x64xf32, #tpu.memory_space<hbm>>
      %dma_wait3A_341 = arith.constant 0 : i32
      %dma_wait3A_342 = arith.constant 0 : i32
      %dma_wait3A_343 = tpu.memref_slice %arg11[%dma_wait3A_334, %dma_wait3A_341, %dma_wait3A_342] : memref<2x100x64xf32, #tpu.memory_space<vmem>> -> memref<1x100x64xf32, #tpu.memory_space<vmem>>
      %dma_wait3A_344 = tpu.memref_squeeze %dma_wait3A_343 : memref<1x100x64xf32, #tpu.memory_space<vmem>> -> memref<100x64xf32, #tpu.memory_space<vmem>>
      %dma_wait3A_345 = arith.constant 0 : i32
      %dma_wait3A_346 = tpu.memref_slice %arg3[%mul3A_333, %dma_wait3A_345] : memref<320000x64xf32, #tpu.memory_space<hbm>> -> memref<100x64xf32, #tpu.memory_space<hbm>>
      tpu.wait_dma2 semaphore(%arg16 : memref<!tpu.dma_semaphore, #tpu.memory_space<semaphore_mem>>) src(%dma_wait3A_346 : memref<100x64xf32, #tpu.memory_space<hbm>>) dst(%dma_wait3A_344 : memref<100x64xf32, #tpu.memory_space<vmem>>)
      %scan3A_347 = arith.constant 0 : i32
      %scan3A_348 = arith.constant 100 : i32
      %scan3A_349 = arith.addi %scan3A_347, %scan3A_348 : i32
      %scan3A_350 = arith.constant 1 : i32
      scf.for %scan3A_403 = %scan3A_347 to %scan3A_349 step %scan3A_350  : i32 {
        %mul3A_404 = arith.constant 1 : i32
        %mul3A_405 = arith.muli %scan3A_403, %mul3A_404 : i32
        %add3A_406 = arith.constant 0 : i32
        %add3A_407 = arith.addi %add3A_406, %mul3A_405 : i32
        %get3A = arith.constant 1 : i32
        %get3A_408 = arith.index_cast %get3A : i32 to index
        %get3A_409 = arith.index_cast %add3A_407 : i32 to index
        %get3A_410 = arith.constant 0 : index
        %get3A_411 = tpu.vector_load %arg10[%get3A_408, %get3A_409, %get3A_410] {strides = array<i32>} : memref<2x100x64xf32, #tpu.memory_space<vmem>>, vector<1x1x16xf32>,
        %get3A_412 = vector.shape_cast %get3A_411 : vector<1x1x16xf32> to vector<16xf32>
        %get3A_413 = arith.constant 1 : i32
        %get3A_414 = arith.index_cast %get3A_413 : i32 to index
        %get3A_415 = arith.index_cast %add3A_407 : i32 to index
        %get3A_416 = arith.constant 0 : index
        %get3A_417 = tpu.vector_load %arg11[%get3A_414, %get3A_415, %get3A_416] {strides = array<i32>} : memref<2x100x64xf32, #tpu.memory_space<vmem>>, vector<1x1x16xf32>,
        %get3A_418 = vector.shape_cast %get3A_417 : vector<1x1x16xf32> to vector<16xf32>
        %add3A_419 = arith.addf %get3A_412, %get3A_418 : vector<16xf32>
        %max3A = arith.constant 0.000000e+00 : f32
        %max3A_420 = vector.broadcast %max3A : f32 to vector<16xf32>
        %max3A_421 = arith.maximumf %add3A_419, %max3A_420 : vector<16xf32>
        %swap3A = arith.constant 1 : i32
        %swap3A_422 = arith.index_cast %swap3A : i32 to index
        %swap3A_423 = arith.index_cast %add3A_407 : i32 to index
        %swap3A_424 = arith.constant 0 : index
        %swap3A_425 = tpu.vector_load %arg11[%swap3A_422, %swap3A_423, %swap3A_424] {strides = array<i32>} : memref<2x100x64xf32, #tpu.memory_space<vmem>>, vector<1x1x16xf32>,
        %swap3A_426 = vector.shape_cast %swap3A_425 : vector<1x1x16xf32> to vector<16xf32>
        %swap3A_427 = vector.shape_cast %max3A_421 : vector<16xf32> to vector<1x1x16xf32>
        tpu.vector_store %arg11[%swap3A_422, %swap3A_423, %swap3A_424], %swap3A_427 {strides = array<i32>} : memref<2x100x64xf32, #tpu.memory_space<vmem>>, vector<1x1x16xf32>,
        %get3A_428 = arith.constant 1 : i32
        %get3A_429 = arith.index_cast %get3A_428 : i32 to index
        %get3A_430 = arith.index_cast %add3A_407 : i32 to index
        %get3A_431 = arith.constant 16 : index
        %get3A_432 = tpu.vector_load %arg10[%get3A_429, %get3A_430, %get3A_431] {strides = array<i32>} : memref<2x100x64xf32, #tpu.memory_space<vmem>>, vector<1x1x16xf32>,
        %get3A_433 = vector.shape_cast %get3A_432 : vector<1x1x16xf32> to vector<16xf32>
        %get3A_434 = arith.constant 1 : i32
        %get3A_435 = arith.index_cast %get3A_434 : i32 to index
        %get3A_436 = arith.index_cast %add3A_407 : i32 to index
        %get3A_437 = arith.constant 16 : index
        %get3A_438 = tpu.vector_load %arg11[%get3A_435, %get3A_436, %get3A_437] {strides = array<i32>} : memref<2x100x64xf32, #tpu.memory_space<vmem>>, vector<1x1x16xf32>,
        %get3A_439 = vector.shape_cast %get3A_438 : vector<1x1x16xf32> to vector<16xf32>
        %add3A_440 = arith.addf %get3A_433, %get3A_439 : vector<16xf32>
        %max3A_441 = arith.constant 0.000000e+00 : f32
        %max3A_442 = vector.broadcast %max3A_441 : f32 to vector<16xf32>
        %max3A_443 = arith.maximumf %add3A_440, %max3A_442 : vector<16xf32>
        %swap3A_444 = arith.constant 1 : i32
        %swap3A_445 = arith.index_cast %swap3A_444 : i32 to index
        %swap3A_446 = arith.index_cast %add3A_407 : i32 to index
        %swap3A_447 = arith.constant 16 : index
        %swap3A_448 = tpu.vector_load %arg11[%swap3A_445, %swap3A_446, %swap3A_447] {strides = array<i32>} : memref<2x100x64xf32, #tpu.memory_space<vmem>>, vector<1x1x16xf32>,
        %swap3A_449 = vector.shape_cast %swap3A_448 : vector<1x1x16xf32> to vector<16xf32>
        %swap3A_450 = vector.shape_cast %max3A_443 : vector<16xf32> to vector<1x1x16xf32>
        tpu.vector_store %arg11[%swap3A_445, %swap3A_446, %swap3A_447], %swap3A_450 {strides = array<i32>} : memref<2x100x64xf32, #tpu.memory_space<vmem>>, vector<1x1x16xf32>,
        %get3A_451 = arith.constant 1 : i32
        %get3A_452 = arith.index_cast %get3A_451 : i32 to index
        %get3A_453 = arith.index_cast %add3A_407 : i32 to index
        %get3A_454 = arith.constant 32 : index
        %get3A_455 = tpu.vector_load %arg10[%get3A_452, %get3A_453, %get3A_454] {strides = array<i32>} : memref<2x100x64xf32, #tpu.memory_space<vmem>>, vector<1x1x16xf32>,
        %get3A_456 = vector.shape_cast %get3A_455 : vector<1x1x16xf32> to vector<16xf32>
        %get3A_457 = arith.constant 1 : i32
        %get3A_458 = arith.index_cast %get3A_457 : i32 to index
        %get3A_459 = arith.index_cast %add3A_407 : i32 to index
        %get3A_460 = arith.constant 32 : index
        %get3A_461 = tpu.vector_load %arg11[%get3A_458, %get3A_459, %get3A_460] {strides = array<i32>} : memref<2x100x64xf32, #tpu.memory_space<vmem>>, vector<1x1x16xf32>,
        %get3A_462 = vector.shape_cast %get3A_461 : vector<1x1x16xf32> to vector<16xf32>
        %add3A_463 = arith.addf %get3A_456, %get3A_462 : vector<16xf32>
        %max3A_464 = arith.constant 0.000000e+00 : f32
        %max3A_465 = vector.broadcast %max3A_464 : f32 to vector<16xf32>
        %max3A_466 = arith.maximumf %add3A_463, %max3A_465 : vector<16xf32>
        %swap3A_467 = arith.constant 1 : i32
        %swap3A_468 = arith.index_cast %swap3A_467 : i32 to index
        %swap3A_469 = arith.index_cast %add3A_407 : i32 to index
        %swap3A_470 = arith.constant 32 : index
        %swap3A_471 = tpu.vector_load %arg11[%swap3A_468, %swap3A_469, %swap3A_470] {strides = array<i32>} : memref<2x100x64xf32, #tpu.memory_space<vmem>>, vector<1x1x16xf32>,
        %swap3A_472 = vector.shape_cast %swap3A_471 : vector<1x1x16xf32> to vector<16xf32>
        %swap3A_473 = vector.shape_cast %max3A_466 : vector<16xf32> to vector<1x1x16xf32>
        tpu.vector_store %arg11[%swap3A_468, %swap3A_469, %swap3A_470], %swap3A_473 {strides = array<i32>} : memref<2x100x64xf32, #tpu.memory_space<vmem>>, vector<1x1x16xf32>,
        %get3A_474 = arith.constant 1 : i32
        %get3A_475 = arith.index_cast %get3A_474 : i32 to index
        %get3A_476 = arith.index_cast %add3A_407 : i32 to index
        %get3A_477 = arith.constant 48 : index
        %get3A_478 = tpu.vector_load %arg10[%get3A_475, %get3A_476, %get3A_477] {strides = array<i32>} : memref<2x100x64xf32, #tpu.memory_space<vmem>>, vector<1x1x16xf32>,
        %get3A_479 = vector.shape_cast %get3A_478 : vector<1x1x16xf32> to vector<16xf32>
        %get3A_480 = arith.constant 1 : i32
        %get3A_481 = arith.index_cast %get3A_480 : i32 to index
        %get3A_482 = arith.index_cast %add3A_407 : i32 to index
        %get3A_483 = arith.constant 48 : index
        %get3A_484 = tpu.vector_load %arg11[%get3A_481, %get3A_482, %get3A_483] {strides = array<i32>} : memref<2x100x64xf32, #tpu.memory_space<vmem>>, vector<1x1x16xf32>,
        %get3A_485 = vector.shape_cast %get3A_484 : vector<1x1x16xf32> to vector<16xf32>
        %add3A_486 = arith.addf %get3A_479, %get3A_485 : vector<16xf32>
        %max3A_487 = arith.constant 0.000000e+00 : f32
        %max3A_488 = vector.broadcast %max3A_487 : f32 to vector<16xf32>
        %max3A_489 = arith.maximumf %add3A_486, %max3A_488 : vector<16xf32>
        %swap3A_490 = arith.constant 1 : i32
        %swap3A_491 = arith.index_cast %swap3A_490 : i32 to index
        %swap3A_492 = arith.index_cast %add3A_407 : i32 to index
        %swap3A_493 = arith.constant 48 : index
        %swap3A_494 = tpu.vector_load %arg11[%swap3A_491, %swap3A_492, %swap3A_493] {strides = array<i32>} : memref<2x100x64xf32, #tpu.memory_space<vmem>>, vector<1x1x16xf32>,
        %swap3A_495 = vector.shape_cast %swap3A_494 : vector<1x1x16xf32> to vector<16xf32>
        %swap3A_496 = vector.shape_cast %max3A_489 : vector<16xf32> to vector<1x1x16xf32>
        tpu.vector_store %arg11[%swap3A_491, %swap3A_492, %swap3A_493], %swap3A_496 {strides = array<i32>} : memref<2x100x64xf32, #tpu.memory_space<vmem>>, vector<1x1x16xf32>,
      }
      %scan3A_351 = arith.constant 100 : i32
      %dma_start3A_352 = arith.constant 1 : i32
      %dma_start3A_353 = arith.constant 0 : i32
      %dma_start3A_354 = arith.constant 0 : i32
      %dma_start3A_355 = tpu.memref_slice %arg11[%dma_start3A_352, %dma_start3A_353, %dma_start3A_354] : memref<2x100x64xf32, #tpu.memory_space<vmem>> -> memref<1x100x64xf32, #tpu.memory_space<vmem>>
      %dma_start3A_356 = tpu.memref_squeeze %dma_start3A_355 : memref<1x100x64xf32, #tpu.memory_space<vmem>> -> memref<100x64xf32, #tpu.memory_space<vmem>>
      %dma_start3A_357 = arith.constant 0 : i32
      %dma_start3A_358 = tpu.memref_slice %arg8[%add3A_319, %dma_start3A_357] : memref<100x100xi32, #tpu.memory_space<vmem>> -> memref<1x100xi32, #tpu.memory_space<vmem>>
      %dma_start3A_359 = tpu.memref_squeeze %dma_start3A_358 : memref<1x100xi32, #tpu.memory_space<vmem>> -> memref<100xi32, #tpu.memory_space<vmem>>
      %dma_start3A_360 = arith.constant 0 : i32
      %dma_start3A_361 = arith.constant 0 : i32
      %dma_start3A_362 = tpu.memref_slice %arg12[%dma_start3A_360, %dma_start3A_361] : memref<10240x64xf32, #tpu.memory_space<vmem_shared>> -> memref<10240x64xf32, #tpu.memory_space<vmem_shared>>
      tpu.enqueue_indirect_dma source(%dma_start3A_356 : memref<100x64xf32, #tpu.memory_space<vmem>>) target(%dma_start3A_362 : memref<10240x64xf32, #tpu.memory_space<vmem_shared>>) offsets(%dma_start3A_359 : memref<100xi32, #tpu.memory_space<vmem>>) semaphore(%arg18 : memref<!tpu.dma_semaphore, #tpu.memory_space<semaphore_mem>>) {add = true}
      %dma_wait3A_363 = arith.constant 1 : i32
      %dma_wait3A_364 = arith.constant 0 : i32
      %dma_wait3A_365 = arith.constant 0 : i32
      %dma_wait3A_366 = tpu.memref_slice %arg11[%dma_wait3A_363, %dma_wait3A_364, %dma_wait3A_365] : memref<2x100x64xf32, #tpu.memory_space<vmem>> -> memref<1x100x64xf32, #tpu.memory_space<vmem>>
      %dma_wait3A_367 = tpu.memref_squeeze %dma_wait3A_366 : memref<1x100x64xf32, #tpu.memory_space<vmem>> -> memref<100x64xf32, #tpu.memory_space<vmem>>
      %dma_wait3A_368 = arith.constant 0 : i32
      %dma_wait3A_369 = tpu.memref_slice %arg8[%add3A_319, %dma_wait3A_368] : memref<100x100xi32, #tpu.memory_space<vmem>> -> memref<1x100xi32, #tpu.memory_space<vmem>>
      %dma_wait3A_370 = tpu.memref_squeeze %dma_wait3A_369 : memref<1x100xi32, #tpu.memory_space<vmem>> -> memref<100xi32, #tpu.memory_space<vmem>>
      %dma_wait3A_371 = arith.constant 0 : i32
      %dma_wait3A_372 = arith.constant 0 : i32
      %dma_wait3A_373 = tpu.memref_slice %arg12[%dma_wait3A_371, %dma_wait3A_372] : memref<10240x64xf32, #tpu.memory_space<vmem_shared>> -> memref<10240x64xf32, #tpu.memory_space<vmem_shared>>
      tpu.wait_indirect_dma semaphore(%arg18 : memref<!tpu.dma_semaphore, #tpu.memory_space<semaphore_mem>>) src(%dma_wait3A_367 : memref<100x64xf32, #tpu.memory_space<vmem>>) dst(%dma_wait3A_373 : memref<10240x64xf32, #tpu.memory_space<vmem_shared>>)
      %add3A_374 = arith.constant 2 : i32
      %add3A_375 = arith.addi %add3A_319, %add3A_374 : i32
      %dma_start3A_376 = arith.constant 1 : i32
      %dma_start3A_377 = arith.constant 0 : i32
      %dma_start3A_378 = arith.constant 0 : i32
      %dma_start3A_379 = tpu.memref_slice %arg10[%dma_start3A_376, %dma_start3A_377, %dma_start3A_378] : memref<2x100x64xf32, #tpu.memory_space<vmem>> -> memref<1x100x64xf32, #tpu.memory_space<vmem>>
      %dma_start3A_380 = tpu.memref_squeeze %dma_start3A_379 : memref<1x100x64xf32, #tpu.memory_space<vmem>> -> memref<100x64xf32, #tpu.memory_space<vmem>>
      %dma_start3A_381 = arith.constant 0 : i32
      %dma_start3A_382 = tpu.memref_slice %arg7[%add3A_375, %dma_start3A_381] : memref<100x100xi32, #tpu.memory_space<vmem>> -> memref<1x100xi32, #tpu.memory_space<vmem>>
      %dma_start3A_383 = tpu.memref_squeeze %dma_start3A_382 : memref<1x100xi32, #tpu.memory_space<vmem>> -> memref<100xi32, #tpu.memory_space<vmem>>
      %dma_start3A_384 = arith.constant 0 : i32
      %dma_start3A_385 = arith.constant 0 : i32
      %dma_start3A_386 = tpu.memref_slice %arg2[%dma_start3A_384, %dma_start3A_385] : memref<10000x64xf32, #tpu.memory_space<hbm>> -> memref<10000x64xf32, #tpu.memory_space<hbm>>
      tpu.enqueue_indirect_dma source(%dma_start3A_386 : memref<10000x64xf32, #tpu.memory_space<hbm>>) target(%dma_start3A_380 : memref<100x64xf32, #tpu.memory_space<vmem>>) offsets(%dma_start3A_383 : memref<100xi32, #tpu.memory_space<vmem>>) semaphore(%arg14 : memref<!tpu.dma_semaphore, #tpu.memory_space<semaphore_mem>>)
      %add3A_387 = arith.addi %mul3A_27, %add3A_375 : i32
      %mul3A_388 = arith.constant 100 : i32
      %mul3A_389 = arith.muli %add3A_387, %mul3A_388 : i32
      %dma_start3A_390 = arith.constant 1 : i32
      %dma_start3A_391 = arith.constant 0 : i32
      %dma_start3A_392 = arith.constant 0 : i32
      %dma_start3A_393 = tpu.memref_slice %arg11[%dma_start3A_390, %dma_start3A_391, %dma_start3A_392] : memref<2x100x64xf32, #tpu.memory_space<vmem>> -> memref<1x100x64xf32, #tpu.memory_space<vmem>>
      %dma_start3A_394 = tpu.memref_squeeze %dma_start3A_393 : memref<1x100x64xf32, #tpu.memory_space<vmem>> -> memref<100x64xf32, #tpu.memory_space<vmem>>
      %dma_start3A_395 = arith.constant 0 : i32
      %dma_start3A_396 = tpu.memref_slice %arg3[%mul3A_389, %dma_start3A_395] : memref<320000x64xf32, #tpu.memory_space<hbm>> -> memref<100x64xf32, #tpu.memory_space<hbm>>
      %dma_start3A_397 = arith.constant 0 : i32
      %dma_start3A_398 = arith.constant 0 : i32
      %dma_start3A_399 = tpu.memref_slice %arg11[%dma_start3A_390, %dma_start3A_397, %dma_start3A_398] : memref<2x100x64xf32, #tpu.memory_space<vmem>> -> memref<1x100x64xf32, #tpu.memory_space<vmem>>
      %dma_start3A_400 = tpu.memref_squeeze %dma_start3A_399 : memref<1x100x64xf32, #tpu.memory_space<vmem>> -> memref<100x64xf32, #tpu.memory_space<vmem>>
      %dma_start3A_401 = arith.constant 0 : i32
      %dma_start3A_402 = tpu.memref_slice %arg3[%mul3A_389, %dma_start3A_401] : memref<320000x64xf32, #tpu.memory_space<hbm>> -> memref<100x64xf32, #tpu.memory_space<hbm>>
      tpu.enqueue_dma source(%dma_start3A_402 : memref<100x64xf32, #tpu.memory_space<hbm>>) target(%dma_start3A_400 : memref<100x64xf32, #tpu.memory_space<vmem>>) target_semaphore(%arg16 : memref<!tpu.dma_semaphore, #tpu.memory_space<semaphore_mem>>)
    }
    %scan3A_89 = arith.constant 49 : i32
    %dma_wait3A = arith.constant 98 : i32
    %dma_wait3A_90 = arith.constant 0 : i32
    %dma_wait3A_91 = arith.constant 0 : i32
    %dma_wait3A_92 = arith.constant 0 : i32
    %dma_wait3A_93 = tpu.memref_slice %arg10[%dma_wait3A_90, %dma_wait3A_91, %dma_wait3A_92] : memref<2x100x64xf32, #tpu.memory_space<vmem>> -> memref<1x100x64xf32, #tpu.memory_space<vmem>>
    %dma_wait3A_94 = tpu.memref_squeeze %dma_wait3A_93 : memref<1x100x64xf32, #tpu.memory_space<vmem>> -> memref<100x64xf32, #tpu.memory_space<vmem>>
    %dma_wait3A_95 = arith.constant 0 : i32
    %dma_wait3A_96 = tpu.memref_slice %arg7[%dma_wait3A, %dma_wait3A_95] : memref<100x100xi32, #tpu.memory_space<vmem>> -> memref<1x100xi32, #tpu.memory_space<vmem>>
    %dma_wait3A_97 = tpu.memref_squeeze %dma_wait3A_96 : memref<1x100xi32, #tpu.memory_space<vmem>> -> memref<100xi32, #tpu.memory_space<vmem>>
    %dma_wait3A_98 = arith.constant 0 : i32
    %dma_wait3A_99 = arith.constant 0 : i32
    %dma_wait3A_100 = tpu.memref_slice %arg2[%dma_wait3A_98, %dma_wait3A_99] : memref<10000x64xf32, #tpu.memory_space<hbm>> -> memref<10000x64xf32, #tpu.memory_space<hbm>>
    tpu.wait_indirect_dma semaphore(%arg13 : memref<!tpu.dma_semaphore, #tpu.memory_space<semaphore_mem>>) src(%dma_wait3A_100 : memref<10000x64xf32, #tpu.memory_space<hbm>>) dst(%dma_wait3A_94 : memref<100x64xf32, #tpu.memory_space<vmem>>)
    %add3A_101 = arith.constant 98 : i32
    %add3A_102 = arith.addi %mul3A_27, %add3A_101 : i32
    %mul3A_103 = arith.constant 100 : i32
    %mul3A_104 = arith.muli %add3A_102, %mul3A_103 : i32
    %dma_wait3A_105 = arith.constant 0 : i32
    %dma_wait3A_106 = arith.constant 0 : i32
    %dma_wait3A_107 = arith.constant 0 : i32
    %dma_wait3A_108 = tpu.memref_slice %arg11[%dma_wait3A_105, %dma_wait3A_106, %dma_wait3A_107] : memref<2x100x64xf32, #tpu.memory_space<vmem>> -> memref<1x100x64xf32, #tpu.memory_space<vmem>>
    %dma_wait3A_109 = tpu.memref_squeeze %dma_wait3A_108 : memref<1x100x64xf32, #tpu.memory_space<vmem>> -> memref<100x64xf32, #tpu.memory_space<vmem>>
    %dma_wait3A_110 = arith.constant 0 : i32
    %dma_wait3A_111 = tpu.memref_slice %arg3[%mul3A_104, %dma_wait3A_110] : memref<320000x64xf32, #tpu.memory_space<hbm>> -> memref<100x64xf32, #tpu.memory_space<hbm>>
    %dma_wait3A_112 = arith.constant 0 : i32
    %dma_wait3A_113 = arith.constant 0 : i32
    %dma_wait3A_114 = tpu.memref_slice %arg11[%dma_wait3A_105, %dma_wait3A_112, %dma_wait3A_113] : memref<2x100x64xf32, #tpu.memory_space<vmem>> -> memref<1x100x64xf32, #tpu.memory_space<vmem>>
    %dma_wait3A_115 = tpu.memref_squeeze %dma_wait3A_114 : memref<1x100x64xf32, #tpu.memory_space<vmem>> -> memref<100x64xf32, #tpu.memory_space<vmem>>
    %dma_wait3A_116 = arith.constant 0 : i32
    %dma_wait3A_117 = tpu.memref_slice %arg3[%mul3A_104, %dma_wait3A_116] : memref<320000x64xf32, #tpu.memory_space<hbm>> -> memref<100x64xf32, #tpu.memory_space<hbm>>
    tpu.wait_dma2 semaphore(%arg15 : memref<!tpu.dma_semaphore, #tpu.memory_space<semaphore_mem>>) src(%dma_wait3A_117 : memref<100x64xf32, #tpu.memory_space<hbm>>) dst(%dma_wait3A_115 : memref<100x64xf32, #tpu.memory_space<vmem>>)
    %scan3A_118 = arith.constant 0 : i32
    %scan3A_119 = arith.constant 100 : i32
    %scan3A_120 = arith.addi %scan3A_118, %scan3A_119 : i32
    %scan3A_121 = arith.constant 1 : i32
    scf.for %scan3A_226 = %scan3A_118 to %scan3A_120 step %scan3A_121  : i32 {
      %mul3A_227 = arith.constant 1 : i32
      %mul3A_228 = arith.muli %scan3A_226, %mul3A_227 : i32
      %add3A_229 = arith.constant 0 : i32
      %add3A_230 = arith.addi %add3A_229, %mul3A_228 : i32
      %get3A = arith.constant 0 : i32
      %get3A_231 = arith.index_cast %get3A : i32 to index
      %get3A_232 = arith.index_cast %add3A_230 : i32 to index
      %get3A_233 = arith.constant 0 : index
      %get3A_234 = tpu.vector_load %arg10[%get3A_231, %get3A_232, %get3A_233] {strides = array<i32>} : memref<2x100x64xf32, #tpu.memory_space<vmem>>, vector<1x1x16xf32>,
      %get3A_235 = vector.shape_cast %get3A_234 : vector<1x1x16xf32> to vector<16xf32>
      %get3A_236 = arith.constant 0 : i32
      %get3A_237 = arith.index_cast %get3A_236 : i32 to index
      %get3A_238 = arith.index_cast %add3A_230 : i32 to index
      %get3A_239 = arith.constant 0 : index
      %get3A_240 = tpu.vector_load %arg11[%get3A_237, %get3A_238, %get3A_239] {strides = array<i32>} : memref<2x100x64xf32, #tpu.memory_space<vmem>>, vector<1x1x16xf32>,
      %get3A_241 = vector.shape_cast %get3A_240 : vector<1x1x16xf32> to vector<16xf32>
      %add3A_242 = arith.addf %get3A_235, %get3A_241 : vector<16xf32>
      %max3A = arith.constant 0.000000e+00 : f32
      %max3A_243 = vector.broadcast %max3A : f32 to vector<16xf32>
      %max3A_244 = arith.maximumf %add3A_242, %max3A_243 : vector<16xf32>
      %swap3A = arith.constant 0 : i32
      %swap3A_245 = arith.index_cast %swap3A : i32 to index
      %swap3A_246 = arith.index_cast %add3A_230 : i32 to index
      %swap3A_247 = arith.constant 0 : index
      %swap3A_248 = tpu.vector_load %arg11[%swap3A_245, %swap3A_246, %swap3A_247] {strides = array<i32>} : memref<2x100x64xf32, #tpu.memory_space<vmem>>, vector<1x1x16xf32>,
      %swap3A_249 = vector.shape_cast %swap3A_248 : vector<1x1x16xf32> to vector<16xf32>
      %swap3A_250 = vector.shape_cast %max3A_244 : vector<16xf32> to vector<1x1x16xf32>
      tpu.vector_store %arg11[%swap3A_245, %swap3A_246, %swap3A_247], %swap3A_250 {strides = array<i32>} : memref<2x100x64xf32, #tpu.memory_space<vmem>>, vector<1x1x16xf32>,
      %get3A_251 = arith.constant 0 : i32
      %get3A_252 = arith.index_cast %get3A_251 : i32 to index
      %get3A_253 = arith.index_cast %add3A_230 : i32 to index
      %get3A_254 = arith.constant 16 : index
      %get3A_255 = tpu.vector_load %arg10[%get3A_252, %get3A_253, %get3A_254] {strides = array<i32>} : memref<2x100x64xf32, #tpu.memory_space<vmem>>, vector<1x1x16xf32>,
      %get3A_256 = vector.shape_cast %get3A_255 : vector<1x1x16xf32> to vector<16xf32>
      %get3A_257 = arith.constant 0 : i32
      %get3A_258 = arith.index_cast %get3A_257 : i32 to index
      %get3A_259 = arith.index_cast %add3A_230 : i32 to index
      %get3A_260 = arith.constant 16 : index
      %get3A_261 = tpu.vector_load %arg11[%get3A_258, %get3A_259, %get3A_260] {strides = array<i32>} : memref<2x100x64xf32, #tpu.memory_space<vmem>>, vector<1x1x16xf32>,
      %get3A_262 = vector.shape_cast %get3A_261 : vector<1x1x16xf32> to vector<16xf32>
      %add3A_263 = arith.addf %get3A_256, %get3A_262 : vector<16xf32>
      %max3A_264 = arith.constant 0.000000e+00 : f32
      %max3A_265 = vector.broadcast %max3A_264 : f32 to vector<16xf32>
      %max3A_266 = arith.maximumf %add3A_263, %max3A_265 : vector<16xf32>
      %swap3A_267 = arith.constant 0 : i32
      %swap3A_268 = arith.index_cast %swap3A_267 : i32 to index
      %swap3A_269 = arith.index_cast %add3A_230 : i32 to index
      %swap3A_270 = arith.constant 16 : index
      %swap3A_271 = tpu.vector_load %arg11[%swap3A_268, %swap3A_269, %swap3A_270] {strides = array<i32>} : memref<2x100x64xf32, #tpu.memory_space<vmem>>, vector<1x1x16xf32>,
      %swap3A_272 = vector.shape_cast %swap3A_271 : vector<1x1x16xf32> to vector<16xf32>
      %swap3A_273 = vector.shape_cast %max3A_266 : vector<16xf32> to vector<1x1x16xf32>
      tpu.vector_store %arg11[%swap3A_268, %swap3A_269, %swap3A_270], %swap3A_273 {strides = array<i32>} : memref<2x100x64xf32, #tpu.memory_space<vmem>>, vector<1x1x16xf32>,
      %get3A_274 = arith.constant 0 : i32
      %get3A_275 = arith.index_cast %get3A_274 : i32 to index
      %get3A_276 = arith.index_cast %add3A_230 : i32 to index
      %get3A_277 = arith.constant 32 : index
      %get3A_278 = tpu.vector_load %arg10[%get3A_275, %get3A_276, %get3A_277] {strides = array<i32>} : memref<2x100x64xf32, #tpu.memory_space<vmem>>, vector<1x1x16xf32>,
      %get3A_279 = vector.shape_cast %get3A_278 : vector<1x1x16xf32> to vector<16xf32>
      %get3A_280 = arith.constant 0 : i32
      %get3A_281 = arith.index_cast %get3A_280 : i32 to index
      %get3A_282 = arith.index_cast %add3A_230 : i32 to index
      %get3A_283 = arith.constant 32 : index
      %get3A_284 = tpu.vector_load %arg11[%get3A_281, %get3A_282, %get3A_283] {strides = array<i32>} : memref<2x100x64xf32, #tpu.memory_space<vmem>>, vector<1x1x16xf32>,
      %get3A_285 = vector.shape_cast %get3A_284 : vector<1x1x16xf32> to vector<16xf32>
      %add3A_286 = arith.addf %get3A_279, %get3A_285 : vector<16xf32>
      %max3A_287 = arith.constant 0.000000e+00 : f32
      %max3A_288 = vector.broadcast %max3A_287 : f32 to vector<16xf32>
      %max3A_289 = arith.maximumf %add3A_286, %max3A_288 : vector<16xf32>
      %swap3A_290 = arith.constant 0 : i32
      %swap3A_291 = arith.index_cast %swap3A_290 : i32 to index
      %swap3A_292 = arith.index_cast %add3A_230 : i32 to index
      %swap3A_293 = arith.constant 32 : index
      %swap3A_294 = tpu.vector_load %arg11[%swap3A_291, %swap3A_292, %swap3A_293] {strides = array<i32>} : memref<2x100x64xf32, #tpu.memory_space<vmem>>, vector<1x1x16xf32>,
      %swap3A_295 = vector.shape_cast %swap3A_294 : vector<1x1x16xf32> to vector<16xf32>
      %swap3A_296 = vector.shape_cast %max3A_289 : vector<16xf32> to vector<1x1x16xf32>
      tpu.vector_store %arg11[%swap3A_291, %swap3A_292, %swap3A_293], %swap3A_296 {strides = array<i32>} : memref<2x100x64xf32, #tpu.memory_space<vmem>>, vector<1x1x16xf32>,
      %get3A_297 = arith.constant 0 : i32
      %get3A_298 = arith.index_cast %get3A_297 : i32 to index
      %get3A_299 = arith.index_cast %add3A_230 : i32 to index
      %get3A_300 = arith.constant 48 : index
      %get3A_301 = tpu.vector_load %arg10[%get3A_298, %get3A_299, %get3A_300] {strides = array<i32>} : memref<2x100x64xf32, #tpu.memory_space<vmem>>, vector<1x1x16xf32>,
      %get3A_302 = vector.shape_cast %get3A_301 : vector<1x1x16xf32> to vector<16xf32>
      %get3A_303 = arith.constant 0 : i32
      %get3A_304 = arith.index_cast %get3A_303 : i32 to index
      %get3A_305 = arith.index_cast %add3A_230 : i32 to index
      %get3A_306 = arith.constant 48 : index
      %get3A_307 = tpu.vector_load %arg11[%get3A_304, %get3A_305, %get3A_306] {strides = array<i32>} : memref<2x100x64xf32, #tpu.memory_space<vmem>>, vector<1x1x16xf32>,
      %get3A_308 = vector.shape_cast %get3A_307 : vector<1x1x16xf32> to vector<16xf32>
      %add3A_309 = arith.addf %get3A_302, %get3A_308 : vector<16xf32>
      %max3A_310 = arith.constant 0.000000e+00 : f32
      %max3A_311 = vector.broadcast %max3A_310 : f32 to vector<16xf32>
      %max3A_312 = arith.maximumf %add3A_309, %max3A_311 : vector<16xf32>
      %swap3A_313 = arith.constant 0 : i32
      %swap3A_314 = arith.index_cast %swap3A_313 : i32 to index
      %swap3A_315 = arith.index_cast %add3A_230 : i32 to index
      %swap3A_316 = arith.constant 48 : index
      %swap3A_317 = tpu.vector_load %arg11[%swap3A_314, %swap3A_315, %swap3A_316] {strides = array<i32>} : memref<2x100x64xf32, #tpu.memory_space<vmem>>, vector<1x1x16xf32>,
      %swap3A_318 = vector.shape_cast %swap3A_317 : vector<1x1x16xf32> to vector<16xf32>
      %swap3A_319 = vector.shape_cast %max3A_312 : vector<16xf32> to vector<1x1x16xf32>
      tpu.vector_store %arg11[%swap3A_314, %swap3A_315, %swap3A_316], %swap3A_319 {strides = array<i32>} : memref<2x100x64xf32, #tpu.memory_space<vmem>>, vector<1x1x16xf32>,
    }
    %scan3A_122 = arith.constant 100 : i32
    %dma_start3A_123 = arith.constant 0 : i32
    %dma_start3A_124 = arith.constant 98 : i32
    %dma_start3A_125 = arith.constant 0 : i32
    %dma_start3A_126 = arith.constant 0 : i32
    %dma_start3A_127 = tpu.memref_slice %arg11[%dma_start3A_123, %dma_start3A_125, %dma_start3A_126] : memref<2x100x64xf32, #tpu.memory_space<vmem>> -> memref<1x100x64xf32, #tpu.memory_space<vmem>>
    %dma_start3A_128 = tpu.memref_squeeze %dma_start3A_127 : memref<1x100x64xf32, #tpu.memory_space<vmem>> -> memref<100x64xf32, #tpu.memory_space<vmem>>
    %dma_start3A_129 = arith.constant 0 : i32
    %dma_start3A_130 = tpu.memref_slice %arg8[%dma_start3A_124, %dma_start3A_129] : memref<100x100xi32, #tpu.memory_space<vmem>> -> memref<1x100xi32, #tpu.memory_space<vmem>>
    %dma_start3A_131 = tpu.memref_squeeze %dma_start3A_130 : memref<1x100xi32, #tpu.memory_space<vmem>> -> memref<100xi32, #tpu.memory_space<vmem>>
    %dma_start3A_132 = arith.constant 0 : i32
    %dma_start3A_133 = arith.constant 0 : i32
    %dma_start3A_134 = tpu.memref_slice %arg12[%dma_start3A_132, %dma_start3A_133] : memref<10240x64xf32, #tpu.memory_space<vmem_shared>> -> memref<10240x64xf32, #tpu.memory_space<vmem_shared>>
    tpu.enqueue_indirect_dma source(%dma_start3A_128 : memref<100x64xf32, #tpu.memory_space<vmem>>) target(%dma_start3A_134 : memref<10240x64xf32, #tpu.memory_space<vmem_shared>>) offsets(%dma_start3A_131 : memref<100xi32, #tpu.memory_space<vmem>>) semaphore(%arg17 : memref<!tpu.dma_semaphore, #tpu.memory_space<semaphore_mem>>) {add = true}
    %dma_wait3A_135 = arith.constant 0 : i32
    %dma_wait3A_136 = arith.constant 98 : i32
    %dma_wait3A_137 = arith.constant 0 : i32
    %dma_wait3A_138 = arith.constant 0 : i32
    %dma_wait3A_139 = tpu.memref_slice %arg11[%dma_wait3A_135, %dma_wait3A_137, %dma_wait3A_138] : memref<2x100x64xf32, #tpu.memory_space<vmem>> -> memref<1x100x64xf32, #tpu.memory_space<vmem>>
    %dma_wait3A_140 = tpu.memref_squeeze %dma_wait3A_139 : memref<1x100x64xf32, #tpu.memory_space<vmem>> -> memref<100x64xf32, #tpu.memory_space<vmem>>
    %dma_wait3A_141 = arith.constant 0 : i32
    %dma_wait3A_142 = tpu.memref_slice %arg8[%dma_wait3A_136, %dma_wait3A_141] : memref<100x100xi32, #tpu.memory_space<vmem>> -> memref<1x100xi32, #tpu.memory_space<vmem>>
    %dma_wait3A_143 = tpu.memref_squeeze %dma_wait3A_142 : memref<1x100xi32, #tpu.memory_space<vmem>> -> memref<100xi32, #tpu.memory_space<vmem>>
    %dma_wait3A_144 = arith.constant 0 : i32
    %dma_wait3A_145 = arith.constant 0 : i32
    %dma_wait3A_146 = tpu.memref_slice %arg12[%dma_wait3A_144, %dma_wait3A_145] : memref<10240x64xf32, #tpu.memory_space<vmem_shared>> -> memref<10240x64xf32, #tpu.memory_space<vmem_shared>>
    tpu.wait_indirect_dma semaphore(%arg17 : memref<!tpu.dma_semaphore, #tpu.memory_space<semaphore_mem>>) src(%dma_wait3A_140 : memref<100x64xf32, #tpu.memory_space<vmem>>) dst(%dma_wait3A_146 : memref<10240x64xf32, #tpu.memory_space<vmem_shared>>)
    %dma_wait3A_147 = arith.constant 99 : i32
    %dma_wait3A_148 = arith.constant 1 : i32
    %dma_wait3A_149 = arith.constant 0 : i32
    %dma_wait3A_150 = arith.constant 0 : i32
    %dma_wait3A_151 = tpu.memref_slice %arg10[%dma_wait3A_148, %dma_wait3A_149, %dma_wait3A_150] : memref<2x100x64xf32, #tpu.memory_space<vmem>> -> memref<1x100x64xf32, #tpu.memory_space<vmem>>
    %dma_wait3A_152 = tpu.memref_squeeze %dma_wait3A_151 : memref<1x100x64xf32, #tpu.memory_space<vmem>> -> memref<100x64xf32, #tpu.memory_space<vmem>>
    %dma_wait3A_153 = arith.constant 0 : i32
    %dma_wait3A_154 = tpu.memref_slice %arg7[%dma_wait3A_147, %dma_wait3A_153] : memref<100x100xi32, #tpu.memory_space<vmem>> -> memref<1x100xi32, #tpu.memory_space<vmem>>
    %dma_wait3A_155 = tpu.memref_squeeze %dma_wait3A_154 : memref<1x100xi32, #tpu.memory_space<vmem>> -> memref<100xi32, #tpu.memory_space<vmem>>
    %dma_wait3A_156 = arith.constant 0 : i32
    %dma_wait3A_157 = arith.constant 0 : i32
    %dma_wait3A_158 = tpu.memref_slice %arg2[%dma_wait3A_156, %dma_wait3A_157] : memref<10000x64xf32, #tpu.memory_space<hbm>> -> memref<10000x64xf32, #tpu.memory_space<hbm>>
    tpu.wait_indirect_dma semaphore(%arg14 : memref<!tpu.dma_semaphore, #tpu.memory_space<semaphore_mem>>) src(%dma_wait3A_158 : memref<10000x64xf32, #tpu.memory_space<hbm>>) dst(%dma_wait3A_152 : memref<100x64xf32, #tpu.memory_space<vmem>>)
    %add3A_159 = arith.constant 99 : i32
    %add3A_160 = arith.addi %mul3A_27, %add3A_159 : i32
    %mul3A_161 = arith.constant 100 : i32
    %mul3A_162 = arith.muli %add3A_160, %mul3A_161 : i32
    %dma_wait3A_163 = arith.constant 1 : i32
    %dma_wait3A_164 = arith.constant 0 : i32
    %dma_wait3A_165 = arith.constant 0 : i32
    %dma_wait3A_166 = tpu.memref_slice %arg11[%dma_wait3A_163, %dma_wait3A_164, %dma_wait3A_165] : memref<2x100x64xf32, #tpu.memory_space<vmem>> -> memref<1x100x64xf32, #tpu.memory_space<vmem>>
    %dma_wait3A_167 = tpu.memref_squeeze %dma_wait3A_166 : memref<1x100x64xf32, #tpu.memory_space<vmem>> -> memref<100x64xf32, #tpu.memory_space<vmem>>
    %dma_wait3A_168 = arith.constant 0 : i32
    %dma_wait3A_169 = tpu.memref_slice %arg3[%mul3A_162, %dma_wait3A_168] : memref<320000x64xf32, #tpu.memory_space<hbm>> -> memref<100x64xf32, #tpu.memory_space<hbm>>
    %dma_wait3A_170 = arith.constant 0 : i32
    %dma_wait3A_171 = arith.constant 0 : i32
    %dma_wait3A_172 = tpu.memref_slice %arg11[%dma_wait3A_163, %dma_wait3A_170, %dma_wait3A_171] : memref<2x100x64xf32, #tpu.memory_space<vmem>> -> memref<1x100x64xf32, #tpu.memory_space<vmem>>
    %dma_wait3A_173 = tpu.memref_squeeze %dma_wait3A_172 : memref<1x100x64xf32, #tpu.memory_space<vmem>> -> memref<100x64xf32, #tpu.memory_space<vmem>>
    %dma_wait3A_174 = arith.constant 0 : i32
    %dma_wait3A_175 = tpu.memref_slice %arg3[%mul3A_162, %dma_wait3A_174] : memref<320000x64xf32, #tpu.memory_space<hbm>> -> memref<100x64xf32, #tpu.memory_space<hbm>>
    tpu.wait_dma2 semaphore(%arg16 : memref<!tpu.dma_semaphore, #tpu.memory_space<semaphore_mem>>) src(%dma_wait3A_175 : memref<100x64xf32, #tpu.memory_space<hbm>>) dst(%dma_wait3A_173 : memref<100x64xf32, #tpu.memory_space<vmem>>)
    %scan3A_176 = arith.constant 0 : i32
    %scan3A_177 = arith.constant 100 : i32
    %scan3A_178 = arith.addi %scan3A_176, %scan3A_177 : i32
    %scan3A_179 = arith.constant 1 : i32
    scf.for %scan3A_226 = %scan3A_176 to %scan3A_178 step %scan3A_179  : i32 {
      %mul3A_227 = arith.constant 1 : i32
      %mul3A_228 = arith.muli %scan3A_226, %mul3A_227 : i32
      %add3A_229 = arith.constant 0 : i32
      %add3A_230 = arith.addi %add3A_229, %mul3A_228 : i32
      %get3A = arith.constant 1 : i32
      %get3A_231 = arith.index_cast %get3A : i32 to index
      %get3A_232 = arith.index_cast %add3A_230 : i32 to index
      %get3A_233 = arith.constant 0 : index
      %get3A_234 = tpu.vector_load %arg10[%get3A_231, %get3A_232, %get3A_233] {strides = array<i32>} : memref<2x100x64xf32, #tpu.memory_space<vmem>>, vector<1x1x16xf32>,
      %get3A_235 = vector.shape_cast %get3A_234 : vector<1x1x16xf32> to vector<16xf32>
      %get3A_236 = arith.constant 1 : i32
      %get3A_237 = arith.index_cast %get3A_236 : i32 to index
      %get3A_238 = arith.index_cast %add3A_230 : i32 to index
      %get3A_239 = arith.constant 0 : index
      %get3A_240 = tpu.vector_load %arg11[%get3A_237, %get3A_238, %get3A_239] {strides = array<i32>} : memref<2x100x64xf32, #tpu.memory_space<vmem>>, vector<1x1x16xf32>,
      %get3A_241 = vector.shape_cast %get3A_240 : vector<1x1x16xf32> to vector<16xf32>
      %add3A_242 = arith.addf %get3A_235, %get3A_241 : vector<16xf32>
      %max3A = arith.constant 0.000000e+00 : f32
      %max3A_243 = vector.broadcast %max3A : f32 to vector<16xf32>
      %max3A_244 = arith.maximumf %add3A_242, %max3A_243 : vector<16xf32>
      %swap3A = arith.constant 1 : i32
      %swap3A_245 = arith.index_cast %swap3A : i32 to index
      %swap3A_246 = arith.index_cast %add3A_230 : i32 to index
      %swap3A_247 = arith.constant 0 : index
      %swap3A_248 = tpu.vector_load %arg11[%swap3A_245, %swap3A_246, %swap3A_247] {strides = array<i32>} : memref<2x100x64xf32, #tpu.memory_space<vmem>>, vector<1x1x16xf32>,
      %swap3A_249 = vector.shape_cast %swap3A_248 : vector<1x1x16xf32> to vector<16xf32>
      %swap3A_250 = vector.shape_cast %max3A_244 : vector<16xf32> to vector<1x1x16xf32>
      tpu.vector_store %arg11[%swap3A_245, %swap3A_246, %swap3A_247], %swap3A_250 {strides = array<i32>} : memref<2x100x64xf32, #tpu.memory_space<vmem>>, vector<1x1x16xf32>,
      %get3A_251 = arith.constant 1 : i32
      %get3A_252 = arith.index_cast %get3A_251 : i32 to index
      %get3A_253 = arith.index_cast %add3A_230 : i32 to index
      %get3A_254 = arith.constant 16 : index
      %get3A_255 = tpu.vector_load %arg10[%get3A_252, %get3A_253, %get3A_254] {strides = array<i32>} : memref<2x100x64xf32, #tpu.memory_space<vmem>>, vector<1x1x16xf32>,
      %get3A_256 = vector.shape_cast %get3A_255 : vector<1x1x16xf32> to vector<16xf32>
      %get3A_257 = arith.constant 1 : i32
      %get3A_258 = arith.index_cast %get3A_257 : i32 to index
      %get3A_259 = arith.index_cast %add3A_230 : i32 to index
      %get3A_260 = arith.constant 16 : index
      %get3A_261 = tpu.vector_load %arg11[%get3A_258, %get3A_259, %get3A_260] {strides = array<i32>} : memref<2x100x64xf32, #tpu.memory_space<vmem>>, vector<1x1x16xf32>,
      %get3A_262 = vector.shape_cast %get3A_261 : vector<1x1x16xf32> to vector<16xf32>
      %add3A_263 = arith.addf %get3A_256, %get3A_262 : vector<16xf32>
      %max3A_264 = arith.constant 0.000000e+00 : f32
      %max3A_265 = vector.broadcast %max3A_264 : f32 to vector<16xf32>
      %max3A_266 = arith.maximumf %add3A_263, %max3A_265 : vector<16xf32>
      %swap3A_267 = arith.constant 1 : i32
      %swap3A_268 = arith.index_cast %swap3A_267 : i32 to index
      %swap3A_269 = arith.index_cast %add3A_230 : i32 to index
      %swap3A_270 = arith.constant 16 : index
      %swap3A_271 = tpu.vector_load %arg11[%swap3A_268, %swap3A_269, %swap3A_270] {strides = array<i32>} : memref<2x100x64xf32, #tpu.memory_space<vmem>>, vector<1x1x16xf32>,
      %swap3A_272 = vector.shape_cast %swap3A_271 : vector<1x1x16xf32> to vector<16xf32>
      %swap3A_273 = vector.shape_cast %max3A_266 : vector<16xf32> to vector<1x1x16xf32>
      tpu.vector_store %arg11[%swap3A_268, %swap3A_269, %swap3A_270], %swap3A_273 {strides = array<i32>} : memref<2x100x64xf32, #tpu.memory_space<vmem>>, vector<1x1x16xf32>,
      %get3A_274 = arith.constant 1 : i32
      %get3A_275 = arith.index_cast %get3A_274 : i32 to index
      %get3A_276 = arith.index_cast %add3A_230 : i32 to index
      %get3A_277 = arith.constant 32 : index
      %get3A_278 = tpu.vector_load %arg10[%get3A_275, %get3A_276, %get3A_277] {strides = array<i32>} : memref<2x100x64xf32, #tpu.memory_space<vmem>>, vector<1x1x16xf32>,
      %get3A_279 = vector.shape_cast %get3A_278 : vector<1x1x16xf32> to vector<16xf32>
      %get3A_280 = arith.constant 1 : i32
      %get3A_281 = arith.index_cast %get3A_280 : i32 to index
      %get3A_282 = arith.index_cast %add3A_230 : i32 to index
      %get3A_283 = arith.constant 32 : index
      %get3A_284 = tpu.vector_load %arg11[%get3A_281, %get3A_282, %get3A_283] {strides = array<i32>} : memref<2x100x64xf32, #tpu.memory_space<vmem>>, vector<1x1x16xf32>,
      %get3A_285 = vector.shape_cast %get3A_284 : vector<1x1x16xf32> to vector<16xf32>
      %add3A_286 = arith.addf %get3A_279, %get3A_285 : vector<16xf32>
      %max3A_287 = arith.constant 0.000000e+00 : f32
      %max3A_288 = vector.broadcast %max3A_287 : f32 to vector<16xf32>
      %max3A_289 = arith.maximumf %add3A_286, %max3A_288 : vector<16xf32>
      %swap3A_290 = arith.constant 1 : i32
      %swap3A_291 = arith.index_cast %swap3A_290 : i32 to index
      %swap3A_292 = arith.index_cast %add3A_230 : i32 to index
      %swap3A_293 = arith.constant 32 : index
      %swap3A_294 = tpu.vector_load %arg11[%swap3A_291, %swap3A_292, %swap3A_293] {strides = array<i32>} : memref<2x100x64xf32, #tpu.memory_space<vmem>>, vector<1x1x16xf32>,
      %swap3A_295 = vector.shape_cast %swap3A_294 : vector<1x1x16xf32> to vector<16xf32>
      %swap3A_296 = vector.shape_cast %max3A_289 : vector<16xf32> to vector<1x1x16xf32>
      tpu.vector_store %arg11[%swap3A_291, %swap3A_292, %swap3A_293], %swap3A_296 {strides = array<i32>} : memref<2x100x64xf32, #tpu.memory_space<vmem>>, vector<1x1x16xf32>,
      %get3A_297 = arith.constant 1 : i32
      %get3A_298 = arith.index_cast %get3A_297 : i32 to index
      %get3A_299 = arith.index_cast %add3A_230 : i32 to index
      %get3A_300 = arith.constant 48 : index
      %get3A_301 = tpu.vector_load %arg10[%get3A_298, %get3A_299, %get3A_300] {strides = array<i32>} : memref<2x100x64xf32, #tpu.memory_space<vmem>>, vector<1x1x16xf32>,
      %get3A_302 = vector.shape_cast %get3A_301 : vector<1x1x16xf32> to vector<16xf32>
      %get3A_303 = arith.constant 1 : i32
      %get3A_304 = arith.index_cast %get3A_303 : i32 to index
      %get3A_305 = arith.index_cast %add3A_230 : i32 to index
      %get3A_306 = arith.constant 48 : index
      %get3A_307 = tpu.vector_load %arg11[%get3A_304, %get3A_305, %get3A_306] {strides = array<i32>} : memref<2x100x64xf32, #tpu.memory_space<vmem>>, vector<1x1x16xf32>,
      %get3A_308 = vector.shape_cast %get3A_307 : vector<1x1x16xf32> to vector<16xf32>
      %add3A_309 = arith.addf %get3A_302, %get3A_308 : vector<16xf32>
      %max3A_310 = arith.constant 0.000000e+00 : f32
      %max3A_311 = vector.broadcast %max3A_310 : f32 to vector<16xf32>
      %max3A_312 = arith.maximumf %add3A_309, %max3A_311 : vector<16xf32>
      %swap3A_313 = arith.constant 1 : i32
      %swap3A_314 = arith.index_cast %swap3A_313 : i32 to index
      %swap3A_315 = arith.index_cast %add3A_230 : i32 to index
      %swap3A_316 = arith.constant 48 : index
      %swap3A_317 = tpu.vector_load %arg11[%swap3A_314, %swap3A_315, %swap3A_316] {strides = array<i32>} : memref<2x100x64xf32, #tpu.memory_space<vmem>>, vector<1x1x16xf32>,
      %swap3A_318 = vector.shape_cast %swap3A_317 : vector<1x1x16xf32> to vector<16xf32>
      %swap3A_319 = vector.shape_cast %max3A_312 : vector<16xf32> to vector<1x1x16xf32>
      tpu.vector_store %arg11[%swap3A_314, %swap3A_315, %swap3A_316], %swap3A_319 {strides = array<i32>} : memref<2x100x64xf32, #tpu.memory_space<vmem>>, vector<1x1x16xf32>,
    }
    %scan3A_180 = arith.constant 100 : i32
    %dma_start3A_181 = arith.constant 1 : i32
    %dma_start3A_182 = arith.constant 99 : i32
    %dma_start3A_183 = arith.constant 0 : i32
    %dma_start3A_184 = arith.constant 0 : i32
    %dma_start3A_185 = tpu.memref_slice %arg11[%dma_start3A_181, %dma_start3A_183, %dma_start3A_184] : memref<2x100x64xf32, #tpu.memory_space<vmem>> -> memref<1x100x64xf32, #tpu.memory_space<vmem>>
    %dma_start3A_186 = tpu.memref_squeeze %dma_start3A_185 : memref<1x100x64xf32, #tpu.memory_space<vmem>> -> memref<100x64xf32, #tpu.memory_space<vmem>>
    %dma_start3A_187 = arith.constant 0 : i32
    %dma_start3A_188 = tpu.memref_slice %arg8[%dma_start3A_182, %dma_start3A_187] : memref<100x100xi32, #tpu.memory_space<vmem>> -> memref<1x100xi32, #tpu.memory_space<vmem>>
    %dma_start3A_189 = tpu.memref_squeeze %dma_start3A_188 : memref<1x100xi32, #tpu.memory_space<vmem>> -> memref<100xi32, #tpu.memory_space<vmem>>
    %dma_start3A_190 = arith.constant 0 : i32
    %dma_start3A_191 = arith.constant 0 : i32
    %dma_start3A_192 = tpu.memref_slice %arg12[%dma_start3A_190, %dma_start3A_191] : memref<10240x64xf32, #tpu.memory_space<vmem_shared>> -> memref<10240x64xf32, #tpu.memory_space<vmem_shared>>
    tpu.enqueue_indirect_dma source(%dma_start3A_186 : memref<100x64xf32, #tpu.memory_space<vmem>>) target(%dma_start3A_192 : memref<10240x64xf32, #tpu.memory_space<vmem_shared>>) offsets(%dma_start3A_189 : memref<100xi32, #tpu.memory_space<vmem>>) semaphore(%arg18 : memref<!tpu.dma_semaphore, #tpu.memory_space<semaphore_mem>>) {add = true}
    %dma_wait3A_193 = arith.constant 1 : i32
    %dma_wait3A_194 = arith.constant 99 : i32
    %dma_wait3A_195 = arith.constant 0 : i32
    %dma_wait3A_196 = arith.constant 0 : i32
    %dma_wait3A_197 = tpu.memref_slice %arg11[%dma_wait3A_193, %dma_wait3A_195, %dma_wait3A_196] : memref<2x100x64xf32, #tpu.memory_space<vmem>> -> memref<1x100x64xf32, #tpu.memory_space<vmem>>
    %dma_wait3A_198 = tpu.memref_squeeze %dma_wait3A_197 : memref<1x100x64xf32, #tpu.memory_space<vmem>> -> memref<100x64xf32, #tpu.memory_space<vmem>>
    %dma_wait3A_199 = arith.constant 0 : i32
    %dma_wait3A_200 = tpu.memref_slice %arg8[%dma_wait3A_194, %dma_wait3A_199] : memref<100x100xi32, #tpu.memory_space<vmem>> -> memref<1x100xi32, #tpu.memory_space<vmem>>
    %dma_wait3A_201 = tpu.memref_squeeze %dma_wait3A_200 : memref<1x100xi32, #tpu.memory_space<vmem>> -> memref<100xi32, #tpu.memory_space<vmem>>
    %dma_wait3A_202 = arith.constant 0 : i32
    %dma_wait3A_203 = arith.constant 0 : i32
    %dma_wait3A_204 = tpu.memref_slice %arg12[%dma_wait3A_202, %dma_wait3A_203] : memref<10240x64xf32, #tpu.memory_space<vmem_shared>> -> memref<10240x64xf32, #tpu.memory_space<vmem_shared>>
    tpu.wait_indirect_dma semaphore(%arg18 : memref<!tpu.dma_semaphore, #tpu.memory_space<semaphore_mem>>) src(%dma_wait3A_198 : memref<100x64xf32, #tpu.memory_space<vmem>>) dst(%dma_wait3A_204 : memref<10240x64xf32, #tpu.memory_space<vmem_shared>>)
    %barrier3A_205 = arith.constant 0 : index
    tpu.barrier barrier_id(%barrier3A_205)
    %mul3A_206 = arith.constant 640 : i32
    %mul3A_207 = arith.muli %arg1, %mul3A_206 : i32
    %add3A_208 = arith.constant 0 : i32
    %add3A_209 = arith.addi %mul3A_207, %add3A_208 : i32
    "tpu.region"() ({
      %run_scoped3A = tpu.sem_alloc : memref<!tpu.dma_semaphore, #tpu.memory_space<semaphore_mem>>
      %dma_start3A_226 = arith.constant 0 : i32
      %dma_start3A_227 = tpu.memref_slice %arg12[%add3A_209, %dma_start3A_226] : memref<10240x64xf32, #tpu.memory_space<vmem_shared>> -> memref<128x64xf32, #tpu.memory_space<vmem_shared>>
      %dma_start3A_228 = arith.constant 0 : i32
      %dma_start3A_229 = tpu.memref_slice %arg12[%add3A_209, %dma_start3A_228] : memref<10240x64xf32, #tpu.memory_space<vmem_shared>> -> memref<128x64xf32, #tpu.memory_space<vmem_shared>>
      tpu.enqueue_dma source(%dma_start3A_229 : memref<128x64xf32, #tpu.memory_space<vmem_shared>>) target(%arg9 : memref<128x64xf32, #tpu.memory_space<vmem>>) target_semaphore(%run_scoped3A : memref<!tpu.dma_semaphore, #tpu.memory_space<semaphore_mem>>)
      %dma_wait3A_230 = arith.constant 0 : i32
      %dma_wait3A_231 = tpu.memref_slice %arg12[%add3A_209, %dma_wait3A_230] : memref<10240x64xf32, #tpu.memory_space<vmem_shared>> -> memref<128x64xf32, #tpu.memory_space<vmem_shared>>
      %dma_wait3A_232 = arith.constant 0 : i32
      %dma_wait3A_233 = tpu.memref_slice %arg12[%add3A_209, %dma_wait3A_232] : memref<10240x64xf32, #tpu.memory_space<vmem_shared>> -> memref<128x64xf32, #tpu.memory_space<vmem_shared>>
      tpu.wait_dma2 semaphore(%run_scoped3A : memref<!tpu.dma_semaphore, #tpu.memory_space<semaphore_mem>>) src(%dma_wait3A_233 : memref<128x64xf32, #tpu.memory_space<vmem_shared>>) dst(%arg9 : memref<128x64xf32, #tpu.memory_space<vmem>>)
      tpu.yield
    }) : () -> ()
    "tpu.region"() ({
      %run_scoped3A = tpu.sem_alloc : memref<!tpu.dma_semaphore, #tpu.memory_space<semaphore_mem>>
      %dma_start3A_226 = arith.constant 0 : i32
      %dma_start3A_227 = tpu.memref_slice %arg6[%arg0, %add3A_209, %dma_start3A_226] : memref<2x10240x64xf32, #tpu.memory_space<hbm>> -> memref<1x128x64xf32, #tpu.memory_space<hbm>>
      %dma_start3A_228 = tpu.memref_squeeze %dma_start3A_227 : memref<1x128x64xf32, #tpu.memory_space<hbm>> -> memref<128x64xf32, #tpu.memory_space<hbm>>
      %dma_start3A_229 = arith.constant 0 : i32
      %dma_start3A_230 = tpu.memref_slice %arg6[%arg0, %add3A_209, %dma_start3A_229] : memref<2x10240x64xf32, #tpu.memory_space<hbm>> -> memref<1x128x64xf32, #tpu.memory_space<hbm>>
      %dma_start3A_231 = tpu.memref_squeeze %dma_start3A_230 : memref<1x128x64xf32, #tpu.memory_space<hbm>> -> memref<128x64xf32, #tpu.memory_space<hbm>>
      tpu.enqueue_dma source(%arg9 : memref<128x64xf32, #tpu.memory_space<vmem>>) target(%dma_start3A_231 : memref<128x64xf32, #tpu.memory_space<hbm>>) target_semaphore(%run_scoped3A : memref<!tpu.dma_semaphore, #tpu.memory_space<semaphore_mem>>)
      %dma_wait3A_232 = arith.constant 0 : i32
      %dma_wait3A_233 = tpu.memref_slice %arg6[%arg0, %add3A_209, %dma_wait3A_232] : memref<2x10240x64xf32, #tpu.memory_space<hbm>> -> memref<1x128x64xf32, #tpu.memory_space<hbm>>
      %dma_wait3A_234 = tpu.memref_squeeze %dma_wait3A_233 : memref<1x128x64xf32, #tpu.memory_space<hbm>> -> memref<128x64xf32, #tpu.memory_space<hbm>>
      %dma_wait3A_235 = arith.constant 0 : i32
      %dma_wait3A_236 = tpu.memref_slice %arg6[%arg0, %add3A_209, %dma_wait3A_235] : memref<2x10240x64xf32, #tpu.memory_space<hbm>> -> memref<1x128x64xf32, #tpu.memory_space<hbm>>
      %dma_wait3A_237 = tpu.memref_squeeze %dma_wait3A_236 : memref<1x128x64xf32, #tpu.memory_space<hbm>> -> memref<128x64xf32, #tpu.memory_space<hbm>>
      tpu.wait_dma2 semaphore(%run_scoped3A : memref<!tpu.dma_semaphore, #tpu.memory_space<semaphore_mem>>) src(%arg9 : memref<128x64xf32, #tpu.memory_space<vmem>>) dst(%dma_wait3A_237 : memref<128x64xf32, #tpu.memory_space<hbm>>)
      tpu.yield
    }) : () -> ()
    %mul3A_210 = arith.constant 640 : i32
    %mul3A_211 = arith.muli %arg1, %mul3A_210 : i32
    %add3A_212 = arith.constant 128 : i32
    %add3A_213 = arith.addi %mul3A_211, %add3A_212 : i32
    "tpu.region"() ({
      %run_scoped3A = tpu.sem_alloc : memref<!tpu.dma_semaphore, #tpu.memory_space<semaphore_mem>>
      %dma_start3A_226 = arith.constant 0 : i32
      %dma_start3A_227 = tpu.memref_slice %arg12[%add3A_213, %dma_start3A_226] : memref<10240x64xf32, #tpu.memory_space<vmem_shared>> -> memref<128x64xf32, #tpu.memory_space<vmem_shared>>
      %dma_start3A_228 = arith.constant 0 : i32
      %dma_start3A_229 = tpu.memref_slice %arg12[%add3A_213, %dma_start3A_228] : memref<10240x64xf32, #tpu.memory_space<vmem_shared>> -> memref<128x64xf32, #tpu.memory_space<vmem_shared>>
      tpu.enqueue_dma source(%dma_start3A_229 : memref<128x64xf32, #tpu.memory_space<vmem_shared>>) target(%arg9 : memref<128x64xf32, #tpu.memory_space<vmem>>) target_semaphore(%run_scoped3A : memref<!tpu.dma_semaphore, #tpu.memory_space<semaphore_mem>>)
      %dma_wait3A_230 = arith.constant 0 : i32
      %dma_wait3A_231 = tpu.memref_slice %arg12[%add3A_213, %dma_wait3A_230] : memref<10240x64xf32, #tpu.memory_space<vmem_shared>> -> memref<128x64xf32, #tpu.memory_space<vmem_shared>>
      %dma_wait3A_232 = arith.constant 0 : i32
      %dma_wait3A_233 = tpu.memref_slice %arg12[%add3A_213, %dma_wait3A_232] : memref<10240x64xf32, #tpu.memory_space<vmem_shared>> -> memref<128x64xf32, #tpu.memory_space<vmem_shared>>
      tpu.wait_dma2 semaphore(%run_scoped3A : memref<!tpu.dma_semaphore, #tpu.memory_space<semaphore_mem>>) src(%dma_wait3A_233 : memref<128x64xf32, #tpu.memory_space<vmem_shared>>) dst(%arg9 : memref<128x64xf32, #tpu.memory_space<vmem>>)
      tpu.yield
    }) : () -> ()
    "tpu.region"() ({
      %run_scoped3A = tpu.sem_alloc : memref<!tpu.dma_semaphore, #tpu.memory_space<semaphore_mem>>
      %dma_start3A_226 = arith.constant 0 : i32
      %dma_start3A_227 = tpu.memref_slice %arg6[%arg0, %add3A_213, %dma_start3A_226] : memref<2x10240x64xf32, #tpu.memory_space<hbm>> -> memref<1x128x64xf32, #tpu.memory_space<hbm>>
      %dma_start3A_228 = tpu.memref_squeeze %dma_start3A_227 : memref<1x128x64xf32, #tpu.memory_space<hbm>> -> memref<128x64xf32, #tpu.memory_space<hbm>>
      %dma_start3A_229 = arith.constant 0 : i32
      %dma_start3A_230 = tpu.memref_slice %arg6[%arg0, %add3A_213, %dma_start3A_229] : memref<2x10240x64xf32, #tpu.memory_space<hbm>> -> memref<1x128x64xf32, #tpu.memory_space<hbm>>
      %dma_start3A_231 = tpu.memref_squeeze %dma_start3A_230 : memref<1x128x64xf32, #tpu.memory_space<hbm>> -> memref<128x64xf32, #tpu.memory_space<hbm>>
      tpu.enqueue_dma source(%arg9 : memref<128x64xf32, #tpu.memory_space<vmem>>) target(%dma_start3A_231 : memref<128x64xf32, #tpu.memory_space<hbm>>) target_semaphore(%run_scoped3A : memref<!tpu.dma_semaphore, #tpu.memory_space<semaphore_mem>>)
      %dma_wait3A_232 = arith.constant 0 : i32
      %dma_wait3A_233 = tpu.memref_slice %arg6[%arg0, %add3A_213, %dma_wait3A_232] : memref<2x10240x64xf32, #tpu.memory_space<hbm>> -> memref<1x128x64xf32, #tpu.memory_space<hbm>>
      %dma_wait3A_234 = tpu.memref_squeeze %dma_wait3A_233 : memref<1x128x64xf32, #tpu.memory_space<hbm>> -> memref<128x64xf32, #tpu.memory_space<hbm>>
      %dma_wait3A_235 = arith.constant 0 : i32
      %dma_wait3A_236 = tpu.memref_slice %arg6[%arg0, %add3A_213, %dma_wait3A_235] : memref<2x10240x64xf32, #tpu.memory_space<hbm>> -> memref<1x128x64xf32, #tpu.memory_space<hbm>>
      %dma_wait3A_237 = tpu.memref_squeeze %dma_wait3A_236 : memref<1x128x64xf32, #tpu.memory_space<hbm>> -> memref<128x64xf32, #tpu.memory_space<hbm>>
      tpu.wait_dma2 semaphore(%run_scoped3A : memref<!tpu.dma_semaphore, #tpu.memory_space<semaphore_mem>>) src(%arg9 : memref<128x64xf32, #tpu.memory_space<vmem>>) dst(%dma_wait3A_237 : memref<128x64xf32, #tpu.memory_space<hbm>>)
      tpu.yield
    }) : () -> ()
    %mul3A_214 = arith.constant 640 : i32
    %mul3A_215 = arith.muli %arg1, %mul3A_214 : i32
    %add3A_216 = arith.constant 256 : i32
    %add3A_217 = arith.addi %mul3A_215, %add3A_216 : i32
    "tpu.region"() ({
      %run_scoped3A = tpu.sem_alloc : memref<!tpu.dma_semaphore, #tpu.memory_space<semaphore_mem>>
      %dma_start3A_226 = arith.constant 0 : i32
      %dma_start3A_227 = tpu.memref_slice %arg12[%add3A_217, %dma_start3A_226] : memref<10240x64xf32, #tpu.memory_space<vmem_shared>> -> memref<128x64xf32, #tpu.memory_space<vmem_shared>>
      %dma_start3A_228 = arith.constant 0 : i32
      %dma_start3A_229 = tpu.memref_slice %arg12[%add3A_217, %dma_start3A_228] : memref<10240x64xf32, #tpu.memory_space<vmem_shared>> -> memref<128x64xf32, #tpu.memory_space<vmem_shared>>
      tpu.enqueue_dma source(%dma_start3A_229 : memref<128x64xf32, #tpu.memory_space<vmem_shared>>) target(%arg9 : memref<128x64xf32, #tpu.memory_space<vmem>>) target_semaphore(%run_scoped3A : memref<!tpu.dma_semaphore, #tpu.memory_space<semaphore_mem>>)
      %dma_wait3A_230 = arith.constant 0 : i32
      %dma_wait3A_231 = tpu.memref_slice %arg12[%add3A_217, %dma_wait3A_230] : memref<10240x64xf32, #tpu.memory_space<vmem_shared>> -> memref<128x64xf32, #tpu.memory_space<vmem_shared>>
      %dma_wait3A_232 = arith.constant 0 : i32
      %dma_wait3A_233 = tpu.memref_slice %arg12[%add3A_217, %dma_wait3A_232] : memref<10240x64xf32, #tpu.memory_space<vmem_shared>> -> memref<128x64xf32, #tpu.memory_space<vmem_shared>>
      tpu.wait_dma2 semaphore(%run_scoped3A : memref<!tpu.dma_semaphore, #tpu.memory_space<semaphore_mem>>) src(%dma_wait3A_233 : memref<128x64xf32, #tpu.memory_space<vmem_shared>>) dst(%arg9 : memref<128x64xf32, #tpu.memory_space<vmem>>)
      tpu.yield
    }) : () -> ()
    "tpu.region"() ({
      %run_scoped3A = tpu.sem_alloc : memref<!tpu.dma_semaphore, #tpu.memory_space<semaphore_mem>>
      %dma_start3A_226 = arith.constant 0 : i32
      %dma_start3A_227 = tpu.memref_slice %arg6[%arg0, %add3A_217, %dma_start3A_226] : memref<2x10240x64xf32, #tpu.memory_space<hbm>> -> memref<1x128x64xf32, #tpu.memory_space<hbm>>
      %dma_start3A_228 = tpu.memref_squeeze %dma_start3A_227 : memref<1x128x64xf32, #tpu.memory_space<hbm>> -> memref<128x64xf32, #tpu.memory_space<hbm>>
      %dma_start3A_229 = arith.constant 0 : i32
      %dma_start3A_230 = tpu.memref_slice %arg6[%arg0, %add3A_217, %dma_start3A_229] : memref<2x10240x64xf32, #tpu.memory_space<hbm>> -> memref<1x128x64xf32, #tpu.memory_space<hbm>>
      %dma_start3A_231 = tpu.memref_squeeze %dma_start3A_230 : memref<1x128x64xf32, #tpu.memory_space<hbm>> -> memref<128x64xf32, #tpu.memory_space<hbm>>
      tpu.enqueue_dma source(%arg9 : memref<128x64xf32, #tpu.memory_space<vmem>>) target(%dma_start3A_231 : memref<128x64xf32, #tpu.memory_space<hbm>>) target_semaphore(%run_scoped3A : memref<!tpu.dma_semaphore, #tpu.memory_space<semaphore_mem>>)
      %dma_wait3A_232 = arith.constant 0 : i32
      %dma_wait3A_233 = tpu.memref_slice %arg6[%arg0, %add3A_217, %dma_wait3A_232] : memref<2x10240x64xf32, #tpu.memory_space<hbm>> -> memref<1x128x64xf32, #tpu.memory_space<hbm>>
      %dma_wait3A_234 = tpu.memref_squeeze %dma_wait3A_233 : memref<1x128x64xf32, #tpu.memory_space<hbm>> -> memref<128x64xf32, #tpu.memory_space<hbm>>
      %dma_wait3A_235 = arith.constant 0 : i32
      %dma_wait3A_236 = tpu.memref_slice %arg6[%arg0, %add3A_217, %dma_wait3A_235] : memref<2x10240x64xf32, #tpu.memory_space<hbm>> -> memref<1x128x64xf32, #tpu.memory_space<hbm>>
      %dma_wait3A_237 = tpu.memref_squeeze %dma_wait3A_236 : memref<1x128x64xf32, #tpu.memory_space<hbm>> -> memref<128x64xf32, #tpu.memory_space<hbm>>
      tpu.wait_dma2 semaphore(%run_scoped3A : memref<!tpu.dma_semaphore, #tpu.memory_space<semaphore_mem>>) src(%arg9 : memref<128x64xf32, #tpu.memory_space<vmem>>) dst(%dma_wait3A_237 : memref<128x64xf32, #tpu.memory_space<hbm>>)
      tpu.yield
    }) : () -> ()
    %mul3A_218 = arith.constant 640 : i32
    %mul3A_219 = arith.muli %arg1, %mul3A_218 : i32
    %add3A_220 = arith.constant 384 : i32
    %add3A_221 = arith.addi %mul3A_219, %add3A_220 : i32
    "tpu.region"() ({
      %run_scoped3A = tpu.sem_alloc : memref<!tpu.dma_semaphore, #tpu.memory_space<semaphore_mem>>
      %dma_start3A_226 = arith.constant 0 : i32
      %dma_start3A_227 = tpu.memref_slice %arg12[%add3A_221, %dma_start3A_226] : memref<10240x64xf32, #tpu.memory_space<vmem_shared>> -> memref<128x64xf32, #tpu.memory_space<vmem_shared>>
      %dma_start3A_228 = arith.constant 0 : i32
      %dma_start3A_229 = tpu.memref_slice %arg12[%add3A_221, %dma_start3A_228] : memref<10240x64xf32, #tpu.memory_space<vmem_shared>> -> memref<128x64xf32, #tpu.memory_space<vmem_shared>>
      tpu.enqueue_dma source(%dma_start3A_229 : memref<128x64xf32, #tpu.memory_space<vmem_shared>>) target(%arg9 : memref<128x64xf32, #tpu.memory_space<vmem>>) target_semaphore(%run_scoped3A : memref<!tpu.dma_semaphore, #tpu.memory_space<semaphore_mem>>)
      %dma_wait3A_230 = arith.constant 0 : i32
      %dma_wait3A_231 = tpu.memref_slice %arg12[%add3A_221, %dma_wait3A_230] : memref<10240x64xf32, #tpu.memory_space<vmem_shared>> -> memref<128x64xf32, #tpu.memory_space<vmem_shared>>
      %dma_wait3A_232 = arith.constant 0 : i32
      %dma_wait3A_233 = tpu.memref_slice %arg12[%add3A_221, %dma_wait3A_232] : memref<10240x64xf32, #tpu.memory_space<vmem_shared>> -> memref<128x64xf32, #tpu.memory_space<vmem_shared>>
      tpu.wait_dma2 semaphore(%run_scoped3A : memref<!tpu.dma_semaphore, #tpu.memory_space<semaphore_mem>>) src(%dma_wait3A_233 : memref<128x64xf32, #tpu.memory_space<vmem_shared>>) dst(%arg9 : memref<128x64xf32, #tpu.memory_space<vmem>>)
      tpu.yield
    }) : () -> ()
    "tpu.region"() ({
      %run_scoped3A = tpu.sem_alloc : memref<!tpu.dma_semaphore, #tpu.memory_space<semaphore_mem>>
      %dma_start3A_226 = arith.constant 0 : i32
      %dma_start3A_227 = tpu.memref_slice %arg6[%arg0, %add3A_221, %dma_start3A_226] : memref<2x10240x64xf32, #tpu.memory_space<hbm>> -> memref<1x128x64xf32, #tpu.memory_space<hbm>>
      %dma_start3A_228 = tpu.memref_squeeze %dma_start3A_227 : memref<1x128x64xf32, #tpu.memory_space<hbm>> -> memref<128x64xf32, #tpu.memory_space<hbm>>
      %dma_start3A_229 = arith.constant 0 : i32
      %dma_start3A_230 = tpu.memref_slice %arg6[%arg0, %add3A_221, %dma_start3A_229] : memref<2x10240x64xf32, #tpu.memory_space<hbm>> -> memref<1x128x64xf32, #tpu.memory_space<hbm>>
      %dma_start3A_231 = tpu.memref_squeeze %dma_start3A_230 : memref<1x128x64xf32, #tpu.memory_space<hbm>> -> memref<128x64xf32, #tpu.memory_space<hbm>>
      tpu.enqueue_dma source(%arg9 : memref<128x64xf32, #tpu.memory_space<vmem>>) target(%dma_start3A_231 : memref<128x64xf32, #tpu.memory_space<hbm>>) target_semaphore(%run_scoped3A : memref<!tpu.dma_semaphore, #tpu.memory_space<semaphore_mem>>)
      %dma_wait3A_232 = arith.constant 0 : i32
      %dma_wait3A_233 = tpu.memref_slice %arg6[%arg0, %add3A_221, %dma_wait3A_232] : memref<2x10240x64xf32, #tpu.memory_space<hbm>> -> memref<1x128x64xf32, #tpu.memory_space<hbm>>
      %dma_wait3A_234 = tpu.memref_squeeze %dma_wait3A_233 : memref<1x128x64xf32, #tpu.memory_space<hbm>> -> memref<128x64xf32, #tpu.memory_space<hbm>>
      %dma_wait3A_235 = arith.constant 0 : i32
      %dma_wait3A_236 = tpu.memref_slice %arg6[%arg0, %add3A_221, %dma_wait3A_235] : memref<2x10240x64xf32, #tpu.memory_space<hbm>> -> memref<1x128x64xf32, #tpu.memory_space<hbm>>
      %dma_wait3A_237 = tpu.memref_squeeze %dma_wait3A_236 : memref<1x128x64xf32, #tpu.memory_space<hbm>> -> memref<128x64xf32, #tpu.memory_space<hbm>>
      tpu.wait_dma2 semaphore(%run_scoped3A : memref<!tpu.dma_semaphore, #tpu.memory_space<semaphore_mem>>) src(%arg9 : memref<128x64xf32, #tpu.memory_space<vmem>>) dst(%dma_wait3A_237 : memref<128x64xf32, #tpu.memory_space<hbm>>)
      tpu.yield
    }) : () -> ()
    %mul3A_222 = arith.constant 640 : i32
    %mul3A_223 = arith.muli %arg1, %mul3A_222 : i32
    %add3A_224 = arith.constant 512 : i32
    %add3A_225 = arith.addi %mul3A_223, %add3A_224 : i32
    "tpu.region"() ({
      %run_scoped3A = tpu.sem_alloc : memref<!tpu.dma_semaphore, #tpu.memory_space<semaphore_mem>>
      %dma_start3A_226 = arith.constant 0 : i32
      %dma_start3A_227 = tpu.memref_slice %arg12[%add3A_225, %dma_start3A_226] : memref<10240x64xf32, #tpu.memory_space<vmem_shared>> -> memref<128x64xf32, #tpu.memory_space<vmem_shared>>
      %dma_start3A_228 = arith.constant 0 : i32
      %dma_start3A_229 = tpu.memref_slice %arg12[%add3A_225, %dma_start3A_228] : memref<10240x64xf32, #tpu.memory_space<vmem_shared>> -> memref<128x64xf32, #tpu.memory_space<vmem_shared>>
      tpu.enqueue_dma source(%dma_start3A_229 : memref<128x64xf32, #tpu.memory_space<vmem_shared>>) target(%arg9 : memref<128x64xf32, #tpu.memory_space<vmem>>) target_semaphore(%run_scoped3A : memref<!tpu.dma_semaphore, #tpu.memory_space<semaphore_mem>>)
      %dma_wait3A_230 = arith.constant 0 : i32
      %dma_wait3A_231 = tpu.memref_slice %arg12[%add3A_225, %dma_wait3A_230] : memref<10240x64xf32, #tpu.memory_space<vmem_shared>> -> memref<128x64xf32, #tpu.memory_space<vmem_shared>>
      %dma_wait3A_232 = arith.constant 0 : i32
      %dma_wait3A_233 = tpu.memref_slice %arg12[%add3A_225, %dma_wait3A_232] : memref<10240x64xf32, #tpu.memory_space<vmem_shared>> -> memref<128x64xf32, #tpu.memory_space<vmem_shared>>
      tpu.wait_dma2 semaphore(%run_scoped3A : memref<!tpu.dma_semaphore, #tpu.memory_space<semaphore_mem>>) src(%dma_wait3A_233 : memref<128x64xf32, #tpu.memory_space<vmem_shared>>) dst(%arg9 : memref<128x64xf32, #tpu.memory_space<vmem>>)
      tpu.yield
    }) : () -> ()
    "tpu.region"() ({
      %run_scoped3A = tpu.sem_alloc : memref<!tpu.dma_semaphore, #tpu.memory_space<semaphore_mem>>
      %dma_start3A_226 = arith.constant 0 : i32
      %dma_start3A_227 = tpu.memref_slice %arg6[%arg0, %add3A_225, %dma_start3A_226] : memref<2x10240x64xf32, #tpu.memory_space<hbm>> -> memref<1x128x64xf32, #tpu.memory_space<hbm>>
      %dma_start3A_228 = tpu.memref_squeeze %dma_start3A_227 : memref<1x128x64xf32, #tpu.memory_space<hbm>> -> memref<128x64xf32, #tpu.memory_space<hbm>>
      %dma_start3A_229 = arith.constant 0 : i32
      %dma_start3A_230 = tpu.memref_slice %arg6[%arg0, %add3A_225, %dma_start3A_229] : memref<2x10240x64xf32, #tpu.memory_space<hbm>> -> memref<1x128x64xf32, #tpu.memory_space<hbm>>
      %dma_start3A_231 = tpu.memref_squeeze %dma_start3A_230 : memref<1x128x64xf32, #tpu.memory_space<hbm>> -> memref<128x64xf32, #tpu.memory_space<hbm>>
      tpu.enqueue_dma source(%arg9 : memref<128x64xf32, #tpu.memory_space<vmem>>) target(%dma_start3A_231 : memref<128x64xf32, #tpu.memory_space<hbm>>) target_semaphore(%run_scoped3A : memref<!tpu.dma_semaphore, #tpu.memory_space<semaphore_mem>>)
      %dma_wait3A_232 = arith.constant 0 : i32
      %dma_wait3A_233 = tpu.memref_slice %arg6[%arg0, %add3A_225, %dma_wait3A_232] : memref<2x10240x64xf32, #tpu.memory_space<hbm>> -> memref<1x128x64xf32, #tpu.memory_space<hbm>>
      %dma_wait3A_234 = tpu.memref_squeeze %dma_wait3A_233 : memref<1x128x64xf32, #tpu.memory_space<hbm>> -> memref<128x64xf32, #tpu.memory_space<hbm>>
      %dma_wait3A_235 = arith.constant 0 : i32
      %dma_wait3A_236 = tpu.memref_slice %arg6[%arg0, %add3A_225, %dma_wait3A_235] : memref<2x10240x64xf32, #tpu.memory_space<hbm>> -> memref<1x128x64xf32, #tpu.memory_space<hbm>>
      %dma_wait3A_237 = tpu.memref_squeeze %dma_wait3A_236 : memref<1x128x64xf32, #tpu.memory_space<hbm>> -> memref<128x64xf32, #tpu.memory_space<hbm>>
      tpu.wait_dma2 semaphore(%run_scoped3A : memref<!tpu.dma_semaphore, #tpu.memory_space<semaphore_mem>>) src(%arg9 : memref<128x64xf32, #tpu.memory_space<vmem>>) dst(%dma_wait3A_237 : memref<128x64xf32, #tpu.memory_space<hbm>>)
      tpu.yield
    }) : () -> ()
    return
  }
}

#map = affine_map<(d0, d1) -> (0, 0)>
#map1 = affine_map<(d0, d1) -> (0, 0, 0)>
module attributes {stable_mosaic.version = 14 : i64} {
  func.func @_aggr_body(%arg0: i32, %arg1: i32, %arg2: memref<10000x64xf32, #tpu.memory_space<hbm>>, %arg3: memref<320000x64xf32, #tpu.memory_space<hbm>>, %arg4: memref<32x100x100xi32, #tpu.memory_space<hbm>>, %arg5: memref<32x100x100xi32, #tpu.memory_space<hbm>>, %arg6: memref<2x10240x64xf32, #tpu.memory_space<hbm>>, %arg7: memref<100x100xi32, #tpu.memory_space<vmem>>, %arg8: memref<100x100xi32, #tpu.memory_space<vmem>>, %arg9: memref<128x64xf32, #tpu.memory_space<vmem>>, %arg10: memref<2x100x64xf32, #tpu.memory_space<vmem>>, %arg11: memref<2x100x64xf32, #tpu.memory_space<vmem>>, %arg12: memref<10240x64xf32, #tpu.memory_space<vmem_shared>>, %arg13: memref<!tpu.dma_semaphore, #tpu.memory_space<semaphore_mem>>, %arg14: memref<!tpu.dma_semaphore, #tpu.memory_space<semaphore_mem>>, %arg15: memref<!tpu.dma_semaphore, #tpu.memory_space<semaphore_mem>>, %arg16: memref<!tpu.dma_semaphore, #tpu.memory_space<semaphore_mem>>, %arg17: memref<!tpu.dma_semaphore, #tpu.memory_space<semaphore_mem>>, %arg18: memref<!tpu.dma_semaphore, #tpu.memory_space<semaphore_mem>>) attributes {dimension_semantics = [#tpu.dimension_semantics<core_parallel>, #tpu.dimension_semantics<subcore_parallel>], iteration_bounds = array<i64: 2, 16>, scalar_prefetch = 0 : i64, scratch_operands = 12 : i64, tpu.core_type = #tpu.core_type<sc_vector_subcore>, window_params = [{transform_indices = #map}, {transform_indices = #map}, {transform_indices = #map1}, {transform_indices = #map1}, {transform_indices = #map1}]} {
    %mul3A = arith.constant 2 : i32
    %mul3A_0 = arith.muli %arg1, %mul3A : i32
    %add3A = arith.addi %mul3A_0, %arg0 : i32
    "tpu.region"() ({
      %run_scoped3A = tpu.sem_alloc : memref<!tpu.dma_semaphore, #tpu.memory_space<semaphore_mem>>
      %dma_start3A_226 = arith.constant 0 : i32
      %dma_start3A_227 = arith.constant 0 : i32
      %dma_start3A_228 = tpu.memref_slice %arg4[%add3A, %dma_start3A_226, %dma_start3A_227] : memref<32x100x100xi32, #tpu.memory_space<hbm>> -> memref<1x100x100xi32, #tpu.memory_space<hbm>>
      %dma_start3A_229 = tpu.memref_squeeze %dma_start3A_228 : memref<1x100x100xi32, #tpu.memory_space<hbm>> -> memref<100x100xi32, #tpu.memory_space<hbm>>
      %dma_start3A_230 = arith.constant 0 : i32
      %dma_start3A_231 = arith.constant 0 : i32
      %dma_start3A_232 = tpu.memref_slice %arg4[%add3A, %dma_start3A_230, %dma_start3A_231] : memref<32x100x100xi32, #tpu.memory_space<hbm>> -> memref<1x100x100xi32, #tpu.memory_space<hbm>>
      %dma_start3A_233 = tpu.memref_squeeze %dma_start3A_232 : memref<1x100x100xi32, #tpu.memory_space<hbm>> -> memref<100x100xi32, #tpu.memory_space<hbm>>
      tpu.enqueue_dma source(%dma_start3A_233 : memref<100x100xi32, #tpu.memory_space<hbm>>) target(%arg7 : memref<100x100xi32, #tpu.memory_space<vmem>>) target_semaphore(%run_scoped3A : memref<!tpu.dma_semaphore, #tpu.memory_space<semaphore_mem>>)
      %dma_wait3A_234 = arith.constant 0 : i32
      %dma_wait3A_235 = arith.constant 0 : i32
      %dma_wait3A_236 = tpu.memref_slice %arg4[%add3A, %dma_wait3A_234, %dma_wait3A_235] : memref<32x100x100xi32, #tpu.memory_space<hbm>> -> memref<1x100x100xi32, #tpu.memory_space<hbm>>
      %dma_wait3A_237 = tpu.memref_squeeze %dma_wait3A_236 : memref<1x100x100xi32, #tpu.memory_space<hbm>> -> memref<100x100xi32, #tpu.memory_space<hbm>>
      %dma_wait3A_238 = arith.constant 0 : i32
      %dma_wait3A_239 = arith.constant 0 : i32
      %dma_wait3A_240 = tpu.memref_slice %arg4[%add3A, %dma_wait3A_238, %dma_wait3A_239] : memref<32x100x100xi32, #tpu.memory_space<hbm>> -> memref<1x100x100xi32, #tpu.memory_space<hbm>>
      %dma_wait3A_241 = tpu.memref_squeeze %dma_wait3A_240 : memref<1x100x100xi32, #tpu.memory_space<hbm>> -> memref<100x100xi32, #tpu.memory_space<hbm>>
      tpu.wait_dma2 semaphore(%run_scoped3A : memref<!tpu.dma_semaphore, #tpu.memory_space<semaphore_mem>>) src(%dma_wait3A_241 : memref<100x100xi32, #tpu.memory_space<hbm>>) dst(%arg7 : memref<100x100xi32, #tpu.memory_space<vmem>>)
      tpu.yield
    }) : () -> ()
    "tpu.region"() ({
      %run_scoped3A = tpu.sem_alloc : memref<!tpu.dma_semaphore, #tpu.memory_space<semaphore_mem>>
      %dma_start3A_226 = arith.constant 0 : i32
      %dma_start3A_227 = arith.constant 0 : i32
      %dma_start3A_228 = tpu.memref_slice %arg5[%add3A, %dma_start3A_226, %dma_start3A_227] : memref<32x100x100xi32, #tpu.memory_space<hbm>> -> memref<1x100x100xi32, #tpu.memory_space<hbm>>
      %dma_start3A_229 = tpu.memref_squeeze %dma_start3A_228 : memref<1x100x100xi32, #tpu.memory_space<hbm>> -> memref<100x100xi32, #tpu.memory_space<hbm>>
      %dma_start3A_230 = arith.constant 0 : i32
      %dma_start3A_231 = arith.constant 0 : i32
      %dma_start3A_232 = tpu.memref_slice %arg5[%add3A, %dma_start3A_230, %dma_start3A_231] : memref<32x100x100xi32, #tpu.memory_space<hbm>> -> memref<1x100x100xi32, #tpu.memory_space<hbm>>
      %dma_start3A_233 = tpu.memref_squeeze %dma_start3A_232 : memref<1x100x100xi32, #tpu.memory_space<hbm>> -> memref<100x100xi32, #tpu.memory_space<hbm>>
      tpu.enqueue_dma source(%dma_start3A_233 : memref<100x100xi32, #tpu.memory_space<hbm>>) target(%arg8 : memref<100x100xi32, #tpu.memory_space<vmem>>) target_semaphore(%run_scoped3A : memref<!tpu.dma_semaphore, #tpu.memory_space<semaphore_mem>>)
      %dma_wait3A_234 = arith.constant 0 : i32
      %dma_wait3A_235 = arith.constant 0 : i32
      %dma_wait3A_236 = tpu.memref_slice %arg5[%add3A, %dma_wait3A_234, %dma_wait3A_235] : memref<32x100x100xi32, #tpu.memory_space<hbm>> -> memref<1x100x100xi32, #tpu.memory_space<hbm>>
      %dma_wait3A_237 = tpu.memref_squeeze %dma_wait3A_236 : memref<1x100x100xi32, #tpu.memory_space<hbm>> -> memref<100x100xi32, #tpu.memory_space<hbm>>
      %dma_wait3A_238 = arith.constant 0 : i32
      %dma_wait3A_239 = arith.constant 0 : i32
      %dma_wait3A_240 = tpu.memref_slice %arg5[%add3A, %dma_wait3A_238, %dma_wait3A_239] : memref<32x100x100xi32, #tpu.memory_space<hbm>> -> memref<1x100x100xi32, #tpu.memory_space<hbm>>
      %dma_wait3A_241 = tpu.memref_squeeze %dma_wait3A_240 : memref<1x100x100xi32, #tpu.memory_space<hbm>> -> memref<100x100xi32, #tpu.memory_space<hbm>>
      tpu.wait_dma2 semaphore(%run_scoped3A : memref<!tpu.dma_semaphore, #tpu.memory_space<semaphore_mem>>) src(%dma_wait3A_241 : memref<100x100xi32, #tpu.memory_space<hbm>>) dst(%arg8 : memref<100x100xi32, #tpu.memory_space<vmem>>)
      tpu.yield
    }) : () -> ()
    %broadcast_in_dim3A = arith.constant 0.000000e+00 : f32
    %broadcast_in_dim3A_1 = vector.broadcast %broadcast_in_dim3A : f32 to vector<16xf32>
    %scan3A = arith.constant 0 : i32
    %scan3A_2 = arith.constant 128 : i32
    %scan3A_3 = arith.addi %scan3A, %scan3A_2 : i32
    %scan3A_4 = arith.constant 1 : i32
    scf.for %scan3A_226 = %scan3A to %scan3A_3 step %scan3A_4  : i32 {
      %mul3A_227 = arith.constant 1 : i32
      %mul3A_228 = arith.muli %scan3A_226, %mul3A_227 : i32
      %add3A_229 = arith.constant 0 : i32
      %add3A_230 = arith.addi %add3A_229, %mul3A_228 : i32
      %swap3A = arith.index_cast %add3A_230 : i32 to index
      %swap3A_231 = arith.constant 0 : index
      %swap3A_232 = tpu.vector_load %arg9[%swap3A, %swap3A_231] {strides = array<i32>} : memref<128x64xf32, #tpu.memory_space<vmem>>, vector<1x16xf32>,
      %swap3A_233 = vector.shape_cast %swap3A_232 : vector<1x16xf32> to vector<16xf32>
      %swap3A_234 = vector.shape_cast %broadcast_in_dim3A_1 : vector<16xf32> to vector<1x16xf32>
      tpu.vector_store %arg9[%swap3A, %swap3A_231], %swap3A_234 {strides = array<i32>} : memref<128x64xf32, #tpu.memory_space<vmem>>, vector<1x16xf32>,
      %swap3A_235 = arith.index_cast %add3A_230 : i32 to index
      %swap3A_236 = arith.constant 16 : index
      %swap3A_237 = tpu.vector_load %arg9[%swap3A_235, %swap3A_236] {strides = array<i32>} : memref<128x64xf32, #tpu.memory_space<vmem>>, vector<1x16xf32>,
      %swap3A_238 = vector.shape_cast %swap3A_237 : vector<1x16xf32> to vector<16xf32>
      %swap3A_239 = vector.shape_cast %broadcast_in_dim3A_1 : vector<16xf32> to vector<1x16xf32>
      tpu.vector_store %arg9[%swap3A_235, %swap3A_236], %swap3A_239 {strides = array<i32>} : memref<128x64xf32, #tpu.memory_space<vmem>>, vector<1x16xf32>,
      %swap3A_240 = arith.index_cast %add3A_230 : i32 to index
      %swap3A_241 = arith.constant 32 : index
      %swap3A_242 = tpu.vector_load %arg9[%swap3A_240, %swap3A_241] {strides = array<i32>} : memref<128x64xf32, #tpu.memory_space<vmem>>, vector<1x16xf32>,
      %swap3A_243 = vector.shape_cast %swap3A_242 : vector<1x16xf32> to vector<16xf32>
      %swap3A_244 = vector.shape_cast %broadcast_in_dim3A_1 : vector<16xf32> to vector<1x16xf32>
      tpu.vector_store %arg9[%swap3A_240, %swap3A_241], %swap3A_244 {strides = array<i32>} : memref<128x64xf32, #tpu.memory_space<vmem>>, vector<1x16xf32>,
      %swap3A_245 = arith.index_cast %add3A_230 : i32 to index
      %swap3A_246 = arith.constant 48 : index
      %swap3A_247 = tpu.vector_load %arg9[%swap3A_245, %swap3A_246] {strides = array<i32>} : memref<128x64xf32, #tpu.memory_space<vmem>>, vector<1x16xf32>,
      %swap3A_248 = vector.shape_cast %swap3A_247 : vector<1x16xf32> to vector<16xf32>
      %swap3A_249 = vector.shape_cast %broadcast_in_dim3A_1 : vector<16xf32> to vector<1x16xf32>
      tpu.vector_store %arg9[%swap3A_245, %swap3A_246], %swap3A_249 {strides = array<i32>} : memref<128x64xf32, #tpu.memory_space<vmem>>, vector<1x16xf32>,
    }
    %scan3A_5 = arith.constant 128 : i32
    %mul3A_6 = arith.constant 640 : i32
    %mul3A_7 = arith.muli %arg1, %mul3A_6 : i32
    %add3A_8 = arith.constant 0 : i32
    %add3A_9 = arith.addi %mul3A_7, %add3A_8 : i32
    "tpu.region"() ({
      %run_scoped3A = tpu.sem_alloc : memref<!tpu.dma_semaphore, #tpu.memory_space<semaphore_mem>>
      %dma_start3A_226 = arith.constant 0 : i32
      %dma_start3A_227 = tpu.memref_slice %arg12[%add3A_9, %dma_start3A_226] : memref<10240x64xf32, #tpu.memory_space<vmem_shared>> -> memref<128x64xf32, #tpu.memory_space<vmem_shared>>
      %dma_start3A_228 = arith.constant 0 : i32
      %dma_start3A_229 = tpu.memref_slice %arg12[%add3A_9, %dma_start3A_228] : memref<10240x64xf32, #tpu.memory_space<vmem_shared>> -> memref<128x64xf32, #tpu.memory_space<vmem_shared>>
      tpu.enqueue_dma source(%arg9 : memref<128x64xf32, #tpu.memory_space<vmem>>) target(%dma_start3A_229 : memref<128x64xf32, #tpu.memory_space<vmem_shared>>) target_semaphore(%run_scoped3A : memref<!tpu.dma_semaphore, #tpu.memory_space<semaphore_mem>>)
      %dma_wait3A_230 = arith.constant 0 : i32
      %dma_wait3A_231 = tpu.memref_slice %arg12[%add3A_9, %dma_wait3A_230] : memref<10240x64xf32, #tpu.memory_space<vmem_shared>> -> memref<128x64xf32, #tpu.memory_space<vmem_shared>>
      %dma_wait3A_232 = arith.constant 0 : i32
      %dma_wait3A_233 = tpu.memref_slice %arg12[%add3A_9, %dma_wait3A_232] : memref<10240x64xf32, #tpu.memory_space<vmem_shared>> -> memref<128x64xf32, #tpu.memory_space<vmem_shared>>
      tpu.wait_dma2 semaphore(%run_scoped3A : memref<!tpu.dma_semaphore, #tpu.memory_space<semaphore_mem>>) src(%arg9 : memref<128x64xf32, #tpu.memory_space<vmem>>) dst(%dma_wait3A_233 : memref<128x64xf32, #tpu.memory_space<vmem_shared>>)
      tpu.yield
    }) : () -> ()
    %mul3A_10 = arith.constant 640 : i32
    %mul3A_11 = arith.muli %arg1, %mul3A_10 : i32
    %add3A_12 = arith.constant 128 : i32
    %add3A_13 = arith.addi %mul3A_11, %add3A_12 : i32
    "tpu.region"() ({
      %run_scoped3A = tpu.sem_alloc : memref<!tpu.dma_semaphore, #tpu.memory_space<semaphore_mem>>
      %dma_start3A_226 = arith.constant 0 : i32
      %dma_start3A_227 = tpu.memref_slice %arg12[%add3A_13, %dma_start3A_226] : memref<10240x64xf32, #tpu.memory_space<vmem_shared>> -> memref<128x64xf32, #tpu.memory_space<vmem_shared>>
      %dma_start3A_228 = arith.constant 0 : i32
      %dma_start3A_229 = tpu.memref_slice %arg12[%add3A_13, %dma_start3A_228] : memref<10240x64xf32, #tpu.memory_space<vmem_shared>> -> memref<128x64xf32, #tpu.memory_space<vmem_shared>>
      tpu.enqueue_dma source(%arg9 : memref<128x64xf32, #tpu.memory_space<vmem>>) target(%dma_start3A_229 : memref<128x64xf32, #tpu.memory_space<vmem_shared>>) target_semaphore(%run_scoped3A : memref<!tpu.dma_semaphore, #tpu.memory_space<semaphore_mem>>)
      %dma_wait3A_230 = arith.constant 0 : i32
      %dma_wait3A_231 = tpu.memref_slice %arg12[%add3A_13, %dma_wait3A_230] : memref<10240x64xf32, #tpu.memory_space<vmem_shared>> -> memref<128x64xf32, #tpu.memory_space<vmem_shared>>
      %dma_wait3A_232 = arith.constant 0 : i32
      %dma_wait3A_233 = tpu.memref_slice %arg12[%add3A_13, %dma_wait3A_232] : memref<10240x64xf32, #tpu.memory_space<vmem_shared>> -> memref<128x64xf32, #tpu.memory_space<vmem_shared>>
      tpu.wait_dma2 semaphore(%run_scoped3A : memref<!tpu.dma_semaphore, #tpu.memory_space<semaphore_mem>>) src(%arg9 : memref<128x64xf32, #tpu.memory_space<vmem>>) dst(%dma_wait3A_233 : memref<128x64xf32, #tpu.memory_space<vmem_shared>>)
      tpu.yield
    }) : () -> ()
    %mul3A_14 = arith.constant 640 : i32
    %mul3A_15 = arith.muli %arg1, %mul3A_14 : i32
    %add3A_16 = arith.constant 256 : i32
    %add3A_17 = arith.addi %mul3A_15, %add3A_16 : i32
    "tpu.region"() ({
      %run_scoped3A = tpu.sem_alloc : memref<!tpu.dma_semaphore, #tpu.memory_space<semaphore_mem>>
      %dma_start3A_226 = arith.constant 0 : i32
      %dma_start3A_227 = tpu.memref_slice %arg12[%add3A_17, %dma_start3A_226] : memref<10240x64xf32, #tpu.memory_space<vmem_shared>> -> memref<128x64xf32, #tpu.memory_space<vmem_shared>>
      %dma_start3A_228 = arith.constant 0 : i32
      %dma_start3A_229 = tpu.memref_slice %arg12[%add3A_17, %dma_start3A_228] : memref<10240x64xf32, #tpu.memory_space<vmem_shared>> -> memref<128x64xf32, #tpu.memory_space<vmem_shared>>
      tpu.enqueue_dma source(%arg9 : memref<128x64xf32, #tpu.memory_space<vmem>>) target(%dma_start3A_229 : memref<128x64xf32, #tpu.memory_space<vmem_shared>>) target_semaphore(%run_scoped3A : memref<!tpu.dma_semaphore, #tpu.memory_space<semaphore_mem>>)
      %dma_wait3A_230 = arith.constant 0 : i32
      %dma_wait3A_231 = tpu.memref_slice %arg12[%add3A_17, %dma_wait3A_230] : memref<10240x64xf32, #tpu.memory_space<vmem_shared>> -> memref<128x64xf32, #tpu.memory_space<vmem_shared>>
      %dma_wait3A_232 = arith.constant 0 : i32
      %dma_wait3A_233 = tpu.memref_slice %arg12[%add3A_17, %dma_wait3A_232] : memref<10240x64xf32, #tpu.memory_space<vmem_shared>> -> memref<128x64xf32, #tpu.memory_space<vmem_shared>>
      tpu.wait_dma2 semaphore(%run_scoped3A : memref<!tpu.dma_semaphore, #tpu.memory_space<semaphore_mem>>) src(%arg9 : memref<128x64xf32, #tpu.memory_space<vmem>>) dst(%dma_wait3A_233 : memref<128x64xf32, #tpu.memory_space<vmem_shared>>)
      tpu.yield
    }) : () -> ()
    %mul3A_18 = arith.constant 640 : i32
    %mul3A_19 = arith.muli %arg1, %mul3A_18 : i32
    %add3A_20 = arith.constant 384 : i32
    %add3A_21 = arith.addi %mul3A_19, %add3A_20 : i32
    "tpu.region"() ({
      %run_scoped3A = tpu.sem_alloc : memref<!tpu.dma_semaphore, #tpu.memory_space<semaphore_mem>>
      %dma_start3A_226 = arith.constant 0 : i32
      %dma_start3A_227 = tpu.memref_slice %arg12[%add3A_21, %dma_start3A_226] : memref<10240x64xf32, #tpu.memory_space<vmem_shared>> -> memref<128x64xf32, #tpu.memory_space<vmem_shared>>
      %dma_start3A_228 = arith.constant 0 : i32
      %dma_start3A_229 = tpu.memref_slice %arg12[%add3A_21, %dma_start3A_228] : memref<10240x64xf32, #tpu.memory_space<vmem_shared>> -> memref<128x64xf32, #tpu.memory_space<vmem_shared>>
      tpu.enqueue_dma source(%arg9 : memref<128x64xf32, #tpu.memory_space<vmem>>) target(%dma_start3A_229 : memref<128x64xf32, #tpu.memory_space<vmem_shared>>) target_semaphore(%run_scoped3A : memref<!tpu.dma_semaphore, #tpu.memory_space<semaphore_mem>>)
      %dma_wait3A_230 = arith.constant 0 : i32
      %dma_wait3A_231 = tpu.memref_slice %arg12[%add3A_21, %dma_wait3A_230] : memref<10240x64xf32, #tpu.memory_space<vmem_shared>> -> memref<128x64xf32, #tpu.memory_space<vmem_shared>>
      %dma_wait3A_232 = arith.constant 0 : i32
      %dma_wait3A_233 = tpu.memref_slice %arg12[%add3A_21, %dma_wait3A_232] : memref<10240x64xf32, #tpu.memory_space<vmem_shared>> -> memref<128x64xf32, #tpu.memory_space<vmem_shared>>
      tpu.wait_dma2 semaphore(%run_scoped3A : memref<!tpu.dma_semaphore, #tpu.memory_space<semaphore_mem>>) src(%arg9 : memref<128x64xf32, #tpu.memory_space<vmem>>) dst(%dma_wait3A_233 : memref<128x64xf32, #tpu.memory_space<vmem_shared>>)
      tpu.yield
    }) : () -> ()
    %mul3A_22 = arith.constant 640 : i32
    %mul3A_23 = arith.muli %arg1, %mul3A_22 : i32
    %add3A_24 = arith.constant 512 : i32
    %add3A_25 = arith.addi %mul3A_23, %add3A_24 : i32
    "tpu.region"() ({
      %run_scoped3A = tpu.sem_alloc : memref<!tpu.dma_semaphore, #tpu.memory_space<semaphore_mem>>
      %dma_start3A_226 = arith.constant 0 : i32
      %dma_start3A_227 = tpu.memref_slice %arg12[%add3A_25, %dma_start3A_226] : memref<10240x64xf32, #tpu.memory_space<vmem_shared>> -> memref<128x64xf32, #tpu.memory_space<vmem_shared>>
      %dma_start3A_228 = arith.constant 0 : i32
      %dma_start3A_229 = tpu.memref_slice %arg12[%add3A_25, %dma_start3A_228] : memref<10240x64xf32, #tpu.memory_space<vmem_shared>> -> memref<128x64xf32, #tpu.memory_space<vmem_shared>>
      tpu.enqueue_dma source(%arg9 : memref<128x64xf32, #tpu.memory_space<vmem>>) target(%dma_start3A_229 : memref<128x64xf32, #tpu.memory_space<vmem_shared>>) target_semaphore(%run_scoped3A : memref<!tpu.dma_semaphore, #tpu.memory_space<semaphore_mem>>)
      %dma_wait3A_230 = arith.constant 0 : i32
      %dma_wait3A_231 = tpu.memref_slice %arg12[%add3A_25, %dma_wait3A_230] : memref<10240x64xf32, #tpu.memory_space<vmem_shared>> -> memref<128x64xf32, #tpu.memory_space<vmem_shared>>
      %dma_wait3A_232 = arith.constant 0 : i32
      %dma_wait3A_233 = tpu.memref_slice %arg12[%add3A_25, %dma_wait3A_232] : memref<10240x64xf32, #tpu.memory_space<vmem_shared>> -> memref<128x64xf32, #tpu.memory_space<vmem_shared>>
      tpu.wait_dma2 semaphore(%run_scoped3A : memref<!tpu.dma_semaphore, #tpu.memory_space<semaphore_mem>>) src(%arg9 : memref<128x64xf32, #tpu.memory_space<vmem>>) dst(%dma_wait3A_233 : memref<128x64xf32, #tpu.memory_space<vmem_shared>>)
      tpu.yield
    }) : () -> ()
    %barrier3A = arith.constant 0 : index
    tpu.barrier barrier_id(%barrier3A)
    %mul3A_26 = arith.constant 100 : i32
    %mul3A_27 = arith.muli %add3A, %mul3A_26 : i32
    %dma_start3A = arith.constant 0 : i32
    %dma_start3A_28 = arith.constant 0 : i32
    %dma_start3A_29 = arith.constant 0 : i32
    %dma_start3A_30 = arith.constant 0 : i32
    %dma_start3A_31 = tpu.memref_slice %arg10[%dma_start3A_28, %dma_start3A_29, %dma_start3A_30] : memref<2x100x64xf32, #tpu.memory_space<vmem>> -> memref<1x100x64xf32, #tpu.memory_space<vmem>>
    %dma_start3A_32 = tpu.memref_squeeze %dma_start3A_31 : memref<1x100x64xf32, #tpu.memory_space<vmem>> -> memref<100x64xf32, #tpu.memory_space<vmem>>
    %dma_start3A_33 = arith.constant 0 : i32
    %dma_start3A_34 = tpu.memref_slice %arg7[%dma_start3A, %dma_start3A_33] : memref<100x100xi32, #tpu.memory_space<vmem>> -> memref<1x100xi32, #tpu.memory_space<vmem>>
    %dma_start3A_35 = tpu.memref_squeeze %dma_start3A_34 : memref<1x100xi32, #tpu.memory_space<vmem>> -> memref<100xi32, #tpu.memory_space<vmem>>
    %dma_start3A_36 = arith.constant 0 : i32
    %dma_start3A_37 = arith.constant 0 : i32
    %dma_start3A_38 = tpu.memref_slice %arg2[%dma_start3A_36, %dma_start3A_37] : memref<10000x64xf32, #tpu.memory_space<hbm>> -> memref<10000x64xf32, #tpu.memory_space<hbm>>
    tpu.enqueue_indirect_dma source(%dma_start3A_38 : memref<10000x64xf32, #tpu.memory_space<hbm>>) target(%dma_start3A_32 : memref<100x64xf32, #tpu.memory_space<vmem>>) offsets(%dma_start3A_35 : memref<100xi32, #tpu.memory_space<vmem>>) semaphore(%arg13 : memref<!tpu.dma_semaphore, #tpu.memory_space<semaphore_mem>>)
    %add3A_39 = arith.constant 0 : i32
    %add3A_40 = arith.addi %mul3A_27, %add3A_39 : i32
    %mul3A_41 = arith.constant 100 : i32
    %mul3A_42 = arith.muli %add3A_40, %mul3A_41 : i32
    %dma_start3A_43 = arith.constant 0 : i32
    %dma_start3A_44 = arith.constant 0 : i32
    %dma_start3A_45 = arith.constant 0 : i32
    %dma_start3A_46 = tpu.memref_slice %arg11[%dma_start3A_43, %dma_start3A_44, %dma_start3A_45] : memref<2x100x64xf32, #tpu.memory_space<vmem>> -> memref<1x100x64xf32, #tpu.memory_space<vmem>>
    %dma_start3A_47 = tpu.memref_squeeze %dma_start3A_46 : memref<1x100x64xf32, #tpu.memory_space<vmem>> -> memref<100x64xf32, #tpu.memory_space<vmem>>
    %dma_start3A_48 = arith.constant 0 : i32
    %dma_start3A_49 = tpu.memref_slice %arg3[%mul3A_42, %dma_start3A_48] : memref<320000x64xf32, #tpu.memory_space<hbm>> -> memref<100x64xf32, #tpu.memory_space<hbm>>
    %dma_start3A_50 = arith.constant 0 : i32
    %dma_start3A_51 = arith.constant 0 : i32
    %dma_start3A_52 = tpu.memref_slice %arg11[%dma_start3A_43, %dma_start3A_50, %dma_start3A_51] : memref<2x100x64xf32, #tpu.memory_space<vmem>> -> memref<1x100x64xf32, #tpu.memory_space<vmem>>
    %dma_start3A_53 = tpu.memref_squeeze %dma_start3A_52 : memref<1x100x64xf32, #tpu.memory_space<vmem>> -> memref<100x64xf32, #tpu.memory_space<vmem>>
    %dma_start3A_54 = arith.constant 0 : i32
    %dma_start3A_55 = tpu.memref_slice %arg3[%mul3A_42, %dma_start3A_54] : memref<320000x64xf32, #tpu.memory_space<hbm>> -> memref<100x64xf32, #tpu.memory_space<hbm>>
    tpu.enqueue_dma source(%dma_start3A_55 : memref<100x64xf32, #tpu.memory_space<hbm>>) target(%dma_start3A_53 : memref<100x64xf32, #tpu.memory_space<vmem>>) target_semaphore(%arg15 : memref<!tpu.dma_semaphore, #tpu.memory_space<semaphore_mem>>)
    %dma_start3A_56 = arith.constant 1 : i32
    %dma_start3A_57 = arith.constant 1 : i32
    %dma_start3A_58 = arith.constant 0 : i32
    %dma_start3A_59 = arith.constant 0 : i32
    %dma_start3A_60 = tpu.memref_slice %arg10[%dma_start3A_57, %dma_start3A_58, %dma_start3A_59] : memref<2x100x64xf32, #tpu.memory_space<vmem>> -> memref<1x100x64xf32, #tpu.memory_space<vmem>>
    %dma_start3A_61 = tpu.memref_squeeze %dma_start3A_60 : memref<1x100x64xf32, #tpu.memory_space<vmem>> -> memref<100x64xf32, #tpu.memory_space<vmem>>
    %dma_start3A_62 = arith.constant 0 : i32
    %dma_start3A_63 = tpu.memref_slice %arg7[%dma_start3A_56, %dma_start3A_62] : memref<100x100xi32, #tpu.memory_space<vmem>> -> memref<1x100xi32, #tpu.memory_space<vmem>>
    %dma_start3A_64 = tpu.memref_squeeze %dma_start3A_63 : memref<1x100xi32, #tpu.memory_space<vmem>> -> memref<100xi32, #tpu.memory_space<vmem>>
    %dma_start3A_65 = arith.constant 0 : i32
    %dma_start3A_66 = arith.constant 0 : i32
    %dma_start3A_67 = tpu.memref_slice %arg2[%dma_start3A_65, %dma_start3A_66] : memref<10000x64xf32, #tpu.memory_space<hbm>> -> memref<10000x64xf32, #tpu.memory_space<hbm>>
    tpu.enqueue_indirect_dma source(%dma_start3A_67 : memref<10000x64xf32, #tpu.memory_space<hbm>>) target(%dma_start3A_61 : memref<100x64xf32, #tpu.memory_space<vmem>>) offsets(%dma_start3A_64 : memref<100xi32, #tpu.memory_space<vmem>>) semaphore(%arg14 : memref<!tpu.dma_semaphore, #tpu.memory_space<semaphore_mem>>)
    %add3A_68 = arith.constant 1 : i32
    %add3A_69 = arith.addi %mul3A_27, %add3A_68 : i32
    %mul3A_70 = arith.constant 100 : i32
    %mul3A_71 = arith.muli %add3A_69, %mul3A_70 : i32
    %dma_start3A_72 = arith.constant 1 : i32
    %dma_start3A_73 = arith.constant 0 : i32
    %dma_start3A_74 = arith.constant 0 : i32
    %dma_start3A_75 = tpu.memref_slice %arg11[%dma_start3A_72, %dma_start3A_73, %dma_start3A_74] : memref<2x100x64xf32, #tpu.memory_space<vmem>> -> memref<1x100x64xf32, #tpu.memory_space<vmem>>
    %dma_start3A_76 = tpu.memref_squeeze %dma_start3A_75 : memref<1x100x64xf32, #tpu.memory_space<vmem>> -> memref<100x64xf32, #tpu.memory_space<vmem>>
    %dma_start3A_77 = arith.constant 0 : i32
    %dma_start3A_78 = tpu.memref_slice %arg3[%mul3A_71, %dma_start3A_77] : memref<320000x64xf32, #tpu.memory_space<hbm>> -> memref<100x64xf32, #tpu.memory_space<hbm>>
    %dma_start3A_79 = arith.constant 0 : i32
    %dma_start3A_80 = arith.constant 0 : i32
    %dma_start3A_81 = tpu.memref_slice %arg11[%dma_start3A_72, %dma_start3A_79, %dma_start3A_80] : memref<2x100x64xf32, #tpu.memory_space<vmem>> -> memref<1x100x64xf32, #tpu.memory_space<vmem>>
    %dma_start3A_82 = tpu.memref_squeeze %dma_start3A_81 : memref<1x100x64xf32, #tpu.memory_space<vmem>> -> memref<100x64xf32, #tpu.memory_space<vmem>>
    %dma_start3A_83 = arith.constant 0 : i32
    %dma_start3A_84 = tpu.memref_slice %arg3[%mul3A_71, %dma_start3A_83] : memref<320000x64xf32, #tpu.memory_space<hbm>> -> memref<100x64xf32, #tpu.memory_space<hbm>>
    tpu.enqueue_dma source(%dma_start3A_84 : memref<100x64xf32, #tpu.memory_space<hbm>>) target(%dma_start3A_82 : memref<100x64xf32, #tpu.memory_space<vmem>>) target_semaphore(%arg16 : memref<!tpu.dma_semaphore, #tpu.memory_space<semaphore_mem>>)
    %scan3A_85 = arith.constant 0 : i32
    %scan3A_86 = arith.constant 49 : i32
    %scan3A_87 = arith.addi %scan3A_85, %scan3A_86 : i32
    %scan3A_88 = arith.constant 1 : i32
    scf.for %scan3A_226 = %scan3A_85 to %scan3A_87 step %scan3A_88  : i32 {
      %mul3A_227 = arith.constant 1 : i32
      %mul3A_228 = arith.muli %scan3A_226, %mul3A_227 : i32
      %add3A_229 = arith.constant 0 : i32
      %add3A_230 = arith.addi %add3A_229, %mul3A_228 : i32
      %mul3A_231 = arith.constant 2 : i32
      %mul3A_232 = arith.muli %mul3A_231, %add3A_230 : i32
      %add3A_233 = arith.constant 0 : i32
      %add3A_234 = arith.addi %mul3A_232, %add3A_233 : i32
      %dma_wait3A_235 = arith.constant 0 : i32
      %dma_wait3A_236 = arith.constant 0 : i32
      %dma_wait3A_237 = arith.constant 0 : i32
      %dma_wait3A_238 = tpu.memref_slice %arg10[%dma_wait3A_235, %dma_wait3A_236, %dma_wait3A_237] : memref<2x100x64xf32, #tpu.memory_space<vmem>> -> memref<1x100x64xf32, #tpu.memory_space<vmem>>
      %dma_wait3A_239 = tpu.memref_squeeze %dma_wait3A_238 : memref<1x100x64xf32, #tpu.memory_space<vmem>> -> memref<100x64xf32, #tpu.memory_space<vmem>>
      %dma_wait3A_240 = arith.constant 0 : i32
      %dma_wait3A_241 = tpu.memref_slice %arg7[%add3A_234, %dma_wait3A_240] : memref<100x100xi32, #tpu.memory_space<vmem>> -> memref<1x100xi32, #tpu.memory_space<vmem>>
      %dma_wait3A_242 = tpu.memref_squeeze %dma_wait3A_241 : memref<1x100xi32, #tpu.memory_space<vmem>> -> memref<100xi32, #tpu.memory_space<vmem>>
      %dma_wait3A_243 = arith.constant 0 : i32
      %dma_wait3A_244 = arith.constant 0 : i32
      %dma_wait3A_245 = tpu.memref_slice %arg2[%dma_wait3A_243, %dma_wait3A_244] : memref<10000x64xf32, #tpu.memory_space<hbm>> -> memref<10000x64xf32, #tpu.memory_space<hbm>>
      tpu.wait_indirect_dma semaphore(%arg13 : memref<!tpu.dma_semaphore, #tpu.memory_space<semaphore_mem>>) src(%dma_wait3A_245 : memref<10000x64xf32, #tpu.memory_space<hbm>>) dst(%dma_wait3A_239 : memref<100x64xf32, #tpu.memory_space<vmem>>)
      %add3A_246 = arith.addi %mul3A_27, %add3A_234 : i32
      %mul3A_247 = arith.constant 100 : i32
      %mul3A_248 = arith.muli %add3A_246, %mul3A_247 : i32
      %dma_wait3A_249 = arith.constant 0 : i32
      %dma_wait3A_250 = arith.constant 0 : i32
      %dma_wait3A_251 = arith.constant 0 : i32
      %dma_wait3A_252 = tpu.memref_slice %arg11[%dma_wait3A_249, %dma_wait3A_250, %dma_wait3A_251] : memref<2x100x64xf32, #tpu.memory_space<vmem>> -> memref<1x100x64xf32, #tpu.memory_space<vmem>>
      %dma_wait3A_253 = tpu.memref_squeeze %dma_wait3A_252 : memref<1x100x64xf32, #tpu.memory_space<vmem>> -> memref<100x64xf32, #tpu.memory_space<vmem>>
      %dma_wait3A_254 = arith.constant 0 : i32
      %dma_wait3A_255 = tpu.memref_slice %arg3[%mul3A_248, %dma_wait3A_254] : memref<320000x64xf32, #tpu.memory_space<hbm>> -> memref<100x64xf32, #tpu.memory_space<hbm>>
      %dma_wait3A_256 = arith.constant 0 : i32
      %dma_wait3A_257 = arith.constant 0 : i32
      %dma_wait3A_258 = tpu.memref_slice %arg11[%dma_wait3A_249, %dma_wait3A_256, %dma_wait3A_257] : memref<2x100x64xf32, #tpu.memory_space<vmem>> -> memref<1x100x64xf32, #tpu.memory_space<vmem>>
      %dma_wait3A_259 = tpu.memref_squeeze %dma_wait3A_258 : memref<1x100x64xf32, #tpu.memory_space<vmem>> -> memref<100x64xf32, #tpu.memory_space<vmem>>
      %dma_wait3A_260 = arith.constant 0 : i32
      %dma_wait3A_261 = tpu.memref_slice %arg3[%mul3A_248, %dma_wait3A_260] : memref<320000x64xf32, #tpu.memory_space<hbm>> -> memref<100x64xf32, #tpu.memory_space<hbm>>
      tpu.wait_dma2 semaphore(%arg15 : memref<!tpu.dma_semaphore, #tpu.memory_space<semaphore_mem>>) src(%dma_wait3A_261 : memref<100x64xf32, #tpu.memory_space<hbm>>) dst(%dma_wait3A_259 : memref<100x64xf32, #tpu.memory_space<vmem>>)
      %scan3A_262 = arith.constant 0 : i32
      %scan3A_263 = arith.constant 100 : i32
      %scan3A_264 = arith.addi %scan3A_262, %scan3A_263 : i32
      %scan3A_265 = arith.constant 1 : i32
      scf.for %scan3A_403 = %scan3A_262 to %scan3A_264 step %scan3A_265  : i32 {
        %mul3A_404 = arith.constant 1 : i32
        %mul3A_405 = arith.muli %scan3A_403, %mul3A_404 : i32
        %add3A_406 = arith.constant 0 : i32
        %add3A_407 = arith.addi %add3A_406, %mul3A_405 : i32
        %get3A = arith.constant 0 : i32
        %get3A_408 = arith.index_cast %get3A : i32 to index
        %get3A_409 = arith.index_cast %add3A_407 : i32 to index
        %get3A_410 = arith.constant 0 : index
        %get3A_411 = tpu.vector_load %arg10[%get3A_408, %get3A_409, %get3A_410] {strides = array<i32>} : memref<2x100x64xf32, #tpu.memory_space<vmem>>, vector<1x1x16xf32>,
        %get3A_412 = vector.shape_cast %get3A_411 : vector<1x1x16xf32> to vector<16xf32>
        %get3A_413 = arith.constant 0 : i32
        %get3A_414 = arith.index_cast %get3A_413 : i32 to index
        %get3A_415 = arith.index_cast %add3A_407 : i32 to index
        %get3A_416 = arith.constant 0 : index
        %get3A_417 = tpu.vector_load %arg11[%get3A_414, %get3A_415, %get3A_416] {strides = array<i32>} : memref<2x100x64xf32, #tpu.memory_space<vmem>>, vector<1x1x16xf32>,
        %get3A_418 = vector.shape_cast %get3A_417 : vector<1x1x16xf32> to vector<16xf32>
        %add3A_419 = arith.addf %get3A_412, %get3A_418 : vector<16xf32>
        %max3A = arith.constant 0.000000e+00 : f32
        %max3A_420 = vector.broadcast %max3A : f32 to vector<16xf32>
        %max3A_421 = arith.maximumf %add3A_419, %max3A_420 : vector<16xf32>
        %swap3A = arith.constant 0 : i32
        %swap3A_422 = arith.index_cast %swap3A : i32 to index
        %swap3A_423 = arith.index_cast %add3A_407 : i32 to index
        %swap3A_424 = arith.constant 0 : index
        %swap3A_425 = tpu.vector_load %arg11[%swap3A_422, %swap3A_423, %swap3A_424] {strides = array<i32>} : memref<2x100x64xf32, #tpu.memory_space<vmem>>, vector<1x1x16xf32>,
        %swap3A_426 = vector.shape_cast %swap3A_425 : vector<1x1x16xf32> to vector<16xf32>
        %swap3A_427 = vector.shape_cast %max3A_421 : vector<16xf32> to vector<1x1x16xf32>
        tpu.vector_store %arg11[%swap3A_422, %swap3A_423, %swap3A_424], %swap3A_427 {strides = array<i32>} : memref<2x100x64xf32, #tpu.memory_space<vmem>>, vector<1x1x16xf32>,
        %get3A_428 = arith.constant 0 : i32
        %get3A_429 = arith.index_cast %get3A_428 : i32 to index
        %get3A_430 = arith.index_cast %add3A_407 : i32 to index
        %get3A_431 = arith.constant 16 : index
        %get3A_432 = tpu.vector_load %arg10[%get3A_429, %get3A_430, %get3A_431] {strides = array<i32>} : memref<2x100x64xf32, #tpu.memory_space<vmem>>, vector<1x1x16xf32>,
        %get3A_433 = vector.shape_cast %get3A_432 : vector<1x1x16xf32> to vector<16xf32>
        %get3A_434 = arith.constant 0 : i32
        %get3A_435 = arith.index_cast %get3A_434 : i32 to index
        %get3A_436 = arith.index_cast %add3A_407 : i32 to index
        %get3A_437 = arith.constant 16 : index
        %get3A_438 = tpu.vector_load %arg11[%get3A_435, %get3A_436, %get3A_437] {strides = array<i32>} : memref<2x100x64xf32, #tpu.memory_space<vmem>>, vector<1x1x16xf32>,
        %get3A_439 = vector.shape_cast %get3A_438 : vector<1x1x16xf32> to vector<16xf32>
        %add3A_440 = arith.addf %get3A_433, %get3A_439 : vector<16xf32>
        %max3A_441 = arith.constant 0.000000e+00 : f32
        %max3A_442 = vector.broadcast %max3A_441 : f32 to vector<16xf32>
        %max3A_443 = arith.maximumf %add3A_440, %max3A_442 : vector<16xf32>
        %swap3A_444 = arith.constant 0 : i32
        %swap3A_445 = arith.index_cast %swap3A_444 : i32 to index
        %swap3A_446 = arith.index_cast %add3A_407 : i32 to index
        %swap3A_447 = arith.constant 16 : index
        %swap3A_448 = tpu.vector_load %arg11[%swap3A_445, %swap3A_446, %swap3A_447] {strides = array<i32>} : memref<2x100x64xf32, #tpu.memory_space<vmem>>, vector<1x1x16xf32>,
        %swap3A_449 = vector.shape_cast %swap3A_448 : vector<1x1x16xf32> to vector<16xf32>
        %swap3A_450 = vector.shape_cast %max3A_443 : vector<16xf32> to vector<1x1x16xf32>
        tpu.vector_store %arg11[%swap3A_445, %swap3A_446, %swap3A_447], %swap3A_450 {strides = array<i32>} : memref<2x100x64xf32, #tpu.memory_space<vmem>>, vector<1x1x16xf32>,
        %get3A_451 = arith.constant 0 : i32
        %get3A_452 = arith.index_cast %get3A_451 : i32 to index
        %get3A_453 = arith.index_cast %add3A_407 : i32 to index
        %get3A_454 = arith.constant 32 : index
        %get3A_455 = tpu.vector_load %arg10[%get3A_452, %get3A_453, %get3A_454] {strides = array<i32>} : memref<2x100x64xf32, #tpu.memory_space<vmem>>, vector<1x1x16xf32>,
        %get3A_456 = vector.shape_cast %get3A_455 : vector<1x1x16xf32> to vector<16xf32>
        %get3A_457 = arith.constant 0 : i32
        %get3A_458 = arith.index_cast %get3A_457 : i32 to index
        %get3A_459 = arith.index_cast %add3A_407 : i32 to index
        %get3A_460 = arith.constant 32 : index
        %get3A_461 = tpu.vector_load %arg11[%get3A_458, %get3A_459, %get3A_460] {strides = array<i32>} : memref<2x100x64xf32, #tpu.memory_space<vmem>>, vector<1x1x16xf32>,
        %get3A_462 = vector.shape_cast %get3A_461 : vector<1x1x16xf32> to vector<16xf32>
        %add3A_463 = arith.addf %get3A_456, %get3A_462 : vector<16xf32>
        %max3A_464 = arith.constant 0.000000e+00 : f32
        %max3A_465 = vector.broadcast %max3A_464 : f32 to vector<16xf32>
        %max3A_466 = arith.maximumf %add3A_463, %max3A_465 : vector<16xf32>
        %swap3A_467 = arith.constant 0 : i32
        %swap3A_468 = arith.index_cast %swap3A_467 : i32 to index
        %swap3A_469 = arith.index_cast %add3A_407 : i32 to index
        %swap3A_470 = arith.constant 32 : index
        %swap3A_471 = tpu.vector_load %arg11[%swap3A_468, %swap3A_469, %swap3A_470] {strides = array<i32>} : memref<2x100x64xf32, #tpu.memory_space<vmem>>, vector<1x1x16xf32>,
        %swap3A_472 = vector.shape_cast %swap3A_471 : vector<1x1x16xf32> to vector<16xf32>
        %swap3A_473 = vector.shape_cast %max3A_466 : vector<16xf32> to vector<1x1x16xf32>
        tpu.vector_store %arg11[%swap3A_468, %swap3A_469, %swap3A_470], %swap3A_473 {strides = array<i32>} : memref<2x100x64xf32, #tpu.memory_space<vmem>>, vector<1x1x16xf32>,
        %get3A_474 = arith.constant 0 : i32
        %get3A_475 = arith.index_cast %get3A_474 : i32 to index
        %get3A_476 = arith.index_cast %add3A_407 : i32 to index
        %get3A_477 = arith.constant 48 : index
        %get3A_478 = tpu.vector_load %arg10[%get3A_475, %get3A_476, %get3A_477] {strides = array<i32>} : memref<2x100x64xf32, #tpu.memory_space<vmem>>, vector<1x1x16xf32>,
        %get3A_479 = vector.shape_cast %get3A_478 : vector<1x1x16xf32> to vector<16xf32>
        %get3A_480 = arith.constant 0 : i32
        %get3A_481 = arith.index_cast %get3A_480 : i32 to index
        %get3A_482 = arith.index_cast %add3A_407 : i32 to index
        %get3A_483 = arith.constant 48 : index
        %get3A_484 = tpu.vector_load %arg11[%get3A_481, %get3A_482, %get3A_483] {strides = array<i32>} : memref<2x100x64xf32, #tpu.memory_space<vmem>>, vector<1x1x16xf32>,
        %get3A_485 = vector.shape_cast %get3A_484 : vector<1x1x16xf32> to vector<16xf32>
        %add3A_486 = arith.addf %get3A_479, %get3A_485 : vector<16xf32>
        %max3A_487 = arith.constant 0.000000e+00 : f32
        %max3A_488 = vector.broadcast %max3A_487 : f32 to vector<16xf32>
        %max3A_489 = arith.maximumf %add3A_486, %max3A_488 : vector<16xf32>
        %swap3A_490 = arith.constant 0 : i32
        %swap3A_491 = arith.index_cast %swap3A_490 : i32 to index
        %swap3A_492 = arith.index_cast %add3A_407 : i32 to index
        %swap3A_493 = arith.constant 48 : index
        %swap3A_494 = tpu.vector_load %arg11[%swap3A_491, %swap3A_492, %swap3A_493] {strides = array<i32>} : memref<2x100x64xf32, #tpu.memory_space<vmem>>, vector<1x1x16xf32>,
        %swap3A_495 = vector.shape_cast %swap3A_494 : vector<1x1x16xf32> to vector<16xf32>
        %swap3A_496 = vector.shape_cast %max3A_489 : vector<16xf32> to vector<1x1x16xf32>
        tpu.vector_store %arg11[%swap3A_491, %swap3A_492, %swap3A_493], %swap3A_496 {strides = array<i32>} : memref<2x100x64xf32, #tpu.memory_space<vmem>>, vector<1x1x16xf32>,
      }
      %scan3A_266 = arith.constant 100 : i32
      %dma_start3A_267 = arith.constant 0 : i32
      %dma_start3A_268 = arith.constant 0 : i32
      %dma_start3A_269 = arith.constant 0 : i32
      %dma_start3A_270 = tpu.memref_slice %arg11[%dma_start3A_267, %dma_start3A_268, %dma_start3A_269] : memref<2x100x64xf32, #tpu.memory_space<vmem>> -> memref<1x100x64xf32, #tpu.memory_space<vmem>>
      %dma_start3A_271 = tpu.memref_squeeze %dma_start3A_270 : memref<1x100x64xf32, #tpu.memory_space<vmem>> -> memref<100x64xf32, #tpu.memory_space<vmem>>
      %dma_start3A_272 = arith.constant 0 : i32
      %dma_start3A_273 = tpu.memref_slice %arg8[%add3A_234, %dma_start3A_272] : memref<100x100xi32, #tpu.memory_space<vmem>> -> memref<1x100xi32, #tpu.memory_space<vmem>>
      %dma_start3A_274 = tpu.memref_squeeze %dma_start3A_273 : memref<1x100xi32, #tpu.memory_space<vmem>> -> memref<100xi32, #tpu.memory_space<vmem>>
      %dma_start3A_275 = arith.constant 0 : i32
      %dma_start3A_276 = arith.constant 0 : i32
      %dma_start3A_277 = tpu.memref_slice %arg12[%dma_start3A_275, %dma_start3A_276] : memref<10240x64xf32, #tpu.memory_space<vmem_shared>> -> memref<10240x64xf32, #tpu.memory_space<vmem_shared>>
      tpu.enqueue_indirect_dma source(%dma_start3A_271 : memref<100x64xf32, #tpu.memory_space<vmem>>) target(%dma_start3A_277 : memref<10240x64xf32, #tpu.memory_space<vmem_shared>>) offsets(%dma_start3A_274 : memref<100xi32, #tpu.memory_space<vmem>>) semaphore(%arg17 : memref<!tpu.dma_semaphore, #tpu.memory_space<semaphore_mem>>) {add = true}
      %dma_wait3A_278 = arith.constant 0 : i32
      %dma_wait3A_279 = arith.constant 0 : i32
      %dma_wait3A_280 = arith.constant 0 : i32
      %dma_wait3A_281 = tpu.memref_slice %arg11[%dma_wait3A_278, %dma_wait3A_279, %dma_wait3A_280] : memref<2x100x64xf32, #tpu.memory_space<vmem>> -> memref<1x100x64xf32, #tpu.memory_space<vmem>>
      %dma_wait3A_282 = tpu.memref_squeeze %dma_wait3A_281 : memref<1x100x64xf32, #tpu.memory_space<vmem>> -> memref<100x64xf32, #tpu.memory_space<vmem>>
      %dma_wait3A_283 = arith.constant 0 : i32
      %dma_wait3A_284 = tpu.memref_slice %arg8[%add3A_234, %dma_wait3A_283] : memref<100x100xi32, #tpu.memory_space<vmem>> -> memref<1x100xi32, #tpu.memory_space<vmem>>
      %dma_wait3A_285 = tpu.memref_squeeze %dma_wait3A_284 : memref<1x100xi32, #tpu.memory_space<vmem>> -> memref<100xi32, #tpu.memory_space<vmem>>
      %dma_wait3A_286 = arith.constant 0 : i32
      %dma_wait3A_287 = arith.constant 0 : i32
      %dma_wait3A_288 = tpu.memref_slice %arg12[%dma_wait3A_286, %dma_wait3A_287] : memref<10240x64xf32, #tpu.memory_space<vmem_shared>> -> memref<10240x64xf32, #tpu.memory_space<vmem_shared>>
      tpu.wait_indirect_dma semaphore(%arg17 : memref<!tpu.dma_semaphore, #tpu.memory_space<semaphore_mem>>) src(%dma_wait3A_282 : memref<100x64xf32, #tpu.memory_space<vmem>>) dst(%dma_wait3A_288 : memref<10240x64xf32, #tpu.memory_space<vmem_shared>>)
      %add3A_289 = arith.constant 2 : i32
      %add3A_290 = arith.addi %add3A_234, %add3A_289 : i32
      %dma_start3A_291 = arith.constant 0 : i32
      %dma_start3A_292 = arith.constant 0 : i32
      %dma_start3A_293 = arith.constant 0 : i32
      %dma_start3A_294 = tpu.memref_slice %arg10[%dma_start3A_291, %dma_start3A_292, %dma_start3A_293] : memref<2x100x64xf32, #tpu.memory_space<vmem>> -> memref<1x100x64xf32, #tpu.memory_space<vmem>>
      %dma_start3A_295 = tpu.memref_squeeze %dma_start3A_294 : memref<1x100x64xf32, #tpu.memory_space<vmem>> -> memref<100x64xf32, #tpu.memory_space<vmem>>
      %dma_start3A_296 = arith.constant 0 : i32
      %dma_start3A_297 = tpu.memref_slice %arg7[%add3A_290, %dma_start3A_296] : memref<100x100xi32, #tpu.memory_space<vmem>> -> memref<1x100xi32, #tpu.memory_space<vmem>>
      %dma_start3A_298 = tpu.memref_squeeze %dma_start3A_297 : memref<1x100xi32, #tpu.memory_space<vmem>> -> memref<100xi32, #tpu.memory_space<vmem>>
      %dma_start3A_299 = arith.constant 0 : i32
      %dma_start3A_300 = arith.constant 0 : i32
      %dma_start3A_301 = tpu.memref_slice %arg2[%dma_start3A_299, %dma_start3A_300] : memref<10000x64xf32, #tpu.memory_space<hbm>> -> memref<10000x64xf32, #tpu.memory_space<hbm>>
      tpu.enqueue_indirect_dma source(%dma_start3A_301 : memref<10000x64xf32, #tpu.memory_space<hbm>>) target(%dma_start3A_295 : memref<100x64xf32, #tpu.memory_space<vmem>>) offsets(%dma_start3A_298 : memref<100xi32, #tpu.memory_space<vmem>>) semaphore(%arg13 : memref<!tpu.dma_semaphore, #tpu.memory_space<semaphore_mem>>)
      %add3A_302 = arith.addi %mul3A_27, %add3A_290 : i32
      %mul3A_303 = arith.constant 100 : i32
      %mul3A_304 = arith.muli %add3A_302, %mul3A_303 : i32
      %dma_start3A_305 = arith.constant 0 : i32
      %dma_start3A_306 = arith.constant 0 : i32
      %dma_start3A_307 = arith.constant 0 : i32
      %dma_start3A_308 = tpu.memref_slice %arg11[%dma_start3A_305, %dma_start3A_306, %dma_start3A_307] : memref<2x100x64xf32, #tpu.memory_space<vmem>> -> memref<1x100x64xf32, #tpu.memory_space<vmem>>
      %dma_start3A_309 = tpu.memref_squeeze %dma_start3A_308 : memref<1x100x64xf32, #tpu.memory_space<vmem>> -> memref<100x64xf32, #tpu.memory_space<vmem>>
      %dma_start3A_310 = arith.constant 0 : i32
      %dma_start3A_311 = tpu.memref_slice %arg3[%mul3A_304, %dma_start3A_310] : memref<320000x64xf32, #tpu.memory_space<hbm>> -> memref<100x64xf32, #tpu.memory_space<hbm>>
      %dma_start3A_312 = arith.constant 0 : i32
      %dma_start3A_313 = arith.constant 0 : i32
      %dma_start3A_314 = tpu.memref_slice %arg11[%dma_start3A_305, %dma_start3A_312, %dma_start3A_313] : memref<2x100x64xf32, #tpu.memory_space<vmem>> -> memref<1x100x64xf32, #tpu.memory_space<vmem>>
      %dma_start3A_315 = tpu.memref_squeeze %dma_start3A_314 : memref<1x100x64xf32, #tpu.memory_space<vmem>> -> memref<100x64xf32, #tpu.memory_space<vmem>>
      %dma_start3A_316 = arith.constant 0 : i32
      %dma_start3A_317 = tpu.memref_slice %arg3[%mul3A_304, %dma_start3A_316] : memref<320000x64xf32, #tpu.memory_space<hbm>> -> memref<100x64xf32, #tpu.memory_space<hbm>>
      tpu.enqueue_dma source(%dma_start3A_317 : memref<100x64xf32, #tpu.memory_space<hbm>>) target(%dma_start3A_315 : memref<100x64xf32, #tpu.memory_space<vmem>>) target_semaphore(%arg15 : memref<!tpu.dma_semaphore, #tpu.memory_space<semaphore_mem>>)
      %add3A_318 = arith.constant 1 : i32
      %add3A_319 = arith.addi %mul3A_232, %add3A_318 : i32
      %dma_wait3A_320 = arith.constant 1 : i32
      %dma_wait3A_321 = arith.constant 0 : i32
      %dma_wait3A_322 = arith.constant 0 : i32
      %dma_wait3A_323 = tpu.memref_slice %arg10[%dma_wait3A_320, %dma_wait3A_321, %dma_wait3A_322] : memref<2x100x64xf32, #tpu.memory_space<vmem>> -> memref<1x100x64xf32, #tpu.memory_space<vmem>>
      %dma_wait3A_324 = tpu.memref_squeeze %dma_wait3A_323 : memref<1x100x64xf32, #tpu.memory_space<vmem>> -> memref<100x64xf32, #tpu.memory_space<vmem>>
      %dma_wait3A_325 = arith.constant 0 : i32
      %dma_wait3A_326 = tpu.memref_slice %arg7[%add3A_319, %dma_wait3A_325] : memref<100x100xi32, #tpu.memory_space<vmem>> -> memref<1x100xi32, #tpu.memory_space<vmem>>
      %dma_wait3A_327 = tpu.memref_squeeze %dma_wait3A_326 : memref<1x100xi32, #tpu.memory_space<vmem>> -> memref<100xi32, #tpu.memory_space<vmem>>
      %dma_wait3A_328 = arith.constant 0 : i32
      %dma_wait3A_329 = arith.constant 0 : i32
      %dma_wait3A_330 = tpu.memref_slice %arg2[%dma_wait3A_328, %dma_wait3A_329] : memref<10000x64xf32, #tpu.memory_space<hbm>> -> memref<10000x64xf32, #tpu.memory_space<hbm>>
      tpu.wait_indirect_dma semaphore(%arg14 : memref<!tpu.dma_semaphore, #tpu.memory_space<semaphore_mem>>) src(%dma_wait3A_330 : memref<10000x64xf32, #tpu.memory_space<hbm>>) dst(%dma_wait3A_324 : memref<100x64xf32, #tpu.memory_space<vmem>>)
      %add3A_331 = arith.addi %mul3A_27, %add3A_319 : i32
      %mul3A_332 = arith.constant 100 : i32
      %mul3A_333 = arith.muli %add3A_331, %mul3A_332 : i32
      %dma_wait3A_334 = arith.constant 1 : i32
      %dma_wait3A_335 = arith.constant 0 : i32
      %dma_wait3A_336 = arith.constant 0 : i32
      %dma_wait3A_337 = tpu.memref_slice %arg11[%dma_wait3A_334, %dma_wait3A_335, %dma_wait3A_336] : memref<2x100x64xf32, #tpu.memory_space<vmem>> -> memref<1x100x64xf32, #tpu.memory_space<vmem>>
      %dma_wait3A_338 = tpu.memref_squeeze %dma_wait3A_337 : memref<1x100x64xf32, #tpu.memory_space<vmem>> -> memref<100x64xf32, #tpu.memory_space<vmem>>
      %dma_wait3A_339 = arith.constant 0 : i32
      %dma_wait3A_340 = tpu.memref_slice %arg3[%mul3A_333, %dma_wait3A_339] : memref<320000x64xf32, #tpu.memory_space<hbm>> -> memref<100x64xf32, #tpu.memory_space<hbm>>
      %dma_wait3A_341 = arith.constant 0 : i32
      %dma_wait3A_342 = arith.constant 0 : i32
      %dma_wait3A_343 = tpu.memref_slice %arg11[%dma_wait3A_334, %dma_wait3A_341, %dma_wait3A_342] : memref<2x100x64xf32, #tpu.memory_space<vmem>> -> memref<1x100x64xf32, #tpu.memory_space<vmem>>
      %dma_wait3A_344 = tpu.memref_squeeze %dma_wait3A_343 : memref<1x100x64xf32, #tpu.memory_space<vmem>> -> memref<100x64xf32, #tpu.memory_space<vmem>>
      %dma_wait3A_345 = arith.constant 0 : i32
      %dma_wait3A_346 = tpu.memref_slice %arg3[%mul3A_333, %dma_wait3A_345] : memref<320000x64xf32, #tpu.memory_space<hbm>> -> memref<100x64xf32, #tpu.memory_space<hbm>>
      tpu.wait_dma2 semaphore(%arg16 : memref<!tpu.dma_semaphore, #tpu.memory_space<semaphore_mem>>) src(%dma_wait3A_346 : memref<100x64xf32, #tpu.memory_space<hbm>>) dst(%dma_wait3A_344 : memref<100x64xf32, #tpu.memory_space<vmem>>)
      %scan3A_347 = arith.constant 0 : i32
      %scan3A_348 = arith.constant 100 : i32
      %scan3A_349 = arith.addi %scan3A_347, %scan3A_348 : i32
      %scan3A_350 = arith.constant 1 : i32
      scf.for %scan3A_403 = %scan3A_347 to %scan3A_349 step %scan3A_350  : i32 {
        %mul3A_404 = arith.constant 1 : i32
        %mul3A_405 = arith.muli %scan3A_403, %mul3A_404 : i32
        %add3A_406 = arith.constant 0 : i32
        %add3A_407 = arith.addi %add3A_406, %mul3A_405 : i32
        %get3A = arith.constant 1 : i32
        %get3A_408 = arith.index_cast %get3A : i32 to index
        %get3A_409 = arith.index_cast %add3A_407 : i32 to index
        %get3A_410 = arith.constant 0 : index
        %get3A_411 = tpu.vector_load %arg10[%get3A_408, %get3A_409, %get3A_410] {strides = array<i32>} : memref<2x100x64xf32, #tpu.memory_space<vmem>>, vector<1x1x16xf32>,
        %get3A_412 = vector.shape_cast %get3A_411 : vector<1x1x16xf32> to vector<16xf32>
        %get3A_413 = arith.constant 1 : i32
        %get3A_414 = arith.index_cast %get3A_413 : i32 to index
        %get3A_415 = arith.index_cast %add3A_407 : i32 to index
        %get3A_416 = arith.constant 0 : index
        %get3A_417 = tpu.vector_load %arg11[%get3A_414, %get3A_415, %get3A_416] {strides = array<i32>} : memref<2x100x64xf32, #tpu.memory_space<vmem>>, vector<1x1x16xf32>,
        %get3A_418 = vector.shape_cast %get3A_417 : vector<1x1x16xf32> to vector<16xf32>
        %add3A_419 = arith.addf %get3A_412, %get3A_418 : vector<16xf32>
        %max3A = arith.constant 0.000000e+00 : f32
        %max3A_420 = vector.broadcast %max3A : f32 to vector<16xf32>
        %max3A_421 = arith.maximumf %add3A_419, %max3A_420 : vector<16xf32>
        %swap3A = arith.constant 1 : i32
        %swap3A_422 = arith.index_cast %swap3A : i32 to index
        %swap3A_423 = arith.index_cast %add3A_407 : i32 to index
        %swap3A_424 = arith.constant 0 : index
        %swap3A_425 = tpu.vector_load %arg11[%swap3A_422, %swap3A_423, %swap3A_424] {strides = array<i32>} : memref<2x100x64xf32, #tpu.memory_space<vmem>>, vector<1x1x16xf32>,
        %swap3A_426 = vector.shape_cast %swap3A_425 : vector<1x1x16xf32> to vector<16xf32>
        %swap3A_427 = vector.shape_cast %max3A_421 : vector<16xf32> to vector<1x1x16xf32>
        tpu.vector_store %arg11[%swap3A_422, %swap3A_423, %swap3A_424], %swap3A_427 {strides = array<i32>} : memref<2x100x64xf32, #tpu.memory_space<vmem>>, vector<1x1x16xf32>,
        %get3A_428 = arith.constant 1 : i32
        %get3A_429 = arith.index_cast %get3A_428 : i32 to index
        %get3A_430 = arith.index_cast %add3A_407 : i32 to index
        %get3A_431 = arith.constant 16 : index
        %get3A_432 = tpu.vector_load %arg10[%get3A_429, %get3A_430, %get3A_431] {strides = array<i32>} : memref<2x100x64xf32, #tpu.memory_space<vmem>>, vector<1x1x16xf32>,
        %get3A_433 = vector.shape_cast %get3A_432 : vector<1x1x16xf32> to vector<16xf32>
        %get3A_434 = arith.constant 1 : i32
        %get3A_435 = arith.index_cast %get3A_434 : i32 to index
        %get3A_436 = arith.index_cast %add3A_407 : i32 to index
        %get3A_437 = arith.constant 16 : index
        %get3A_438 = tpu.vector_load %arg11[%get3A_435, %get3A_436, %get3A_437] {strides = array<i32>} : memref<2x100x64xf32, #tpu.memory_space<vmem>>, vector<1x1x16xf32>,
        %get3A_439 = vector.shape_cast %get3A_438 : vector<1x1x16xf32> to vector<16xf32>
        %add3A_440 = arith.addf %get3A_433, %get3A_439 : vector<16xf32>
        %max3A_441 = arith.constant 0.000000e+00 : f32
        %max3A_442 = vector.broadcast %max3A_441 : f32 to vector<16xf32>
        %max3A_443 = arith.maximumf %add3A_440, %max3A_442 : vector<16xf32>
        %swap3A_444 = arith.constant 1 : i32
        %swap3A_445 = arith.index_cast %swap3A_444 : i32 to index
        %swap3A_446 = arith.index_cast %add3A_407 : i32 to index
        %swap3A_447 = arith.constant 16 : index
        %swap3A_448 = tpu.vector_load %arg11[%swap3A_445, %swap3A_446, %swap3A_447] {strides = array<i32>} : memref<2x100x64xf32, #tpu.memory_space<vmem>>, vector<1x1x16xf32>,
        %swap3A_449 = vector.shape_cast %swap3A_448 : vector<1x1x16xf32> to vector<16xf32>
        %swap3A_450 = vector.shape_cast %max3A_443 : vector<16xf32> to vector<1x1x16xf32>
        tpu.vector_store %arg11[%swap3A_445, %swap3A_446, %swap3A_447], %swap3A_450 {strides = array<i32>} : memref<2x100x64xf32, #tpu.memory_space<vmem>>, vector<1x1x16xf32>,
        %get3A_451 = arith.constant 1 : i32
        %get3A_452 = arith.index_cast %get3A_451 : i32 to index
        %get3A_453 = arith.index_cast %add3A_407 : i32 to index
        %get3A_454 = arith.constant 32 : index
        %get3A_455 = tpu.vector_load %arg10[%get3A_452, %get3A_453, %get3A_454] {strides = array<i32>} : memref<2x100x64xf32, #tpu.memory_space<vmem>>, vector<1x1x16xf32>,
        %get3A_456 = vector.shape_cast %get3A_455 : vector<1x1x16xf32> to vector<16xf32>
        %get3A_457 = arith.constant 1 : i32
        %get3A_458 = arith.index_cast %get3A_457 : i32 to index
        %get3A_459 = arith.index_cast %add3A_407 : i32 to index
        %get3A_460 = arith.constant 32 : index
        %get3A_461 = tpu.vector_load %arg11[%get3A_458, %get3A_459, %get3A_460] {strides = array<i32>} : memref<2x100x64xf32, #tpu.memory_space<vmem>>, vector<1x1x16xf32>,
        %get3A_462 = vector.shape_cast %get3A_461 : vector<1x1x16xf32> to vector<16xf32>
        %add3A_463 = arith.addf %get3A_456, %get3A_462 : vector<16xf32>
        %max3A_464 = arith.constant 0.000000e+00 : f32
        %max3A_465 = vector.broadcast %max3A_464 : f32 to vector<16xf32>
        %max3A_466 = arith.maximumf %add3A_463, %max3A_465 : vector<16xf32>
        %swap3A_467 = arith.constant 1 : i32
        %swap3A_468 = arith.index_cast %swap3A_467 : i32 to index
        %swap3A_469 = arith.index_cast %add3A_407 : i32 to index
        %swap3A_470 = arith.constant 32 : index
        %swap3A_471 = tpu.vector_load %arg11[%swap3A_468, %swap3A_469, %swap3A_470] {strides = array<i32>} : memref<2x100x64xf32, #tpu.memory_space<vmem>>, vector<1x1x16xf32>,
        %swap3A_472 = vector.shape_cast %swap3A_471 : vector<1x1x16xf32> to vector<16xf32>
        %swap3A_473 = vector.shape_cast %max3A_466 : vector<16xf32> to vector<1x1x16xf32>
        tpu.vector_store %arg11[%swap3A_468, %swap3A_469, %swap3A_470], %swap3A_473 {strides = array<i32>} : memref<2x100x64xf32, #tpu.memory_space<vmem>>, vector<1x1x16xf32>,
        %get3A_474 = arith.constant 1 : i32
        %get3A_475 = arith.index_cast %get3A_474 : i32 to index
        %get3A_476 = arith.index_cast %add3A_407 : i32 to index
        %get3A_477 = arith.constant 48 : index
        %get3A_478 = tpu.vector_load %arg10[%get3A_475, %get3A_476, %get3A_477] {strides = array<i32>} : memref<2x100x64xf32, #tpu.memory_space<vmem>>, vector<1x1x16xf32>,
        %get3A_479 = vector.shape_cast %get3A_478 : vector<1x1x16xf32> to vector<16xf32>
        %get3A_480 = arith.constant 1 : i32
        %get3A_481 = arith.index_cast %get3A_480 : i32 to index
        %get3A_482 = arith.index_cast %add3A_407 : i32 to index
        %get3A_483 = arith.constant 48 : index
        %get3A_484 = tpu.vector_load %arg11[%get3A_481, %get3A_482, %get3A_483] {strides = array<i32>} : memref<2x100x64xf32, #tpu.memory_space<vmem>>, vector<1x1x16xf32>,
        %get3A_485 = vector.shape_cast %get3A_484 : vector<1x1x16xf32> to vector<16xf32>
        %add3A_486 = arith.addf %get3A_479, %get3A_485 : vector<16xf32>
        %max3A_487 = arith.constant 0.000000e+00 : f32
        %max3A_488 = vector.broadcast %max3A_487 : f32 to vector<16xf32>
        %max3A_489 = arith.maximumf %add3A_486, %max3A_488 : vector<16xf32>
        %swap3A_490 = arith.constant 1 : i32
        %swap3A_491 = arith.index_cast %swap3A_490 : i32 to index
        %swap3A_492 = arith.index_cast %add3A_407 : i32 to index
        %swap3A_493 = arith.constant 48 : index
        %swap3A_494 = tpu.vector_load %arg11[%swap3A_491, %swap3A_492, %swap3A_493] {strides = array<i32>} : memref<2x100x64xf32, #tpu.memory_space<vmem>>, vector<1x1x16xf32>,
        %swap3A_495 = vector.shape_cast %swap3A_494 : vector<1x1x16xf32> to vector<16xf32>
        %swap3A_496 = vector.shape_cast %max3A_489 : vector<16xf32> to vector<1x1x16xf32>
        tpu.vector_store %arg11[%swap3A_491, %swap3A_492, %swap3A_493], %swap3A_496 {strides = array<i32>} : memref<2x100x64xf32, #tpu.memory_space<vmem>>, vector<1x1x16xf32>,
      }
      %scan3A_351 = arith.constant 100 : i32
      %dma_start3A_352 = arith.constant 1 : i32
      %dma_start3A_353 = arith.constant 0 : i32
      %dma_start3A_354 = arith.constant 0 : i32
      %dma_start3A_355 = tpu.memref_slice %arg11[%dma_start3A_352, %dma_start3A_353, %dma_start3A_354] : memref<2x100x64xf32, #tpu.memory_space<vmem>> -> memref<1x100x64xf32, #tpu.memory_space<vmem>>
      %dma_start3A_356 = tpu.memref_squeeze %dma_start3A_355 : memref<1x100x64xf32, #tpu.memory_space<vmem>> -> memref<100x64xf32, #tpu.memory_space<vmem>>
      %dma_start3A_357 = arith.constant 0 : i32
      %dma_start3A_358 = tpu.memref_slice %arg8[%add3A_319, %dma_start3A_357] : memref<100x100xi32, #tpu.memory_space<vmem>> -> memref<1x100xi32, #tpu.memory_space<vmem>>
      %dma_start3A_359 = tpu.memref_squeeze %dma_start3A_358 : memref<1x100xi32, #tpu.memory_space<vmem>> -> memref<100xi32, #tpu.memory_space<vmem>>
      %dma_start3A_360 = arith.constant 0 : i32
      %dma_start3A_361 = arith.constant 0 : i32
      %dma_start3A_362 = tpu.memref_slice %arg12[%dma_start3A_360, %dma_start3A_361] : memref<10240x64xf32, #tpu.memory_space<vmem_shared>> -> memref<10240x64xf32, #tpu.memory_space<vmem_shared>>
      tpu.enqueue_indirect_dma source(%dma_start3A_356 : memref<100x64xf32, #tpu.memory_space<vmem>>) target(%dma_start3A_362 : memref<10240x64xf32, #tpu.memory_space<vmem_shared>>) offsets(%dma_start3A_359 : memref<100xi32, #tpu.memory_space<vmem>>) semaphore(%arg18 : memref<!tpu.dma_semaphore, #tpu.memory_space<semaphore_mem>>) {add = true}
      %dma_wait3A_363 = arith.constant 1 : i32
      %dma_wait3A_364 = arith.constant 0 : i32
      %dma_wait3A_365 = arith.constant 0 : i32
      %dma_wait3A_366 = tpu.memref_slice %arg11[%dma_wait3A_363, %dma_wait3A_364, %dma_wait3A_365] : memref<2x100x64xf32, #tpu.memory_space<vmem>> -> memref<1x100x64xf32, #tpu.memory_space<vmem>>
      %dma_wait3A_367 = tpu.memref_squeeze %dma_wait3A_366 : memref<1x100x64xf32, #tpu.memory_space<vmem>> -> memref<100x64xf32, #tpu.memory_space<vmem>>
      %dma_wait3A_368 = arith.constant 0 : i32
      %dma_wait3A_369 = tpu.memref_slice %arg8[%add3A_319, %dma_wait3A_368] : memref<100x100xi32, #tpu.memory_space<vmem>> -> memref<1x100xi32, #tpu.memory_space<vmem>>
      %dma_wait3A_370 = tpu.memref_squeeze %dma_wait3A_369 : memref<1x100xi32, #tpu.memory_space<vmem>> -> memref<100xi32, #tpu.memory_space<vmem>>
      %dma_wait3A_371 = arith.constant 0 : i32
      %dma_wait3A_372 = arith.constant 0 : i32
      %dma_wait3A_373 = tpu.memref_slice %arg12[%dma_wait3A_371, %dma_wait3A_372] : memref<10240x64xf32, #tpu.memory_space<vmem_shared>> -> memref<10240x64xf32, #tpu.memory_space<vmem_shared>>
      tpu.wait_indirect_dma semaphore(%arg18 : memref<!tpu.dma_semaphore, #tpu.memory_space<semaphore_mem>>) src(%dma_wait3A_367 : memref<100x64xf32, #tpu.memory_space<vmem>>) dst(%dma_wait3A_373 : memref<10240x64xf32, #tpu.memory_space<vmem_shared>>)
      %add3A_374 = arith.constant 2 : i32
      %add3A_375 = arith.addi %add3A_319, %add3A_374 : i32
      %dma_start3A_376 = arith.constant 1 : i32
      %dma_start3A_377 = arith.constant 0 : i32
      %dma_start3A_378 = arith.constant 0 : i32
      %dma_start3A_379 = tpu.memref_slice %arg10[%dma_start3A_376, %dma_start3A_377, %dma_start3A_378] : memref<2x100x64xf32, #tpu.memory_space<vmem>> -> memref<1x100x64xf32, #tpu.memory_space<vmem>>
      %dma_start3A_380 = tpu.memref_squeeze %dma_start3A_379 : memref<1x100x64xf32, #tpu.memory_space<vmem>> -> memref<100x64xf32, #tpu.memory_space<vmem>>
      %dma_start3A_381 = arith.constant 0 : i32
      %dma_start3A_382 = tpu.memref_slice %arg7[%add3A_375, %dma_start3A_381] : memref<100x100xi32, #tpu.memory_space<vmem>> -> memref<1x100xi32, #tpu.memory_space<vmem>>
      %dma_start3A_383 = tpu.memref_squeeze %dma_start3A_382 : memref<1x100xi32, #tpu.memory_space<vmem>> -> memref<100xi32, #tpu.memory_space<vmem>>
      %dma_start3A_384 = arith.constant 0 : i32
      %dma_start3A_385 = arith.constant 0 : i32
      %dma_start3A_386 = tpu.memref_slice %arg2[%dma_start3A_384, %dma_start3A_385] : memref<10000x64xf32, #tpu.memory_space<hbm>> -> memref<10000x64xf32, #tpu.memory_space<hbm>>
      tpu.enqueue_indirect_dma source(%dma_start3A_386 : memref<10000x64xf32, #tpu.memory_space<hbm>>) target(%dma_start3A_380 : memref<100x64xf32, #tpu.memory_space<vmem>>) offsets(%dma_start3A_383 : memref<100xi32, #tpu.memory_space<vmem>>) semaphore(%arg14 : memref<!tpu.dma_semaphore, #tpu.memory_space<semaphore_mem>>)
      %add3A_387 = arith.addi %mul3A_27, %add3A_375 : i32
      %mul3A_388 = arith.constant 100 : i32
      %mul3A_389 = arith.muli %add3A_387, %mul3A_388 : i32
      %dma_start3A_390 = arith.constant 1 : i32
      %dma_start3A_391 = arith.constant 0 : i32
      %dma_start3A_392 = arith.constant 0 : i32
      %dma_start3A_393 = tpu.memref_slice %arg11[%dma_start3A_390, %dma_start3A_391, %dma_start3A_392] : memref<2x100x64xf32, #tpu.memory_space<vmem>> -> memref<1x100x64xf32, #tpu.memory_space<vmem>>
      %dma_start3A_394 = tpu.memref_squeeze %dma_start3A_393 : memref<1x100x64xf32, #tpu.memory_space<vmem>> -> memref<100x64xf32, #tpu.memory_space<vmem>>
      %dma_start3A_395 = arith.constant 0 : i32
      %dma_start3A_396 = tpu.memref_slice %arg3[%mul3A_389, %dma_start3A_395] : memref<320000x64xf32, #tpu.memory_space<hbm>> -> memref<100x64xf32, #tpu.memory_space<hbm>>
      %dma_start3A_397 = arith.constant 0 : i32
      %dma_start3A_398 = arith.constant 0 : i32
      %dma_start3A_399 = tpu.memref_slice %arg11[%dma_start3A_390, %dma_start3A_397, %dma_start3A_398] : memref<2x100x64xf32, #tpu.memory_space<vmem>> -> memref<1x100x64xf32, #tpu.memory_space<vmem>>
      %dma_start3A_400 = tpu.memref_squeeze %dma_start3A_399 : memref<1x100x64xf32, #tpu.memory_space<vmem>> -> memref<100x64xf32, #tpu.memory_space<vmem>>
      %dma_start3A_401 = arith.constant 0 : i32
      %dma_start3A_402 = tpu.memref_slice %arg3[%mul3A_389, %dma_start3A_401] : memref<320000x64xf32, #tpu.memory_space<hbm>> -> memref<100x64xf32, #tpu.memory_space<hbm>>
      tpu.enqueue_dma source(%dma_start3A_402 : memref<100x64xf32, #tpu.memory_space<hbm>>) target(%dma_start3A_400 : memref<100x64xf32, #tpu.memory_space<vmem>>) target_semaphore(%arg16 : memref<!tpu.dma_semaphore, #tpu.memory_space<semaphore_mem>>)
    }
    %scan3A_89 = arith.constant 49 : i32
    %dma_wait3A = arith.constant 98 : i32
    %dma_wait3A_90 = arith.constant 0 : i32
    %dma_wait3A_91 = arith.constant 0 : i32
    %dma_wait3A_92 = arith.constant 0 : i32
    %dma_wait3A_93 = tpu.memref_slice %arg10[%dma_wait3A_90, %dma_wait3A_91, %dma_wait3A_92] : memref<2x100x64xf32, #tpu.memory_space<vmem>> -> memref<1x100x64xf32, #tpu.memory_space<vmem>>
    %dma_wait3A_94 = tpu.memref_squeeze %dma_wait3A_93 : memref<1x100x64xf32, #tpu.memory_space<vmem>> -> memref<100x64xf32, #tpu.memory_space<vmem>>
    %dma_wait3A_95 = arith.constant 0 : i32
    %dma_wait3A_96 = tpu.memref_slice %arg7[%dma_wait3A, %dma_wait3A_95] : memref<100x100xi32, #tpu.memory_space<vmem>> -> memref<1x100xi32, #tpu.memory_space<vmem>>
    %dma_wait3A_97 = tpu.memref_squeeze %dma_wait3A_96 : memref<1x100xi32, #tpu.memory_space<vmem>> -> memref<100xi32, #tpu.memory_space<vmem>>
    %dma_wait3A_98 = arith.constant 0 : i32
    %dma_wait3A_99 = arith.constant 0 : i32
    %dma_wait3A_100 = tpu.memref_slice %arg2[%dma_wait3A_98, %dma_wait3A_99] : memref<10000x64xf32, #tpu.memory_space<hbm>> -> memref<10000x64xf32, #tpu.memory_space<hbm>>
    tpu.wait_indirect_dma semaphore(%arg13 : memref<!tpu.dma_semaphore, #tpu.memory_space<semaphore_mem>>) src(%dma_wait3A_100 : memref<10000x64xf32, #tpu.memory_space<hbm>>) dst(%dma_wait3A_94 : memref<100x64xf32, #tpu.memory_space<vmem>>)
    %add3A_101 = arith.constant 98 : i32
    %add3A_102 = arith.addi %mul3A_27, %add3A_101 : i32
    %mul3A_103 = arith.constant 100 : i32
    %mul3A_104 = arith.muli %add3A_102, %mul3A_103 : i32
    %dma_wait3A_105 = arith.constant 0 : i32
    %dma_wait3A_106 = arith.constant 0 : i32
    %dma_wait3A_107 = arith.constant 0 : i32
    %dma_wait3A_108 = tpu.memref_slice %arg11[%dma_wait3A_105, %dma_wait3A_106, %dma_wait3A_107] : memref<2x100x64xf32, #tpu.memory_space<vmem>> -> memref<1x100x64xf32, #tpu.memory_space<vmem>>
    %dma_wait3A_109 = tpu.memref_squeeze %dma_wait3A_108 : memref<1x100x64xf32, #tpu.memory_space<vmem>> -> memref<100x64xf32, #tpu.memory_space<vmem>>
    %dma_wait3A_110 = arith.constant 0 : i32
    %dma_wait3A_111 = tpu.memref_slice %arg3[%mul3A_104, %dma_wait3A_110] : memref<320000x64xf32, #tpu.memory_space<hbm>> -> memref<100x64xf32, #tpu.memory_space<hbm>>
    %dma_wait3A_112 = arith.constant 0 : i32
    %dma_wait3A_113 = arith.constant 0 : i32
    %dma_wait3A_114 = tpu.memref_slice %arg11[%dma_wait3A_105, %dma_wait3A_112, %dma_wait3A_113] : memref<2x100x64xf32, #tpu.memory_space<vmem>> -> memref<1x100x64xf32, #tpu.memory_space<vmem>>
    %dma_wait3A_115 = tpu.memref_squeeze %dma_wait3A_114 : memref<1x100x64xf32, #tpu.memory_space<vmem>> -> memref<100x64xf32, #tpu.memory_space<vmem>>
    %dma_wait3A_116 = arith.constant 0 : i32
    %dma_wait3A_117 = tpu.memref_slice %arg3[%mul3A_104, %dma_wait3A_116] : memref<320000x64xf32, #tpu.memory_space<hbm>> -> memref<100x64xf32, #tpu.memory_space<hbm>>
    tpu.wait_dma2 semaphore(%arg15 : memref<!tpu.dma_semaphore, #tpu.memory_space<semaphore_mem>>) src(%dma_wait3A_117 : memref<100x64xf32, #tpu.memory_space<hbm>>) dst(%dma_wait3A_115 : memref<100x64xf32, #tpu.memory_space<vmem>>)
    %scan3A_118 = arith.constant 0 : i32
    %scan3A_119 = arith.constant 100 : i32
    %scan3A_120 = arith.addi %scan3A_118, %scan3A_119 : i32
    %scan3A_121 = arith.constant 1 : i32
    scf.for %scan3A_226 = %scan3A_118 to %scan3A_120 step %scan3A_121  : i32 {
      %mul3A_227 = arith.constant 1 : i32
      %mul3A_228 = arith.muli %scan3A_226, %mul3A_227 : i32
      %add3A_229 = arith.constant 0 : i32
      %add3A_230 = arith.addi %add3A_229, %mul3A_228 : i32
      %get3A = arith.constant 0 : i32
      %get3A_231 = arith.index_cast %get3A : i32 to index
      %get3A_232 = arith.index_cast %add3A_230 : i32 to index
      %get3A_233 = arith.constant 0 : index
      %get3A_234 = tpu.vector_load %arg10[%get3A_231, %get3A_232, %get3A_233] {strides = array<i32>} : memref<2x100x64xf32, #tpu.memory_space<vmem>>, vector<1x1x16xf32>,
      %get3A_235 = vector.shape_cast %get3A_234 : vector<1x1x16xf32> to vector<16xf32>
      %get3A_236 = arith.constant 0 : i32
      %get3A_237 = arith.index_cast %get3A_236 : i32 to index
      %get3A_238 = arith.index_cast %add3A_230 : i32 to index
      %get3A_239 = arith.constant 0 : index
      %get3A_240 = tpu.vector_load %arg11[%get3A_237, %get3A_238, %get3A_239] {strides = array<i32>} : memref<2x100x64xf32, #tpu.memory_space<vmem>>, vector<1x1x16xf32>,
      %get3A_241 = vector.shape_cast %get3A_240 : vector<1x1x16xf32> to vector<16xf32>
      %add3A_242 = arith.addf %get3A_235, %get3A_241 : vector<16xf32>
      %max3A = arith.constant 0.000000e+00 : f32
      %max3A_243 = vector.broadcast %max3A : f32 to vector<16xf32>
      %max3A_244 = arith.maximumf %add3A_242, %max3A_243 : vector<16xf32>
      %swap3A = arith.constant 0 : i32
      %swap3A_245 = arith.index_cast %swap3A : i32 to index
      %swap3A_246 = arith.index_cast %add3A_230 : i32 to index
      %swap3A_247 = arith.constant 0 : index
      %swap3A_248 = tpu.vector_load %arg11[%swap3A_245, %swap3A_246, %swap3A_247] {strides = array<i32>} : memref<2x100x64xf32, #tpu.memory_space<vmem>>, vector<1x1x16xf32>,
      %swap3A_249 = vector.shape_cast %swap3A_248 : vector<1x1x16xf32> to vector<16xf32>
      %swap3A_250 = vector.shape_cast %max3A_244 : vector<16xf32> to vector<1x1x16xf32>
      tpu.vector_store %arg11[%swap3A_245, %swap3A_246, %swap3A_247], %swap3A_250 {strides = array<i32>} : memref<2x100x64xf32, #tpu.memory_space<vmem>>, vector<1x1x16xf32>,
      %get3A_251 = arith.constant 0 : i32
      %get3A_252 = arith.index_cast %get3A_251 : i32 to index
      %get3A_253 = arith.index_cast %add3A_230 : i32 to index
      %get3A_254 = arith.constant 16 : index
      %get3A_255 = tpu.vector_load %arg10[%get3A_252, %get3A_253, %get3A_254] {strides = array<i32>} : memref<2x100x64xf32, #tpu.memory_space<vmem>>, vector<1x1x16xf32>,
      %get3A_256 = vector.shape_cast %get3A_255 : vector<1x1x16xf32> to vector<16xf32>
      %get3A_257 = arith.constant 0 : i32
      %get3A_258 = arith.index_cast %get3A_257 : i32 to index
      %get3A_259 = arith.index_cast %add3A_230 : i32 to index
      %get3A_260 = arith.constant 16 : index
      %get3A_261 = tpu.vector_load %arg11[%get3A_258, %get3A_259, %get3A_260] {strides = array<i32>} : memref<2x100x64xf32, #tpu.memory_space<vmem>>, vector<1x1x16xf32>,
      %get3A_262 = vector.shape_cast %get3A_261 : vector<1x1x16xf32> to vector<16xf32>
      %add3A_263 = arith.addf %get3A_256, %get3A_262 : vector<16xf32>
      %max3A_264 = arith.constant 0.000000e+00 : f32
      %max3A_265 = vector.broadcast %max3A_264 : f32 to vector<16xf32>
      %max3A_266 = arith.maximumf %add3A_263, %max3A_265 : vector<16xf32>
      %swap3A_267 = arith.constant 0 : i32
      %swap3A_268 = arith.index_cast %swap3A_267 : i32 to index
      %swap3A_269 = arith.index_cast %add3A_230 : i32 to index
      %swap3A_270 = arith.constant 16 : index
      %swap3A_271 = tpu.vector_load %arg11[%swap3A_268, %swap3A_269, %swap3A_270] {strides = array<i32>} : memref<2x100x64xf32, #tpu.memory_space<vmem>>, vector<1x1x16xf32>,
      %swap3A_272 = vector.shape_cast %swap3A_271 : vector<1x1x16xf32> to vector<16xf32>
      %swap3A_273 = vector.shape_cast %max3A_266 : vector<16xf32> to vector<1x1x16xf32>
      tpu.vector_store %arg11[%swap3A_268, %swap3A_269, %swap3A_270], %swap3A_273 {strides = array<i32>} : memref<2x100x64xf32, #tpu.memory_space<vmem>>, vector<1x1x16xf32>,
      %get3A_274 = arith.constant 0 : i32
      %get3A_275 = arith.index_cast %get3A_274 : i32 to index
      %get3A_276 = arith.index_cast %add3A_230 : i32 to index
      %get3A_277 = arith.constant 32 : index
      %get3A_278 = tpu.vector_load %arg10[%get3A_275, %get3A_276, %get3A_277] {strides = array<i32>} : memref<2x100x64xf32, #tpu.memory_space<vmem>>, vector<1x1x16xf32>,
      %get3A_279 = vector.shape_cast %get3A_278 : vector<1x1x16xf32> to vector<16xf32>
      %get3A_280 = arith.constant 0 : i32
      %get3A_281 = arith.index_cast %get3A_280 : i32 to index
      %get3A_282 = arith.index_cast %add3A_230 : i32 to index
      %get3A_283 = arith.constant 32 : index
      %get3A_284 = tpu.vector_load %arg11[%get3A_281, %get3A_282, %get3A_283] {strides = array<i32>} : memref<2x100x64xf32, #tpu.memory_space<vmem>>, vector<1x1x16xf32>,
      %get3A_285 = vector.shape_cast %get3A_284 : vector<1x1x16xf32> to vector<16xf32>
      %add3A_286 = arith.addf %get3A_279, %get3A_285 : vector<16xf32>
      %max3A_287 = arith.constant 0.000000e+00 : f32
      %max3A_288 = vector.broadcast %max3A_287 : f32 to vector<16xf32>
      %max3A_289 = arith.maximumf %add3A_286, %max3A_288 : vector<16xf32>
      %swap3A_290 = arith.constant 0 : i32
      %swap3A_291 = arith.index_cast %swap3A_290 : i32 to index
      %swap3A_292 = arith.index_cast %add3A_230 : i32 to index
      %swap3A_293 = arith.constant 32 : index
      %swap3A_294 = tpu.vector_load %arg11[%swap3A_291, %swap3A_292, %swap3A_293] {strides = array<i32>} : memref<2x100x64xf32, #tpu.memory_space<vmem>>, vector<1x1x16xf32>,
      %swap3A_295 = vector.shape_cast %swap3A_294 : vector<1x1x16xf32> to vector<16xf32>
      %swap3A_296 = vector.shape_cast %max3A_289 : vector<16xf32> to vector<1x1x16xf32>
      tpu.vector_store %arg11[%swap3A_291, %swap3A_292, %swap3A_293], %swap3A_296 {strides = array<i32>} : memref<2x100x64xf32, #tpu.memory_space<vmem>>, vector<1x1x16xf32>,
      %get3A_297 = arith.constant 0 : i32
      %get3A_298 = arith.index_cast %get3A_297 : i32 to index
      %get3A_299 = arith.index_cast %add3A_230 : i32 to index
      %get3A_300 = arith.constant 48 : index
      %get3A_301 = tpu.vector_load %arg10[%get3A_298, %get3A_299, %get3A_300] {strides = array<i32>} : memref<2x100x64xf32, #tpu.memory_space<vmem>>, vector<1x1x16xf32>,
      %get3A_302 = vector.shape_cast %get3A_301 : vector<1x1x16xf32> to vector<16xf32>
      %get3A_303 = arith.constant 0 : i32
      %get3A_304 = arith.index_cast %get3A_303 : i32 to index
      %get3A_305 = arith.index_cast %add3A_230 : i32 to index
      %get3A_306 = arith.constant 48 : index
      %get3A_307 = tpu.vector_load %arg11[%get3A_304, %get3A_305, %get3A_306] {strides = array<i32>} : memref<2x100x64xf32, #tpu.memory_space<vmem>>, vector<1x1x16xf32>,
      %get3A_308 = vector.shape_cast %get3A_307 : vector<1x1x16xf32> to vector<16xf32>
      %add3A_309 = arith.addf %get3A_302, %get3A_308 : vector<16xf32>
      %max3A_310 = arith.constant 0.000000e+00 : f32
      %max3A_311 = vector.broadcast %max3A_310 : f32 to vector<16xf32>
      %max3A_312 = arith.maximumf %add3A_309, %max3A_311 : vector<16xf32>
      %swap3A_313 = arith.constant 0 : i32
      %swap3A_314 = arith.index_cast %swap3A_313 : i32 to index
      %swap3A_315 = arith.index_cast %add3A_230 : i32 to index
      %swap3A_316 = arith.constant 48 : index
      %swap3A_317 = tpu.vector_load %arg11[%swap3A_314, %swap3A_315, %swap3A_316] {strides = array<i32>} : memref<2x100x64xf32, #tpu.memory_space<vmem>>, vector<1x1x16xf32>,
      %swap3A_318 = vector.shape_cast %swap3A_317 : vector<1x1x16xf32> to vector<16xf32>
      %swap3A_319 = vector.shape_cast %max3A_312 : vector<16xf32> to vector<1x1x16xf32>
      tpu.vector_store %arg11[%swap3A_314, %swap3A_315, %swap3A_316], %swap3A_319 {strides = array<i32>} : memref<2x100x64xf32, #tpu.memory_space<vmem>>, vector<1x1x16xf32>,
    }
    %scan3A_122 = arith.constant 100 : i32
    %dma_start3A_123 = arith.constant 0 : i32
    %dma_start3A_124 = arith.constant 98 : i32
    %dma_start3A_125 = arith.constant 0 : i32
    %dma_start3A_126 = arith.constant 0 : i32
    %dma_start3A_127 = tpu.memref_slice %arg11[%dma_start3A_123, %dma_start3A_125, %dma_start3A_126] : memref<2x100x64xf32, #tpu.memory_space<vmem>> -> memref<1x100x64xf32, #tpu.memory_space<vmem>>
    %dma_start3A_128 = tpu.memref_squeeze %dma_start3A_127 : memref<1x100x64xf32, #tpu.memory_space<vmem>> -> memref<100x64xf32, #tpu.memory_space<vmem>>
    %dma_start3A_129 = arith.constant 0 : i32
    %dma_start3A_130 = tpu.memref_slice %arg8[%dma_start3A_124, %dma_start3A_129] : memref<100x100xi32, #tpu.memory_space<vmem>> -> memref<1x100xi32, #tpu.memory_space<vmem>>
    %dma_start3A_131 = tpu.memref_squeeze %dma_start3A_130 : memref<1x100xi32, #tpu.memory_space<vmem>> -> memref<100xi32, #tpu.memory_space<vmem>>
    %dma_start3A_132 = arith.constant 0 : i32
    %dma_start3A_133 = arith.constant 0 : i32
    %dma_start3A_134 = tpu.memref_slice %arg12[%dma_start3A_132, %dma_start3A_133] : memref<10240x64xf32, #tpu.memory_space<vmem_shared>> -> memref<10240x64xf32, #tpu.memory_space<vmem_shared>>
    tpu.enqueue_indirect_dma source(%dma_start3A_128 : memref<100x64xf32, #tpu.memory_space<vmem>>) target(%dma_start3A_134 : memref<10240x64xf32, #tpu.memory_space<vmem_shared>>) offsets(%dma_start3A_131 : memref<100xi32, #tpu.memory_space<vmem>>) semaphore(%arg17 : memref<!tpu.dma_semaphore, #tpu.memory_space<semaphore_mem>>) {add = true}
    %dma_wait3A_135 = arith.constant 0 : i32
    %dma_wait3A_136 = arith.constant 98 : i32
    %dma_wait3A_137 = arith.constant 0 : i32
    %dma_wait3A_138 = arith.constant 0 : i32
    %dma_wait3A_139 = tpu.memref_slice %arg11[%dma_wait3A_135, %dma_wait3A_137, %dma_wait3A_138] : memref<2x100x64xf32, #tpu.memory_space<vmem>> -> memref<1x100x64xf32, #tpu.memory_space<vmem>>
    %dma_wait3A_140 = tpu.memref_squeeze %dma_wait3A_139 : memref<1x100x64xf32, #tpu.memory_space<vmem>> -> memref<100x64xf32, #tpu.memory_space<vmem>>
    %dma_wait3A_141 = arith.constant 0 : i32
    %dma_wait3A_142 = tpu.memref_slice %arg8[%dma_wait3A_136, %dma_wait3A_141] : memref<100x100xi32, #tpu.memory_space<vmem>> -> memref<1x100xi32, #tpu.memory_space<vmem>>
    %dma_wait3A_143 = tpu.memref_squeeze %dma_wait3A_142 : memref<1x100xi32, #tpu.memory_space<vmem>> -> memref<100xi32, #tpu.memory_space<vmem>>
    %dma_wait3A_144 = arith.constant 0 : i32
    %dma_wait3A_145 = arith.constant 0 : i32
    %dma_wait3A_146 = tpu.memref_slice %arg12[%dma_wait3A_144, %dma_wait3A_145] : memref<10240x64xf32, #tpu.memory_space<vmem_shared>> -> memref<10240x64xf32, #tpu.memory_space<vmem_shared>>
    tpu.wait_indirect_dma semaphore(%arg17 : memref<!tpu.dma_semaphore, #tpu.memory_space<semaphore_mem>>) src(%dma_wait3A_140 : memref<100x64xf32, #tpu.memory_space<vmem>>) dst(%dma_wait3A_146 : memref<10240x64xf32, #tpu.memory_space<vmem_shared>>)
    %dma_wait3A_147 = arith.constant 99 : i32
    %dma_wait3A_148 = arith.constant 1 : i32
    %dma_wait3A_149 = arith.constant 0 : i32
    %dma_wait3A_150 = arith.constant 0 : i32
    %dma_wait3A_151 = tpu.memref_slice %arg10[%dma_wait3A_148, %dma_wait3A_149, %dma_wait3A_150] : memref<2x100x64xf32, #tpu.memory_space<vmem>> -> memref<1x100x64xf32, #tpu.memory_space<vmem>>
    %dma_wait3A_152 = tpu.memref_squeeze %dma_wait3A_151 : memref<1x100x64xf32, #tpu.memory_space<vmem>> -> memref<100x64xf32, #tpu.memory_space<vmem>>
    %dma_wait3A_153 = arith.constant 0 : i32
    %dma_wait3A_154 = tpu.memref_slice %arg7[%dma_wait3A_147, %dma_wait3A_153] : memref<100x100xi32, #tpu.memory_space<vmem>> -> memref<1x100xi32, #tpu.memory_space<vmem>>
    %dma_wait3A_155 = tpu.memref_squeeze %dma_wait3A_154 : memref<1x100xi32, #tpu.memory_space<vmem>> -> memref<100xi32, #tpu.memory_space<vmem>>
    %dma_wait3A_156 = arith.constant 0 : i32
    %dma_wait3A_157 = arith.constant 0 : i32
    %dma_wait3A_158 = tpu.memref_slice %arg2[%dma_wait3A_156, %dma_wait3A_157] : memref<10000x64xf32, #tpu.memory_space<hbm>> -> memref<10000x64xf32, #tpu.memory_space<hbm>>
    tpu.wait_indirect_dma semaphore(%arg14 : memref<!tpu.dma_semaphore, #tpu.memory_space<semaphore_mem>>) src(%dma_wait3A_158 : memref<10000x64xf32, #tpu.memory_space<hbm>>) dst(%dma_wait3A_152 : memref<100x64xf32, #tpu.memory_space<vmem>>)
    %add3A_159 = arith.constant 99 : i32
    %add3A_160 = arith.addi %mul3A_27, %add3A_159 : i32
    %mul3A_161 = arith.constant 100 : i32
    %mul3A_162 = arith.muli %add3A_160, %mul3A_161 : i32
    %dma_wait3A_163 = arith.constant 1 : i32
    %dma_wait3A_164 = arith.constant 0 : i32
    %dma_wait3A_165 = arith.constant 0 : i32
    %dma_wait3A_166 = tpu.memref_slice %arg11[%dma_wait3A_163, %dma_wait3A_164, %dma_wait3A_165] : memref<2x100x64xf32, #tpu.memory_space<vmem>> -> memref<1x100x64xf32, #tpu.memory_space<vmem>>
    %dma_wait3A_167 = tpu.memref_squeeze %dma_wait3A_166 : memref<1x100x64xf32, #tpu.memory_space<vmem>> -> memref<100x64xf32, #tpu.memory_space<vmem>>
    %dma_wait3A_168 = arith.constant 0 : i32
    %dma_wait3A_169 = tpu.memref_slice %arg3[%mul3A_162, %dma_wait3A_168] : memref<320000x64xf32, #tpu.memory_space<hbm>> -> memref<100x64xf32, #tpu.memory_space<hbm>>
    %dma_wait3A_170 = arith.constant 0 : i32
    %dma_wait3A_171 = arith.constant 0 : i32
    %dma_wait3A_172 = tpu.memref_slice %arg11[%dma_wait3A_163, %dma_wait3A_170, %dma_wait3A_171] : memref<2x100x64xf32, #tpu.memory_space<vmem>> -> memref<1x100x64xf32, #tpu.memory_space<vmem>>
    %dma_wait3A_173 = tpu.memref_squeeze %dma_wait3A_172 : memref<1x100x64xf32, #tpu.memory_space<vmem>> -> memref<100x64xf32, #tpu.memory_space<vmem>>
    %dma_wait3A_174 = arith.constant 0 : i32
    %dma_wait3A_175 = tpu.memref_slice %arg3[%mul3A_162, %dma_wait3A_174] : memref<320000x64xf32, #tpu.memory_space<hbm>> -> memref<100x64xf32, #tpu.memory_space<hbm>>
    tpu.wait_dma2 semaphore(%arg16 : memref<!tpu.dma_semaphore, #tpu.memory_space<semaphore_mem>>) src(%dma_wait3A_175 : memref<100x64xf32, #tpu.memory_space<hbm>>) dst(%dma_wait3A_173 : memref<100x64xf32, #tpu.memory_space<vmem>>)
    %scan3A_176 = arith.constant 0 : i32
    %scan3A_177 = arith.constant 100 : i32
    %scan3A_178 = arith.addi %scan3A_176, %scan3A_177 : i32
    %scan3A_179 = arith.constant 1 : i32
    scf.for %scan3A_226 = %scan3A_176 to %scan3A_178 step %scan3A_179  : i32 {
      %mul3A_227 = arith.constant 1 : i32
      %mul3A_228 = arith.muli %scan3A_226, %mul3A_227 : i32
      %add3A_229 = arith.constant 0 : i32
      %add3A_230 = arith.addi %add3A_229, %mul3A_228 : i32
      %get3A = arith.constant 1 : i32
      %get3A_231 = arith.index_cast %get3A : i32 to index
      %get3A_232 = arith.index_cast %add3A_230 : i32 to index
      %get3A_233 = arith.constant 0 : index
      %get3A_234 = tpu.vector_load %arg10[%get3A_231, %get3A_232, %get3A_233] {strides = array<i32>} : memref<2x100x64xf32, #tpu.memory_space<vmem>>, vector<1x1x16xf32>,
      %get3A_235 = vector.shape_cast %get3A_234 : vector<1x1x16xf32> to vector<16xf32>
      %get3A_236 = arith.constant 1 : i32
      %get3A_237 = arith.index_cast %get3A_236 : i32 to index
      %get3A_238 = arith.index_cast %add3A_230 : i32 to index
      %get3A_239 = arith.constant 0 : index
      %get3A_240 = tpu.vector_load %arg11[%get3A_237, %get3A_238, %get3A_239] {strides = array<i32>} : memref<2x100x64xf32, #tpu.memory_space<vmem>>, vector<1x1x16xf32>,
      %get3A_241 = vector.shape_cast %get3A_240 : vector<1x1x16xf32> to vector<16xf32>
      %add3A_242 = arith.addf %get3A_235, %get3A_241 : vector<16xf32>
      %max3A = arith.constant 0.000000e+00 : f32
      %max3A_243 = vector.broadcast %max3A : f32 to vector<16xf32>
      %max3A_244 = arith.maximumf %add3A_242, %max3A_243 : vector<16xf32>
      %swap3A = arith.constant 1 : i32
      %swap3A_245 = arith.index_cast %swap3A : i32 to index
      %swap3A_246 = arith.index_cast %add3A_230 : i32 to index
      %swap3A_247 = arith.constant 0 : index
      %swap3A_248 = tpu.vector_load %arg11[%swap3A_245, %swap3A_246, %swap3A_247] {strides = array<i32>} : memref<2x100x64xf32, #tpu.memory_space<vmem>>, vector<1x1x16xf32>,
      %swap3A_249 = vector.shape_cast %swap3A_248 : vector<1x1x16xf32> to vector<16xf32>
      %swap3A_250 = vector.shape_cast %max3A_244 : vector<16xf32> to vector<1x1x16xf32>
      tpu.vector_store %arg11[%swap3A_245, %swap3A_246, %swap3A_247], %swap3A_250 {strides = array<i32>} : memref<2x100x64xf32, #tpu.memory_space<vmem>>, vector<1x1x16xf32>,
      %get3A_251 = arith.constant 1 : i32
      %get3A_252 = arith.index_cast %get3A_251 : i32 to index
      %get3A_253 = arith.index_cast %add3A_230 : i32 to index
      %get3A_254 = arith.constant 16 : index
      %get3A_255 = tpu.vector_load %arg10[%get3A_252, %get3A_253, %get3A_254] {strides = array<i32>} : memref<2x100x64xf32, #tpu.memory_space<vmem>>, vector<1x1x16xf32>,
      %get3A_256 = vector.shape_cast %get3A_255 : vector<1x1x16xf32> to vector<16xf32>
      %get3A_257 = arith.constant 1 : i32
      %get3A_258 = arith.index_cast %get3A_257 : i32 to index
      %get3A_259 = arith.index_cast %add3A_230 : i32 to index
      %get3A_260 = arith.constant 16 : index
      %get3A_261 = tpu.vector_load %arg11[%get3A_258, %get3A_259, %get3A_260] {strides = array<i32>} : memref<2x100x64xf32, #tpu.memory_space<vmem>>, vector<1x1x16xf32>,
      %get3A_262 = vector.shape_cast %get3A_261 : vector<1x1x16xf32> to vector<16xf32>
      %add3A_263 = arith.addf %get3A_256, %get3A_262 : vector<16xf32>
      %max3A_264 = arith.constant 0.000000e+00 : f32
      %max3A_265 = vector.broadcast %max3A_264 : f32 to vector<16xf32>
      %max3A_266 = arith.maximumf %add3A_263, %max3A_265 : vector<16xf32>
      %swap3A_267 = arith.constant 1 : i32
      %swap3A_268 = arith.index_cast %swap3A_267 : i32 to index
      %swap3A_269 = arith.index_cast %add3A_230 : i32 to index
      %swap3A_270 = arith.constant 16 : index
      %swap3A_271 = tpu.vector_load %arg11[%swap3A_268, %swap3A_269, %swap3A_270] {strides = array<i32>} : memref<2x100x64xf32, #tpu.memory_space<vmem>>, vector<1x1x16xf32>,
      %swap3A_272 = vector.shape_cast %swap3A_271 : vector<1x1x16xf32> to vector<16xf32>
      %swap3A_273 = vector.shape_cast %max3A_266 : vector<16xf32> to vector<1x1x16xf32>
      tpu.vector_store %arg11[%swap3A_268, %swap3A_269, %swap3A_270], %swap3A_273 {strides = array<i32>} : memref<2x100x64xf32, #tpu.memory_space<vmem>>, vector<1x1x16xf32>,
      %get3A_274 = arith.constant 1 : i32
      %get3A_275 = arith.index_cast %get3A_274 : i32 to index
      %get3A_276 = arith.index_cast %add3A_230 : i32 to index
      %get3A_277 = arith.constant 32 : index
      %get3A_278 = tpu.vector_load %arg10[%get3A_275, %get3A_276, %get3A_277] {strides = array<i32>} : memref<2x100x64xf32, #tpu.memory_space<vmem>>, vector<1x1x16xf32>,
      %get3A_279 = vector.shape_cast %get3A_278 : vector<1x1x16xf32> to vector<16xf32>
      %get3A_280 = arith.constant 1 : i32
      %get3A_281 = arith.index_cast %get3A_280 : i32 to index
      %get3A_282 = arith.index_cast %add3A_230 : i32 to index
      %get3A_283 = arith.constant 32 : index
      %get3A_284 = tpu.vector_load %arg11[%get3A_281, %get3A_282, %get3A_283] {strides = array<i32>} : memref<2x100x64xf32, #tpu.memory_space<vmem>>, vector<1x1x16xf32>,
      %get3A_285 = vector.shape_cast %get3A_284 : vector<1x1x16xf32> to vector<16xf32>
      %add3A_286 = arith.addf %get3A_279, %get3A_285 : vector<16xf32>
      %max3A_287 = arith.constant 0.000000e+00 : f32
      %max3A_288 = vector.broadcast %max3A_287 : f32 to vector<16xf32>
      %max3A_289 = arith.maximumf %add3A_286, %max3A_288 : vector<16xf32>
      %swap3A_290 = arith.constant 1 : i32
      %swap3A_291 = arith.index_cast %swap3A_290 : i32 to index
      %swap3A_292 = arith.index_cast %add3A_230 : i32 to index
      %swap3A_293 = arith.constant 32 : index
      %swap3A_294 = tpu.vector_load %arg11[%swap3A_291, %swap3A_292, %swap3A_293] {strides = array<i32>} : memref<2x100x64xf32, #tpu.memory_space<vmem>>, vector<1x1x16xf32>,
      %swap3A_295 = vector.shape_cast %swap3A_294 : vector<1x1x16xf32> to vector<16xf32>
      %swap3A_296 = vector.shape_cast %max3A_289 : vector<16xf32> to vector<1x1x16xf32>
      tpu.vector_store %arg11[%swap3A_291, %swap3A_292, %swap3A_293], %swap3A_296 {strides = array<i32>} : memref<2x100x64xf32, #tpu.memory_space<vmem>>, vector<1x1x16xf32>,
      %get3A_297 = arith.constant 1 : i32
      %get3A_298 = arith.index_cast %get3A_297 : i32 to index
      %get3A_299 = arith.index_cast %add3A_230 : i32 to index
      %get3A_300 = arith.constant 48 : index
      %get3A_301 = tpu.vector_load %arg10[%get3A_298, %get3A_299, %get3A_300] {strides = array<i32>} : memref<2x100x64xf32, #tpu.memory_space<vmem>>, vector<1x1x16xf32>,
      %get3A_302 = vector.shape_cast %get3A_301 : vector<1x1x16xf32> to vector<16xf32>
      %get3A_303 = arith.constant 1 : i32
      %get3A_304 = arith.index_cast %get3A_303 : i32 to index
      %get3A_305 = arith.index_cast %add3A_230 : i32 to index
      %get3A_306 = arith.constant 48 : index
      %get3A_307 = tpu.vector_load %arg11[%get3A_304, %get3A_305, %get3A_306] {strides = array<i32>} : memref<2x100x64xf32, #tpu.memory_space<vmem>>, vector<1x1x16xf32>,
      %get3A_308 = vector.shape_cast %get3A_307 : vector<1x1x16xf32> to vector<16xf32>
      %add3A_309 = arith.addf %get3A_302, %get3A_308 : vector<16xf32>
      %max3A_310 = arith.constant 0.000000e+00 : f32
      %max3A_311 = vector.broadcast %max3A_310 : f32 to vector<16xf32>
      %max3A_312 = arith.maximumf %add3A_309, %max3A_311 : vector<16xf32>
      %swap3A_313 = arith.constant 1 : i32
      %swap3A_314 = arith.index_cast %swap3A_313 : i32 to index
      %swap3A_315 = arith.index_cast %add3A_230 : i32 to index
      %swap3A_316 = arith.constant 48 : index
      %swap3A_317 = tpu.vector_load %arg11[%swap3A_314, %swap3A_315, %swap3A_316] {strides = array<i32>} : memref<2x100x64xf32, #tpu.memory_space<vmem>>, vector<1x1x16xf32>,
      %swap3A_318 = vector.shape_cast %swap3A_317 : vector<1x1x16xf32> to vector<16xf32>
      %swap3A_319 = vector.shape_cast %max3A_312 : vector<16xf32> to vector<1x1x16xf32>
      tpu.vector_store %arg11[%swap3A_314, %swap3A_315, %swap3A_316], %swap3A_319 {strides = array<i32>} : memref<2x100x64xf32, #tpu.memory_space<vmem>>, vector<1x1x16xf32>,
    }
    %scan3A_180 = arith.constant 100 : i32
    %dma_start3A_181 = arith.constant 1 : i32
    %dma_start3A_182 = arith.constant 99 : i32
    %dma_start3A_183 = arith.constant 0 : i32
    %dma_start3A_184 = arith.constant 0 : i32
    %dma_start3A_185 = tpu.memref_slice %arg11[%dma_start3A_181, %dma_start3A_183, %dma_start3A_184] : memref<2x100x64xf32, #tpu.memory_space<vmem>> -> memref<1x100x64xf32, #tpu.memory_space<vmem>>
    %dma_start3A_186 = tpu.memref_squeeze %dma_start3A_185 : memref<1x100x64xf32, #tpu.memory_space<vmem>> -> memref<100x64xf32, #tpu.memory_space<vmem>>
    %dma_start3A_187 = arith.constant 0 : i32
    %dma_start3A_188 = tpu.memref_slice %arg8[%dma_start3A_182, %dma_start3A_187] : memref<100x100xi32, #tpu.memory_space<vmem>> -> memref<1x100xi32, #tpu.memory_space<vmem>>
    %dma_start3A_189 = tpu.memref_squeeze %dma_start3A_188 : memref<1x100xi32, #tpu.memory_space<vmem>> -> memref<100xi32, #tpu.memory_space<vmem>>
    %dma_start3A_190 = arith.constant 0 : i32
    %dma_start3A_191 = arith.constant 0 : i32
    %dma_start3A_192 = tpu.memref_slice %arg12[%dma_start3A_190, %dma_start3A_191] : memref<10240x64xf32, #tpu.memory_space<vmem_shared>> -> memref<10240x64xf32, #tpu.memory_space<vmem_shared>>
    tpu.enqueue_indirect_dma source(%dma_start3A_186 : memref<100x64xf32, #tpu.memory_space<vmem>>) target(%dma_start3A_192 : memref<10240x64xf32, #tpu.memory_space<vmem_shared>>) offsets(%dma_start3A_189 : memref<100xi32, #tpu.memory_space<vmem>>) semaphore(%arg18 : memref<!tpu.dma_semaphore, #tpu.memory_space<semaphore_mem>>) {add = true}
    %dma_wait3A_193 = arith.constant 1 : i32
    %dma_wait3A_194 = arith.constant 99 : i32
    %dma_wait3A_195 = arith.constant 0 : i32
    %dma_wait3A_196 = arith.constant 0 : i32
    %dma_wait3A_197 = tpu.memref_slice %arg11[%dma_wait3A_193, %dma_wait3A_195, %dma_wait3A_196] : memref<2x100x64xf32, #tpu.memory_space<vmem>> -> memref<1x100x64xf32, #tpu.memory_space<vmem>>
    %dma_wait3A_198 = tpu.memref_squeeze %dma_wait3A_197 : memref<1x100x64xf32, #tpu.memory_space<vmem>> -> memref<100x64xf32, #tpu.memory_space<vmem>>
    %dma_wait3A_199 = arith.constant 0 : i32
    %dma_wait3A_200 = tpu.memref_slice %arg8[%dma_wait3A_194, %dma_wait3A_199] : memref<100x100xi32, #tpu.memory_space<vmem>> -> memref<1x100xi32, #tpu.memory_space<vmem>>
    %dma_wait3A_201 = tpu.memref_squeeze %dma_wait3A_200 : memref<1x100xi32, #tpu.memory_space<vmem>> -> memref<100xi32, #tpu.memory_space<vmem>>
    %dma_wait3A_202 = arith.constant 0 : i32
    %dma_wait3A_203 = arith.constant 0 : i32
    %dma_wait3A_204 = tpu.memref_slice %arg12[%dma_wait3A_202, %dma_wait3A_203] : memref<10240x64xf32, #tpu.memory_space<vmem_shared>> -> memref<10240x64xf32, #tpu.memory_space<vmem_shared>>
    tpu.wait_indirect_dma semaphore(%arg18 : memref<!tpu.dma_semaphore, #tpu.memory_space<semaphore_mem>>) src(%dma_wait3A_198 : memref<100x64xf32, #tpu.memory_space<vmem>>) dst(%dma_wait3A_204 : memref<10240x64xf32, #tpu.memory_space<vmem_shared>>)
    %barrier3A_205 = arith.constant 0 : index
    tpu.barrier barrier_id(%barrier3A_205)
    %mul3A_206 = arith.constant 640 : i32
    %mul3A_207 = arith.muli %arg1, %mul3A_206 : i32
    %add3A_208 = arith.constant 0 : i32
    %add3A_209 = arith.addi %mul3A_207, %add3A_208 : i32
    "tpu.region"() ({
      %run_scoped3A = tpu.sem_alloc : memref<!tpu.dma_semaphore, #tpu.memory_space<semaphore_mem>>
      %dma_start3A_226 = arith.constant 0 : i32
      %dma_start3A_227 = tpu.memref_slice %arg12[%add3A_209, %dma_start3A_226] : memref<10240x64xf32, #tpu.memory_space<vmem_shared>> -> memref<128x64xf32, #tpu.memory_space<vmem_shared>>
      %dma_start3A_228 = arith.constant 0 : i32
      %dma_start3A_229 = tpu.memref_slice %arg12[%add3A_209, %dma_start3A_228] : memref<10240x64xf32, #tpu.memory_space<vmem_shared>> -> memref<128x64xf32, #tpu.memory_space<vmem_shared>>
      tpu.enqueue_dma source(%dma_start3A_229 : memref<128x64xf32, #tpu.memory_space<vmem_shared>>) target(%arg9 : memref<128x64xf32, #tpu.memory_space<vmem>>) target_semaphore(%run_scoped3A : memref<!tpu.dma_semaphore, #tpu.memory_space<semaphore_mem>>)
      %dma_wait3A_230 = arith.constant 0 : i32
      %dma_wait3A_231 = tpu.memref_slice %arg12[%add3A_209, %dma_wait3A_230] : memref<10240x64xf32, #tpu.memory_space<vmem_shared>> -> memref<128x64xf32, #tpu.memory_space<vmem_shared>>
      %dma_wait3A_232 = arith.constant 0 : i32
      %dma_wait3A_233 = tpu.memref_slice %arg12[%add3A_209, %dma_wait3A_232] : memref<10240x64xf32, #tpu.memory_space<vmem_shared>> -> memref<128x64xf32, #tpu.memory_space<vmem_shared>>
      tpu.wait_dma2 semaphore(%run_scoped3A : memref<!tpu.dma_semaphore, #tpu.memory_space<semaphore_mem>>) src(%dma_wait3A_233 : memref<128x64xf32, #tpu.memory_space<vmem_shared>>) dst(%arg9 : memref<128x64xf32, #tpu.memory_space<vmem>>)
      tpu.yield
    }) : () -> ()
    "tpu.region"() ({
      %run_scoped3A = tpu.sem_alloc : memref<!tpu.dma_semaphore, #tpu.memory_space<semaphore_mem>>
      %dma_start3A_226 = arith.constant 0 : i32
      %dma_start3A_227 = tpu.memref_slice %arg6[%arg0, %add3A_209, %dma_start3A_226] : memref<2x10240x64xf32, #tpu.memory_space<hbm>> -> memref<1x128x64xf32, #tpu.memory_space<hbm>>
      %dma_start3A_228 = tpu.memref_squeeze %dma_start3A_227 : memref<1x128x64xf32, #tpu.memory_space<hbm>> -> memref<128x64xf32, #tpu.memory_space<hbm>>
      %dma_start3A_229 = arith.constant 0 : i32
      %dma_start3A_230 = tpu.memref_slice %arg6[%arg0, %add3A_209, %dma_start3A_229] : memref<2x10240x64xf32, #tpu.memory_space<hbm>> -> memref<1x128x64xf32, #tpu.memory_space<hbm>>
      %dma_start3A_231 = tpu.memref_squeeze %dma_start3A_230 : memref<1x128x64xf32, #tpu.memory_space<hbm>> -> memref<128x64xf32, #tpu.memory_space<hbm>>
      tpu.enqueue_dma source(%arg9 : memref<128x64xf32, #tpu.memory_space<vmem>>) target(%dma_start3A_231 : memref<128x64xf32, #tpu.memory_space<hbm>>) target_semaphore(%run_scoped3A : memref<!tpu.dma_semaphore, #tpu.memory_space<semaphore_mem>>)
      %dma_wait3A_232 = arith.constant 0 : i32
      %dma_wait3A_233 = tpu.memref_slice %arg6[%arg0, %add3A_209, %dma_wait3A_232] : memref<2x10240x64xf32, #tpu.memory_space<hbm>> -> memref<1x128x64xf32, #tpu.memory_space<hbm>>
      %dma_wait3A_234 = tpu.memref_squeeze %dma_wait3A_233 : memref<1x128x64xf32, #tpu.memory_space<hbm>> -> memref<128x64xf32, #tpu.memory_space<hbm>>
      %dma_wait3A_235 = arith.constant 0 : i32
      %dma_wait3A_236 = tpu.memref_slice %arg6[%arg0, %add3A_209, %dma_wait3A_235] : memref<2x10240x64xf32, #tpu.memory_space<hbm>> -> memref<1x128x64xf32, #tpu.memory_space<hbm>>
      %dma_wait3A_237 = tpu.memref_squeeze %dma_wait3A_236 : memref<1x128x64xf32, #tpu.memory_space<hbm>> -> memref<128x64xf32, #tpu.memory_space<hbm>>
      tpu.wait_dma2 semaphore(%run_scoped3A : memref<!tpu.dma_semaphore, #tpu.memory_space<semaphore_mem>>) src(%arg9 : memref<128x64xf32, #tpu.memory_space<vmem>>) dst(%dma_wait3A_237 : memref<128x64xf32, #tpu.memory_space<hbm>>)
      tpu.yield
    }) : () -> ()
    %mul3A_210 = arith.constant 640 : i32
    %mul3A_211 = arith.muli %arg1, %mul3A_210 : i32
    %add3A_212 = arith.constant 128 : i32
    %add3A_213 = arith.addi %mul3A_211, %add3A_212 : i32
    "tpu.region"() ({
      %run_scoped3A = tpu.sem_alloc : memref<!tpu.dma_semaphore, #tpu.memory_space<semaphore_mem>>
      %dma_start3A_226 = arith.constant 0 : i32
      %dma_start3A_227 = tpu.memref_slice %arg12[%add3A_213, %dma_start3A_226] : memref<10240x64xf32, #tpu.memory_space<vmem_shared>> -> memref<128x64xf32, #tpu.memory_space<vmem_shared>>
      %dma_start3A_228 = arith.constant 0 : i32
      %dma_start3A_229 = tpu.memref_slice %arg12[%add3A_213, %dma_start3A_228] : memref<10240x64xf32, #tpu.memory_space<vmem_shared>> -> memref<128x64xf32, #tpu.memory_space<vmem_shared>>
      tpu.enqueue_dma source(%dma_start3A_229 : memref<128x64xf32, #tpu.memory_space<vmem_shared>>) target(%arg9 : memref<128x64xf32, #tpu.memory_space<vmem>>) target_semaphore(%run_scoped3A : memref<!tpu.dma_semaphore, #tpu.memory_space<semaphore_mem>>)
      %dma_wait3A_230 = arith.constant 0 : i32
      %dma_wait3A_231 = tpu.memref_slice %arg12[%add3A_213, %dma_wait3A_230] : memref<10240x64xf32, #tpu.memory_space<vmem_shared>> -> memref<128x64xf32, #tpu.memory_space<vmem_shared>>
      %dma_wait3A_232 = arith.constant 0 : i32
      %dma_wait3A_233 = tpu.memref_slice %arg12[%add3A_213, %dma_wait3A_232] : memref<10240x64xf32, #tpu.memory_space<vmem_shared>> -> memref<128x64xf32, #tpu.memory_space<vmem_shared>>
      tpu.wait_dma2 semaphore(%run_scoped3A : memref<!tpu.dma_semaphore, #tpu.memory_space<semaphore_mem>>) src(%dma_wait3A_233 : memref<128x64xf32, #tpu.memory_space<vmem_shared>>) dst(%arg9 : memref<128x64xf32, #tpu.memory_space<vmem>>)
      tpu.yield
    }) : () -> ()
    "tpu.region"() ({
      %run_scoped3A = tpu.sem_alloc : memref<!tpu.dma_semaphore, #tpu.memory_space<semaphore_mem>>
      %dma_start3A_226 = arith.constant 0 : i32
      %dma_start3A_227 = tpu.memref_slice %arg6[%arg0, %add3A_213, %dma_start3A_226] : memref<2x10240x64xf32, #tpu.memory_space<hbm>> -> memref<1x128x64xf32, #tpu.memory_space<hbm>>
      %dma_start3A_228 = tpu.memref_squeeze %dma_start3A_227 : memref<1x128x64xf32, #tpu.memory_space<hbm>> -> memref<128x64xf32, #tpu.memory_space<hbm>>
      %dma_start3A_229 = arith.constant 0 : i32
      %dma_start3A_230 = tpu.memref_slice %arg6[%arg0, %add3A_213, %dma_start3A_229] : memref<2x10240x64xf32, #tpu.memory_space<hbm>> -> memref<1x128x64xf32, #tpu.memory_space<hbm>>
      %dma_start3A_231 = tpu.memref_squeeze %dma_start3A_230 : memref<1x128x64xf32, #tpu.memory_space<hbm>> -> memref<128x64xf32, #tpu.memory_space<hbm>>
      tpu.enqueue_dma source(%arg9 : memref<128x64xf32, #tpu.memory_space<vmem>>) target(%dma_start3A_231 : memref<128x64xf32, #tpu.memory_space<hbm>>) target_semaphore(%run_scoped3A : memref<!tpu.dma_semaphore, #tpu.memory_space<semaphore_mem>>)
      %dma_wait3A_232 = arith.constant 0 : i32
      %dma_wait3A_233 = tpu.memref_slice %arg6[%arg0, %add3A_213, %dma_wait3A_232] : memref<2x10240x64xf32, #tpu.memory_space<hbm>> -> memref<1x128x64xf32, #tpu.memory_space<hbm>>
      %dma_wait3A_234 = tpu.memref_squeeze %dma_wait3A_233 : memref<1x128x64xf32, #tpu.memory_space<hbm>> -> memref<128x64xf32, #tpu.memory_space<hbm>>
      %dma_wait3A_235 = arith.constant 0 : i32
      %dma_wait3A_236 = tpu.memref_slice %arg6[%arg0, %add3A_213, %dma_wait3A_235] : memref<2x10240x64xf32, #tpu.memory_space<hbm>> -> memref<1x128x64xf32, #tpu.memory_space<hbm>>
      %dma_wait3A_237 = tpu.memref_squeeze %dma_wait3A_236 : memref<1x128x64xf32, #tpu.memory_space<hbm>> -> memref<128x64xf32, #tpu.memory_space<hbm>>
      tpu.wait_dma2 semaphore(%run_scoped3A : memref<!tpu.dma_semaphore, #tpu.memory_space<semaphore_mem>>) src(%arg9 : memref<128x64xf32, #tpu.memory_space<vmem>>) dst(%dma_wait3A_237 : memref<128x64xf32, #tpu.memory_space<hbm>>)
      tpu.yield
    }) : () -> ()
    %mul3A_214 = arith.constant 640 : i32
    %mul3A_215 = arith.muli %arg1, %mul3A_214 : i32
    %add3A_216 = arith.constant 256 : i32
    %add3A_217 = arith.addi %mul3A_215, %add3A_216 : i32
    "tpu.region"() ({
      %run_scoped3A = tpu.sem_alloc : memref<!tpu.dma_semaphore, #tpu.memory_space<semaphore_mem>>
      %dma_start3A_226 = arith.constant 0 : i32
      %dma_start3A_227 = tpu.memref_slice %arg12[%add3A_217, %dma_start3A_226] : memref<10240x64xf32, #tpu.memory_space<vmem_shared>> -> memref<128x64xf32, #tpu.memory_space<vmem_shared>>
      %dma_start3A_228 = arith.constant 0 : i32
      %dma_start3A_229 = tpu.memref_slice %arg12[%add3A_217, %dma_start3A_228] : memref<10240x64xf32, #tpu.memory_space<vmem_shared>> -> memref<128x64xf32, #tpu.memory_space<vmem_shared>>
      tpu.enqueue_dma source(%dma_start3A_229 : memref<128x64xf32, #tpu.memory_space<vmem_shared>>) target(%arg9 : memref<128x64xf32, #tpu.memory_space<vmem>>) target_semaphore(%run_scoped3A : memref<!tpu.dma_semaphore, #tpu.memory_space<semaphore_mem>>)
      %dma_wait3A_230 = arith.constant 0 : i32
      %dma_wait3A_231 = tpu.memref_slice %arg12[%add3A_217, %dma_wait3A_230] : memref<10240x64xf32, #tpu.memory_space<vmem_shared>> -> memref<128x64xf32, #tpu.memory_space<vmem_shared>>
      %dma_wait3A_232 = arith.constant 0 : i32
      %dma_wait3A_233 = tpu.memref_slice %arg12[%add3A_217, %dma_wait3A_232] : memref<10240x64xf32, #tpu.memory_space<vmem_shared>> -> memref<128x64xf32, #tpu.memory_space<vmem_shared>>
      tpu.wait_dma2 semaphore(%run_scoped3A : memref<!tpu.dma_semaphore, #tpu.memory_space<semaphore_mem>>) src(%dma_wait3A_233 : memref<128x64xf32, #tpu.memory_space<vmem_shared>>) dst(%arg9 : memref<128x64xf32, #tpu.memory_space<vmem>>)
      tpu.yield
    }) : () -> ()
    "tpu.region"() ({
      %run_scoped3A = tpu.sem_alloc : memref<!tpu.dma_semaphore, #tpu.memory_space<semaphore_mem>>
      %dma_start3A_226 = arith.constant 0 : i32
      %dma_start3A_227 = tpu.memref_slice %arg6[%arg0, %add3A_217, %dma_start3A_226] : memref<2x10240x64xf32, #tpu.memory_space<hbm>> -> memref<1x128x64xf32, #tpu.memory_space<hbm>>
      %dma_start3A_228 = tpu.memref_squeeze %dma_start3A_227 : memref<1x128x64xf32, #tpu.memory_space<hbm>> -> memref<128x64xf32, #tpu.memory_space<hbm>>
      %dma_start3A_229 = arith.constant 0 : i32
      %dma_start3A_230 = tpu.memref_slice %arg6[%arg0, %add3A_217, %dma_start3A_229] : memref<2x10240x64xf32, #tpu.memory_space<hbm>> -> memref<1x128x64xf32, #tpu.memory_space<hbm>>
      %dma_start3A_231 = tpu.memref_squeeze %dma_start3A_230 : memref<1x128x64xf32, #tpu.memory_space<hbm>> -> memref<128x64xf32, #tpu.memory_space<hbm>>
      tpu.enqueue_dma source(%arg9 : memref<128x64xf32, #tpu.memory_space<vmem>>) target(%dma_start3A_231 : memref<128x64xf32, #tpu.memory_space<hbm>>) target_semaphore(%run_scoped3A : memref<!tpu.dma_semaphore, #tpu.memory_space<semaphore_mem>>)
      %dma_wait3A_232 = arith.constant 0 : i32
      %dma_wait3A_233 = tpu.memref_slice %arg6[%arg0, %add3A_217, %dma_wait3A_232] : memref<2x10240x64xf32, #tpu.memory_space<hbm>> -> memref<1x128x64xf32, #tpu.memory_space<hbm>>
      %dma_wait3A_234 = tpu.memref_squeeze %dma_wait3A_233 : memref<1x128x64xf32, #tpu.memory_space<hbm>> -> memref<128x64xf32, #tpu.memory_space<hbm>>
      %dma_wait3A_235 = arith.constant 0 : i32
      %dma_wait3A_236 = tpu.memref_slice %arg6[%arg0, %add3A_217, %dma_wait3A_235] : memref<2x10240x64xf32, #tpu.memory_space<hbm>> -> memref<1x128x64xf32, #tpu.memory_space<hbm>>
      %dma_wait3A_237 = tpu.memref_squeeze %dma_wait3A_236 : memref<1x128x64xf32, #tpu.memory_space<hbm>> -> memref<128x64xf32, #tpu.memory_space<hbm>>
      tpu.wait_dma2 semaphore(%run_scoped3A : memref<!tpu.dma_semaphore, #tpu.memory_space<semaphore_mem>>) src(%arg9 : memref<128x64xf32, #tpu.memory_space<vmem>>) dst(%dma_wait3A_237 : memref<128x64xf32, #tpu.memory_space<hbm>>)
      tpu.yield
    }) : () -> ()
    %mul3A_218 = arith.constant 640 : i32
    %mul3A_219 = arith.muli %arg1, %mul3A_218 : i32
    %add3A_220 = arith.constant 384 : i32
    %add3A_221 = arith.addi %mul3A_219, %add3A_220 : i32
    "tpu.region"() ({
      %run_scoped3A = tpu.sem_alloc : memref<!tpu.dma_semaphore, #tpu.memory_space<semaphore_mem>>
      %dma_start3A_226 = arith.constant 0 : i32
      %dma_start3A_227 = tpu.memref_slice %arg12[%add3A_221, %dma_start3A_226] : memref<10240x64xf32, #tpu.memory_space<vmem_shared>> -> memref<128x64xf32, #tpu.memory_space<vmem_shared>>
      %dma_start3A_228 = arith.constant 0 : i32
      %dma_start3A_229 = tpu.memref_slice %arg12[%add3A_221, %dma_start3A_228] : memref<10240x64xf32, #tpu.memory_space<vmem_shared>> -> memref<128x64xf32, #tpu.memory_space<vmem_shared>>
      tpu.enqueue_dma source(%dma_start3A_229 : memref<128x64xf32, #tpu.memory_space<vmem_shared>>) target(%arg9 : memref<128x64xf32, #tpu.memory_space<vmem>>) target_semaphore(%run_scoped3A : memref<!tpu.dma_semaphore, #tpu.memory_space<semaphore_mem>>)
      %dma_wait3A_230 = arith.constant 0 : i32
      %dma_wait3A_231 = tpu.memref_slice %arg12[%add3A_221, %dma_wait3A_230] : memref<10240x64xf32, #tpu.memory_space<vmem_shared>> -> memref<128x64xf32, #tpu.memory_space<vmem_shared>>
      %dma_wait3A_232 = arith.constant 0 : i32
      %dma_wait3A_233 = tpu.memref_slice %arg12[%add3A_221, %dma_wait3A_232] : memref<10240x64xf32, #tpu.memory_space<vmem_shared>> -> memref<128x64xf32, #tpu.memory_space<vmem_shared>>
      tpu.wait_dma2 semaphore(%run_scoped3A : memref<!tpu.dma_semaphore, #tpu.memory_space<semaphore_mem>>) src(%dma_wait3A_233 : memref<128x64xf32, #tpu.memory_space<vmem_shared>>) dst(%arg9 : memref<128x64xf32, #tpu.memory_space<vmem>>)
      tpu.yield
    }) : () -> ()
    "tpu.region"() ({
      %run_scoped3A = tpu.sem_alloc : memref<!tpu.dma_semaphore, #tpu.memory_space<semaphore_mem>>
      %dma_start3A_226 = arith.constant 0 : i32
      %dma_start3A_227 = tpu.memref_slice %arg6[%arg0, %add3A_221, %dma_start3A_226] : memref<2x10240x64xf32, #tpu.memory_space<hbm>> -> memref<1x128x64xf32, #tpu.memory_space<hbm>>
      %dma_start3A_228 = tpu.memref_squeeze %dma_start3A_227 : memref<1x128x64xf32, #tpu.memory_space<hbm>> -> memref<128x64xf32, #tpu.memory_space<hbm>>
      %dma_start3A_229 = arith.constant 0 : i32
      %dma_start3A_230 = tpu.memref_slice %arg6[%arg0, %add3A_221, %dma_start3A_229] : memref<2x10240x64xf32, #tpu.memory_space<hbm>> -> memref<1x128x64xf32, #tpu.memory_space<hbm>>
      %dma_start3A_231 = tpu.memref_squeeze %dma_start3A_230 : memref<1x128x64xf32, #tpu.memory_space<hbm>> -> memref<128x64xf32, #tpu.memory_space<hbm>>
      tpu.enqueue_dma source(%arg9 : memref<128x64xf32, #tpu.memory_space<vmem>>) target(%dma_start3A_231 : memref<128x64xf32, #tpu.memory_space<hbm>>) target_semaphore(%run_scoped3A : memref<!tpu.dma_semaphore, #tpu.memory_space<semaphore_mem>>)
      %dma_wait3A_232 = arith.constant 0 : i32
      %dma_wait3A_233 = tpu.memref_slice %arg6[%arg0, %add3A_221, %dma_wait3A_232] : memref<2x10240x64xf32, #tpu.memory_space<hbm>> -> memref<1x128x64xf32, #tpu.memory_space<hbm>>
      %dma_wait3A_234 = tpu.memref_squeeze %dma_wait3A_233 : memref<1x128x64xf32, #tpu.memory_space<hbm>> -> memref<128x64xf32, #tpu.memory_space<hbm>>
      %dma_wait3A_235 = arith.constant 0 : i32
      %dma_wait3A_236 = tpu.memref_slice %arg6[%arg0, %add3A_221, %dma_wait3A_235] : memref<2x10240x64xf32, #tpu.memory_space<hbm>> -> memref<1x128x64xf32, #tpu.memory_space<hbm>>
      %dma_wait3A_237 = tpu.memref_squeeze %dma_wait3A_236 : memref<1x128x64xf32, #tpu.memory_space<hbm>> -> memref<128x64xf32, #tpu.memory_space<hbm>>
      tpu.wait_dma2 semaphore(%run_scoped3A : memref<!tpu.dma_semaphore, #tpu.memory_space<semaphore_mem>>) src(%arg9 : memref<128x64xf32, #tpu.memory_space<vmem>>) dst(%dma_wait3A_237 : memref<128x64xf32, #tpu.memory_space<hbm>>)
      tpu.yield
    }) : () -> ()
    %mul3A_222 = arith.constant 640 : i32
    %mul3A_223 = arith.muli %arg1, %mul3A_222 : i32
    %add3A_224 = arith.constant 512 : i32
    %add3A_225 = arith.addi %mul3A_223, %add3A_224 : i32
    "tpu.region"() ({
      %run_scoped3A = tpu.sem_alloc : memref<!tpu.dma_semaphore, #tpu.memory_space<semaphore_mem>>
      %dma_start3A_226 = arith.constant 0 : i32
      %dma_start3A_227 = tpu.memref_slice %arg12[%add3A_225, %dma_start3A_226] : memref<10240x64xf32, #tpu.memory_space<vmem_shared>> -> memref<128x64xf32, #tpu.memory_space<vmem_shared>>
      %dma_start3A_228 = arith.constant 0 : i32
      %dma_start3A_229 = tpu.memref_slice %arg12[%add3A_225, %dma_start3A_228] : memref<10240x64xf32, #tpu.memory_space<vmem_shared>> -> memref<128x64xf32, #tpu.memory_space<vmem_shared>>
      tpu.enqueue_dma source(%dma_start3A_229 : memref<128x64xf32, #tpu.memory_space<vmem_shared>>) target(%arg9 : memref<128x64xf32, #tpu.memory_space<vmem>>) target_semaphore(%run_scoped3A : memref<!tpu.dma_semaphore, #tpu.memory_space<semaphore_mem>>)
      %dma_wait3A_230 = arith.constant 0 : i32
      %dma_wait3A_231 = tpu.memref_slice %arg12[%add3A_225, %dma_wait3A_230] : memref<10240x64xf32, #tpu.memory_space<vmem_shared>> -> memref<128x64xf32, #tpu.memory_space<vmem_shared>>
      %dma_wait3A_232 = arith.constant 0 : i32
      %dma_wait3A_233 = tpu.memref_slice %arg12[%add3A_225, %dma_wait3A_232] : memref<10240x64xf32, #tpu.memory_space<vmem_shared>> -> memref<128x64xf32, #tpu.memory_space<vmem_shared>>
      tpu.wait_dma2 semaphore(%run_scoped3A : memref<!tpu.dma_semaphore, #tpu.memory_space<semaphore_mem>>) src(%dma_wait3A_233 : memref<128x64xf32, #tpu.memory_space<vmem_shared>>) dst(%arg9 : memref<128x64xf32, #tpu.memory_space<vmem>>)
      tpu.yield
    }) : () -> ()
    "tpu.region"() ({
      %run_scoped3A = tpu.sem_alloc : memref<!tpu.dma_semaphore, #tpu.memory_space<semaphore_mem>>
      %dma_start3A_226 = arith.constant 0 : i32
      %dma_start3A_227 = tpu.memref_slice %arg6[%arg0, %add3A_225, %dma_start3A_226] : memref<2x10240x64xf32, #tpu.memory_space<hbm>> -> memref<1x128x64xf32, #tpu.memory_space<hbm>>
      %dma_start3A_228 = tpu.memref_squeeze %dma_start3A_227 : memref<1x128x64xf32, #tpu.memory_space<hbm>> -> memref<128x64xf32, #tpu.memory_space<hbm>>
      %dma_start3A_229 = arith.constant 0 : i32
      %dma_start3A_230 = tpu.memref_slice %arg6[%arg0, %add3A_225, %dma_start3A_229] : memref<2x10240x64xf32, #tpu.memory_space<hbm>> -> memref<1x128x64xf32, #tpu.memory_space<hbm>>
      %dma_start3A_231 = tpu.memref_squeeze %dma_start3A_230 : memref<1x128x64xf32, #tpu.memory_space<hbm>> -> memref<128x64xf32, #tpu.memory_space<hbm>>
      tpu.enqueue_dma source(%arg9 : memref<128x64xf32, #tpu.memory_space<vmem>>) target(%dma_start3A_231 : memref<128x64xf32, #tpu.memory_space<hbm>>) target_semaphore(%run_scoped3A : memref<!tpu.dma_semaphore, #tpu.memory_space<semaphore_mem>>)
      %dma_wait3A_232 = arith.constant 0 : i32
      %dma_wait3A_233 = tpu.memref_slice %arg6[%arg0, %add3A_225, %dma_wait3A_232] : memref<2x10240x64xf32, #tpu.memory_space<hbm>> -> memref<1x128x64xf32, #tpu.memory_space<hbm>>
      %dma_wait3A_234 = tpu.memref_squeeze %dma_wait3A_233 : memref<1x128x64xf32, #tpu.memory_space<hbm>> -> memref<128x64xf32, #tpu.memory_space<hbm>>
      %dma_wait3A_235 = arith.constant 0 : i32
      %dma_wait3A_236 = tpu.memref_slice %arg6[%arg0, %add3A_225, %dma_wait3A_235] : memref<2x10240x64xf32, #tpu.memory_space<hbm>> -> memref<1x128x64xf32, #tpu.memory_space<hbm>>
      %dma_wait3A_237 = tpu.memref_squeeze %dma_wait3A_236 : memref<1x128x64xf32, #tpu.memory_space<hbm>> -> memref<128x64xf32, #tpu.memory_space<hbm>>
      tpu.wait_dma2 semaphore(%run_scoped3A : memref<!tpu.dma_semaphore, #tpu.memory_space<semaphore_mem>>) src(%arg9 : memref<128x64xf32, #tpu.memory_space<vmem>>) dst(%dma_wait3A_237 : memref<128x64xf32, #tpu.memory_space<hbm>>)
      tpu.yield
    }) : () -> ()
    return
  }
}

module attributes {stable_mosaic.version = 14 : i64} {
  func.func @_edge_enc_body(%arg0: i32, %arg1: memref<16000x16xf32, #tpu.memory_space<vmem>>, %arg2: memref<16x64xf32, #tpu.memory_space<vmem>>, %arg3: memref<1x64xf32, #tpu.memory_space<vmem>>, %arg4: memref<16000x64xf32, #tpu.memory_space<vmem>>) attributes {dimension_semantics = [#tpu.dimension_semantics<arbitrary>], iteration_bounds = array<i64: 20>, scalar_prefetch = 0 : i64, scratch_operands = 0 : i64, tpu.core_type = #tpu.core_type<tc>, window_params = [{transform_indices = @transform_0, window_bounds = array<i64: 16000, 16>}, {pipeline_mode = #tpu.pipeline_mode<synchronous>, transform_indices = @transform_1, window_bounds = array<i64: 16, 64>}, {pipeline_mode = #tpu.pipeline_mode<synchronous>, transform_indices = @transform_2, window_bounds = array<i64: 1, 64>}, {transform_indices = @transform_3, window_bounds = array<i64: 16000, 64>}]} {
    %get3A = arith.constant 0 : index
    %get3A_0 = arith.constant 0 : index
    %get3A_1 = vector.load %arg1[%get3A, %get3A_0] : memref<16000x16xf32, #tpu.memory_space<vmem>>, vector<16000x16xf32>
    %get3A_2 = arith.constant 0 : index
    %get3A_3 = arith.constant 0 : index
    %get3A_4 = vector.load %arg2[%get3A_2, %get3A_3] : memref<16x64xf32, #tpu.memory_space<vmem>>, vector<16x64xf32>
    %dot_general3A = arith.constant dense<0.000000e+00> : vector<16000x64xf32>
    %dot_general3A_5 = tpu.matmul %get3A_1, %get3A_4, %dot_general3A {dimension_numbers = #tpu.dot_dimension_numbers<[1], [0], [0], [1], [0, 0, 1, 1], [], []>, transpose_lhs_hint = false} : vector<16000x16xf32>, vector<16x64xf32>, vector<16000x64xf32> -> vector<16000x64xf32>
    %get3A_6 = arith.constant 0 : index
    %get3A_7 = arith.constant 0 : index
    %get3A_8 = vector.load %arg3[%get3A_6, %get3A_7] : memref<1x64xf32, #tpu.memory_space<vmem>>, vector<1x64xf32>
    %add3A = vector.broadcast %get3A_8 : vector<1x64xf32> to vector<16000x64xf32>
    %add3A_9 = arith.addf %dot_general3A_5, %add3A : vector<16000x64xf32>
    %swap3A = arith.constant 0 : index
    %swap3A_10 = arith.constant 0 : index
    %swap3A_11 = vector.load %arg4[%swap3A, %swap3A_10] : memref<16000x64xf32, #tpu.memory_space<vmem>>, vector<16000x64xf32>
    tpu.vector_store %arg4[%swap3A, %swap3A_10], %add3A_9 {strides = array<i32>} : memref<16000x64xf32, #tpu.memory_space<vmem>>, vector<16000x64xf32>,
    return
  }
  func.func @transform_0(%arg0: i32) -> (i32, i32) {
    %c0_i32 = arith.constant 0 : i32
    %c0_i32_0 = arith.constant 0 : i32
    return %arg0, %c0_i32 : i32, i32
  }
  func.func @transform_1(%arg0: i32) -> (i32, i32) {
    %c0_i32 = arith.constant 0 : i32
    %c0_i32_0 = arith.constant 0 : i32
    %c0_i32_1 = arith.constant 0 : i32
    return %c0_i32, %c0_i32_0 : i32, i32
  }
  func.func @transform_2(%arg0: i32) -> (i32, i32) {
    %c0_i32 = arith.constant 0 : i32
    %c0_i32_0 = arith.constant 0 : i32
    %c0_i32_1 = arith.constant 0 : i32
    return %c0_i32, %c0_i32_0 : i32, i32
  }
  func.func @transform_3(%arg0: i32) -> (i32, i32) {
    %c0_i32 = arith.constant 0 : i32
    %c0_i32_0 = arith.constant 0 : i32
    return %arg0, %c0_i32 : i32, i32
  }
}

module attributes {stable_mosaic.version = 14 : i64} {
  func.func @_node_enc_body(%arg0: memref<10000x128xf32, #tpu.memory_space<vmem>>, %arg1: memref<128x64xf32, #tpu.memory_space<vmem>>, %arg2: memref<1x64xf32, #tpu.memory_space<vmem>>, %arg3: memref<10000x64xf32, #tpu.memory_space<vmem>>) attributes {dimension_semantics = [], scalar_prefetch = 0 : i64, scratch_operands = 0 : i64, tpu.core_type = #tpu.core_type<tc>} {
    %get3A = arith.constant 0 : index
    %get3A_0 = arith.constant 0 : index
    %get3A_1 = vector.load %arg0[%get3A, %get3A_0] : memref<10000x128xf32, #tpu.memory_space<vmem>>, vector<10000x128xf32>
    %get3A_2 = arith.constant 0 : index
    %get3A_3 = arith.constant 0 : index
    %get3A_4 = vector.load %arg1[%get3A_2, %get3A_3] : memref<128x64xf32, #tpu.memory_space<vmem>>, vector<128x64xf32>
    %dot_general3A = arith.constant dense<0.000000e+00> : vector<10000x64xf32>
    %dot_general3A_5 = tpu.matmul %get3A_1, %get3A_4, %dot_general3A {dimension_numbers = #tpu.dot_dimension_numbers<[1], [0], [0], [1], [0, 0, 1, 1], [], []>, transpose_lhs_hint = false} : vector<10000x128xf32>, vector<128x64xf32>, vector<10000x64xf32> -> vector<10000x64xf32>
    %get3A_6 = arith.constant 0 : index
    %get3A_7 = arith.constant 0 : index
    %get3A_8 = vector.load %arg2[%get3A_6, %get3A_7] : memref<1x64xf32, #tpu.memory_space<vmem>>, vector<1x64xf32>
    %add3A = vector.broadcast %get3A_8 : vector<1x64xf32> to vector<10000x64xf32>
    %add3A_9 = arith.addf %dot_general3A_5, %add3A : vector<10000x64xf32>
    %swap3A = arith.constant 0 : index
    %swap3A_10 = arith.constant 0 : index
    %swap3A_11 = vector.load %arg3[%swap3A, %swap3A_10] : memref<10000x64xf32, #tpu.memory_space<vmem>>, vector<10000x64xf32>
    tpu.vector_store %arg3[%swap3A, %swap3A_10], %add3A_9 {strides = array<i32>} : memref<10000x64xf32, #tpu.memory_space<vmem>>, vector<10000x64xf32>,
    return
  }
}

module attributes {stable_mosaic.version = 14 : i64} {
  func.func @_layer_body(%arg0: memref<1xf32, #tpu.memory_space<smem>>, %arg1: memref<10000x64xf32, #tpu.memory_space<vmem>>, %arg2: memref<2x10240x64xf32, #tpu.memory_space<vmem>>, %arg3: memref<64x64xf32, #tpu.memory_space<vmem>>, %arg4: memref<1x64xf32, #tpu.memory_space<vmem>>, %arg5: memref<64x64xf32, #tpu.memory_space<vmem>>, %arg6: memref<1x64xf32, #tpu.memory_space<vmem>>, %arg7: memref<1x64xf32, #tpu.memory_space<vmem>>, %arg8: memref<1x64xf32, #tpu.memory_space<vmem>>, %arg9: memref<10000x64xf32, #tpu.memory_space<vmem>>) attributes {dimension_semantics = [], scalar_prefetch = 0 : i64, scratch_operands = 0 : i64, tpu.core_type = #tpu.core_type<tc>} {
    %get3A = arith.constant 0 : index
    %get3A_0 = memref.load %arg0[%get3A] : memref<1xf32, #tpu.memory_space<smem>>
    %add3A = arith.constant 1.000000e+00 : f32
    %add3A_1 = arith.addf %add3A, %get3A_0 : f32
    %get3A_2 = arith.constant 0 : index
    %get3A_3 = arith.constant 0 : index
    %get3A_4 = vector.load %arg1[%get3A_2, %get3A_3] : memref<10000x64xf32, #tpu.memory_space<vmem>>, vector<10000x64xf32>
    %mul3A = vector.broadcast %add3A_1 : f32 to vector<10000x64xf32>
    %mul3A_5 = arith.mulf %mul3A, %get3A_4 : vector<10000x64xf32>
    %get3A_6 = arith.constant 0 : index
    %get3A_7 = arith.constant 0 : index
    %get3A_8 = arith.constant 0 : index
    %get3A_9 = vector.load %arg2[%get3A_6, %get3A_7, %get3A_8] : memref<2x10240x64xf32, #tpu.memory_space<vmem>>, vector<1x10000x64xf32>
    %get3A_10 = vector.shape_cast %get3A_9 : vector<1x10000x64xf32> to vector<10000x64xf32>
    %add3A_11 = arith.addf %mul3A_5, %get3A_10 : vector<10000x64xf32>
    %get3A_12 = arith.constant 1 : index
    %get3A_13 = arith.constant 0 : index
    %get3A_14 = arith.constant 0 : index
    %get3A_15 = vector.load %arg2[%get3A_12, %get3A_13, %get3A_14] : memref<2x10240x64xf32, #tpu.memory_space<vmem>>, vector<1x10000x64xf32>
    %get3A_16 = vector.shape_cast %get3A_15 : vector<1x10000x64xf32> to vector<10000x64xf32>
    %add3A_17 = arith.addf %add3A_11, %get3A_16 : vector<10000x64xf32>
    %get3A_18 = arith.constant 0 : index
    %get3A_19 = arith.constant 0 : index
    %get3A_20 = vector.load %arg3[%get3A_18, %get3A_19] : memref<64x64xf32, #tpu.memory_space<vmem>>, vector<64x64xf32>
    %dot_general3A = arith.constant dense<0.000000e+00> : vector<10000x64xf32>
    %dot_general3A_21 = tpu.matmul %add3A_17, %get3A_20, %dot_general3A {dimension_numbers = #tpu.dot_dimension_numbers<[1], [0], [0], [1], [0, 0, 1, 1], [], []>, transpose_lhs_hint = false} : vector<10000x64xf32>, vector<64x64xf32>, vector<10000x64xf32> -> vector<10000x64xf32>
    %get3A_22 = arith.constant 0 : index
    %get3A_23 = arith.constant 0 : index
    %get3A_24 = vector.load %arg4[%get3A_22, %get3A_23] : memref<1x64xf32, #tpu.memory_space<vmem>>, vector<1x64xf32>
    %add3A_25 = vector.broadcast %get3A_24 : vector<1x64xf32> to vector<10000x64xf32>
    %add3A_26 = arith.addf %dot_general3A_21, %add3A_25 : vector<10000x64xf32>
    %max3A = arith.constant 0.000000e+00 : f32
    %max3A_27 = vector.broadcast %max3A : f32 to vector<10000x64xf32>
    %max3A_28 = arith.maximumf %add3A_26, %max3A_27 : vector<10000x64xf32>
    %get3A_29 = arith.constant 0 : index
    %get3A_30 = arith.constant 0 : index
    %get3A_31 = vector.load %arg5[%get3A_29, %get3A_30] : memref<64x64xf32, #tpu.memory_space<vmem>>, vector<64x64xf32>
    %dot_general3A_32 = arith.constant dense<0.000000e+00> : vector<10000x64xf32>
    %dot_general3A_33 = tpu.matmul %max3A_28, %get3A_31, %dot_general3A_32 {dimension_numbers = #tpu.dot_dimension_numbers<[1], [0], [0], [1], [0, 0, 1, 1], [], []>, transpose_lhs_hint = false} : vector<10000x64xf32>, vector<64x64xf32>, vector<10000x64xf32> -> vector<10000x64xf32>
    %get3A_34 = arith.constant 0 : index
    %get3A_35 = arith.constant 0 : index
    %get3A_36 = vector.load %arg6[%get3A_34, %get3A_35] : memref<1x64xf32, #tpu.memory_space<vmem>>, vector<1x64xf32>
    %add3A_37 = vector.broadcast %get3A_36 : vector<1x64xf32> to vector<10000x64xf32>
    %add3A_38 = arith.addf %dot_general3A_33, %add3A_37 : vector<10000x64xf32>
    %reduce_sum3A = arith.constant dense<0.000000e+00> : vector<64xf32>
    %reduce_sum3A_39 = vector.multi_reduction <add>, %add3A_38, %reduce_sum3A [0] : vector<10000x64xf32> to vector<64xf32>
    %broadcast_in_dim3A = vector.shape_cast %reduce_sum3A_39 : vector<64xf32> to vector<1x64xf32>
    %div3A = arith.constant 1.000000e+04 : f32
    %div3A_40 = vector.broadcast %div3A : f32 to vector<1x64xf32>
    %div3A_41 = arith.divf %broadcast_in_dim3A, %div3A_40 : vector<1x64xf32>
    %sub3A = vector.broadcast %div3A_41 : vector<1x64xf32> to vector<10000x64xf32>
    %sub3A_42 = arith.subf %add3A_38, %sub3A : vector<10000x64xf32>
    %integer_pow3A = arith.mulf %sub3A_42, %sub3A_42 : vector<10000x64xf32>
    %reduce_sum3A_43 = arith.constant dense<0.000000e+00> : vector<64xf32>
    %reduce_sum3A_44 = vector.multi_reduction <add>, %integer_pow3A, %reduce_sum3A_43 [0] : vector<10000x64xf32> to vector<64xf32>
    %broadcast_in_dim3A_45 = vector.shape_cast %reduce_sum3A_44 : vector<64xf32> to vector<1x64xf32>
    %div3A_46 = arith.constant 1.000000e+04 : f32
    %div3A_47 = vector.broadcast %div3A_46 : f32 to vector<1x64xf32>
    %div3A_48 = arith.divf %broadcast_in_dim3A_45, %div3A_47 : vector<1x64xf32>
    %sub3A_49 = vector.broadcast %div3A_41 : vector<1x64xf32> to vector<10000x64xf32>
    %sub3A_50 = arith.subf %add3A_38, %sub3A_49 : vector<10000x64xf32>
    %add3A_51 = arith.constant 9.99999974E-6 : f32
    %add3A_52 = vector.broadcast %add3A_51 : f32 to vector<1x64xf32>
    %add3A_53 = arith.addf %div3A_48, %add3A_52 : vector<1x64xf32>
    %rsqrt3A = math.rsqrt %add3A_53 : vector<1x64xf32>
    %mul3A_54 = vector.broadcast %rsqrt3A : vector<1x64xf32> to vector<10000x64xf32>
    %mul3A_55 = arith.mulf %sub3A_50, %mul3A_54 : vector<10000x64xf32>
    %get3A_56 = arith.constant 0 : index
    %get3A_57 = arith.constant 0 : index
    %get3A_58 = vector.load %arg7[%get3A_56, %get3A_57] : memref<1x64xf32, #tpu.memory_space<vmem>>, vector<1x64xf32>
    %mul3A_59 = vector.broadcast %get3A_58 : vector<1x64xf32> to vector<10000x64xf32>
    %mul3A_60 = arith.mulf %mul3A_55, %mul3A_59 : vector<10000x64xf32>
    %get3A_61 = arith.constant 0 : index
    %get3A_62 = arith.constant 0 : index
    %get3A_63 = vector.load %arg8[%get3A_61, %get3A_62] : memref<1x64xf32, #tpu.memory_space<vmem>>, vector<1x64xf32>
    %add3A_64 = vector.broadcast %get3A_63 : vector<1x64xf32> to vector<10000x64xf32>
    %add3A_65 = arith.addf %mul3A_60, %add3A_64 : vector<10000x64xf32>
    %max3A_66 = arith.constant 0.000000e+00 : f32
    %max3A_67 = vector.broadcast %max3A_66 : f32 to vector<10000x64xf32>
    %max3A_68 = arith.maximumf %add3A_65, %max3A_67 : vector<10000x64xf32>
    %swap3A = arith.constant 0 : index
    %swap3A_69 = arith.constant 0 : index
    %swap3A_70 = vector.load %arg9[%swap3A, %swap3A_69] : memref<10000x64xf32, #tpu.memory_space<vmem>>, vector<10000x64xf32>
    tpu.vector_store %arg9[%swap3A, %swap3A_69], %max3A_68 {strides = array<i32>} : memref<10000x64xf32, #tpu.memory_space<vmem>>, vector<10000x64xf32>,
    return
  }
}

module attributes {stable_mosaic.version = 14 : i64} {
  func.func @_head_body(%arg0: memref<10000x64xf32, #tpu.memory_space<vmem>>, %arg1: memref<1x10000xi32, #tpu.memory_space<vmem>>, %arg2: memref<64x64xf32, #tpu.memory_space<vmem>>, %arg3: memref<1x64xf32, #tpu.memory_space<vmem>>, %arg4: memref<64x1xf32, #tpu.memory_space<vmem>>, %arg5: memref<1x1xf32, #tpu.memory_space<vmem>>, %arg6: memref<64x1xf32, #tpu.memory_space<vmem>>) attributes {dimension_semantics = [], scalar_prefetch = 0 : i64, scratch_operands = 0 : i64, tpu.core_type = #tpu.core_type<tc>} {
    %iota3A = tpu.iota {dimensions = array<i32: 0>} : vector<64x1xi32>
    %get3A = arith.constant 0 : index
    %get3A_0 = arith.constant 0 : index
    %get3A_1 = vector.load %arg1[%get3A, %get3A_0] : memref<1x10000xi32, #tpu.memory_space<vmem>>, vector<1x10000xi32>
    %eq3A = vector.broadcast %iota3A : vector<64x1xi32> to vector<64x10000xi32>
    %eq3A_2 = vector.broadcast %get3A_1 : vector<1x10000xi32> to vector<64x10000xi32>
    %eq3A_3 = arith.cmpi eq, %eq3A, %eq3A_2 : vector<64x10000xi32>
    %convert_element_type3A = arith.extui %eq3A_3 : vector<64x10000xi1> to vector<64x10000xi32>
    %convert_element_type3A_4 = arith.sitofp %convert_element_type3A : vector<64x10000xi32> to vector<64x10000xf32>
    %get3A_5 = arith.constant 0 : index
    %get3A_6 = arith.constant 0 : index
    %get3A_7 = vector.load %arg0[%get3A_5, %get3A_6] : memref<10000x64xf32, #tpu.memory_space<vmem>>, vector<10000x64xf32>
    %dot_general3A = arith.constant dense<0.000000e+00> : vector<64x64xf32>
    %dot_general3A_8 = tpu.matmul %convert_element_type3A_4, %get3A_7, %dot_general3A {dimension_numbers = #tpu.dot_dimension_numbers<[1], [0], [0], [1], [0, 0, 1, 1], [], []>, transpose_lhs_hint = false} : vector<64x10000xf32>, vector<10000x64xf32>, vector<64x64xf32> -> vector<64x64xf32>
    %reduce_sum3A = arith.constant dense<0.000000e+00> : vector<64xf32>
    %reduce_sum3A_9 = vector.multi_reduction <add>, %convert_element_type3A_4, %reduce_sum3A [1] : vector<64x10000xf32> to vector<64xf32>
    %broadcast_in_dim3A = vector.shape_cast %reduce_sum3A_9 : vector<64xf32> to vector<64x1xf32>
    %max3A = arith.constant 1.000000e+00 : f32
    %max3A_10 = vector.broadcast %max3A : f32 to vector<64x1xf32>
    %max3A_11 = arith.maximumf %broadcast_in_dim3A, %max3A_10 : vector<64x1xf32>
    %div3A = vector.broadcast %max3A_11 : vector<64x1xf32> to vector<64x64xf32>
    %div3A_12 = arith.divf %dot_general3A_8, %div3A : vector<64x64xf32>
    %get3A_13 = arith.constant 0 : index
    %get3A_14 = arith.constant 0 : index
    %get3A_15 = vector.load %arg2[%get3A_13, %get3A_14] : memref<64x64xf32, #tpu.memory_space<vmem>>, vector<64x64xf32>
    %dot_general3A_16 = arith.constant dense<0.000000e+00> : vector<64x64xf32>
    %dot_general3A_17 = tpu.matmul %div3A_12, %get3A_15, %dot_general3A_16 {dimension_numbers = #tpu.dot_dimension_numbers<[1], [0], [0], [1], [0, 0, 1, 1], [], []>, transpose_lhs_hint = false} : vector<64x64xf32>, vector<64x64xf32>, vector<64x64xf32> -> vector<64x64xf32>
    %get3A_18 = arith.constant 0 : index
    %get3A_19 = arith.constant 0 : index
    %get3A_20 = vector.load %arg3[%get3A_18, %get3A_19] : memref<1x64xf32, #tpu.memory_space<vmem>>, vector<1x64xf32>
    %add3A = vector.broadcast %get3A_20 : vector<1x64xf32> to vector<64x64xf32>
    %add3A_21 = arith.addf %dot_general3A_17, %add3A : vector<64x64xf32>
    %max3A_22 = arith.constant 0.000000e+00 : f32
    %max3A_23 = vector.broadcast %max3A_22 : f32 to vector<64x64xf32>
    %max3A_24 = arith.maximumf %add3A_21, %max3A_23 : vector<64x64xf32>
    %get3A_25 = arith.constant 0 : index
    %get3A_26 = arith.constant 0 : index
    %get3A_27 = vector.load %arg4[%get3A_25, %get3A_26] : memref<64x1xf32, #tpu.memory_space<vmem>>, vector<64x1xf32>
    %dot_general3A_28 = arith.constant dense<0.000000e+00> : vector<64x1xf32>
    %dot_general3A_29 = tpu.matmul %max3A_24, %get3A_27, %dot_general3A_28 {dimension_numbers = #tpu.dot_dimension_numbers<[1], [0], [0], [1], [0, 0, 1, 1], [], []>, transpose_lhs_hint = false} : vector<64x64xf32>, vector<64x1xf32>, vector<64x1xf32> -> vector<64x1xf32>
    %get3A_30 = arith.constant 0 : index
    %get3A_31 = arith.constant 0 : index
    %get3A_32 = vector.load %arg5[%get3A_30, %get3A_31] : memref<1x1xf32, #tpu.memory_space<vmem>>, vector<1x1xf32>
    %add3A_33 = vector.broadcast %get3A_32 : vector<1x1xf32> to vector<64x1xf32>
    %add3A_34 = arith.addf %dot_general3A_29, %add3A_33 : vector<64x1xf32>
    %swap3A = arith.constant 0 : index
    %swap3A_35 = arith.constant 0 : index
    %swap3A_36 = vector.load %arg6[%swap3A, %swap3A_35] : memref<64x1xf32, #tpu.memory_space<vmem>>, vector<64x1xf32>
    tpu.vector_store %arg6[%swap3A, %swap3A_35], %add3A_34 {strides = array<i32>} : memref<64x1xf32, #tpu.memory_space<vmem>>, vector<64x1xf32>,
    return
  }
}

</mosaic_0001>

<sc_bundles>
// kernel: kernel.11.cloned.1.call-start
scs
__scs_entry_jumppad:
0x0: {  	(pc) =	sbr.rel $0x88, $3  }
0x1: {  	(tag) =	ssettag $0x0;
	lr =	simm.s32 $0x1  }
0x2: {  	[smem:$0x3F80] =	sst lr;
	_ =	strace $0xD0000000  }
0x3: {  	_ = 	snop  }
0x4: {  	_ = 	snop  }
0x5: {  	_ = 	snop  }
0x6: {  	_ = 	snop  }
0x7: {  	_ = 	snop  }
__scs_overlays_trampoline_lowered:
0x8: {  	[smem:$0x3F8F] =	sst s0  }
0x9: {  	[smem:$0x3F90] =	sst s1  }
0xa: {  	[smem:$0x3F91] =	sst s2  }
0xb: {  	[smem:$0x3F92] =	sst s3  }
0xc: {  	[smem:$0x3F93] =	sst s4  }
0xd: {  	[smem:$0x3F94] =	sst s5  }
0xe: {  	[smem:$0x3F95] =	sst s6  }
0xf: {  	[smem:$0x3F96] =	sst s7  }
0x10: {  	[smem:$0x3F97] =	sst s8  }
0x11: {  	[smem:$0x3F98] =	sst s9;
	s0 =	simm.s32 @!p0 $0x0  }
0x12: {  	s1 =	sld [smem:$0x3F7E];
	s0 =	simm.s32 @p0 $0x1  }
0x13: {  	[smem:$0x3F99] =	sst s0;
	s0 =	simm.s32 @!p1 $0x0  }
0x14: {  	s2 =	sld [smem:$0x3F7D];
	s0 =	simm.s32 @p1 $0x1  }
0x15: {  	[smem:$0x3F9A] =	sst s0;
	s0 =	simm.s32 @!p2 $0x0  }
0x16: {  	s3 =	sld [smem:$0x3FDB];
	s0 =	simm.s32 @p2 $0x1  }
0x17: {  	s4 =	simm.s32 $0x1BF5;
	[smem:$0x3F9C] =	sst s0  }
0x18: {  	s0 =	sld [smem:$0x3F7F];
	_ =	swait.ge [sflag:s4], $0x0  }
0x19: {  	s7 =	sld [smem:$0x3F80]  }
0x1a: {  	s8 =	sadd.s32 $0xFFFFE003, lr  }
0x1b: {  	s9 =	sadd.s32 $0xFFFFFEF7, lr;
	s5 =	simm.s32 $0xFFFFFFFF;
	p2 =	slt.u32 s8, $0xFFFFF086  }
0x1c: {  	p1 =	slt.u32 s9, $0xF7A;
	s5 =	simm.s32 @!p2 $0x0  }
0x1d: {  	s5 =	simm.s32 @p1 $0x1;
	p0 =	seq.s32 s7, s2  }
0x1e: {  	s7 =	smul.u32 @!p0 $0xF7A, s2;
	p2 =	seq.s32 @!p0 s5, $0x0  }
0x1f: {  	s9 =	smul.u32 $0xF7A, s1;
	s8 =	simm.s32 @!p0 $0x1BF5;
	p2 =	por !p2, p0  }
0x20: {  	[sflag:s8] =	ssyncset.s32 @!p0 $0xFFFFF086;
	s6 =	sadd.s32 @!p0 s3, s7;
	s7 =	simm.s32 @!p0 $0x108  }
0x21: {  	s3 =	sadd.s32 s3, s9;
	s6 =	sadd.s32 @!p0 $0x88, s6;
	s7 =	simm.s32 @p2 $0x1082  }
0x22: {  	[simem:s7], [sflag:s8] =	dma.local @!p0 [hbm:s6], $0xF7A  }
0x23: {  	s9 =	sor.u32 $0xD0000000, s2;
	s6 =	simm.s32 $0x108;
	_ =	swait.ge @!p0 [sflag:s8], $0x0  }
0x24: {  	s3 =	sadd.s32 $0x88, s3;
	s6 =	simm.s32 @!p1 $0x1082;
	[sflag:s4] =	ssyncset.s32 $0xFFFFF086  }
0x25: {  	[simem:s6], [sflag:s4] =	dma.local [hbm:s3], $0xF7A  }
0x26: {  	[smem:$0x3F80] =	sst s1;
	(tag) =	ssettag s2;
	_ =	strace s9  }
0x27: {  	s1 =	sld [smem:$0x3F90]  }
0x28: {  	s2 =	sld [smem:$0x3F91]  }
0x29: {  	s4 =	sld [smem:$0x3F93]  }
0x2a: {  	p0 =	seq.s32 s5, $0x0;
	s5 =	sld [smem:$0x3F94]  }
0x2b: {  	s6 =	sld [smem:$0x3F95]  }
0x2c: {  	s7 =	sld [smem:$0x3F96]  }
0x2d: {  	s3 =	simm.s32 $0x108;
	s8 =	sld [smem:$0x3F97]  }
0x2e: {  	s3 =	simm.s32 @!p0 $0x1082;
	s9 =	sld [smem:$0x3F98]  }
0x2f: {  	lr =	sadd.s32 s0, s3;
	s0 =	sld [smem:$0x3F8F]  }
0x30: {  	s3 =	sld [smem:$0x3F92]  }
0x31: {  	[smem:$0x3F9B] =	sst s10  }
0x32: {  	s10 =	sld [smem:$0x3F99];
	_ =	sdelay $0x3  }
0x33: {  	p0 =	seq.s32 s10, $0x1;
	s10 =	sld [smem:$0x3F9B];
	_ =	sdelay $0x3  }
0x34: {  	[smem:$0x3F9B] =	sst s10  }
0x35: {  	s10 =	sld [smem:$0x3F9A];
	_ =	sdelay $0x3  }
0x36: {  	p1 =	seq.s32 s10, $0x1;
	s10 =	sld [smem:$0x3F9B];
	_ =	sdelay $0x3  }
0x37: {  	[smem:$0x3F9B] =	sst s10  }
0x38: {  	s10 =	sld [smem:$0x3F9C]  }
0x39: {  	_ = 	snop;
	(pc) =	sbr.ind lr, $3  }
0x3a: {  	_ = 	snop  }
0x3b: {  	_ = 	snop  }
0x3c: {  	p2 =	seq.s32 s10, $0x1;
	s10 =	sld [smem:$0x3F9B]  }
0x3d: {  	_ =	shalt  }
0x3e: {  	_ =	shalt  }
0x3f: {  	_ =	shalt  }
0x40: {  	_ =	shalt  }
0x41: {  	_ =	shalt  }
0x42: {  	_ =	shalt  }
0x43: {  	_ =	shalt  }
0x44: {  	_ =	shalt  }
0x45: {  	_ =	shalt  }
0x46: {  	_ =	shalt  }
0x47: {  	_ =	shalt  }
0x48: {  	_ =	shalt  }
0x49: {  	_ =	shalt  }
0x4a: {  	_ =	shalt  }
0x4b: {  	_ =	shalt  }
0x4c: {  	_ =	shalt  }
0x4d: {  	_ =	shalt  }
0x4e: {  	_ =	shalt  }
0x4f: {  	_ =	shalt  }
0x50: {  	_ =	shalt  }
0x51: {  	_ =	shalt  }
0x52: {  	_ =	shalt  }
0x53: {  	_ =	shalt  }
0x54: {  	_ =	shalt  }
0x55: {  	_ =	shalt  }
0x56: {  	_ =	shalt  }
0x57: {  	_ =	shalt  }
0x58: {  	_ =	shalt  }
0x59: {  	_ =	shalt  }
0x5a: {  	_ =	shalt  }
0x5b: {  	_ =	shalt  }
0x5c: {  	_ =	shalt  }
0x5d: {  	_ =	shalt  }
0x5e: {  	_ =	shalt  }
0x5f: {  	_ =	shalt  }
0x60: {  	_ =	shalt  }
0x61: {  	_ =	shalt  }
0x62: {  	_ =	shalt  }
0x63: {  	_ =	shalt  }
0x64: {  	_ =	shalt  }
0x65: {  	_ =	shalt  }
0x66: {  	_ =	shalt  }
0x67: {  	_ =	shalt  }
0x68: {  	_ =	shalt  }
0x69: {  	_ =	shalt  }
0x6a: {  	_ =	shalt  }
0x6b: {  	_ =	shalt  }
0x6c: {  	_ =	shalt  }
0x6d: {  	_ =	shalt  }
0x6e: {  	_ =	shalt  }
0x6f: {  	_ =	shalt  }
0x70: {  	_ =	shalt  }
0x71: {  	_ =	shalt  }
0x72: {  	_ =	shalt  }
0x73: {  	_ =	shalt  }
0x74: {  	_ =	shalt  }
0x75: {  	_ =	shalt  }
0x76: {  	_ =	shalt  }
0x77: {  	_ =	shalt  }
0x78: {  	_ =	shalt  }
0x79: {  	_ =	shalt  }
0x7a: {  	_ =	shalt  }
0x7b: {  	_ =	shalt  }
0x7c: {  	_ =	shalt  }
0x7d: {  	_ =	shalt  }
0x7e: {  	_ =	shalt  }
0x7f: {  	_ =	shalt  }
0x80: {  	_ =	shalt  }
0x81: {  	_ =	shalt  }
0x82: {  	_ =	shalt  }
0x83: {  	_ =	shalt  }
0x84: {  	_ =	shalt  }
0x85: {  	_ =	shalt  }
0x86: {  	_ =	shalt  }
0x87: {  	_ =	shalt  }
.Lfunc_end0:
.L_simem_size_0:
called_computation_lowered:
.L_overlay_start_0:
0x88: {  	s2 =	sld [smem:$0x3FD9]  }
0x89: {  	s3 =	sld [smem:$0x3FFE];
	_ =	sdelay $0x1  }
0x8a: {  	s1 =	srdreg.scid  }
0x8b: {  	s0 =	sand.u32 $0x1, s1  }
0x8c: {  	s16 =	sshll.u32 s0, $0xA;
	s2 =	sadd.s32 s3, s2  }
0x8d: {  	s2 =	sadd.s32 s2, s16  }
0x8e: {  	[smem:$0x3FA7] =	sst s2  }
0x8f: {  	_ = 	snop  }
0x90: {  	(tm) =	ssettm $0x1  }
0x91: {  	s17 =	sld [smem:$0x3FFB];
	_ =	sdelay $0x3  }
0x92: {  	_ =	strace s17  }
0x93: {  	s2 =	sld [smem:$0x3FFC];
	_ =	sdelay $0x3  }
0x94: {  	_ =	strace s2  }
0x95: {  	s2 =	sld [smem:$0x3FFD];
	_ =	sdelay $0x3  }
0x96: {  	_ =	strace s2  }
0x97: {  	_ =	strace $0x8FFFFFFF  }
0x98: {  	s18 =	sld [smem:$0x3FDB];
	_ =	sdelay $0x1  }
0x99: {  	s19 =	simm.s32 $_scs_section_size  }
0x9a: {  	s4 =	simm.s32 $_size__tile_overlayer_lowered;
	s5 =	simm.s32 $_tile_overlayer_lowered  }
0x9b: {  	s22 =	simm.s32 $0x1BFF;
	s21 =	sshll.u32 s5, $0x1;
	s2 =	sadd.s32 s19, s18  }
0x9c: {  	s6 =	simm.s32 $0x0;
	s20 =	sshll.u32 s4, $0x1;
	s4 =	sadd.s32 s21, s2  }
0x9d: {  	[timem:s6], [sflag:s22] =	dma.local [hbm:s4], s20  }
0x9e: {  	_ =	swait.ge [sflag:s22], s20  }
0x9f: {  	s3 =	ssub.s32 $0x0, s20;
	[sflag:s22] =	ssyncset.done $0x0  }
0xa0: {  	[sflag:s22] =	ssyncadd.s32 s3;
	_ =	sdelay $0x1  }
0xa1: {  	s23 =	simm.s32 $0x1B8B  }
0xa2: {  	_ =	swait.ge [sflag:s23], $0x1  }
0xa3: {  	[sflag:s23] =	ssyncset.done $0x0  }
0xa4: {  	s25 =	simm.s32 $0x1B8E;
	s24 =	sld [smem:$0x3FFE];
	[sflag:s23] =	ssyncadd.s32 $0xFFFFFFFF  }
0xa5: {  	s26 =	simm.s32 $execute0_lowered;
	[smem:$0x3FD2] =	sst s25  }
0xa6: {  	s4 =	sshll.u32 s26, $0x1;
	_ =	strace $0x80000046;
	[dreg:$0x1] =	wrdreg $0xFFFFFFFF  }
0xa7: {  	s28 =	simm.s32 $_size_execute0_lowered;
	s2 =	sadd.s32 s2, s4;
	[dreg:$0x0] =	wrdreg $0x0  }
0xa8: {  	s4 =	sshll.u32 s28, $0x1;
	[dreg:$0x2] =	wrdreg s2  }
0xa9: {  	[dreg:$0x3] =	wrdreg s4  }
0xaa: {  	[dreg:$0x4] =	wrdreg $0xC0  }
0xab: {  	_ =	task [dreg:s6], $0x5FFFF  }
0xac: {  	[dreg:$0x1] =	wrdreg $0xFFFFFFFF  }
0xad: {  	[dreg:$0x0] =	wrdreg $0x60  }
0xae: {  	[dreg:$0x2] =	wrdreg s24  }
0xaf: {  	[dreg:$0x3] =	wrdreg $0xD5400  }
0xb0: {  	[dreg:$0x4] =	wrdreg $0x9  }
0xb1: {  	_ =	task.clear_ibuf [dreg:s6], $0x5FFFF;
	_ =	strace $0x90000046  }
0xb2: {  	s29 =	simm.s32 $0x9;
	_ =	strace $0x80000048  }
0xb3: {  	_ =	swait.ge [sflag:s29], $0x1  }
0xb4: {  	[sflag:s29] =	ssyncadd.s32 $0xFFFFFFFF  }
0xb5: {  	_ =	strace $0x90000048  }
0xb6: {  	_ =	sfence  }
0xb7: {  	s30 =	sld [smem:$0x0];
	_ =	sdelay $0x2  }
0xb8: {  	s31 =	sshll.u32 s1, $0xD;
	s1 =	sshrl.u32 s1, $0x2  }
0xb9: {  	s3 =	sand.u32 $0x4000, s31;
	s1 =	sadd.s32 s1, s30  }
0xba: {  	s0 =	sor.u32 s3, s0;
	s1 =	sshll.u32 s1, $0x11  }
0xbb: {  	s0 =	sor.u32 s1, s0  }
0xbc: {  	s0 =	sadd.s32 $0x8F2B, s0  }
0xbd: {  	[sflag:s0] =	ssyncadd.remote.s32 $0x1  }
0xbe: {  	_ =	sfence.sel $0xFFFF  }
0xbf: {  	[dreg:$0x0] =	wrdreg $0xFFFFFFFF;
	(pc) =	sbr.abs _section_cstart, $3  }
0xc0: {  	[dreg:$0x1] =	wrdreg $0xFFFFFFFF  }
0xc1: {  	_ =	task.clear_ibuf [dreg:s6], $0x2FFFF;
	_ =	strace $0x9FFFFFFF  }
0xc2: {  	(tm) =	ssettm $0x7FFFFFFF  }
0xc3: {  	_ =	shalt  }
tec
execute0_lowered:
.L_overlay_start_1:
0x0: {  	(tag) =	ssettag $0x1  }
0x1: {  	s0 =	rddreg [dreg:$0x0];
	s1 =	srdreg.scid  }
0x2: {  	s10 =	stileid.u32;
	s2 =	rddreg [dreg:$0x1];
	s3 =	simm.s32 $0x0  }
0x3: {  	s28 =	simm.s32 $0xA340;
	s30 =	simm.s32 $0x8A40;
	s31 =	simm.s32 $0xBC40  }
0x4: {  	s29 =	simm.s32 $0x2;
	s1 =	sand.u32 $0x1, s1;
	s4 =	sshll.u32 s10, $0x1  }
0x5: {  	[smem:$0x7FF] =	sst s3;
	s14 =	smul.u32 $0xA000, s10;
	s6 =	sor.u32 s1, s4  }
0x6: {  	_ =	strace $0x80000047;
	s8 =	ssub.s32 $0x2, s1;
	s1 =	smul.u32 $0xA0000, s1  }
0x7: {  	s5 =	sadd.s32 $0x17E00, s0;
	s4 =	sadd.s32 $0x288E00, s0;
	s7 =	smul.u32 $0x514, s6  }
0x8: {  	s9 =	sshrl.u32 s8, $0x1;
	s26 =	sadd.s32 $0x2000, s14;
	s17 =	smul.u32 $0x13880, s6  }
0x9: {  	s16 =	sadd.s32 $0x4000, s14;
	s18 =	sadd.s32 $0x6000, s14;
	s20 =	smul.u32 $0x9C400, s6  }
0xa: {  	s19 =	sadd.s32 $0x8000, s14;
	s13 =	smul.u32 $0x64, s6;
	s15 =	ssub.s32 s8, s9  }
0xb: {  	s8 =	sadd.s32 s14, s2;
	s9 =	sadd.s32 s26, s2;
	s10 =	sadd.s32 s16, s2  }
0xc: {  	s11 =	sadd.s32 s18, s2;
	s12 =	sadd.s32 s19, s2;
	s14 =	sadd.s32 s14, s1  }
0xd: {  	s24 =	sadd.s32 s1, s16;
	s7 =	sadd.s32 s7, s0;
	s0 =	sadd.s32 $0x29C800, s0  }
0xe: {  	s17 =	sadd.s32 s5, s17;
	s21 =	sshrl.u32 s20, $0x3;
	s22 =	sshrl.u32 s14, $0x3  }
0xf: {  	s14 =	simm.s32 $0x0;
	s25 =	sadd.s32 $0xDA00, s7;
	[dreg:$0x5] =	wrdreg s17  }
0x10: {  	s7 =	sadd.s32 $0x3600, s7;
	s6 =	sadd.s32 s5, s21;
	[dreg:$0x3] =	wrdreg s25  }
0x11: {  	s21 =	smax.u32 s15, $0x1;
	[dreg:$0x4] =	wrdreg s7;
	s7 =	sadd.s32 s1, s26  }
0x12: {  	s6 =	sadd.s32 $0x320, s6;
	s25 =	sadd.s32 s1, s18;
	s1 =	sadd.s32 s1, s19  }
0x13: {  	[dreg:$0x6] =	wrdreg s6;
	s7 =	sshrl.u32 s7, $0x3;
	s6 =	sadd.s32 s0, s22  }
0x14: {  	s26 =	sshrl.u32 s25, $0x3;
	s1 =	sshrl.u32 s1, $0x3;
	s22 =	simm.s32 $0x7  }
0x15: {  	s25 =	simm.s32 $0x64;
	[dreg:$0x7] =	wrdreg s6;
	s23 =	sadd.s32 s0, s7  }
0x16: {  	s6 =	sshrl.u32 s24, $0x3;
	s24 =	simm.s32 $0x5140;
	s7 =	simm.s32 $0x6  }
0x17: {  	[dreg:$0x8] =	wrdreg s23;
	s6 =	sadd.s32 s0, s6;
	s23 =	simm.s32 $0x5  }
0x18: {  	[dreg:$0x9] =	wrdreg s6;
	s6 =	sadd.s32 s0, s26;
	s0 =	sadd.s32 s0, s1  }
0x19: {  	s26 =	simm.s32 $0x7140;
	s1 =	simm.s32 $0x1;
	[dreg:$0xa] =	wrdreg s6  }
0x1a: {  	v0 =	vimm.f32 $0.0e+00;
	[dreg:$0xb] =	wrdreg s0;
	s0 =	simm.s32 $0x3;
	s6 =	simm.s32 $0x4  }
.LBB2_1:
0x1b: {  	s15 =	rddreg [dreg:$0x3]  }
0x1c: {  	[tilespmem:s3], [sflag:$0x7] =	stream.linear.gather [hbm4b:s15+s3], $0x28A0, $0x38;
	[tilespmem:$0x17540] =	vst v63  }
0x1d: {  	_ =	swait.ge [sflag:s22], $0x28A0  }
0x1e: {  	[sflag:s22] =	ssyncset.done $0x0  }
0x1f: {  	s16 =	simm.s32 $0x28A0;
	s20 =	rddreg [dreg:$0x4];
	[sflag:s22] =	ssyncadd.s32 $0xFFFFD760  }
0x20: {  	[tilespmem:s16], [sflag:$0x7] =	stream.linear.gather [hbm4b:s20+s3], $0x28A0, $0x38;
	[tilespmem:$0x17540] =	vst v63  }
0x21: {  	_ =	swait.ge [sflag:s22], $0x28A0  }
0x22: {  	[sflag:s22] =	ssyncset.done $0x0  }
0x23: {  	s15 =	simm.s32 $0x0;
	s16 =	simm.s32 $0x100;
	[sflag:s22] =	ssyncadd.s32 $0xFFFFD760  }
.LBB2_2:
0x24: {  	p0 =	sne.s32 s16, $0x7F00;
	[tilespmem:s15+$0x5170] =	vst v0;
	s17 =	smov.u32 s16;
	s16 =	sadd.s32 $0x100, s16  }
.Ltmp0:
0x25: {  	[tilespmem:s15+$0x5160] =	vst v0;
	(pc) =	sbr.rel @p0 .LBB2_2-.Ltmp0, $3  }
0x26: {  	[tilespmem:s15+$0x5140] =	vst v0  }
0x27: {  	[tilespmem:s15+$0x5150] =	vst v0;
	_ =	sdelay $0x1  }
0x28: {  	s15 =	sshra.s32 s17, $0x2  }
0x29: {  	[tilespmem:s15+$0x5170] =	vst v0  }
0x2a: {  	[tilespmem:s15+$0x5160] =	vst v0  }
0x2b: {  	[tilespmem:s15+$0x5140] =	vst v0  }
0x2c: {  	[tilespmem:s15+$0x5150] =	vst v0  }
0x2d: {  	[spmem:s8] =	stream.linear.scatter [tilespmem:s24], [sflag:$0x7], $0x2000, $0x38;
	[tilespmem:$0x17540] =	vst v63  }
0x2e: {  	_ =	swait.ge [sflag:s22], $0x2000  }
0x2f: {  	[sflag:s22] =	ssyncset.done $0x0  }
0x30: {  	[sflag:s22] =	ssyncadd.s32 $0xFFFFE000  }
0x31: {  	[spmem:s9] =	stream.linear.scatter [tilespmem:s24], [sflag:$0x7], $0x2000, $0x38;
	[tilespmem:$0x17540] =	vst v63  }
0x32: {  	_ =	swait.ge [sflag:s22], $0x2000  }
0x33: {  	[sflag:s22] =	ssyncset.done $0x0  }
0x34: {  	[sflag:s22] =	ssyncadd.s32 $0xFFFFE000  }
0x35: {  	[spmem:s10] =	stream.linear.scatter [tilespmem:s24], [sflag:$0x7], $0x2000, $0x38;
	[tilespmem:$0x17540] =	vst v63  }
0x36: {  	_ =	swait.ge [sflag:s22], $0x2000  }
0x37: {  	[sflag:s22] =	ssyncset.done $0x0  }
0x38: {  	[sflag:s22] =	ssyncadd.s32 $0xFFFFE000  }
0x39: {  	[spmem:s11] =	stream.linear.scatter [tilespmem:s24], [sflag:$0x7], $0x2000, $0x38;
	[tilespmem:$0x17540] =	vst v63  }
0x3a: {  	_ =	swait.ge [sflag:s22], $0x2000  }
0x3b: {  	[sflag:s22] =	ssyncset.done $0x0  }
0x3c: {  	[sflag:s22] =	ssyncadd.s32 $0xFFFFE000  }
0x3d: {  	[spmem:s12] =	stream.linear.scatter [tilespmem:s24], [sflag:$0x7], $0x2000, $0x38;
	[tilespmem:$0x17540] =	vst v63  }
0x3e: {  	_ =	swait.ge [sflag:s22], $0x2000  }
0x3f: {  	[sflag:s22] =	ssyncset.done $0x0  }
0x40: {  	[sflag:s22] =	ssyncadd.s32 $0xFFFFE000  }
0x41: {  	s15 =	simm.s32 $0x0;
	[bflag:$0x0] =	sbarrier.arrive $0xFFFF  }
0x42: {  	[tilespmem:s26], [sflag:$0x1] =	stream.indirect.gather [hbm4b:s4+s25], $0x40, s15, s25, $0xb8;
	[tilespmem:$0x17540] =	vst v63  }
0x43: {  	s16 =	rddreg [dreg:$0x5]  }
0x44: {  	[tilespmem:s28], [sflag:$0x3] =	stream.linear.gather [hbm4b:s16+s15], $0x1900, $0x38;
	[tilespmem:$0x17540] =	vst v63  }
0x45: {  	s19 =	simm.s32 $0x68  }
0x46: {  	[tilespmem:s30], [sflag:$0x2] =	stream.indirect.gather [hbm4b:s4+s25], $0x40, s19, s25, $0xb8;
	[tilespmem:$0x17540] =	vst v63  }
0x47: {  	s20 =	rddreg [dreg:$0x6]  }
0x48: {  	[tilespmem:s31], [sflag:$0x4] =	stream.linear.gather [hbm4b:s20+s15], $0x1900, $0x38;
	[tilespmem:$0x17540] =	vst v63  }
.LBB2_4:
0x49: {  	_ =	swait.ge [sflag:s1], $0x1900  }
0x4a: {  	[sflag:s1] =	ssyncset.done $0x0  }
0x4b: {  	[sflag:s1] =	ssyncadd.s32 $0xFFFFE700  }
0x4c: {  	_ =	swait.ge [sflag:s0], $0x1900  }
0x4d: {  	[sflag:s0] =	ssyncset.done $0x0  }
0x4e: {  	s16 =	simm.s32 $0x0;
	[sflag:s0] =	ssyncadd.s32 $0xFFFFE700  }
0x4f: {  	v3 =	vld [tilespmem:s16+$0x7140]  }
0x50: {  	v4 =	vld [tilespmem:s16+$0x7150]  }
0x51: {  	v2 =	vld [tilespmem:s16+$0x7160]  }
0x52: {  	v1 =	vld [tilespmem:s16+$0x7170]  }
0x53: {  	v5 =	vld [tilespmem:s16+$0xA340]  }
0x54: {  	v7 =	vld [tilespmem:s16+$0xA350]  }
0x55: {  	s17 =	simm.s32 $0x100;
	v6 =	vld [tilespmem:s16+$0xA360]  }
.LBB2_5:
0x56: {  	p0 =	sne.s32 s17, $0x6300;
	v8 =	vld [tilespmem:s16+$0xA370]  }
0x57: {  	s18 =	sshra.s32 s17, $0x2  }
0x58: {  	v5 =	vadd.f32 v5, v3;
	v3 =	vld [tilespmem:s18+$0x7140]  }
0x59: {  	v7 =	vadd.f32 v7, v4;
	v4 =	vld [tilespmem:s18+$0x7150]  }
.Ltmp1:
0x5a: {  	v5 =	vmax.f32 v5, $0.0e+00;
	v6 =	vadd.f32 v6, v2;
	v2 =	vld [tilespmem:s18+$0x7160];
	(pc) =	sbr.rel @p0 .LBB2_5-.Ltmp1, $4  }
0x5b: {  	[tilespmem:s16+$0xA340] =	vst v5;
	v7 =	vmax.f32 v7, $0.0e+00;
	v8 =	vadd.f32 v8, v1;
	v1 =	vld [tilespmem:s18+$0x7170]  }
0x5c: {  	v5 =	vld [tilespmem:s18+$0xA340];
	[tilespmem:s16+$0xA350] =	vst v7;
	v6 =	vmax.f32 v6, $0.0e+00  }
0x5d: {  	v7 =	vld [tilespmem:s18+$0xA350];
	[tilespmem:s16+$0xA360] =	vst v6;
	v8 =	vmax.f32 v8, $0.0e+00  }
0x5e: {  	s17 =	sadd.s32 $0x100, s17;
	v6 =	vld [tilespmem:s18+$0xA360];
	[tilespmem:s16+$0xA370] =	vst v8;
	s16 =	smov.u32 s18  }
0x5f: {  	v8 =	vld [tilespmem:s16+$0xA370];
	_ =	sdelay $0x1  }
0x60: {  	v3 =	vadd.f32 v5, v3  }
0x61: {  	v4 =	vadd.f32 v7, v4  }
0x62: {  	v3 =	vmax.f32 v3, $0.0e+00;
	v2 =	vadd.f32 v6, v2  }
0x63: {  	s17 =	smul.u32 $0x340, s15;
	[tilespmem:s16+$0xA340] =	vst v3;
	v3 =	vmax.f32 v4, $0.0e+00;
	v1 =	vadd.f32 v8, v1  }
0x64: {  	[tilespmem:s16+$0xA350] =	vst v3;
	v2 =	vmax.f32 v2, $0.0e+00  }
0x65: {  	s17 =	sshra.s32 s17, $0x2;
	[tilespmem:s16+$0xA360] =	vst v2;
	v1 =	vmax.f32 v1, $0.0e+00  }
0x66: {  	s18 =	sadd.s32 $0x28A0, s17;
	[tilespmem:s16+$0xA370] =	vst v1;
	s16 =	sshll.u32 s15, $0x1  }
0x67: {  	[spmem:s2] =	stream.indirect.scatter.add.f32 [tilespmem:s28], [sflag:$0x5], $0x40, s18, s25, $0xb8;
	[tilespmem:$0x17540] =	vst v63  }
0x68: {  	s20 =	sadd.s32 $0x2, s16  }
0x69: {  	_ =	swait.ge [sflag:s23], $0x1900;
	s19 =	smul.u32 $0x1A0, s20  }
0x6a: {  	s18 =	sadd.s32 s13, s20;
	[sflag:s23] =	ssyncset.done $0x0  }
0x6b: {  	s18 =	smul.u32 $0x320, s18;
	[sflag:s23] =	ssyncadd.s32 $0xFFFFE700;
	s19 =	sshra.s32 s19, $0x2  }
0x6c: {  	[tilespmem:s26], [sflag:$0x1] =	stream.indirect.gather [hbm4b:s4+s25], $0x40, s19, s25, $0xb8;
	[tilespmem:$0x17540] =	vst v63  }
0x6d: {  	s20 =	simm.s32 $0x0;
	s18 =	sadd.s32 s5, s18  }
0x6e: {  	[tilespmem:s28], [sflag:$0x3] =	stream.linear.gather [hbm4b:s18+s20], $0x1900, $0x38;
	[tilespmem:$0x17540] =	vst v63  }
0x6f: {  	_ =	swait.ge [sflag:s29], $0x1900  }
0x70: {  	[sflag:s29] =	ssyncset.done $0x0  }
0x71: {  	[sflag:s29] =	ssyncadd.s32 $0xFFFFE700  }
0x72: {  	_ =	swait.ge [sflag:s6], $0x1900  }
0x73: {  	[sflag:s6] =	ssyncset.done $0x0  }
0x74: {  	s18 =	simm.s32 $0x0;
	[sflag:s6] =	ssyncadd.s32 $0xFFFFE700  }
0x75: {  	v3 =	vld [tilespmem:s18+$0x8A40]  }
0x76: {  	v4 =	vld [tilespmem:s18+$0x8A50]  }
0x77: {  	v2 =	vld [tilespmem:s18+$0x8A60]  }
0x78: {  	v1 =	vld [tilespmem:s18+$0x8A70]  }
0x79: {  	v5 =	vld [tilespmem:s18+$0xBC40]  }
0x7a: {  	v7 =	vld [tilespmem:s18+$0xBC50]  }
0x7b: {  	s19 =	simm.s32 $0x100;
	v6 =	vld [tilespmem:s18+$0xBC60]  }
.LBB2_7:
0x7c: {  	p0 =	sne.s32 s19, $0x6300;
	v8 =	vld [tilespmem:s18+$0xBC70]  }
0x7d: {  	s20 =	sshra.s32 s19, $0x2  }
0x7e: {  	v5 =	vadd.f32 v5, v3;
	v3 =	vld [tilespmem:s20+$0x8A40]  }
0x7f: {  	v7 =	vadd.f32 v7, v4;
	v4 =	vld [tilespmem:s20+$0x8A50]  }
.Ltmp2:
0x80: {  	v5 =	vmax.f32 v5, $0.0e+00;
	v6 =	vadd.f32 v6, v2;
	v2 =	vld [tilespmem:s20+$0x8A60];
	(pc) =	sbr.rel @p0 .LBB2_7-.Ltmp2, $4  }
0x81: {  	[tilespmem:s18+$0xBC40] =	vst v5;
	v7 =	vmax.f32 v7, $0.0e+00;
	v8 =	vadd.f32 v8, v1;
	v1 =	vld [tilespmem:s20+$0x8A70]  }
0x82: {  	v5 =	vld [tilespmem:s20+$0xBC40];
	[tilespmem:s18+$0xBC50] =	vst v7;
	v6 =	vmax.f32 v6, $0.0e+00  }
0x83: {  	v7 =	vld [tilespmem:s20+$0xBC50];
	[tilespmem:s18+$0xBC60] =	vst v6;
	v8 =	vmax.f32 v8, $0.0e+00  }
0x84: {  	s19 =	sadd.s32 $0x100, s19;
	v6 =	vld [tilespmem:s20+$0xBC60];
	[tilespmem:s18+$0xBC70] =	vst v8;
	s18 =	smov.u32 s20  }
0x85: {  	v8 =	vld [tilespmem:s18+$0xBC70];
	_ =	sdelay $0x1  }
0x86: {  	v3 =	vadd.f32 v5, v3  }
0x87: {  	v4 =	vadd.f32 v7, v4  }
0x88: {  	v3 =	vmax.f32 v3, $0.0e+00;
	v2 =	vadd.f32 v6, v2  }
0x89: {  	[tilespmem:s18+$0xBC40] =	vst v3;
	v3 =	vmax.f32 v4, $0.0e+00;
	v1 =	vadd.f32 v8, v1  }
0x8a: {  	[tilespmem:s18+$0xBC50] =	vst v3;
	v2 =	vmax.f32 v2, $0.0e+00  }
0x8b: {  	[tilespmem:s18+$0xBC60] =	vst v2;
	v1 =	vmax.f32 v1, $0.0e+00  }
0x8c: {  	s17 =	sadd.s32 $0x2908, s17;
	s16 =	sadd.s32 $0x3, s16;
	s15 =	sadd.s32 $0x1, s15;
	[tilespmem:s18+$0xBC70] =	vst v1  }
0x8d: {  	[spmem:s2] =	stream.indirect.scatter.add.f32 [tilespmem:s31], [sflag:$0x6], $0x40, s17, s25, $0xb8;
	[tilespmem:$0x17540] =	vst v63  }
0x8e: {  	s20 =	smul.u32 $0x1A0, s16;
	p0 =	sne.s32 s15, $0x31;
	_ =	swait.ge [sflag:s7], $0x1900  }
.Ltmp3:
0x8f: {  	s16 =	sadd.s32 s13, s16;
	[sflag:s7] =	ssyncset.done $0x0;
	(pc) =	sbr.rel @p0 .LBB2_4-.Ltmp3, $4  }
0x90: {  	s16 =	smul.u32 $0x320, s16;
	s17 =	sshra.s32 s20, $0x2;
	[sflag:s7] =	ssyncadd.s32 $0xFFFFE700  }
0x91: {  	[tilespmem:s30], [sflag:$0x2] =	stream.indirect.gather [hbm4b:s4+s25], $0x40, s17, s25, $0xb8;
	[tilespmem:$0x17540] =	vst v63  }
0x92: {  	s16 =	sadd.s32 s5, s16  }
0x93: {  	[tilespmem:s31], [sflag:$0x4] =	stream.linear.gather [hbm4b:s16+s3], $0x1900, $0x38;
	[tilespmem:$0x17540] =	vst v63  }
0x94: {  	_ =	swait.ge [sflag:s1], $0x1900  }
0x95: {  	[sflag:s1] =	ssyncset.done $0x0  }
0x96: {  	[sflag:s1] =	ssyncadd.s32 $0xFFFFE700  }
0x97: {  	_ =	swait.ge [sflag:s0], $0x1900  }
0x98: {  	[sflag:s0] =	ssyncset.done $0x0  }
0x99: {  	s15 =	simm.s32 $0x0;
	[sflag:s0] =	ssyncadd.s32 $0xFFFFE700  }
0x9a: {  	v3 =	vld [tilespmem:s15+$0x7140]  }
0x9b: {  	v4 =	vld [tilespmem:s15+$0x7150]  }
0x9c: {  	v2 =	vld [tilespmem:s15+$0x7160]  }
0x9d: {  	v1 =	vld [tilespmem:s15+$0x7170]  }
0x9e: {  	v5 =	vld [tilespmem:s15+$0xA340]  }
0x9f: {  	v7 =	vld [tilespmem:s15+$0xA350]  }
0xa0: {  	s16 =	simm.s32 $0x100;
	v6 =	vld [tilespmem:s15+$0xA360]  }
.LBB2_10:
0xa1: {  	p0 =	sne.s32 s16, $0x6300;
	v8 =	vld [tilespmem:s15+$0xA370]  }
0xa2: {  	s17 =	sshra.s32 s16, $0x2  }
0xa3: {  	v5 =	vadd.f32 v5, v3;
	v3 =	vld [tilespmem:s17+$0x7140]  }
0xa4: {  	v7 =	vadd.f32 v7, v4;
	v4 =	vld [tilespmem:s17+$0x7150]  }
.Ltmp4:
0xa5: {  	v5 =	vmax.f32 v5, $0.0e+00;
	v6 =	vadd.f32 v6, v2;
	v2 =	vld [tilespmem:s17+$0x7160];
	(pc) =	sbr.rel @p0 .LBB2_10-.Ltmp4, $4  }
0xa6: {  	[tilespmem:s15+$0xA340] =	vst v5;
	v7 =	vmax.f32 v7, $0.0e+00;
	v8 =	vadd.f32 v8, v1;
	v1 =	vld [tilespmem:s17+$0x7170]  }
0xa7: {  	v5 =	vld [tilespmem:s17+$0xA340];
	[tilespmem:s15+$0xA350] =	vst v7;
	v6 =	vmax.f32 v6, $0.0e+00  }
0xa8: {  	v7 =	vld [tilespmem:s17+$0xA350];
	[tilespmem:s15+$0xA360] =	vst v6;
	v8 =	vmax.f32 v8, $0.0e+00  }
0xa9: {  	s16 =	sadd.s32 $0x100, s16;
	v6 =	vld [tilespmem:s17+$0xA360];
	[tilespmem:s15+$0xA370] =	vst v8;
	s15 =	smov.u32 s17  }
0xaa: {  	v8 =	vld [tilespmem:s15+$0xA370];
	_ =	sdelay $0x1  }
0xab: {  	v3 =	vadd.f32 v5, v3  }
0xac: {  	v4 =	vadd.f32 v7, v4  }
0xad: {  	v3 =	vmax.f32 v3, $0.0e+00;
	v2 =	vadd.f32 v6, v2  }
0xae: {  	[tilespmem:s15+$0xA340] =	vst v3;
	v3 =	vmax.f32 v4, $0.0e+00;
	v1 =	vadd.f32 v8, v1  }
0xaf: {  	[tilespmem:s15+$0xA350] =	vst v3;
	v2 =	vmax.f32 v2, $0.0e+00  }
0xb0: {  	[tilespmem:s15+$0xA360] =	vst v2;
	v1 =	vmax.f32 v1, $0.0e+00  }
0xb1: {  	s20 =	simm.s32 $0x5070;
	[tilespmem:s15+$0xA370] =	vst v1  }
0xb2: {  	[spmem:s2] =	stream.indirect.scatter.add.f32 [tilespmem:s28], [sflag:$0x5], $0x40, s20, s25, $0xb8;
	[tilespmem:$0x17540] =	vst v63  }
0xb3: {  	_ =	swait.ge [sflag:s23], $0x1900  }
0xb4: {  	[sflag:s23] =	ssyncset.done $0x0  }
0xb5: {  	[sflag:s23] =	ssyncadd.s32 $0xFFFFE700  }
0xb6: {  	_ =	swait.ge [sflag:s29], $0x1900  }
0xb7: {  	[sflag:s29] =	ssyncset.done $0x0  }
0xb8: {  	[sflag:s29] =	ssyncadd.s32 $0xFFFFE700  }
0xb9: {  	_ =	swait.ge [sflag:s6], $0x1900  }
0xba: {  	[sflag:s6] =	ssyncset.done $0x0  }
0xbb: {  	s15 =	simm.s32 $0x0;
	[sflag:s6] =	ssyncadd.s32 $0xFFFFE700  }
0xbc: {  	v3 =	vld [tilespmem:s15+$0x8A40]  }
0xbd: {  	v4 =	vld [tilespmem:s15+$0x8A50]  }
0xbe: {  	v2 =	vld [tilespmem:s15+$0x8A60]  }
0xbf: {  	v1 =	vld [tilespmem:s15+$0x8A70]  }
0xc0: {  	v5 =	vld [tilespmem:s15+$0xBC40]  }
0xc1: {  	v7 =	vld [tilespmem:s15+$0xBC50]  }
0xc2: {  	s16 =	simm.s32 $0x100;
	v6 =	vld [tilespmem:s15+$0xBC60]  }
.LBB2_12:
0xc3: {  	p0 =	sne.s32 s16, $0x6300;
	v8 =	vld [tilespmem:s15+$0xBC70]  }
0xc4: {  	s17 =	sshra.s32 s16, $0x2  }
0xc5: {  	v5 =	vadd.f32 v5, v3;
	v3 =	vld [tilespmem:s17+$0x8A40]  }
0xc6: {  	v7 =	vadd.f32 v7, v4;
	v4 =	vld [tilespmem:s17+$0x8A50]  }
.Ltmp5:
0xc7: {  	v5 =	vmax.f32 v5, $0.0e+00;
	v6 =	vadd.f32 v6, v2;
	v2 =	vld [tilespmem:s17+$0x8A60];
	(pc) =	sbr.rel @p0 .LBB2_12-.Ltmp5, $4  }
0xc8: {  	[tilespmem:s15+$0xBC40] =	vst v5;
	v7 =	vmax.f32 v7, $0.0e+00;
	v8 =	vadd.f32 v8, v1;
	v1 =	vld [tilespmem:s17+$0x8A70]  }
0xc9: {  	v5 =	vld [tilespmem:s17+$0xBC40];
	[tilespmem:s15+$0xBC50] =	vst v7;
	v6 =	vmax.f32 v6, $0.0e+00  }
0xca: {  	v7 =	vld [tilespmem:s17+$0xBC50];
	[tilespmem:s15+$0xBC60] =	vst v6;
	v8 =	vmax.f32 v8, $0.0e+00  }
0xcb: {  	s16 =	sadd.s32 $0x100, s16;
	v6 =	vld [tilespmem:s17+$0xBC60];
	[tilespmem:s15+$0xBC70] =	vst v8;
	s15 =	smov.u32 s17  }
0xcc: {  	v8 =	vld [tilespmem:s15+$0xBC70];
	_ =	sdelay $0x1  }
0xcd: {  	v3 =	vadd.f32 v5, v3  }
0xce: {  	v4 =	vadd.f32 v7, v4  }
0xcf: {  	v3 =	vmax.f32 v3, $0.0e+00;
	v2 =	vadd.f32 v6, v2  }
0xd0: {  	[tilespmem:s15+$0xBC40] =	vst v3;
	v3 =	vmax.f32 v4, $0.0e+00;
	v1 =	vadd.f32 v8, v1  }
0xd1: {  	[tilespmem:s15+$0xBC50] =	vst v3;
	v2 =	vmax.f32 v2, $0.0e+00  }
0xd2: {  	[tilespmem:s15+$0xBC60] =	vst v2;
	v1 =	vmax.f32 v1, $0.0e+00  }
0xd3: {  	s20 =	simm.s32 $0x50D8;
	[tilespmem:s15+$0xBC70] =	vst v1  }
0xd4: {  	[spmem:s2] =	stream.indirect.scatter.add.f32 [tilespmem:s31], [sflag:$0x6], $0x40, s20, s25, $0xb8;
	[tilespmem:$0x17540] =	vst v63  }
0xd5: {  	_ =	swait.ge [sflag:s7], $0x1900  }
0xd6: {  	[sflag:s7] =	ssyncset.done $0x0  }
0xd7: {  	[sflag:s7] =	ssyncadd.s32 $0xFFFFE700  }
0xd8: {  	[bflag:$0x0] =	sbarrier.arrive $0xFFFF  }
0xd9: {  	[tilespmem:s24], [sflag:$0x7] =	stream.linear.gather [spmem:s8], $0x2000, $0x38;
	[tilespmem:$0x17540] =	vst v63  }
0xda: {  	_ =	swait.ge [sflag:s22], $0x2000  }
0xdb: {  	[sflag:s22] =	ssyncset.done $0x0  }
0xdc: {  	s16 =	rddreg [dreg:$0x7];
	[sflag:s22] =	ssyncadd.s32 $0xFFFFE000  }
0xdd: {  	[hbm4b:s16+s3] =	stream.linear.scatter [tilespmem:s24], [sflag:$0x7], $0x2000, $0x38;
	[tilespmem:$0x17540] =	vst v63  }
0xde: {  	_ =	swait.ge [sflag:s22], $0x2000  }
0xdf: {  	[sflag:s22] =	ssyncset.done $0x0  }
0xe0: {  	[sflag:s22] =	ssyncadd.s32 $0xFFFFE000  }
0xe1: {  	[tilespmem:s24], [sflag:$0x7] =	stream.linear.gather [spmem:s9], $0x2000, $0x38;
	[tilespmem:$0x17540] =	vst v63  }
0xe2: {  	_ =	swait.ge [sflag:s22], $0x2000  }
0xe3: {  	[sflag:s22] =	ssyncset.done $0x0  }
0xe4: {  	s17 =	rddreg [dreg:$0x8];
	[sflag:s22] =	ssyncadd.s32 $0xFFFFE000  }
0xe5: {  	[hbm4b:s17+s3] =	stream.linear.scatter [tilespmem:s24], [sflag:$0x7], $0x2000, $0x38;
	[tilespmem:$0x17540] =	vst v63  }
0xe6: {  	_ =	swait.ge [sflag:s22], $0x2000  }
0xe7: {  	[sflag:s22] =	ssyncset.done $0x0  }
0xe8: {  	[sflag:s22] =	ssyncadd.s32 $0xFFFFE000  }
0xe9: {  	[tilespmem:s24], [sflag:$0x7] =	stream.linear.gather [spmem:s10], $0x2000, $0x38;
	[tilespmem:$0x17540] =	vst v63  }
0xea: {  	_ =	swait.ge [sflag:s22], $0x2000  }
0xeb: {  	[sflag:s22] =	ssyncset.done $0x0  }
0xec: {  	s18 =	rddreg [dreg:$0x9];
	[sflag:s22] =	ssyncadd.s32 $0xFFFFE000  }
0xed: {  	[hbm4b:s18+s3] =	stream.linear.scatter [tilespmem:s24], [sflag:$0x7], $0x2000, $0x38;
	[tilespmem:$0x17540] =	vst v63  }
0xee: {  	_ =	swait.ge [sflag:s22], $0x2000  }
0xef: {  	[sflag:s22] =	ssyncset.done $0x0  }
0xf0: {  	[sflag:s22] =	ssyncadd.s32 $0xFFFFE000  }
0xf1: {  	[tilespmem:s24], [sflag:$0x7] =	stream.linear.gather [spmem:s11], $0x2000, $0x38;
	[tilespmem:$0x17540] =	vst v63  }
0xf2: {  	_ =	swait.ge [sflag:s22], $0x2000  }
0xf3: {  	[sflag:s22] =	ssyncset.done $0x0  }
0xf4: {  	s19 =	rddreg [dreg:$0xa];
	[sflag:s22] =	ssyncadd.s32 $0xFFFFE000  }
0xf5: {  	[hbm4b:s19+s3] =	stream.linear.scatter [tilespmem:s24], [sflag:$0x7], $0x2000, $0x38;
	[tilespmem:$0x17540] =	vst v63  }
0xf6: {  	_ =	swait.ge [sflag:s22], $0x2000  }
0xf7: {  	[sflag:s22] =	ssyncset.done $0x0  }
0xf8: {  	[sflag:s22] =	ssyncadd.s32 $0xFFFFE000  }
0xf9: {  	[tilespmem:s24], [sflag:$0x7] =	stream.linear.gather [spmem:s12], $0x2000, $0x38;
	[tilespmem:$0x17540] =	vst v63  }
0xfa: {  	s14 =	sadd.s32 $0x1, s14;
	_ =	swait.ge [sflag:s22], $0x2000  }
0xfb: {  	p0 =	sne.s32 s14, s21;
	[sflag:s22] =	ssyncset.done $0x0  }
.Ltmp6:
0xfc: {  	s20 =	rddreg [dreg:$0xb];
	[sflag:s22] =	ssyncadd.s32 $0xFFFFE000;
	(pc) =	sbr.rel @p0 .LBB2_1-.Ltmp6, $4  }
0xfd: {  	[hbm4b:s20+s3] =	stream.linear.scatter [tilespmem:s24], [sflag:$0x7], $0x2000, $0x38;
	[tilespmem:$0x17540] =	vst v63  }
0xfe: {  	_ =	swait.ge [sflag:s22], $0x2000  }
0xff: {  	[sflag:s22] =	ssyncset.done $0x0  }
0x100: {  	[sflag:s22] =	ssyncadd.s32 $0xFFFFE000  }
0x101: {  	_ =	sfence.sel $0x180000  }
0x102: {  	[bflag:$0x0] =	sbarrier.arrive $0xFFFF  }
0x103: {  	_ =	strace $0x90000047  }
0x104: {  	s0 =	stileid.u32;
	[bflag:$0x2] =	sbarrier.arrive $0xFFFF  }
0x105: {  	p0 =	sne.s32 s0, $0x0;
	s0 =	rddreg [dreg:$0x2]  }
0x106: {  	s0 =	sadd.s32 @!p0 $0x100000, s0  }
0x107: {  	[sflag:s0] =	ssyncadd.tile.s32 @!p0 $0x1;
	_ =	shalt  }
.Lfunc_end2:
_tile_overlayer_lowered:
.L_overlay_start_2:
0x108: {  	(tag) =	ssettag $0x2  }
0x109: {  	s0 =	rddreg [dreg:$0x0];
	s2 =	stileid.u32  }
0x10a: {  	s1 =	rddreg [dreg:$0x1];
	p0 =	sne.s32 s2, $0x0  }
0x10b: {  	s3 =	rddreg [dreg:$0x2];
	[bflag:$0x3] =	sbarrier.arrive $0xFFFF;
	s2 =	simm.s32 @!p0 $0x1C07  }
0x10c: {  	[timem:s3], [sflag:s2] =	dma.local @!p0 [hbm:s0], s1  }
0x10d: {  	s0 =	simm.s32 @!p0 $0x7  }
0x10e: {  	_ =	swait.ge @!p0 [sflag:s0], s1  }
0x10f: {  	s1 =	ssub.s32 @!p0 $0x0, s1;
	[sflag:s0] =	ssyncset.done @!p0 $0x0  }
0x110: {  	[sflag:s0] =	ssyncadd.s32 @!p0 s1  }
0x111: {  	[bflag:$0x3] =	sbarrier.arrive $0xFFFF  }
0x112: {  	_ =	shalt  }

// kernel: kernel.14.cloned.1.call-start
scs
__scs_entry_jumppad:
0x0: {  	(pc) =	sbr.rel $0x88, $3  }
0x1: {  	(tag) =	ssettag $0x0;
	lr =	simm.s32 $0x1  }
0x2: {  	[smem:$0x3F80] =	sst lr;
	_ =	strace $0xD0000000  }
0x3: {  	_ = 	snop  }
0x4: {  	_ = 	snop  }
0x5: {  	_ = 	snop  }
0x6: {  	_ = 	snop  }
0x7: {  	_ = 	snop  }
__scs_overlays_trampoline_lowered:
0x8: {  	[smem:$0x3F8F] =	sst s0  }
0x9: {  	[smem:$0x3F90] =	sst s1  }
0xa: {  	[smem:$0x3F91] =	sst s2  }
0xb: {  	[smem:$0x3F92] =	sst s3  }
0xc: {  	[smem:$0x3F93] =	sst s4  }
0xd: {  	[smem:$0x3F94] =	sst s5  }
0xe: {  	[smem:$0x3F95] =	sst s6  }
0xf: {  	[smem:$0x3F96] =	sst s7  }
0x10: {  	[smem:$0x3F97] =	sst s8  }
0x11: {  	[smem:$0x3F98] =	sst s9;
	s0 =	simm.s32 @!p0 $0x0  }
0x12: {  	s1 =	sld [smem:$0x3F7E];
	s0 =	simm.s32 @p0 $0x1  }
0x13: {  	[smem:$0x3F99] =	sst s0;
	s0 =	simm.s32 @!p1 $0x0  }
0x14: {  	s2 =	sld [smem:$0x3F7D];
	s0 =	simm.s32 @p1 $0x1  }
0x15: {  	[smem:$0x3F9A] =	sst s0;
	s0 =	simm.s32 @!p2 $0x0  }
0x16: {  	s3 =	sld [smem:$0x3FDB];
	s0 =	simm.s32 @p2 $0x1  }
0x17: {  	s4 =	simm.s32 $0x1BF5;
	[smem:$0x3F9C] =	sst s0  }
0x18: {  	s0 =	sld [smem:$0x3F7F];
	_ =	swait.ge [sflag:s4], $0x0  }
0x19: {  	s7 =	sld [smem:$0x3F80]  }
0x1a: {  	s8 =	sadd.s32 $0xFFFFE003, lr  }
0x1b: {  	s9 =	sadd.s32 $0xFFFFFEF7, lr;
	s5 =	simm.s32 $0xFFFFFFFF;
	p2 =	slt.u32 s8, $0xFFFFF086  }
0x1c: {  	p1 =	slt.u32 s9, $0xF7A;
	s5 =	simm.s32 @!p2 $0x0  }
0x1d: {  	s5 =	simm.s32 @p1 $0x1;
	p0 =	seq.s32 s7, s2  }
0x1e: {  	s7 =	smul.u32 @!p0 $0xF7A, s2;
	p2 =	seq.s32 @!p0 s5, $0x0  }
0x1f: {  	s9 =	smul.u32 $0xF7A, s1;
	s8 =	simm.s32 @!p0 $0x1BF5;
	p2 =	por !p2, p0  }
0x20: {  	[sflag:s8] =	ssyncset.s32 @!p0 $0xFFFFF086;
	s6 =	sadd.s32 @!p0 s3, s7;
	s7 =	simm.s32 @!p0 $0x108  }
0x21: {  	s3 =	sadd.s32 s3, s9;
	s6 =	sadd.s32 @!p0 $0x88, s6;
	s7 =	simm.s32 @p2 $0x1082  }
0x22: {  	[simem:s7], [sflag:s8] =	dma.local @!p0 [hbm:s6], $0xF7A  }
0x23: {  	s9 =	sor.u32 $0xD0000000, s2;
	s6 =	simm.s32 $0x108;
	_ =	swait.ge @!p0 [sflag:s8], $0x0  }
0x24: {  	s3 =	sadd.s32 $0x88, s3;
	s6 =	simm.s32 @!p1 $0x1082;
	[sflag:s4] =	ssyncset.s32 $0xFFFFF086  }
0x25: {  	[simem:s6], [sflag:s4] =	dma.local [hbm:s3], $0xF7A  }
0x26: {  	[smem:$0x3F80] =	sst s1;
	(tag) =	ssettag s2;
	_ =	strace s9  }
0x27: {  	s1 =	sld [smem:$0x3F90]  }
0x28: {  	s2 =	sld [smem:$0x3F91]  }
0x29: {  	s4 =	sld [smem:$0x3F93]  }
0x2a: {  	p0 =	seq.s32 s5, $0x0;
	s5 =	sld [smem:$0x3F94]  }
0x2b: {  	s6 =	sld [smem:$0x3F95]  }
0x2c: {  	s7 =	sld [smem:$0x3F96]  }
0x2d: {  	s3 =	simm.s32 $0x108;
	s8 =	sld [smem:$0x3F97]  }
0x2e: {  	s3 =	simm.s32 @!p0 $0x1082;
	s9 =	sld [smem:$0x3F98]  }
0x2f: {  	lr =	sadd.s32 s0, s3;
	s0 =	sld [smem:$0x3F8F]  }
0x30: {  	s3 =	sld [smem:$0x3F92]  }
0x31: {  	[smem:$0x3F9B] =	sst s10  }
0x32: {  	s10 =	sld [smem:$0x3F99];
	_ =	sdelay $0x3  }
0x33: {  	p0 =	seq.s32 s10, $0x1;
	s10 =	sld [smem:$0x3F9B];
	_ =	sdelay $0x3  }
0x34: {  	[smem:$0x3F9B] =	sst s10  }
0x35: {  	s10 =	sld [smem:$0x3F9A];
	_ =	sdelay $0x3  }
0x36: {  	p1 =	seq.s32 s10, $0x1;
	s10 =	sld [smem:$0x3F9B];
	_ =	sdelay $0x3  }
0x37: {  	[smem:$0x3F9B] =	sst s10  }
0x38: {  	s10 =	sld [smem:$0x3F9C]  }
0x39: {  	_ = 	snop;
	(pc) =	sbr.ind lr, $3  }
0x3a: {  	_ = 	snop  }
0x3b: {  	_ = 	snop  }
0x3c: {  	p2 =	seq.s32 s10, $0x1;
	s10 =	sld [smem:$0x3F9B]  }
0x3d: {  	_ =	shalt  }
0x3e: {  	_ =	shalt  }
0x3f: {  	_ =	shalt  }
0x40: {  	_ =	shalt  }
0x41: {  	_ =	shalt  }
0x42: {  	_ =	shalt  }
0x43: {  	_ =	shalt  }
0x44: {  	_ =	shalt  }
0x45: {  	_ =	shalt  }
0x46: {  	_ =	shalt  }
0x47: {  	_ =	shalt  }
0x48: {  	_ =	shalt  }
0x49: {  	_ =	shalt  }
0x4a: {  	_ =	shalt  }
0x4b: {  	_ =	shalt  }
0x4c: {  	_ =	shalt  }
0x4d: {  	_ =	shalt  }
0x4e: {  	_ =	shalt  }
0x4f: {  	_ =	shalt  }
0x50: {  	_ =	shalt  }
0x51: {  	_ =	shalt  }
0x52: {  	_ =	shalt  }
0x53: {  	_ =	shalt  }
0x54: {  	_ =	shalt  }
0x55: {  	_ =	shalt  }
0x56: {  	_ =	shalt  }
0x57: {  	_ =	shalt  }
0x58: {  	_ =	shalt  }
0x59: {  	_ =	shalt  }
0x5a: {  	_ =	shalt  }
0x5b: {  	_ =	shalt  }
0x5c: {  	_ =	shalt  }
0x5d: {  	_ =	shalt  }
0x5e: {  	_ =	shalt  }
0x5f: {  	_ =	shalt  }
0x60: {  	_ =	shalt  }
0x61: {  	_ =	shalt  }
0x62: {  	_ =	shalt  }
0x63: {  	_ =	shalt  }
0x64: {  	_ =	shalt  }
0x65: {  	_ =	shalt  }
0x66: {  	_ =	shalt  }
0x67: {  	_ =	shalt  }
0x68: {  	_ =	shalt  }
0x69: {  	_ =	shalt  }
0x6a: {  	_ =	shalt  }
0x6b: {  	_ =	shalt  }
0x6c: {  	_ =	shalt  }
0x6d: {  	_ =	shalt  }
0x6e: {  	_ =	shalt  }
0x6f: {  	_ =	shalt  }
0x70: {  	_ =	shalt  }
0x71: {  	_ =	shalt  }
0x72: {  	_ =	shalt  }
0x73: {  	_ =	shalt  }
0x74: {  	_ =	shalt  }
0x75: {  	_ =	shalt  }
0x76: {  	_ =	shalt  }
0x77: {  	_ =	shalt  }
0x78: {  	_ =	shalt  }
0x79: {  	_ =	shalt  }
0x7a: {  	_ =	shalt  }
0x7b: {  	_ =	shalt  }
0x7c: {  	_ =	shalt  }
0x7d: {  	_ =	shalt  }
0x7e: {  	_ =	shalt  }
0x7f: {  	_ =	shalt  }
0x80: {  	_ =	shalt  }
0x81: {  	_ =	shalt  }
0x82: {  	_ =	shalt  }
0x83: {  	_ =	shalt  }
0x84: {  	_ =	shalt  }
0x85: {  	_ =	shalt  }
0x86: {  	_ =	shalt  }
0x87: {  	_ =	shalt  }
.Lfunc_end0:
.L_simem_size_0:
called_computation.1_lowered:
.L_overlay_start_0:
0x88: {  	s2 =	sld [smem:$0x3FD9]  }
0x89: {  	s3 =	sld [smem:$0x3FFE];
	_ =	sdelay $0x1  }
0x8a: {  	s1 =	srdreg.scid  }
0x8b: {  	s0 =	sand.u32 $0x1, s1  }
0x8c: {  	s16 =	sshll.u32 s0, $0xA;
	s2 =	sadd.s32 s3, s2  }
0x8d: {  	s2 =	sadd.s32 s2, s16  }
0x8e: {  	[smem:$0x3FA7] =	sst s2  }
0x8f: {  	_ = 	snop  }
0x90: {  	(tm) =	ssettm $0x1  }
0x91: {  	s17 =	sld [smem:$0x3FFB];
	_ =	sdelay $0x3  }
0x92: {  	_ =	strace s17  }
0x93: {  	s2 =	sld [smem:$0x3FFC];
	_ =	sdelay $0x3  }
0x94: {  	_ =	strace s2  }
0x95: {  	s2 =	sld [smem:$0x3FFD];
	_ =	sdelay $0x3  }
0x96: {  	_ =	strace s2  }
0x97: {  	_ =	strace $0x8FFFFFFF  }
0x98: {  	s18 =	sld [smem:$0x3FDB];
	_ =	sdelay $0x1  }
0x99: {  	s19 =	simm.s32 $_scs_section_size  }
0x9a: {  	s4 =	simm.s32 $_size__tile_overlayer_lowered;
	s5 =	simm.s32 $_tile_overlayer_lowered  }
0x9b: {  	s22 =	simm.s32 $0x1BFF;
	s21 =	sshll.u32 s5, $0x1;
	s2 =	sadd.s32 s19, s18  }
0x9c: {  	s6 =	simm.s32 $0x0;
	s20 =	sshll.u32 s4, $0x1;
	s4 =	sadd.s32 s21, s2  }
0x9d: {  	[timem:s6], [sflag:s22] =	dma.local [hbm:s4], s20  }
0x9e: {  	_ =	swait.ge [sflag:s22], s20  }
0x9f: {  	s3 =	ssub.s32 $0x0, s20;
	[sflag:s22] =	ssyncset.done $0x0  }
0xa0: {  	[sflag:s22] =	ssyncadd.s32 s3;
	_ =	sdelay $0x1  }
0xa1: {  	s23 =	simm.s32 $0x1B8B  }
0xa2: {  	_ =	swait.ge [sflag:s23], $0x1  }
0xa3: {  	[sflag:s23] =	ssyncset.done $0x0  }
0xa4: {  	s25 =	simm.s32 $0x1B8E;
	s24 =	sld [smem:$0x3FFE];
	[sflag:s23] =	ssyncadd.s32 $0xFFFFFFFF  }
0xa5: {  	s26 =	simm.s32 $execute0_lowered;
	[smem:$0x3FD2] =	sst s25  }
0xa6: {  	s4 =	sshll.u32 s26, $0x1;
	_ =	strace $0x80000049;
	[dreg:$0x1] =	wrdreg $0xFFFFFFFF  }
0xa7: {  	s28 =	simm.s32 $_size_execute0_lowered;
	s2 =	sadd.s32 s2, s4;
	[dreg:$0x0] =	wrdreg $0x0  }
0xa8: {  	s4 =	sshll.u32 s28, $0x1;
	[dreg:$0x2] =	wrdreg s2  }
0xa9: {  	[dreg:$0x3] =	wrdreg s4  }
0xaa: {  	[dreg:$0x4] =	wrdreg $0xC0  }
0xab: {  	_ =	task [dreg:s6], $0x5FFFF  }
0xac: {  	[dreg:$0x1] =	wrdreg $0xFFFFFFFF  }
0xad: {  	[dreg:$0x0] =	wrdreg $0x60  }
0xae: {  	[dreg:$0x2] =	wrdreg s24  }
0xaf: {  	[dreg:$0x3] =	wrdreg $0xD5400  }
0xb0: {  	[dreg:$0x4] =	wrdreg $0x9  }
0xb1: {  	_ =	task.clear_ibuf [dreg:s6], $0x5FFFF;
	_ =	strace $0x90000049  }
0xb2: {  	s29 =	simm.s32 $0x9;
	_ =	strace $0x8000004B  }
0xb3: {  	_ =	swait.ge [sflag:s29], $0x1  }
0xb4: {  	[sflag:s29] =	ssyncadd.s32 $0xFFFFFFFF  }
0xb5: {  	_ =	strace $0x9000004B  }
0xb6: {  	_ =	sfence  }
0xb7: {  	s30 =	sld [smem:$0x0];
	_ =	sdelay $0x2  }
0xb8: {  	s31 =	sshll.u32 s1, $0xD;
	s1 =	sshrl.u32 s1, $0x2  }
0xb9: {  	s3 =	sand.u32 $0x4000, s31;
	s1 =	sadd.s32 s1, s30  }
0xba: {  	s0 =	sor.u32 s3, s0;
	s1 =	sshll.u32 s1, $0x11  }
0xbb: {  	s0 =	sor.u32 s1, s0  }
0xbc: {  	s0 =	sadd.s32 $0x8F2B, s0  }
0xbd: {  	[sflag:s0] =	ssyncadd.remote.s32 $0x1  }
0xbe: {  	_ =	sfence.sel $0xFFFF  }
0xbf: {  	[dreg:$0x0] =	wrdreg $0xFFFFFFFF;
	(pc) =	sbr.abs _section_cstart, $3  }
0xc0: {  	[dreg:$0x1] =	wrdreg $0xFFFFFFFF  }
0xc1: {  	_ =	task.clear_ibuf [dreg:s6], $0x2FFFF;
	_ =	strace $0x9FFFFFFF  }
0xc2: {  	(tm) =	ssettm $0x7FFFFFFF  }
0xc3: {  	_ =	shalt  }
tec
execute0_lowered:
.L_overlay_start_1:
0x0: {  	(tag) =	ssettag $0x1  }
0x1: {  	s0 =	rddreg [dreg:$0x0];
	s1 =	srdreg.scid  }
0x2: {  	s10 =	stileid.u32;
	s2 =	rddreg [dreg:$0x1];
	s3 =	simm.s32 $0x0  }
0x3: {  	s28 =	simm.s32 $0xA340;
	s30 =	simm.s32 $0x8A40;
	s31 =	simm.s32 $0xBC40  }
0x4: {  	s29 =	simm.s32 $0x2;
	s1 =	sand.u32 $0x1, s1;
	s4 =	sshll.u32 s10, $0x1  }
0x5: {  	[smem:$0x7FF] =	sst s3;
	s14 =	smul.u32 $0xA000, s10;
	s6 =	sor.u32 s1, s4  }
0x6: {  	_ =	strace $0x8000004A;
	s8 =	ssub.s32 $0x2, s1;
	s1 =	smul.u32 $0xA0000, s1  }
0x7: {  	s5 =	sadd.s32 $0x17E00, s0;
	s4 =	sadd.s32 $0x288E00, s0;
	s7 =	smul.u32 $0x514, s6  }
0x8: {  	s9 =	sshrl.u32 s8, $0x1;
	s26 =	sadd.s32 $0x2000, s14;
	s17 =	smul.u32 $0x13880, s6  }
0x9: {  	s16 =	sadd.s32 $0x4000, s14;
	s18 =	sadd.s32 $0x6000, s14;
	s20 =	smul.u32 $0x9C400, s6  }
0xa: {  	s19 =	sadd.s32 $0x8000, s14;
	s13 =	smul.u32 $0x64, s6;
	s15 =	ssub.s32 s8, s9  }
0xb: {  	s8 =	sadd.s32 s14, s2;
	s9 =	sadd.s32 s26, s2;
	s10 =	sadd.s32 s16, s2  }
0xc: {  	s11 =	sadd.s32 s18, s2;
	s12 =	sadd.s32 s19, s2;
	s14 =	sadd.s32 s14, s1  }
0xd: {  	s24 =	sadd.s32 s1, s16;
	s7 =	sadd.s32 s7, s0;
	s0 =	sadd.s32 $0x29C800, s0  }
0xe: {  	s17 =	sadd.s32 s5, s17;
	s21 =	sshrl.u32 s20, $0x3;
	s22 =	sshrl.u32 s14, $0x3  }
0xf: {  	s14 =	simm.s32 $0x0;
	s25 =	sadd.s32 $0xDA00, s7;
	[dreg:$0x5] =	wrdreg s17  }
0x10: {  	s7 =	sadd.s32 $0x3600, s7;
	s6 =	sadd.s32 s5, s21;
	[dreg:$0x3] =	wrdreg s25  }
0x11: {  	s21 =	smax.u32 s15, $0x1;
	[dreg:$0x4] =	wrdreg s7;
	s7 =	sadd.s32 s1, s26  }
0x12: {  	s6 =	sadd.s32 $0x320, s6;
	s25 =	sadd.s32 s1, s18;
	s1 =	sadd.s32 s1, s19  }
0x13: {  	[dreg:$0x6] =	wrdreg s6;
	s7 =	sshrl.u32 s7, $0x3;
	s6 =	sadd.s32 s0, s22  }
0x14: {  	s26 =	sshrl.u32 s25, $0x3;
	s1 =	sshrl.u32 s1, $0x3;
	s22 =	simm.s32 $0x7  }
0x15: {  	s25 =	simm.s32 $0x64;
	[dreg:$0x7] =	wrdreg s6;
	s23 =	sadd.s32 s0, s7  }
0x16: {  	s6 =	sshrl.u32 s24, $0x3;
	s24 =	simm.s32 $0x5140;
	s7 =	simm.s32 $0x6  }
0x17: {  	[dreg:$0x8] =	wrdreg s23;
	s6 =	sadd.s32 s0, s6;
	s23 =	simm.s32 $0x5  }
0x18: {  	[dreg:$0x9] =	wrdreg s6;
	s6 =	sadd.s32 s0, s26;
	s0 =	sadd.s32 s0, s1  }
0x19: {  	s26 =	simm.s32 $0x7140;
	s1 =	simm.s32 $0x1;
	[dreg:$0xa] =	wrdreg s6  }
0x1a: {  	v0 =	vimm.f32 $0.0e+00;
	[dreg:$0xb] =	wrdreg s0;
	s0 =	simm.s32 $0x3;
	s6 =	simm.s32 $0x4  }
.LBB2_1:
0x1b: {  	s15 =	rddreg [dreg:$0x3]  }
0x1c: {  	[tilespmem:s3], [sflag:$0x7] =	stream.linear.gather [hbm4b:s15+s3], $0x28A0, $0x38;
	[tilespmem:$0x17540] =	vst v63  }
0x1d: {  	_ =	swait.ge [sflag:s22], $0x28A0  }
0x1e: {  	[sflag:s22] =	ssyncset.done $0x0  }
0x1f: {  	s16 =	simm.s32 $0x28A0;
	s20 =	rddreg [dreg:$0x4];
	[sflag:s22] =	ssyncadd.s32 $0xFFFFD760  }
0x20: {  	[tilespmem:s16], [sflag:$0x7] =	stream.linear.gather [hbm4b:s20+s3], $0x28A0, $0x38;
	[tilespmem:$0x17540] =	vst v63  }
0x21: {  	_ =	swait.ge [sflag:s22], $0x28A0  }
0x22: {  	[sflag:s22] =	ssyncset.done $0x0  }
0x23: {  	s15 =	simm.s32 $0x0;
	s16 =	simm.s32 $0x100;
	[sflag:s22] =	ssyncadd.s32 $0xFFFFD760  }
.LBB2_2:
0x24: {  	p0 =	sne.s32 s16, $0x7F00;
	[tilespmem:s15+$0x5170] =	vst v0;
	s17 =	smov.u32 s16;
	s16 =	sadd.s32 $0x100, s16  }
.Ltmp0:
0x25: {  	[tilespmem:s15+$0x5160] =	vst v0;
	(pc) =	sbr.rel @p0 .LBB2_2-.Ltmp0, $3  }
0x26: {  	[tilespmem:s15+$0x5140] =	vst v0  }
0x27: {  	[tilespmem:s15+$0x5150] =	vst v0;
	_ =	sdelay $0x1  }
0x28: {  	s15 =	sshra.s32 s17, $0x2  }
0x29: {  	[tilespmem:s15+$0x5170] =	vst v0  }
0x2a: {  	[tilespmem:s15+$0x5160] =	vst v0  }
0x2b: {  	[tilespmem:s15+$0x5140] =	vst v0  }
0x2c: {  	[tilespmem:s15+$0x5150] =	vst v0  }
0x2d: {  	[spmem:s8] =	stream.linear.scatter [tilespmem:s24], [sflag:$0x7], $0x2000, $0x38;
	[tilespmem:$0x17540] =	vst v63  }
0x2e: {  	_ =	swait.ge [sflag:s22], $0x2000  }
0x2f: {  	[sflag:s22] =	ssyncset.done $0x0  }
0x30: {  	[sflag:s22] =	ssyncadd.s32 $0xFFFFE000  }
0x31: {  	[spmem:s9] =	stream.linear.scatter [tilespmem:s24], [sflag:$0x7], $0x2000, $0x38;
	[tilespmem:$0x17540] =	vst v63  }
0x32: {  	_ =	swait.ge [sflag:s22], $0x2000  }
0x33: {  	[sflag:s22] =	ssyncset.done $0x0  }
0x34: {  	[sflag:s22] =	ssyncadd.s32 $0xFFFFE000  }
0x35: {  	[spmem:s10] =	stream.linear.scatter [tilespmem:s24], [sflag:$0x7], $0x2000, $0x38;
	[tilespmem:$0x17540] =	vst v63  }
0x36: {  	_ =	swait.ge [sflag:s22], $0x2000  }
0x37: {  	[sflag:s22] =	ssyncset.done $0x0  }
0x38: {  	[sflag:s22] =	ssyncadd.s32 $0xFFFFE000  }
0x39: {  	[spmem:s11] =	stream.linear.scatter [tilespmem:s24], [sflag:$0x7], $0x2000, $0x38;
	[tilespmem:$0x17540] =	vst v63  }
0x3a: {  	_ =	swait.ge [sflag:s22], $0x2000  }
0x3b: {  	[sflag:s22] =	ssyncset.done $0x0  }
0x3c: {  	[sflag:s22] =	ssyncadd.s32 $0xFFFFE000  }
0x3d: {  	[spmem:s12] =	stream.linear.scatter [tilespmem:s24], [sflag:$0x7], $0x2000, $0x38;
	[tilespmem:$0x17540] =	vst v63  }
0x3e: {  	_ =	swait.ge [sflag:s22], $0x2000  }
0x3f: {  	[sflag:s22] =	ssyncset.done $0x0  }
0x40: {  	[sflag:s22] =	ssyncadd.s32 $0xFFFFE000  }
0x41: {  	s15 =	simm.s32 $0x0;
	[bflag:$0x0] =	sbarrier.arrive $0xFFFF  }
0x42: {  	[tilespmem:s26], [sflag:$0x1] =	stream.indirect.gather [hbm4b:s4+s25], $0x40, s15, s25, $0xb8;
	[tilespmem:$0x17540] =	vst v63  }
0x43: {  	s16 =	rddreg [dreg:$0x5]  }
0x44: {  	[tilespmem:s28], [sflag:$0x3] =	stream.linear.gather [hbm4b:s16+s15], $0x1900, $0x38;
	[tilespmem:$0x17540] =	vst v63  }
0x45: {  	s19 =	simm.s32 $0x68  }
0x46: {  	[tilespmem:s30], [sflag:$0x2] =	stream.indirect.gather [hbm4b:s4+s25], $0x40, s19, s25, $0xb8;
	[tilespmem:$0x17540] =	vst v63  }
0x47: {  	s20 =	rddreg [dreg:$0x6]  }
0x48: {  	[tilespmem:s31], [sflag:$0x4] =	stream.linear.gather [hbm4b:s20+s15], $0x1900, $0x38;
	[tilespmem:$0x17540] =	vst v63  }
.LBB2_4:
0x49: {  	_ =	swait.ge [sflag:s1], $0x1900  }
0x4a: {  	[sflag:s1] =	ssyncset.done $0x0  }
0x4b: {  	[sflag:s1] =	ssyncadd.s32 $0xFFFFE700  }
0x4c: {  	_ =	swait.ge [sflag:s0], $0x1900  }
0x4d: {  	[sflag:s0] =	ssyncset.done $0x0  }
0x4e: {  	s16 =	simm.s32 $0x0;
	[sflag:s0] =	ssyncadd.s32 $0xFFFFE700  }
0x4f: {  	v3 =	vld [tilespmem:s16+$0x7140]  }
0x50: {  	v4 =	vld [tilespmem:s16+$0x7150]  }
0x51: {  	v2 =	vld [tilespmem:s16+$0x7160]  }
0x52: {  	v1 =	vld [tilespmem:s16+$0x7170]  }
0x53: {  	v5 =	vld [tilespmem:s16+$0xA340]  }
0x54: {  	v7 =	vld [tilespmem:s16+$0xA350]  }
0x55: {  	s17 =	simm.s32 $0x100;
	v6 =	vld [tilespmem:s16+$0xA360]  }
.LBB2_5:
0x56: {  	p0 =	sne.s32 s17, $0x6300;
	v8 =	vld [tilespmem:s16+$0xA370]  }
0x57: {  	s18 =	sshra.s32 s17, $0x2  }
0x58: {  	v5 =	vadd.f32 v5, v3;
	v3 =	vld [tilespmem:s18+$0x7140]  }
0x59: {  	v7 =	vadd.f32 v7, v4;
	v4 =	vld [tilespmem:s18+$0x7150]  }
.Ltmp1:
0x5a: {  	v5 =	vmax.f32 v5, $0.0e+00;
	v6 =	vadd.f32 v6, v2;
	v2 =	vld [tilespmem:s18+$0x7160];
	(pc) =	sbr.rel @p0 .LBB2_5-.Ltmp1, $4  }
0x5b: {  	[tilespmem:s16+$0xA340] =	vst v5;
	v7 =	vmax.f32 v7, $0.0e+00;
	v8 =	vadd.f32 v8, v1;
	v1 =	vld [tilespmem:s18+$0x7170]  }
0x5c: {  	v5 =	vld [tilespmem:s18+$0xA340];
	[tilespmem:s16+$0xA350] =	vst v7;
	v6 =	vmax.f32 v6, $0.0e+00  }
0x5d: {  	v7 =	vld [tilespmem:s18+$0xA350];
	[tilespmem:s16+$0xA360] =	vst v6;
	v8 =	vmax.f32 v8, $0.0e+00  }
0x5e: {  	s17 =	sadd.s32 $0x100, s17;
	v6 =	vld [tilespmem:s18+$0xA360];
	[tilespmem:s16+$0xA370] =	vst v8;
	s16 =	smov.u32 s18  }
0x5f: {  	v8 =	vld [tilespmem:s16+$0xA370];
	_ =	sdelay $0x1  }
0x60: {  	v3 =	vadd.f32 v5, v3  }
0x61: {  	v4 =	vadd.f32 v7, v4  }
0x62: {  	v3 =	vmax.f32 v3, $0.0e+00;
	v2 =	vadd.f32 v6, v2  }
0x63: {  	s17 =	smul.u32 $0x340, s15;
	[tilespmem:s16+$0xA340] =	vst v3;
	v3 =	vmax.f32 v4, $0.0e+00;
	v1 =	vadd.f32 v8, v1  }
0x64: {  	[tilespmem:s16+$0xA350] =	vst v3;
	v2 =	vmax.f32 v2, $0.0e+00  }
0x65: {  	s17 =	sshra.s32 s17, $0x2;
	[tilespmem:s16+$0xA360] =	vst v2;
	v1 =	vmax.f32 v1, $0.0e+00  }
0x66: {  	s18 =	sadd.s32 $0x28A0, s17;
	[tilespmem:s16+$0xA370] =	vst v1;
	s16 =	sshll.u32 s15, $0x1  }
0x67: {  	[spmem:s2] =	stream.indirect.scatter.add.f32 [tilespmem:s28], [sflag:$0x5], $0x40, s18, s25, $0xb8;
	[tilespmem:$0x17540] =	vst v63  }
0x68: {  	s20 =	sadd.s32 $0x2, s16  }
0x69: {  	_ =	swait.ge [sflag:s23], $0x1900;
	s19 =	smul.u32 $0x1A0, s20  }
0x6a: {  	s18 =	sadd.s32 s13, s20;
	[sflag:s23] =	ssyncset.done $0x0  }
0x6b: {  	s18 =	smul.u32 $0x320, s18;
	[sflag:s23] =	ssyncadd.s32 $0xFFFFE700;
	s19 =	sshra.s32 s19, $0x2  }
0x6c: {  	[tilespmem:s26], [sflag:$0x1] =	stream.indirect.gather [hbm4b:s4+s25], $0x40, s19, s25, $0xb8;
	[tilespmem:$0x17540] =	vst v63  }
0x6d: {  	s20 =	simm.s32 $0x0;
	s18 =	sadd.s32 s5, s18  }
0x6e: {  	[tilespmem:s28], [sflag:$0x3] =	stream.linear.gather [hbm4b:s18+s20], $0x1900, $0x38;
	[tilespmem:$0x17540] =	vst v63  }
0x6f: {  	_ =	swait.ge [sflag:s29], $0x1900  }
0x70: {  	[sflag:s29] =	ssyncset.done $0x0  }
0x71: {  	[sflag:s29] =	ssyncadd.s32 $0xFFFFE700  }
0x72: {  	_ =	swait.ge [sflag:s6], $0x1900  }
0x73: {  	[sflag:s6] =	ssyncset.done $0x0  }
0x74: {  	s18 =	simm.s32 $0x0;
	[sflag:s6] =	ssyncadd.s32 $0xFFFFE700  }
0x75: {  	v3 =	vld [tilespmem:s18+$0x8A40]  }
0x76: {  	v4 =	vld [tilespmem:s18+$0x8A50]  }
0x77: {  	v2 =	vld [tilespmem:s18+$0x8A60]  }
0x78: {  	v1 =	vld [tilespmem:s18+$0x8A70]  }
0x79: {  	v5 =	vld [tilespmem:s18+$0xBC40]  }
0x7a: {  	v7 =	vld [tilespmem:s18+$0xBC50]  }
0x7b: {  	s19 =	simm.s32 $0x100;
	v6 =	vld [tilespmem:s18+$0xBC60]  }
.LBB2_7:
0x7c: {  	p0 =	sne.s32 s19, $0x6300;
	v8 =	vld [tilespmem:s18+$0xBC70]  }
0x7d: {  	s20 =	sshra.s32 s19, $0x2  }
0x7e: {  	v5 =	vadd.f32 v5, v3;
	v3 =	vld [tilespmem:s20+$0x8A40]  }
0x7f: {  	v7 =	vadd.f32 v7, v4;
	v4 =	vld [tilespmem:s20+$0x8A50]  }
.Ltmp2:
0x80: {  	v5 =	vmax.f32 v5, $0.0e+00;
	v6 =	vadd.f32 v6, v2;
	v2 =	vld [tilespmem:s20+$0x8A60];
	(pc) =	sbr.rel @p0 .LBB2_7-.Ltmp2, $4  }
0x81: {  	[tilespmem:s18+$0xBC40] =	vst v5;
	v7 =	vmax.f32 v7, $0.0e+00;
	v8 =	vadd.f32 v8, v1;
	v1 =	vld [tilespmem:s20+$0x8A70]  }
0x82: {  	v5 =	vld [tilespmem:s20+$0xBC40];
	[tilespmem:s18+$0xBC50] =	vst v7;
	v6 =	vmax.f32 v6, $0.0e+00  }
0x83: {  	v7 =	vld [tilespmem:s20+$0xBC50];
	[tilespmem:s18+$0xBC60] =	vst v6;
	v8 =	vmax.f32 v8, $0.0e+00  }
0x84: {  	s19 =	sadd.s32 $0x100, s19;
	v6 =	vld [tilespmem:s20+$0xBC60];
	[tilespmem:s18+$0xBC70] =	vst v8;
	s18 =	smov.u32 s20  }
0x85: {  	v8 =	vld [tilespmem:s18+$0xBC70];
	_ =	sdelay $0x1  }
0x86: {  	v3 =	vadd.f32 v5, v3  }
0x87: {  	v4 =	vadd.f32 v7, v4  }
0x88: {  	v3 =	vmax.f32 v3, $0.0e+00;
	v2 =	vadd.f32 v6, v2  }
0x89: {  	[tilespmem:s18+$0xBC40] =	vst v3;
	v3 =	vmax.f32 v4, $0.0e+00;
	v1 =	vadd.f32 v8, v1  }
0x8a: {  	[tilespmem:s18+$0xBC50] =	vst v3;
	v2 =	vmax.f32 v2, $0.0e+00  }
0x8b: {  	[tilespmem:s18+$0xBC60] =	vst v2;
	v1 =	vmax.f32 v1, $0.0e+00  }
0x8c: {  	s17 =	sadd.s32 $0x2908, s17;
	s16 =	sadd.s32 $0x3, s16;
	s15 =	sadd.s32 $0x1, s15;
	[tilespmem:s18+$0xBC70] =	vst v1  }
0x8d: {  	[spmem:s2] =	stream.indirect.scatter.add.f32 [tilespmem:s31], [sflag:$0x6], $0x40, s17, s25, $0xb8;
	[tilespmem:$0x17540] =	vst v63  }
0x8e: {  	s20 =	smul.u32 $0x1A0, s16;
	p0 =	sne.s32 s15, $0x31;
	_ =	swait.ge [sflag:s7], $0x1900  }
.Ltmp3:
0x8f: {  	s16 =	sadd.s32 s13, s16;
	[sflag:s7] =	ssyncset.done $0x0;
	(pc) =	sbr.rel @p0 .LBB2_4-.Ltmp3, $4  }
0x90: {  	s16 =	smul.u32 $0x320, s16;
	s17 =	sshra.s32 s20, $0x2;
	[sflag:s7] =	ssyncadd.s32 $0xFFFFE700  }
0x91: {  	[tilespmem:s30], [sflag:$0x2] =	stream.indirect.gather [hbm4b:s4+s25], $0x40, s17, s25, $0xb8;
	[tilespmem:$0x17540] =	vst v63  }
0x92: {  	s16 =	sadd.s32 s5, s16  }
0x93: {  	[tilespmem:s31], [sflag:$0x4] =	stream.linear.gather [hbm4b:s16+s3], $0x1900, $0x38;
	[tilespmem:$0x17540] =	vst v63  }
0x94: {  	_ =	swait.ge [sflag:s1], $0x1900  }
0x95: {  	[sflag:s1] =	ssyncset.done $0x0  }
0x96: {  	[sflag:s1] =	ssyncadd.s32 $0xFFFFE700  }
0x97: {  	_ =	swait.ge [sflag:s0], $0x1900  }
0x98: {  	[sflag:s0] =	ssyncset.done $0x0  }
0x99: {  	s15 =	simm.s32 $0x0;
	[sflag:s0] =	ssyncadd.s32 $0xFFFFE700  }
0x9a: {  	v3 =	vld [tilespmem:s15+$0x7140]  }
0x9b: {  	v4 =	vld [tilespmem:s15+$0x7150]  }
0x9c: {  	v2 =	vld [tilespmem:s15+$0x7160]  }
0x9d: {  	v1 =	vld [tilespmem:s15+$0x7170]  }
0x9e: {  	v5 =	vld [tilespmem:s15+$0xA340]  }
0x9f: {  	v7 =	vld [tilespmem:s15+$0xA350]  }
0xa0: {  	s16 =	simm.s32 $0x100;
	v6 =	vld [tilespmem:s15+$0xA360]  }
.LBB2_10:
0xa1: {  	p0 =	sne.s32 s16, $0x6300;
	v8 =	vld [tilespmem:s15+$0xA370]  }
0xa2: {  	s17 =	sshra.s32 s16, $0x2  }
0xa3: {  	v5 =	vadd.f32 v5, v3;
	v3 =	vld [tilespmem:s17+$0x7140]  }
0xa4: {  	v7 =	vadd.f32 v7, v4;
	v4 =	vld [tilespmem:s17+$0x7150]  }
.Ltmp4:
0xa5: {  	v5 =	vmax.f32 v5, $0.0e+00;
	v6 =	vadd.f32 v6, v2;
	v2 =	vld [tilespmem:s17+$0x7160];
	(pc) =	sbr.rel @p0 .LBB2_10-.Ltmp4, $4  }
0xa6: {  	[tilespmem:s15+$0xA340] =	vst v5;
	v7 =	vmax.f32 v7, $0.0e+00;
	v8 =	vadd.f32 v8, v1;
	v1 =	vld [tilespmem:s17+$0x7170]  }
0xa7: {  	v5 =	vld [tilespmem:s17+$0xA340];
	[tilespmem:s15+$0xA350] =	vst v7;
	v6 =	vmax.f32 v6, $0.0e+00  }
0xa8: {  	v7 =	vld [tilespmem:s17+$0xA350];
	[tilespmem:s15+$0xA360] =	vst v6;
	v8 =	vmax.f32 v8, $0.0e+00  }
0xa9: {  	s16 =	sadd.s32 $0x100, s16;
	v6 =	vld [tilespmem:s17+$0xA360];
	[tilespmem:s15+$0xA370] =	vst v8;
	s15 =	smov.u32 s17  }
0xaa: {  	v8 =	vld [tilespmem:s15+$0xA370];
	_ =	sdelay $0x1  }
0xab: {  	v3 =	vadd.f32 v5, v3  }
0xac: {  	v4 =	vadd.f32 v7, v4  }
0xad: {  	v3 =	vmax.f32 v3, $0.0e+00;
	v2 =	vadd.f32 v6, v2  }
0xae: {  	[tilespmem:s15+$0xA340] =	vst v3;
	v3 =	vmax.f32 v4, $0.0e+00;
	v1 =	vadd.f32 v8, v1  }
0xaf: {  	[tilespmem:s15+$0xA350] =	vst v3;
	v2 =	vmax.f32 v2, $0.0e+00  }
0xb0: {  	[tilespmem:s15+$0xA360] =	vst v2;
	v1 =	vmax.f32 v1, $0.0e+00  }
0xb1: {  	s20 =	simm.s32 $0x5070;
	[tilespmem:s15+$0xA370] =	vst v1  }
0xb2: {  	[spmem:s2] =	stream.indirect.scatter.add.f32 [tilespmem:s28], [sflag:$0x5], $0x40, s20, s25, $0xb8;
	[tilespmem:$0x17540] =	vst v63  }
0xb3: {  	_ =	swait.ge [sflag:s23], $0x1900  }
0xb4: {  	[sflag:s23] =	ssyncset.done $0x0  }
0xb5: {  	[sflag:s23] =	ssyncadd.s32 $0xFFFFE700  }
0xb6: {  	_ =	swait.ge [sflag:s29], $0x1900  }
0xb7: {  	[sflag:s29] =	ssyncset.done $0x0  }
0xb8: {  	[sflag:s29] =	ssyncadd.s32 $0xFFFFE700  }
0xb9: {  	_ =	swait.ge [sflag:s6], $0x1900  }
0xba: {  	[sflag:s6] =	ssyncset.done $0x0  }
0xbb: {  	s15 =	simm.s32 $0x0;
	[sflag:s6] =	ssyncadd.s32 $0xFFFFE700  }
0xbc: {  	v3 =	vld [tilespmem:s15+$0x8A40]  }
0xbd: {  	v4 =	vld [tilespmem:s15+$0x8A50]  }
0xbe: {  	v2 =	vld [tilespmem:s15+$0x8A60]  }
0xbf: {  	v1 =	vld [tilespmem:s15+$0x8A70]  }
0xc0: {  	v5 =	vld [tilespmem:s15+$0xBC40]  }
0xc1: {  	v7 =	vld [tilespmem:s15+$0xBC50]  }
0xc2: {  	s16 =	simm.s32 $0x100;
	v6 =	vld [tilespmem:s15+$0xBC60]  }
.LBB2_12:
0xc3: {  	p0 =	sne.s32 s16, $0x6300;
	v8 =	vld [tilespmem:s15+$0xBC70]  }
0xc4: {  	s17 =	sshra.s32 s16, $0x2  }
0xc5: {  	v5 =	vadd.f32 v5, v3;
	v3 =	vld [tilespmem:s17+$0x8A40]  }
0xc6: {  	v7 =	vadd.f32 v7, v4;
	v4 =	vld [tilespmem:s17+$0x8A50]  }
.Ltmp5:
0xc7: {  	v5 =	vmax.f32 v5, $0.0e+00;
	v6 =	vadd.f32 v6, v2;
	v2 =	vld [tilespmem:s17+$0x8A60];
	(pc) =	sbr.rel @p0 .LBB2_12-.Ltmp5, $4  }
0xc8: {  	[tilespmem:s15+$0xBC40] =	vst v5;
	v7 =	vmax.f32 v7, $0.0e+00;
	v8 =	vadd.f32 v8, v1;
	v1 =	vld [tilespmem:s17+$0x8A70]  }
0xc9: {  	v5 =	vld [tilespmem:s17+$0xBC40];
	[tilespmem:s15+$0xBC50] =	vst v7;
	v6 =	vmax.f32 v6, $0.0e+00  }
0xca: {  	v7 =	vld [tilespmem:s17+$0xBC50];
	[tilespmem:s15+$0xBC60] =	vst v6;
	v8 =	vmax.f32 v8, $0.0e+00  }
0xcb: {  	s16 =	sadd.s32 $0x100, s16;
	v6 =	vld [tilespmem:s17+$0xBC60];
	[tilespmem:s15+$0xBC70] =	vst v8;
	s15 =	smov.u32 s17  }
0xcc: {  	v8 =	vld [tilespmem:s15+$0xBC70];
	_ =	sdelay $0x1  }
0xcd: {  	v3 =	vadd.f32 v5, v3  }
0xce: {  	v4 =	vadd.f32 v7, v4  }
0xcf: {  	v3 =	vmax.f32 v3, $0.0e+00;
	v2 =	vadd.f32 v6, v2  }
0xd0: {  	[tilespmem:s15+$0xBC40] =	vst v3;
	v3 =	vmax.f32 v4, $0.0e+00;
	v1 =	vadd.f32 v8, v1  }
0xd1: {  	[tilespmem:s15+$0xBC50] =	vst v3;
	v2 =	vmax.f32 v2, $0.0e+00  }
0xd2: {  	[tilespmem:s15+$0xBC60] =	vst v2;
	v1 =	vmax.f32 v1, $0.0e+00  }
0xd3: {  	s20 =	simm.s32 $0x50D8;
	[tilespmem:s15+$0xBC70] =	vst v1  }
0xd4: {  	[spmem:s2] =	stream.indirect.scatter.add.f32 [tilespmem:s31], [sflag:$0x6], $0x40, s20, s25, $0xb8;
	[tilespmem:$0x17540] =	vst v63  }
0xd5: {  	_ =	swait.ge [sflag:s7], $0x1900  }
0xd6: {  	[sflag:s7] =	ssyncset.done $0x0  }
0xd7: {  	[sflag:s7] =	ssyncadd.s32 $0xFFFFE700  }
0xd8: {  	[bflag:$0x0] =	sbarrier.arrive $0xFFFF  }
0xd9: {  	[tilespmem:s24], [sflag:$0x7] =	stream.linear.gather [spmem:s8], $0x2000, $0x38;
	[tilespmem:$0x17540] =	vst v63  }
0xda: {  	_ =	swait.ge [sflag:s22], $0x2000  }
0xdb: {  	[sflag:s22] =	ssyncset.done $0x0  }
0xdc: {  	s16 =	rddreg [dreg:$0x7];
	[sflag:s22] =	ssyncadd.s32 $0xFFFFE000  }
0xdd: {  	[hbm4b:s16+s3] =	stream.linear.scatter [tilespmem:s24], [sflag:$0x7], $0x2000, $0x38;
	[tilespmem:$0x17540] =	vst v63  }
0xde: {  	_ =	swait.ge [sflag:s22], $0x2000  }
0xdf: {  	[sflag:s22] =	ssyncset.done $0x0  }
0xe0: {  	[sflag:s22] =	ssyncadd.s32 $0xFFFFE000  }
0xe1: {  	[tilespmem:s24], [sflag:$0x7] =	stream.linear.gather [spmem:s9], $0x2000, $0x38;
	[tilespmem:$0x17540] =	vst v63  }
0xe2: {  	_ =	swait.ge [sflag:s22], $0x2000  }
0xe3: {  	[sflag:s22] =	ssyncset.done $0x0  }
0xe4: {  	s17 =	rddreg [dreg:$0x8];
	[sflag:s22] =	ssyncadd.s32 $0xFFFFE000  }
0xe5: {  	[hbm4b:s17+s3] =	stream.linear.scatter [tilespmem:s24], [sflag:$0x7], $0x2000, $0x38;
	[tilespmem:$0x17540] =	vst v63  }
0xe6: {  	_ =	swait.ge [sflag:s22], $0x2000  }
0xe7: {  	[sflag:s22] =	ssyncset.done $0x0  }
0xe8: {  	[sflag:s22] =	ssyncadd.s32 $0xFFFFE000  }
0xe9: {  	[tilespmem:s24], [sflag:$0x7] =	stream.linear.gather [spmem:s10], $0x2000, $0x38;
	[tilespmem:$0x17540] =	vst v63  }
0xea: {  	_ =	swait.ge [sflag:s22], $0x2000  }
0xeb: {  	[sflag:s22] =	ssyncset.done $0x0  }
0xec: {  	s18 =	rddreg [dreg:$0x9];
	[sflag:s22] =	ssyncadd.s32 $0xFFFFE000  }
0xed: {  	[hbm4b:s18+s3] =	stream.linear.scatter [tilespmem:s24], [sflag:$0x7], $0x2000, $0x38;
	[tilespmem:$0x17540] =	vst v63  }
0xee: {  	_ =	swait.ge [sflag:s22], $0x2000  }
0xef: {  	[sflag:s22] =	ssyncset.done $0x0  }
0xf0: {  	[sflag:s22] =	ssyncadd.s32 $0xFFFFE000  }
0xf1: {  	[tilespmem:s24], [sflag:$0x7] =	stream.linear.gather [spmem:s11], $0x2000, $0x38;
	[tilespmem:$0x17540] =	vst v63  }
0xf2: {  	_ =	swait.ge [sflag:s22], $0x2000  }
0xf3: {  	[sflag:s22] =	ssyncset.done $0x0  }
0xf4: {  	s19 =	rddreg [dreg:$0xa];
	[sflag:s22] =	ssyncadd.s32 $0xFFFFE000  }
0xf5: {  	[hbm4b:s19+s3] =	stream.linear.scatter [tilespmem:s24], [sflag:$0x7], $0x2000, $0x38;
	[tilespmem:$0x17540] =	vst v63  }
0xf6: {  	_ =	swait.ge [sflag:s22], $0x2000  }
0xf7: {  	[sflag:s22] =	ssyncset.done $0x0  }
0xf8: {  	[sflag:s22] =	ssyncadd.s32 $0xFFFFE000  }
0xf9: {  	[tilespmem:s24], [sflag:$0x7] =	stream.linear.gather [spmem:s12], $0x2000, $0x38;
	[tilespmem:$0x17540] =	vst v63  }
0xfa: {  	s14 =	sadd.s32 $0x1, s14;
	_ =	swait.ge [sflag:s22], $0x2000  }
0xfb: {  	p0 =	sne.s32 s14, s21;
	[sflag:s22] =	ssyncset.done $0x0  }
.Ltmp6:
0xfc: {  	s20 =	rddreg [dreg:$0xb];
	[sflag:s22] =	ssyncadd.s32 $0xFFFFE000;
	(pc) =	sbr.rel @p0 .LBB2_1-.Ltmp6, $4  }
0xfd: {  	[hbm4b:s20+s3] =	stream.linear.scatter [tilespmem:s24], [sflag:$0x7], $0x2000, $0x38;
	[tilespmem:$0x17540] =	vst v63  }
0xfe: {  	_ =	swait.ge [sflag:s22], $0x2000  }
0xff: {  	[sflag:s22] =	ssyncset.done $0x0  }
0x100: {  	[sflag:s22] =	ssyncadd.s32 $0xFFFFE000  }
0x101: {  	_ =	sfence.sel $0x180000  }
0x102: {  	[bflag:$0x0] =	sbarrier.arrive $0xFFFF  }
0x103: {  	_ =	strace $0x9000004A  }
0x104: {  	s0 =	stileid.u32;
	[bflag:$0x2] =	sbarrier.arrive $0xFFFF  }
0x105: {  	p0 =	sne.s32 s0, $0x0;
	s0 =	rddreg [dreg:$0x2]  }
0x106: {  	s0 =	sadd.s32 @!p0 $0x100000, s0  }
0x107: {  	[sflag:s0] =	ssyncadd.tile.s32 @!p0 $0x1;
	_ =	shalt  }
.Lfunc_end2:
_tile_overlayer_lowered:
.L_overlay_start_2:
0x108: {  	(tag) =	ssettag $0x2  }
0x109: {  	s0 =	rddreg [dreg:$0x0];
	s2 =	stileid.u32  }
0x10a: {  	s1 =	rddreg [dreg:$0x1];
	p0 =	sne.s32 s2, $0x0  }
0x10b: {  	s3 =	rddreg [dreg:$0x2];
	[bflag:$0x3] =	sbarrier.arrive $0xFFFF;
	s2 =	simm.s32 @!p0 $0x1C07  }
0x10c: {  	[timem:s3], [sflag:s2] =	dma.local @!p0 [hbm:s0], s1  }
0x10d: {  	s0 =	simm.s32 @!p0 $0x7  }
0x10e: {  	_ =	swait.ge @!p0 [sflag:s0], s1  }
0x10f: {  	s1 =	ssub.s32 @!p0 $0x0, s1;
	[sflag:s0] =	ssyncset.done @!p0 $0x0  }
0x110: {  	[sflag:s0] =	ssyncadd.s32 @!p0 s1  }
0x111: {  	[bflag:$0x3] =	sbarrier.arrive $0xFFFF  }
0x112: {  	_ =	shalt  }

// kernel: kernel.17.cloned.1.call-start
scs
__scs_entry_jumppad:
0x0: {  	(pc) =	sbr.rel $0x88, $3  }
0x1: {  	(tag) =	ssettag $0x0;
	lr =	simm.s32 $0x1  }
0x2: {  	[smem:$0x3F80] =	sst lr;
	_ =	strace $0xD0000000  }
0x3: {  	_ = 	snop  }
0x4: {  	_ = 	snop  }
0x5: {  	_ = 	snop  }
0x6: {  	_ = 	snop  }
0x7: {  	_ = 	snop  }
__scs_overlays_trampoline_lowered:
0x8: {  	[smem:$0x3F8F] =	sst s0  }
0x9: {  	[smem:$0x3F90] =	sst s1  }
0xa: {  	[smem:$0x3F91] =	sst s2  }
0xb: {  	[smem:$0x3F92] =	sst s3  }
0xc: {  	[smem:$0x3F93] =	sst s4  }
0xd: {  	[smem:$0x3F94] =	sst s5  }
0xe: {  	[smem:$0x3F95] =	sst s6  }
0xf: {  	[smem:$0x3F96] =	sst s7  }
0x10: {  	[smem:$0x3F97] =	sst s8  }
0x11: {  	[smem:$0x3F98] =	sst s9;
	s0 =	simm.s32 @!p0 $0x0  }
0x12: {  	s1 =	sld [smem:$0x3F7E];
	s0 =	simm.s32 @p0 $0x1  }
0x13: {  	[smem:$0x3F99] =	sst s0;
	s0 =	simm.s32 @!p1 $0x0  }
0x14: {  	s2 =	sld [smem:$0x3F7D];
	s0 =	simm.s32 @p1 $0x1  }
0x15: {  	[smem:$0x3F9A] =	sst s0;
	s0 =	simm.s32 @!p2 $0x0  }
0x16: {  	s3 =	sld [smem:$0x3FDB];
	s0 =	simm.s32 @p2 $0x1  }
0x17: {  	s4 =	simm.s32 $0x1BF5;
	[smem:$0x3F9C] =	sst s0  }
0x18: {  	s0 =	sld [smem:$0x3F7F];
	_ =	swait.ge [sflag:s4], $0x0  }
0x19: {  	s7 =	sld [smem:$0x3F80]  }
0x1a: {  	s8 =	sadd.s32 $0xFFFFE003, lr  }
0x1b: {  	s9 =	sadd.s32 $0xFFFFFEF7, lr;
	s5 =	simm.s32 $0xFFFFFFFF;
	p2 =	slt.u32 s8, $0xFFFFF086  }
0x1c: {  	p1 =	slt.u32 s9, $0xF7A;
	s5 =	simm.s32 @!p2 $0x0  }
0x1d: {  	s5 =	simm.s32 @p1 $0x1;
	p0 =	seq.s32 s7, s2  }
0x1e: {  	s7 =	smul.u32 @!p0 $0xF7A, s2;
	p2 =	seq.s32 @!p0 s5, $0x0  }
0x1f: {  	s9 =	smul.u32 $0xF7A, s1;
	s8 =	simm.s32 @!p0 $0x1BF5;
	p2 =	por !p2, p0  }
0x20: {  	[sflag:s8] =	ssyncset.s32 @!p0 $0xFFFFF086;
	s6 =	sadd.s32 @!p0 s3, s7;
	s7 =	simm.s32 @!p0 $0x108  }
0x21: {  	s3 =	sadd.s32 s3, s9;
	s6 =	sadd.s32 @!p0 $0x88, s6;
	s7 =	simm.s32 @p2 $0x1082  }
0x22: {  	[simem:s7], [sflag:s8] =	dma.local @!p0 [hbm:s6], $0xF7A  }
0x23: {  	s9 =	sor.u32 $0xD0000000, s2;
	s6 =	simm.s32 $0x108;
	_ =	swait.ge @!p0 [sflag:s8], $0x0  }
0x24: {  	s3 =	sadd.s32 $0x88, s3;
	s6 =	simm.s32 @!p1 $0x1082;
	[sflag:s4] =	ssyncset.s32 $0xFFFFF086  }
0x25: {  	[simem:s6], [sflag:s4] =	dma.local [hbm:s3], $0xF7A  }
0x26: {  	[smem:$0x3F80] =	sst s1;
	(tag) =	ssettag s2;
	_ =	strace s9  }
0x27: {  	s1 =	sld [smem:$0x3F90]  }
0x28: {  	s2 =	sld [smem:$0x3F91]  }
0x29: {  	s4 =	sld [smem:$0x3F93]  }
0x2a: {  	p0 =	seq.s32 s5, $0x0;
	s5 =	sld [smem:$0x3F94]  }
0x2b: {  	s6 =	sld [smem:$0x3F95]  }
0x2c: {  	s7 =	sld [smem:$0x3F96]  }
0x2d: {  	s3 =	simm.s32 $0x108;
	s8 =	sld [smem:$0x3F97]  }
0x2e: {  	s3 =	simm.s32 @!p0 $0x1082;
	s9 =	sld [smem:$0x3F98]  }
0x2f: {  	lr =	sadd.s32 s0, s3;
	s0 =	sld [smem:$0x3F8F]  }
0x30: {  	s3 =	sld [smem:$0x3F92]  }
0x31: {  	[smem:$0x3F9B] =	sst s10  }
0x32: {  	s10 =	sld [smem:$0x3F99];
	_ =	sdelay $0x3  }
0x33: {  	p0 =	seq.s32 s10, $0x1;
	s10 =	sld [smem:$0x3F9B];
	_ =	sdelay $0x3  }
0x34: {  	[smem:$0x3F9B] =	sst s10  }
0x35: {  	s10 =	sld [smem:$0x3F9A];
	_ =	sdelay $0x3  }
0x36: {  	p1 =	seq.s32 s10, $0x1;
	s10 =	sld [smem:$0x3F9B];
	_ =	sdelay $0x3  }
0x37: {  	[smem:$0x3F9B] =	sst s10  }
0x38: {  	s10 =	sld [smem:$0x3F9C]  }
0x39: {  	_ = 	snop;
	(pc) =	sbr.ind lr, $3  }
0x3a: {  	_ = 	snop  }
0x3b: {  	_ = 	snop  }
0x3c: {  	p2 =	seq.s32 s10, $0x1;
	s10 =	sld [smem:$0x3F9B]  }
0x3d: {  	_ =	shalt  }
0x3e: {  	_ =	shalt  }
0x3f: {  	_ =	shalt  }
0x40: {  	_ =	shalt  }
0x41: {  	_ =	shalt  }
0x42: {  	_ =	shalt  }
0x43: {  	_ =	shalt  }
0x44: {  	_ =	shalt  }
0x45: {  	_ =	shalt  }
0x46: {  	_ =	shalt  }
0x47: {  	_ =	shalt  }
0x48: {  	_ =	shalt  }
0x49: {  	_ =	shalt  }
0x4a: {  	_ =	shalt  }
0x4b: {  	_ =	shalt  }
0x4c: {  	_ =	shalt  }
0x4d: {  	_ =	shalt  }
0x4e: {  	_ =	shalt  }
0x4f: {  	_ =	shalt  }
0x50: {  	_ =	shalt  }
0x51: {  	_ =	shalt  }
0x52: {  	_ =	shalt  }
0x53: {  	_ =	shalt  }
0x54: {  	_ =	shalt  }
0x55: {  	_ =	shalt  }
0x56: {  	_ =	shalt  }
0x57: {  	_ =	shalt  }
0x58: {  	_ =	shalt  }
0x59: {  	_ =	shalt  }
0x5a: {  	_ =	shalt  }
0x5b: {  	_ =	shalt  }
0x5c: {  	_ =	shalt  }
0x5d: {  	_ =	shalt  }
0x5e: {  	_ =	shalt  }
0x5f: {  	_ =	shalt  }
0x60: {  	_ =	shalt  }
0x61: {  	_ =	shalt  }
0x62: {  	_ =	shalt  }
0x63: {  	_ =	shalt  }
0x64: {  	_ =	shalt  }
0x65: {  	_ =	shalt  }
0x66: {  	_ =	shalt  }
0x67: {  	_ =	shalt  }
0x68: {  	_ =	shalt  }
0x69: {  	_ =	shalt  }
0x6a: {  	_ =	shalt  }
0x6b: {  	_ =	shalt  }
0x6c: {  	_ =	shalt  }
0x6d: {  	_ =	shalt  }
0x6e: {  	_ =	shalt  }
0x6f: {  	_ =	shalt  }
0x70: {  	_ =	shalt  }
0x71: {  	_ =	shalt  }
0x72: {  	_ =	shalt  }
0x73: {  	_ =	shalt  }
0x74: {  	_ =	shalt  }
0x75: {  	_ =	shalt  }
0x76: {  	_ =	shalt  }
0x77: {  	_ =	shalt  }
0x78: {  	_ =	shalt  }
0x79: {  	_ =	shalt  }
0x7a: {  	_ =	shalt  }
0x7b: {  	_ =	shalt  }
0x7c: {  	_ =	shalt  }
0x7d: {  	_ =	shalt  }
0x7e: {  	_ =	shalt  }
0x7f: {  	_ =	shalt  }
0x80: {  	_ =	shalt  }
0x81: {  	_ =	shalt  }
0x82: {  	_ =	shalt  }
0x83: {  	_ =	shalt  }
0x84: {  	_ =	shalt  }
0x85: {  	_ =	shalt  }
0x86: {  	_ =	shalt  }
0x87: {  	_ =	shalt  }
.Lfunc_end0:
.L_simem_size_0:
called_computation.2_lowered:
.L_overlay_start_0:
0x88: {  	s2 =	sld [smem:$0x3FD9]  }
0x89: {  	s3 =	sld [smem:$0x3FFE];
	_ =	sdelay $0x1  }
0x8a: {  	s1 =	srdreg.scid  }
0x8b: {  	s0 =	sand.u32 $0x1, s1  }
0x8c: {  	s16 =	sshll.u32 s0, $0xA;
	s2 =	sadd.s32 s3, s2  }
0x8d: {  	s2 =	sadd.s32 s2, s16  }
0x8e: {  	[smem:$0x3FA7] =	sst s2  }
0x8f: {  	_ = 	snop  }
0x90: {  	(tm) =	ssettm $0x1  }
0x91: {  	s17 =	sld [smem:$0x3FFB];
	_ =	sdelay $0x3  }
0x92: {  	_ =	strace s17  }
0x93: {  	s2 =	sld [smem:$0x3FFC];
	_ =	sdelay $0x3  }
0x94: {  	_ =	strace s2  }
0x95: {  	s2 =	sld [smem:$0x3FFD];
	_ =	sdelay $0x3  }
0x96: {  	_ =	strace s2  }
0x97: {  	_ =	strace $0x8FFFFFFF  }
0x98: {  	s18 =	sld [smem:$0x3FDB];
	_ =	sdelay $0x1  }
0x99: {  	s19 =	simm.s32 $_scs_section_size  }
0x9a: {  	s4 =	simm.s32 $_size__tile_overlayer_lowered;
	s5 =	simm.s32 $_tile_overlayer_lowered  }
0x9b: {  	s22 =	simm.s32 $0x1BFF;
	s21 =	sshll.u32 s5, $0x1;
	s2 =	sadd.s32 s19, s18  }
0x9c: {  	s6 =	simm.s32 $0x0;
	s20 =	sshll.u32 s4, $0x1;
	s4 =	sadd.s32 s21, s2  }
0x9d: {  	[timem:s6], [sflag:s22] =	dma.local [hbm:s4], s20  }
0x9e: {  	_ =	swait.ge [sflag:s22], s20  }
0x9f: {  	s3 =	ssub.s32 $0x0, s20;
	[sflag:s22] =	ssyncset.done $0x0  }
0xa0: {  	[sflag:s22] =	ssyncadd.s32 s3;
	_ =	sdelay $0x1  }
0xa1: {  	s23 =	simm.s32 $0x1B8B  }
0xa2: {  	_ =	swait.ge [sflag:s23], $0x1  }
0xa3: {  	[sflag:s23] =	ssyncset.done $0x0  }
0xa4: {  	s25 =	simm.s32 $0x1B8E;
	s24 =	sld [smem:$0x3FFE];
	[sflag:s23] =	ssyncadd.s32 $0xFFFFFFFF  }
0xa5: {  	s26 =	simm.s32 $execute0_lowered;
	[smem:$0x3FD2] =	sst s25  }
0xa6: {  	s4 =	sshll.u32 s26, $0x1;
	_ =	strace $0x8000004C;
	[dreg:$0x1] =	wrdreg $0xFFFFFFFF  }
0xa7: {  	s28 =	simm.s32 $_size_execute0_lowered;
	s2 =	sadd.s32 s2, s4;
	[dreg:$0x0] =	wrdreg $0x0  }
0xa8: {  	s4 =	sshll.u32 s28, $0x1;
	[dreg:$0x2] =	wrdreg s2  }
0xa9: {  	[dreg:$0x3] =	wrdreg s4  }
0xaa: {  	[dreg:$0x4] =	wrdreg $0xC0  }
0xab: {  	_ =	task [dreg:s6], $0x5FFFF  }
0xac: {  	[dreg:$0x1] =	wrdreg $0xFFFFFFFF  }
0xad: {  	[dreg:$0x0] =	wrdreg $0x60  }
0xae: {  	[dreg:$0x2] =	wrdreg s24  }
0xaf: {  	[dreg:$0x3] =	wrdreg $0xD5400  }
0xb0: {  	[dreg:$0x4] =	wrdreg $0x9  }
0xb1: {  	_ =	task.clear_ibuf [dreg:s6], $0x5FFFF;
	_ =	strace $0x9000004C  }
0xb2: {  	s29 =	simm.s32 $0x9;
	_ =	strace $0x8000004E  }
0xb3: {  	_ =	swait.ge [sflag:s29], $0x1  }
0xb4: {  	[sflag:s29] =	ssyncadd.s32 $0xFFFFFFFF  }
0xb5: {  	_ =	strace $0x9000004E  }
0xb6: {  	_ =	sfence  }
0xb7: {  	s30 =	sld [smem:$0x0];
	_ =	sdelay $0x2  }
0xb8: {  	s31 =	sshll.u32 s1, $0xD;
	s1 =	sshrl.u32 s1, $0x2  }
0xb9: {  	s3 =	sand.u32 $0x4000, s31;
	s1 =	sadd.s32 s1, s30  }
0xba: {  	s0 =	sor.u32 s3, s0;
	s1 =	sshll.u32 s1, $0x11  }
0xbb: {  	s0 =	sor.u32 s1, s0  }
0xbc: {  	s0 =	sadd.s32 $0x8F2B, s0  }
0xbd: {  	[sflag:s0] =	ssyncadd.remote.s32 $0x1  }
0xbe: {  	_ =	sfence.sel $0xFFFF  }
0xbf: {  	[dreg:$0x0] =	wrdreg $0xFFFFFFFF;
	(pc) =	sbr.abs _section_cstart, $3  }
0xc0: {  	[dreg:$0x1] =	wrdreg $0xFFFFFFFF  }
0xc1: {  	_ =	task.clear_ibuf [dreg:s6], $0x2FFFF;
	_ =	strace $0x9FFFFFFF  }
0xc2: {  	(tm) =	ssettm $0x7FFFFFFF  }
0xc3: {  	_ =	shalt  }
tec
execute0_lowered:
.L_overlay_start_1:
0x0: {  	(tag) =	ssettag $0x1  }
0x1: {  	s0 =	rddreg [dreg:$0x0];
	s1 =	srdreg.scid  }
0x2: {  	s10 =	stileid.u32;
	s2 =	rddreg [dreg:$0x1];
	s3 =	simm.s32 $0x0  }
0x3: {  	s28 =	simm.s32 $0xA340;
	s30 =	simm.s32 $0x8A40;
	s31 =	simm.s32 $0xBC40  }
0x4: {  	s29 =	simm.s32 $0x2;
	s1 =	sand.u32 $0x1, s1;
	s4 =	sshll.u32 s10, $0x1  }
0x5: {  	[smem:$0x7FF] =	sst s3;
	s14 =	smul.u32 $0xA000, s10;
	s6 =	sor.u32 s1, s4  }
0x6: {  	_ =	strace $0x8000004D;
	s8 =	ssub.s32 $0x2, s1;
	s1 =	smul.u32 $0xA0000, s1  }
0x7: {  	s5 =	sadd.s32 $0x17E00, s0;
	s4 =	sadd.s32 $0x288E00, s0;
	s7 =	smul.u32 $0x514, s6  }
0x8: {  	s9 =	sshrl.u32 s8, $0x1;
	s26 =	sadd.s32 $0x2000, s14;
	s17 =	smul.u32 $0x13880, s6  }
0x9: {  	s16 =	sadd.s32 $0x4000, s14;
	s18 =	sadd.s32 $0x6000, s14;
	s20 =	smul.u32 $0x9C400, s6  }
0xa: {  	s19 =	sadd.s32 $0x8000, s14;
	s13 =	smul.u32 $0x64, s6;
	s15 =	ssub.s32 s8, s9  }
0xb: {  	s8 =	sadd.s32 s14, s2;
	s9 =	sadd.s32 s26, s2;
	s10 =	sadd.s32 s16, s2  }
0xc: {  	s11 =	sadd.s32 s18, s2;
	s12 =	sadd.s32 s19, s2;
	s14 =	sadd.s32 s14, s1  }
0xd: {  	s24 =	sadd.s32 s1, s16;
	s7 =	sadd.s32 s7, s0;
	s0 =	sadd.s32 $0x29C800, s0  }
0xe: {  	s17 =	sadd.s32 s5, s17;
	s21 =	sshrl.u32 s20, $0x3;
	s22 =	sshrl.u32 s14, $0x3  }
0xf: {  	s14 =	simm.s32 $0x0;
	s25 =	sadd.s32 $0xDA00, s7;
	[dreg:$0x5] =	wrdreg s17  }
0x10: {  	s7 =	sadd.s32 $0x3600, s7;
	s6 =	sadd.s32 s5, s21;
	[dreg:$0x3] =	wrdreg s25  }
0x11: {  	s21 =	smax.u32 s15, $0x1;
	[dreg:$0x4] =	wrdreg s7;
	s7 =	sadd.s32 s1, s26  }
0x12: {  	s6 =	sadd.s32 $0x320, s6;
	s25 =	sadd.s32 s1, s18;
	s1 =	sadd.s32 s1, s19  }
0x13: {  	[dreg:$0x6] =	wrdreg s6;
	s7 =	sshrl.u32 s7, $0x3;
	s6 =	sadd.s32 s0, s22  }
0x14: {  	s26 =	sshrl.u32 s25, $0x3;
	s1 =	sshrl.u32 s1, $0x3;
	s22 =	simm.s32 $0x7  }
0x15: {  	s25 =	simm.s32 $0x64;
	[dreg:$0x7] =	wrdreg s6;
	s23 =	sadd.s32 s0, s7  }
0x16: {  	s6 =	sshrl.u32 s24, $0x3;
	s24 =	simm.s32 $0x5140;
	s7 =	simm.s32 $0x6  }
0x17: {  	[dreg:$0x8] =	wrdreg s23;
	s6 =	sadd.s32 s0, s6;
	s23 =	simm.s32 $0x5  }
0x18: {  	[dreg:$0x9] =	wrdreg s6;
	s6 =	sadd.s32 s0, s26;
	s0 =	sadd.s32 s0, s1  }
0x19: {  	s26 =	simm.s32 $0x7140;
	s1 =	simm.s32 $0x1;
	[dreg:$0xa] =	wrdreg s6  }
0x1a: {  	v0 =	vimm.f32 $0.0e+00;
	[dreg:$0xb] =	wrdreg s0;
	s0 =	simm.s32 $0x3;
	s6 =	simm.s32 $0x4  }
.LBB2_1:
0x1b: {  	s15 =	rddreg [dreg:$0x3]  }
0x1c: {  	[tilespmem:s3], [sflag:$0x7] =	stream.linear.gather [hbm4b:s15+s3], $0x28A0, $0x38;
	[tilespmem:$0x17540] =	vst v63  }
0x1d: {  	_ =	swait.ge [sflag:s22], $0x28A0  }
0x1e: {  	[sflag:s22] =	ssyncset.done $0x0  }
0x1f: {  	s16 =	simm.s32 $0x28A0;
	s20 =	rddreg [dreg:$0x4];
	[sflag:s22] =	ssyncadd.s32 $0xFFFFD760  }
0x20: {  	[tilespmem:s16], [sflag:$0x7] =	stream.linear.gather [hbm4b:s20+s3], $0x28A0, $0x38;
	[tilespmem:$0x17540] =	vst v63  }
0x21: {  	_ =	swait.ge [sflag:s22], $0x28A0  }
0x22: {  	[sflag:s22] =	ssyncset.done $0x0  }
0x23: {  	s15 =	simm.s32 $0x0;
	s16 =	simm.s32 $0x100;
	[sflag:s22] =	ssyncadd.s32 $0xFFFFD760  }
.LBB2_2:
0x24: {  	p0 =	sne.s32 s16, $0x7F00;
	[tilespmem:s15+$0x5170] =	vst v0;
	s17 =	smov.u32 s16;
	s16 =	sadd.s32 $0x100, s16  }
.Ltmp0:
0x25: {  	[tilespmem:s15+$0x5160] =	vst v0;
	(pc) =	sbr.rel @p0 .LBB2_2-.Ltmp0, $3  }
0x26: {  	[tilespmem:s15+$0x5140] =	vst v0  }
0x27: {  	[tilespmem:s15+$0x5150] =	vst v0;
	_ =	sdelay $0x1  }
0x28: {  	s15 =	sshra.s32 s17, $0x2  }
0x29: {  	[tilespmem:s15+$0x5170] =	vst v0  }
0x2a: {  	[tilespmem:s15+$0x5160] =	vst v0  }
0x2b: {  	[tilespmem:s15+$0x5140] =	vst v0  }
0x2c: {  	[tilespmem:s15+$0x5150] =	vst v0  }
0x2d: {  	[spmem:s8] =	stream.linear.scatter [tilespmem:s24], [sflag:$0x7], $0x2000, $0x38;
	[tilespmem:$0x17540] =	vst v63  }
0x2e: {  	_ =	swait.ge [sflag:s22], $0x2000  }
0x2f: {  	[sflag:s22] =	ssyncset.done $0x0  }
0x30: {  	[sflag:s22] =	ssyncadd.s32 $0xFFFFE000  }
0x31: {  	[spmem:s9] =	stream.linear.scatter [tilespmem:s24], [sflag:$0x7], $0x2000, $0x38;
	[tilespmem:$0x17540] =	vst v63  }
0x32: {  	_ =	swait.ge [sflag:s22], $0x2000  }
0x33: {  	[sflag:s22] =	ssyncset.done $0x0  }
0x34: {  	[sflag:s22] =	ssyncadd.s32 $0xFFFFE000  }
0x35: {  	[spmem:s10] =	stream.linear.scatter [tilespmem:s24], [sflag:$0x7], $0x2000, $0x38;
	[tilespmem:$0x17540] =	vst v63  }
0x36: {  	_ =	swait.ge [sflag:s22], $0x2000  }
0x37: {  	[sflag:s22] =	ssyncset.done $0x0  }
0x38: {  	[sflag:s22] =	ssyncadd.s32 $0xFFFFE000  }
0x39: {  	[spmem:s11] =	stream.linear.scatter [tilespmem:s24], [sflag:$0x7], $0x2000, $0x38;
	[tilespmem:$0x17540] =	vst v63  }
0x3a: {  	_ =	swait.ge [sflag:s22], $0x2000  }
0x3b: {  	[sflag:s22] =	ssyncset.done $0x0  }
0x3c: {  	[sflag:s22] =	ssyncadd.s32 $0xFFFFE000  }
0x3d: {  	[spmem:s12] =	stream.linear.scatter [tilespmem:s24], [sflag:$0x7], $0x2000, $0x38;
	[tilespmem:$0x17540] =	vst v63  }
0x3e: {  	_ =	swait.ge [sflag:s22], $0x2000  }
0x3f: {  	[sflag:s22] =	ssyncset.done $0x0  }
0x40: {  	[sflag:s22] =	ssyncadd.s32 $0xFFFFE000  }
0x41: {  	s15 =	simm.s32 $0x0;
	[bflag:$0x0] =	sbarrier.arrive $0xFFFF  }
0x42: {  	[tilespmem:s26], [sflag:$0x1] =	stream.indirect.gather [hbm4b:s4+s25], $0x40, s15, s25, $0xb8;
	[tilespmem:$0x17540] =	vst v63  }
0x43: {  	s16 =	rddreg [dreg:$0x5]  }
0x44: {  	[tilespmem:s28], [sflag:$0x3] =	stream.linear.gather [hbm4b:s16+s15], $0x1900, $0x38;
	[tilespmem:$0x17540] =	vst v63  }
0x45: {  	s19 =	simm.s32 $0x68  }
0x46: {  	[tilespmem:s30], [sflag:$0x2] =	stream.indirect.gather [hbm4b:s4+s25], $0x40, s19, s25, $0xb8;
	[tilespmem:$0x17540] =	vst v63  }
0x47: {  	s20 =	rddreg [dreg:$0x6]  }
0x48: {  	[tilespmem:s31], [sflag:$0x4] =	stream.linear.gather [hbm4b:s20+s15], $0x1900, $0x38;
	[tilespmem:$0x17540] =	vst v63  }
.LBB2_4:
0x49: {  	_ =	swait.ge [sflag:s1], $0x1900  }
0x4a: {  	[sflag:s1] =	ssyncset.done $0x0  }
0x4b: {  	[sflag:s1] =	ssyncadd.s32 $0xFFFFE700  }
0x4c: {  	_ =	swait.ge [sflag:s0], $0x1900  }
0x4d: {  	[sflag:s0] =	ssyncset.done $0x0  }
0x4e: {  	s16 =	simm.s32 $0x0;
	[sflag:s0] =	ssyncadd.s32 $0xFFFFE700  }
0x4f: {  	v3 =	vld [tilespmem:s16+$0x7140]  }
0x50: {  	v4 =	vld [tilespmem:s16+$0x7150]  }
0x51: {  	v2 =	vld [tilespmem:s16+$0x7160]  }
0x52: {  	v1 =	vld [tilespmem:s16+$0x7170]  }
0x53: {  	v5 =	vld [tilespmem:s16+$0xA340]  }
0x54: {  	v7 =	vld [tilespmem:s16+$0xA350]  }
0x55: {  	s17 =	simm.s32 $0x100;
	v6 =	vld [tilespmem:s16+$0xA360]  }
.LBB2_5:
0x56: {  	p0 =	sne.s32 s17, $0x6300;
	v8 =	vld [tilespmem:s16+$0xA370]  }
0x57: {  	s18 =	sshra.s32 s17, $0x2  }
0x58: {  	v5 =	vadd.f32 v5, v3;
	v3 =	vld [tilespmem:s18+$0x7140]  }
0x59: {  	v7 =	vadd.f32 v7, v4;
	v4 =	vld [tilespmem:s18+$0x7150]  }
.Ltmp1:
0x5a: {  	v5 =	vmax.f32 v5, $0.0e+00;
	v6 =	vadd.f32 v6, v2;
	v2 =	vld [tilespmem:s18+$0x7160];
	(pc) =	sbr.rel @p0 .LBB2_5-.Ltmp1, $4  }
0x5b: {  	[tilespmem:s16+$0xA340] =	vst v5;
	v7 =	vmax.f32 v7, $0.0e+00;
	v8 =	vadd.f32 v8, v1;
	v1 =	vld [tilespmem:s18+$0x7170]  }
0x5c: {  	v5 =	vld [tilespmem:s18+$0xA340];
	[tilespmem:s16+$0xA350] =	vst v7;
	v6 =	vmax.f32 v6, $0.0e+00  }
0x5d: {  	v7 =	vld [tilespmem:s18+$0xA350];
	[tilespmem:s16+$0xA360] =	vst v6;
	v8 =	vmax.f32 v8, $0.0e+00  }
0x5e: {  	s17 =	sadd.s32 $0x100, s17;
	v6 =	vld [tilespmem:s18+$0xA360];
	[tilespmem:s16+$0xA370] =	vst v8;
	s16 =	smov.u32 s18  }
0x5f: {  	v8 =	vld [tilespmem:s16+$0xA370];
	_ =	sdelay $0x1  }
0x60: {  	v3 =	vadd.f32 v5, v3  }
0x61: {  	v4 =	vadd.f32 v7, v4  }
0x62: {  	v3 =	vmax.f32 v3, $0.0e+00;
	v2 =	vadd.f32 v6, v2  }
0x63: {  	s17 =	smul.u32 $0x340, s15;
	[tilespmem:s16+$0xA340] =	vst v3;
	v3 =	vmax.f32 v4, $0.0e+00;
	v1 =	vadd.f32 v8, v1  }
0x64: {  	[tilespmem:s16+$0xA350] =	vst v3;
	v2 =	vmax.f32 v2, $0.0e+00  }
0x65: {  	s17 =	sshra.s32 s17, $0x2;
	[tilespmem:s16+$0xA360] =	vst v2;
	v1 =	vmax.f32 v1, $0.0e+00  }
0x66: {  	s18 =	sadd.s32 $0x28A0, s17;
	[tilespmem:s16+$0xA370] =	vst v1;
	s16 =	sshll.u32 s15, $0x1  }
0x67: {  	[spmem:s2] =	stream.indirect.scatter.add.f32 [tilespmem:s28], [sflag:$0x5], $0x40, s18, s25, $0xb8;
	[tilespmem:$0x17540] =	vst v63  }
0x68: {  	s20 =	sadd.s32 $0x2, s16  }
0x69: {  	_ =	swait.ge [sflag:s23], $0x1900;
	s19 =	smul.u32 $0x1A0, s20  }
0x6a: {  	s18 =	sadd.s32 s13, s20;
	[sflag:s23] =	ssyncset.done $0x0  }
0x6b: {  	s18 =	smul.u32 $0x320, s18;
	[sflag:s23] =	ssyncadd.s32 $0xFFFFE700;
	s19 =	sshra.s32 s19, $0x2  }
0x6c: {  	[tilespmem:s26], [sflag:$0x1] =	stream.indirect.gather [hbm4b:s4+s25], $0x40, s19, s25, $0xb8;
	[tilespmem:$0x17540] =	vst v63  }
0x6d: {  	s20 =	simm.s32 $0x0;
	s18 =	sadd.s32 s5, s18  }
0x6e: {  	[tilespmem:s28], [sflag:$0x3] =	stream.linear.gather [hbm4b:s18+s20], $0x1900, $0x38;
	[tilespmem:$0x17540] =	vst v63  }
0x6f: {  	_ =	swait.ge [sflag:s29], $0x1900  }
0x70: {  	[sflag:s29] =	ssyncset.done $0x0  }
0x71: {  	[sflag:s29] =	ssyncadd.s32 $0xFFFFE700  }
0x72: {  	_ =	swait.ge [sflag:s6], $0x1900  }
0x73: {  	[sflag:s6] =	ssyncset.done $0x0  }
0x74: {  	s18 =	simm.s32 $0x0;
	[sflag:s6] =	ssyncadd.s32 $0xFFFFE700  }
0x75: {  	v3 =	vld [tilespmem:s18+$0x8A40]  }
0x76: {  	v4 =	vld [tilespmem:s18+$0x8A50]  }
0x77: {  	v2 =	vld [tilespmem:s18+$0x8A60]  }
0x78: {  	v1 =	vld [tilespmem:s18+$0x8A70]  }
0x79: {  	v5 =	vld [tilespmem:s18+$0xBC40]  }
0x7a: {  	v7 =	vld [tilespmem:s18+$0xBC50]  }
0x7b: {  	s19 =	simm.s32 $0x100;
	v6 =	vld [tilespmem:s18+$0xBC60]  }
.LBB2_7:
0x7c: {  	p0 =	sne.s32 s19, $0x6300;
	v8 =	vld [tilespmem:s18+$0xBC70]  }
0x7d: {  	s20 =	sshra.s32 s19, $0x2  }
0x7e: {  	v5 =	vadd.f32 v5, v3;
	v3 =	vld [tilespmem:s20+$0x8A40]  }
0x7f: {  	v7 =	vadd.f32 v7, v4;
	v4 =	vld [tilespmem:s20+$0x8A50]  }
.Ltmp2:
0x80: {  	v5 =	vmax.f32 v5, $0.0e+00;
	v6 =	vadd.f32 v6, v2;
	v2 =	vld [tilespmem:s20+$0x8A60];
	(pc) =	sbr.rel @p0 .LBB2_7-.Ltmp2, $4  }
0x81: {  	[tilespmem:s18+$0xBC40] =	vst v5;
	v7 =	vmax.f32 v7, $0.0e+00;
	v8 =	vadd.f32 v8, v1;
	v1 =	vld [tilespmem:s20+$0x8A70]  }
0x82: {  	v5 =	vld [tilespmem:s20+$0xBC40];
	[tilespmem:s18+$0xBC50] =	vst v7;
	v6 =	vmax.f32 v6, $0.0e+00  }
0x83: {  	v7 =	vld [tilespmem:s20+$0xBC50];
	[tilespmem:s18+$0xBC60] =	vst v6;
	v8 =	vmax.f32 v8, $0.0e+00  }
0x84: {  	s19 =	sadd.s32 $0x100, s19;
	v6 =	vld [tilespmem:s20+$0xBC60];
	[tilespmem:s18+$0xBC70] =	vst v8;
	s18 =	smov.u32 s20  }
0x85: {  	v8 =	vld [tilespmem:s18+$0xBC70];
	_ =	sdelay $0x1  }
0x86: {  	v3 =	vadd.f32 v5, v3  }
0x87: {  	v4 =	vadd.f32 v7, v4  }
0x88: {  	v3 =	vmax.f32 v3, $0.0e+00;
	v2 =	vadd.f32 v6, v2  }
0x89: {  	[tilespmem:s18+$0xBC40] =	vst v3;
	v3 =	vmax.f32 v4, $0.0e+00;
	v1 =	vadd.f32 v8, v1  }
0x8a: {  	[tilespmem:s18+$0xBC50] =	vst v3;
	v2 =	vmax.f32 v2, $0.0e+00  }
0x8b: {  	[tilespmem:s18+$0xBC60] =	vst v2;
	v1 =	vmax.f32 v1, $0.0e+00  }
0x8c: {  	s17 =	sadd.s32 $0x2908, s17;
	s16 =	sadd.s32 $0x3, s16;
	s15 =	sadd.s32 $0x1, s15;
	[tilespmem:s18+$0xBC70] =	vst v1  }
0x8d: {  	[spmem:s2] =	stream.indirect.scatter.add.f32 [tilespmem:s31], [sflag:$0x6], $0x40, s17, s25, $0xb8;
	[tilespmem:$0x17540] =	vst v63  }
0x8e: {  	s20 =	smul.u32 $0x1A0, s16;
	p0 =	sne.s32 s15, $0x31;
	_ =	swait.ge [sflag:s7], $0x1900  }
.Ltmp3:
0x8f: {  	s16 =	sadd.s32 s13, s16;
	[sflag:s7] =	ssyncset.done $0x0;
	(pc) =	sbr.rel @p0 .LBB2_4-.Ltmp3, $4  }
0x90: {  	s16 =	smul.u32 $0x320, s16;
	s17 =	sshra.s32 s20, $0x2;
	[sflag:s7] =	ssyncadd.s32 $0xFFFFE700  }
0x91: {  	[tilespmem:s30], [sflag:$0x2] =	stream.indirect.gather [hbm4b:s4+s25], $0x40, s17, s25, $0xb8;
	[tilespmem:$0x17540] =	vst v63  }
0x92: {  	s16 =	sadd.s32 s5, s16  }
0x93: {  	[tilespmem:s31], [sflag:$0x4] =	stream.linear.gather [hbm4b:s16+s3], $0x1900, $0x38;
	[tilespmem:$0x17540] =	vst v63  }
0x94: {  	_ =	swait.ge [sflag:s1], $0x1900  }
0x95: {  	[sflag:s1] =	ssyncset.done $0x0  }
0x96: {  	[sflag:s1] =	ssyncadd.s32 $0xFFFFE700  }
0x97: {  	_ =	swait.ge [sflag:s0], $0x1900  }
0x98: {  	[sflag:s0] =	ssyncset.done $0x0  }
0x99: {  	s15 =	simm.s32 $0x0;
	[sflag:s0] =	ssyncadd.s32 $0xFFFFE700  }
0x9a: {  	v3 =	vld [tilespmem:s15+$0x7140]  }
0x9b: {  	v4 =	vld [tilespmem:s15+$0x7150]  }
0x9c: {  	v2 =	vld [tilespmem:s15+$0x7160]  }
0x9d: {  	v1 =	vld [tilespmem:s15+$0x7170]  }
0x9e: {  	v5 =	vld [tilespmem:s15+$0xA340]  }
0x9f: {  	v7 =	vld [tilespmem:s15+$0xA350]  }
0xa0: {  	s16 =	simm.s32 $0x100;
	v6 =	vld [tilespmem:s15+$0xA360]  }
.LBB2_10:
0xa1: {  	p0 =	sne.s32 s16, $0x6300;
	v8 =	vld [tilespmem:s15+$0xA370]  }
0xa2: {  	s17 =	sshra.s32 s16, $0x2  }
0xa3: {  	v5 =	vadd.f32 v5, v3;
	v3 =	vld [tilespmem:s17+$0x7140]  }
0xa4: {  	v7 =	vadd.f32 v7, v4;
	v4 =	vld [tilespmem:s17+$0x7150]  }
.Ltmp4:
0xa5: {  	v5 =	vmax.f32 v5, $0.0e+00;
	v6 =	vadd.f32 v6, v2;
	v2 =	vld [tilespmem:s17+$0x7160];
	(pc) =	sbr.rel @p0 .LBB2_10-.Ltmp4, $4  }
0xa6: {  	[tilespmem:s15+$0xA340] =	vst v5;
	v7 =	vmax.f32 v7, $0.0e+00;
	v8 =	vadd.f32 v8, v1;
	v1 =	vld [tilespmem:s17+$0x7170]  }
0xa7: {  	v5 =	vld [tilespmem:s17+$0xA340];
	[tilespmem:s15+$0xA350] =	vst v7;
	v6 =	vmax.f32 v6, $0.0e+00  }
0xa8: {  	v7 =	vld [tilespmem:s17+$0xA350];
	[tilespmem:s15+$0xA360] =	vst v6;
	v8 =	vmax.f32 v8, $0.0e+00  }
0xa9: {  	s16 =	sadd.s32 $0x100, s16;
	v6 =	vld [tilespmem:s17+$0xA360];
	[tilespmem:s15+$0xA370] =	vst v8;
	s15 =	smov.u32 s17  }
0xaa: {  	v8 =	vld [tilespmem:s15+$0xA370];
	_ =	sdelay $0x1  }
0xab: {  	v3 =	vadd.f32 v5, v3  }
0xac: {  	v4 =	vadd.f32 v7, v4  }
0xad: {  	v3 =	vmax.f32 v3, $0.0e+00;
	v2 =	vadd.f32 v6, v2  }
0xae: {  	[tilespmem:s15+$0xA340] =	vst v3;
	v3 =	vmax.f32 v4, $0.0e+00;
	v1 =	vadd.f32 v8, v1  }
0xaf: {  	[tilespmem:s15+$0xA350] =	vst v3;
	v2 =	vmax.f32 v2, $0.0e+00  }
0xb0: {  	[tilespmem:s15+$0xA360] =	vst v2;
	v1 =	vmax.f32 v1, $0.0e+00  }
0xb1: {  	s20 =	simm.s32 $0x5070;
	[tilespmem:s15+$0xA370] =	vst v1  }
0xb2: {  	[spmem:s2] =	stream.indirect.scatter.add.f32 [tilespmem:s28], [sflag:$0x5], $0x40, s20, s25, $0xb8;
	[tilespmem:$0x17540] =	vst v63  }
0xb3: {  	_ =	swait.ge [sflag:s23], $0x1900  }
0xb4: {  	[sflag:s23] =	ssyncset.done $0x0  }
0xb5: {  	[sflag:s23] =	ssyncadd.s32 $0xFFFFE700  }
0xb6: {  	_ =	swait.ge [sflag:s29], $0x1900  }
0xb7: {  	[sflag:s29] =	ssyncset.done $0x0  }
0xb8: {  	[sflag:s29] =	ssyncadd.s32 $0xFFFFE700  }
0xb9: {  	_ =	swait.ge [sflag:s6], $0x1900  }
0xba: {  	[sflag:s6] =	ssyncset.done $0x0  }
0xbb: {  	s15 =	simm.s32 $0x0;
	[sflag:s6] =	ssyncadd.s32 $0xFFFFE700  }
0xbc: {  	v3 =	vld [tilespmem:s15+$0x8A40]  }
0xbd: {  	v4 =	vld [tilespmem:s15+$0x8A50]  }
0xbe: {  	v2 =	vld [tilespmem:s15+$0x8A60]  }
0xbf: {  	v1 =	vld [tilespmem:s15+$0x8A70]  }
0xc0: {  	v5 =	vld [tilespmem:s15+$0xBC40]  }
0xc1: {  	v7 =	vld [tilespmem:s15+$0xBC50]  }
0xc2: {  	s16 =	simm.s32 $0x100;
	v6 =	vld [tilespmem:s15+$0xBC60]  }
.LBB2_12:
0xc3: {  	p0 =	sne.s32 s16, $0x6300;
	v8 =	vld [tilespmem:s15+$0xBC70]  }
0xc4: {  	s17 =	sshra.s32 s16, $0x2  }
0xc5: {  	v5 =	vadd.f32 v5, v3;
	v3 =	vld [tilespmem:s17+$0x8A40]  }
0xc6: {  	v7 =	vadd.f32 v7, v4;
	v4 =	vld [tilespmem:s17+$0x8A50]  }
.Ltmp5:
0xc7: {  	v5 =	vmax.f32 v5, $0.0e+00;
	v6 =	vadd.f32 v6, v2;
	v2 =	vld [tilespmem:s17+$0x8A60];
	(pc) =	sbr.rel @p0 .LBB2_12-.Ltmp5, $4  }
0xc8: {  	[tilespmem:s15+$0xBC40] =	vst v5;
	v7 =	vmax.f32 v7, $0.0e+00;
	v8 =	vadd.f32 v8, v1;
	v1 =	vld [tilespmem:s17+$0x8A70]  }
0xc9: {  	v5 =	vld [tilespmem:s17+$0xBC40];
	[tilespmem:s15+$0xBC50] =	vst v7;
	v6 =	vmax.f32 v6, $0.0e+00  }
0xca: {  	v7 =	vld [tilespmem:s17+$0xBC50];
	[tilespmem:s15+$0xBC60] =	vst v6;
	v8 =	vmax.f32 v8, $0.0e+00  }
0xcb: {  	s16 =	sadd.s32 $0x100, s16;
	v6 =	vld [tilespmem:s17+$0xBC60];
	[tilespmem:s15+$0xBC70] =	vst v8;
	s15 =	smov.u32 s17  }
0xcc: {  	v8 =	vld [tilespmem:s15+$0xBC70];
	_ =	sdelay $0x1  }
0xcd: {  	v3 =	vadd.f32 v5, v3  }
0xce: {  	v4 =	vadd.f32 v7, v4  }
0xcf: {  	v3 =	vmax.f32 v3, $0.0e+00;
	v2 =	vadd.f32 v6, v2  }
0xd0: {  	[tilespmem:s15+$0xBC40] =	vst v3;
	v3 =	vmax.f32 v4, $0.0e+00;
	v1 =	vadd.f32 v8, v1  }
0xd1: {  	[tilespmem:s15+$0xBC50] =	vst v3;
	v2 =	vmax.f32 v2, $0.0e+00  }
0xd2: {  	[tilespmem:s15+$0xBC60] =	vst v2;
	v1 =	vmax.f32 v1, $0.0e+00  }
0xd3: {  	s20 =	simm.s32 $0x50D8;
	[tilespmem:s15+$0xBC70] =	vst v1  }
0xd4: {  	[spmem:s2] =	stream.indirect.scatter.add.f32 [tilespmem:s31], [sflag:$0x6], $0x40, s20, s25, $0xb8;
	[tilespmem:$0x17540] =	vst v63  }
0xd5: {  	_ =	swait.ge [sflag:s7], $0x1900  }
0xd6: {  	[sflag:s7] =	ssyncset.done $0x0  }
0xd7: {  	[sflag:s7] =	ssyncadd.s32 $0xFFFFE700  }
0xd8: {  	[bflag:$0x0] =	sbarrier.arrive $0xFFFF  }
0xd9: {  	[tilespmem:s24], [sflag:$0x7] =	stream.linear.gather [spmem:s8], $0x2000, $0x38;
	[tilespmem:$0x17540] =	vst v63  }
0xda: {  	_ =	swait.ge [sflag:s22], $0x2000  }
0xdb: {  	[sflag:s22] =	ssyncset.done $0x0  }
0xdc: {  	s16 =	rddreg [dreg:$0x7];
	[sflag:s22] =	ssyncadd.s32 $0xFFFFE000  }
0xdd: {  	[hbm4b:s16+s3] =	stream.linear.scatter [tilespmem:s24], [sflag:$0x7], $0x2000, $0x38;
	[tilespmem:$0x17540] =	vst v63  }
0xde: {  	_ =	swait.ge [sflag:s22], $0x2000  }
0xdf: {  	[sflag:s22] =	ssyncset.done $0x0  }
0xe0: {  	[sflag:s22] =	ssyncadd.s32 $0xFFFFE000  }
0xe1: {  	[tilespmem:s24], [sflag:$0x7] =	stream.linear.gather [spmem:s9], $0x2000, $0x38;
	[tilespmem:$0x17540] =	vst v63  }
0xe2: {  	_ =	swait.ge [sflag:s22], $0x2000  }
0xe3: {  	[sflag:s22] =	ssyncset.done $0x0  }
0xe4: {  	s17 =	rddreg [dreg:$0x8];
	[sflag:s22] =	ssyncadd.s32 $0xFFFFE000  }
0xe5: {  	[hbm4b:s17+s3] =	stream.linear.scatter [tilespmem:s24], [sflag:$0x7], $0x2000, $0x38;
	[tilespmem:$0x17540] =	vst v63  }
0xe6: {  	_ =	swait.ge [sflag:s22], $0x2000  }
0xe7: {  	[sflag:s22] =	ssyncset.done $0x0  }
0xe8: {  	[sflag:s22] =	ssyncadd.s32 $0xFFFFE000  }
0xe9: {  	[tilespmem:s24], [sflag:$0x7] =	stream.linear.gather [spmem:s10], $0x2000, $0x38;
	[tilespmem:$0x17540] =	vst v63  }
0xea: {  	_ =	swait.ge [sflag:s22], $0x2000  }
0xeb: {  	[sflag:s22] =	ssyncset.done $0x0  }
0xec: {  	s18 =	rddreg [dreg:$0x9];
	[sflag:s22] =	ssyncadd.s32 $0xFFFFE000  }
0xed: {  	[hbm4b:s18+s3] =	stream.linear.scatter [tilespmem:s24], [sflag:$0x7], $0x2000, $0x38;
	[tilespmem:$0x17540] =	vst v63  }
0xee: {  	_ =	swait.ge [sflag:s22], $0x2000  }
0xef: {  	[sflag:s22] =	ssyncset.done $0x0  }
0xf0: {  	[sflag:s22] =	ssyncadd.s32 $0xFFFFE000  }
0xf1: {  	[tilespmem:s24], [sflag:$0x7] =	stream.linear.gather [spmem:s11], $0x2000, $0x38;
	[tilespmem:$0x17540] =	vst v63  }
0xf2: {  	_ =	swait.ge [sflag:s22], $0x2000  }
0xf3: {  	[sflag:s22] =	ssyncset.done $0x0  }
0xf4: {  	s19 =	rddreg [dreg:$0xa];
	[sflag:s22] =	ssyncadd.s32 $0xFFFFE000  }
0xf5: {  	[hbm4b:s19+s3] =	stream.linear.scatter [tilespmem:s24], [sflag:$0x7], $0x2000, $0x38;
	[tilespmem:$0x17540] =	vst v63  }
0xf6: {  	_ =	swait.ge [sflag:s22], $0x2000  }
0xf7: {  	[sflag:s22] =	ssyncset.done $0x0  }
0xf8: {  	[sflag:s22] =	ssyncadd.s32 $0xFFFFE000  }
0xf9: {  	[tilespmem:s24], [sflag:$0x7] =	stream.linear.gather [spmem:s12], $0x2000, $0x38;
	[tilespmem:$0x17540] =	vst v63  }
0xfa: {  	s14 =	sadd.s32 $0x1, s14;
	_ =	swait.ge [sflag:s22], $0x2000  }
0xfb: {  	p0 =	sne.s32 s14, s21;
	[sflag:s22] =	ssyncset.done $0x0  }
.Ltmp6:
0xfc: {  	s20 =	rddreg [dreg:$0xb];
	[sflag:s22] =	ssyncadd.s32 $0xFFFFE000;
	(pc) =	sbr.rel @p0 .LBB2_1-.Ltmp6, $4  }
0xfd: {  	[hbm4b:s20+s3] =	stream.linear.scatter [tilespmem:s24], [sflag:$0x7], $0x2000, $0x38;
	[tilespmem:$0x17540] =	vst v63  }
0xfe: {  	_ =	swait.ge [sflag:s22], $0x2000  }
0xff: {  	[sflag:s22] =	ssyncset.done $0x0  }
0x100: {  	[sflag:s22] =	ssyncadd.s32 $0xFFFFE000  }
0x101: {  	_ =	sfence.sel $0x180000  }
0x102: {  	[bflag:$0x0] =	sbarrier.arrive $0xFFFF  }
0x103: {  	_ =	strace $0x9000004D  }
0x104: {  	s0 =	stileid.u32;
	[bflag:$0x2] =	sbarrier.arrive $0xFFFF  }
0x105: {  	p0 =	sne.s32 s0, $0x0;
	s0 =	rddreg [dreg:$0x2]  }
0x106: {  	s0 =	sadd.s32 @!p0 $0x100000, s0  }
0x107: {  	[sflag:s0] =	ssyncadd.tile.s32 @!p0 $0x1;
	_ =	shalt  }
.Lfunc_end2:
_tile_overlayer_lowered:
.L_overlay_start_2:
0x108: {  	(tag) =	ssettag $0x2  }
0x109: {  	s0 =	rddreg [dreg:$0x0];
	s2 =	stileid.u32  }
0x10a: {  	s1 =	rddreg [dreg:$0x1];
	p0 =	sne.s32 s2, $0x0  }
0x10b: {  	s3 =	rddreg [dreg:$0x2];
	[bflag:$0x3] =	sbarrier.arrive $0xFFFF;
	s2 =	simm.s32 @!p0 $0x1C07  }
0x10c: {  	[timem:s3], [sflag:s2] =	dma.local @!p0 [hbm:s0], s1  }
0x10d: {  	s0 =	simm.s32 @!p0 $0x7  }
0x10e: {  	_ =	swait.ge @!p0 [sflag:s0], s1  }
0x10f: {  	s1 =	ssub.s32 @!p0 $0x0, s1;
	[sflag:s0] =	ssyncset.done @!p0 $0x0  }
0x110: {  	[sflag:s0] =	ssyncadd.s32 @!p0 s1  }
0x111: {  	[bflag:$0x3] =	sbarrier.arrive $0xFFFF  }
0x112: {  	_ =	shalt  }

</sc_bundles>
